<compile_context>
chip_gen: v7x
topology: tpu7x:2x2x1
jax: 0.10.2.dev20260603
libtpu: 0.0.44.dev20260713+nightly
codegen_flags: <defaults>
</compile_context>

<pallas_src>
import functools

import jax
import jax.numpy as jnp
from jax import lax
from jax.experimental import pallas as pl
from jax.experimental.pallas import tpu as pltpu
from jax.experimental.pallas import tpu_sc as plsc

N_ROWS = 16384
N_COLS = 26
EMB = 64
TOTAL = N_ROWS * N_COLS
NUM_CORES = 2
NUM_SUBCORES = 16
NW = NUM_CORES * NUM_SUBCORES
PER_W = TOTAL // NW
ROWS_W = N_ROWS // NW
GROUP = 4
NIDX = GROUP * N_COLS
NPAD = 112
NCHUNK = ROWS_W // GROUP
NBUF = 8
LAG = 4
LANES = 16
VPC = NPAD // LANES
MAGIC = 20165
SHIFT = 19


@jax.jit
def _gather_sc(idx, table):
    mesh = plsc.VectorSubcoreMesh(
        core_axis_name="c", subcore_axis_name="s",
        num_cores=NUM_CORES, num_subcores=NUM_SUBCORES)

    @functools.partial(
        pl.kernel,
        mesh=mesh,
        out_type=jax.ShapeDtypeStruct((N_ROWS, 32, 128), jnp.float32),
        scratch_types=[
            pltpu.VMEM((ROWS_W, 32), jnp.int32),
            pltpu.VMEM((NCHUNK, NPAD), jnp.int32),
            pltpu.VMEM((NBUF, NPAD, EMB), jnp.float32),
            pltpu.SemaphoreType.DMA((NBUF,)),
            pltpu.SemaphoreType.DMA((NBUF,)),
        ],
        compiler_params=pltpu.CompilerParams(
            use_tc_tiling_on_sc=False, needs_layout_passes=False),
    )
    def k(idx_hbm, table_hbm, out_hbm, idx_v, idx_f, rows_v, gsem, wsem):
        wid = lax.axis_index("s") * NUM_CORES + lax.axis_index("c")
        base = wid * ROWS_W
        pltpu.sync_copy(idx_hbm.at[pl.ds(base, ROWS_W)], idx_v)

        lane = lax.iota(jnp.int32, LANES)

        @pl.loop(0, NCHUNK)
        def _regroup(j):
            for v in range(VPC):
                p = j * NIDX + v * LANES + lane
                p = lax.min(p, PER_W - 1)
                row = lax.shift_right_logical(p * MAGIC, SHIFT)
                col = p - row * N_COLS
                idx_f[j, pl.ds(v * LANES, LANES)] = plsc.load_gather(
                    idx_v, [row, col])

        def wait_writes(b):
            for g in range(GROUP):
                pltpu.make_async_copy(
                    rows_v.at[b, pl.ds(g * N_COLS, N_COLS)],
                    out_hbm.at[base, pl.ds(0, N_COLS), pl.ds(0, EMB)],
                    wsem.at[b]).wait()

        NTOT = ((NCHUNK + LAG + NBUF - 1) // NBUF) * NBUF

        @pl.loop(0, NTOT, step=NBUF)
        def _steps(j0):
            for b in range(NBUF):
                j = j0 + b

                @pl.when(j < NCHUNK)
                def _gather_stage():
                    @pl.when(j >= NBUF)
                    def _reuse_wait():
                        wait_writes(b)
                    pltpu.async_copy(
                        table_hbm.at[idx_f.at[j]],
                        rows_v.at[b], gsem.at[b])

                jw = j - LAG
                bw = (b - LAG) % NBUF

                @pl.when(jnp.logical_and(jw >= 0, jw < NCHUNK))
                def _write_stage():
                    pltpu.make_async_copy(
                        table_hbm.at[idx_f.at[0]],
                        rows_v.at[bw], gsem.at[bw]).wait()
                    for g in range(GROUP):
                        pltpu.async_copy(
                            rows_v.at[bw, pl.ds(g * N_COLS, N_COLS)],
                            out_hbm.at[base + jw * GROUP + g,
                                       pl.ds(0, N_COLS), pl.ds(0, EMB)],
                            wsem.at[bw])

        for b in range(NBUF):
            wait_writes(b)

    outp = k(idx, table)
    return outp[:, :N_COLS, :EMB]


def kernel(idx, table):
    idxp = jnp.pad(idx.astype(jnp.int32), ((0, 0), (0, 6)))
    return _gather_sc(idxp, table)

# --- scband reference (transcript-rebuilt; emitter-appended) ---
"""Pipeline reference for scband-label-embed-model-3547642986709 (READ-ONLY COPY).

The authoritative reference and input builder live on the scoring server;
editing this copy changes nothing except your own understanding.
"""

import jax, jax.numpy as jnp
import numpy as np

N_LABELS = 1000000
EMB_DIM = 64

def setup_inputs(seed: int = 0) -> dict:
    key = jax.random.key(seed)
    k_idx, k_w = jax.random.split(key)
    idx = jax.random.randint(k_idx, (16384, 26), 0, N_LABELS, dtype=jnp.int64 if jax.config.jax_enable_x64 else jnp.int32)
    # init_weights: uniform(-scale, scale), scale=1e-4 (eye=False)
    table = jax.random.uniform(k_w, (N_LABELS, EMB_DIM), dtype=jnp.float32, minval=-1e-4, maxval=1e-4)
    return {"idx": idx, "table": table}

def reference(idx, table):
    # forward: self.dropout(self.e.weight.clone()[idx])
    # dropout_p=0 -> identity. Direct indexing bypasses max_norm renormalization
    # (F.embedding is not called), so the lookup is a plain gather.
    out = jnp.take(table, idx, axis=0)
    return out

if __name__ == "__main__":
    import jax
    _d = setup_inputs()
    print(jax.jit(kernel)(*tuple(_d.values())))

</pallas_src>

<mosaic_0001>
#map = affine_map<(d0, d1) -> (0, 0)>
#map1 = affine_map<(d0, d1) -> (0, 0, 0)>
module attributes {stable_mosaic.version = 14 : i64} {
  func.func @k(%arg0: i32, %arg1: i32, %arg2: memref<16384x32xi32, #tpu.memory_space<hbm>>, %arg3: memref<1000000x64xf32, #tpu.memory_space<hbm>>, %arg4: memref<16384x32x128xf32, #tpu.memory_space<hbm>>, %arg5: memref<512x32xi32, #tpu.memory_space<vmem>>, %arg6: memref<128x112xi32, #tpu.memory_space<vmem>>, %arg7: memref<8x112x64xf32, #tpu.memory_space<vmem>>, %arg8: memref<8x!tpu.dma_semaphore, #tpu.memory_space<semaphore_mem>>, %arg9: memref<8x!tpu.dma_semaphore, #tpu.memory_space<semaphore_mem>>) attributes {dimension_semantics = [#tpu.dimension_semantics<core_parallel>, #tpu.dimension_semantics<subcore_parallel>], iteration_bounds = array<i64: 2, 16>, scalar_prefetch = 0 : i64, scratch_operands = 5 : i64, tpu.core_type = #tpu.core_type<sc_vector_subcore>, window_params = [{transform_indices = #map}, {transform_indices = #map}, {transform_indices = #map1}]} {
    %mul3A = arith.constant 2 : i32
    %mul3A_0 = arith.muli %arg1, %mul3A : i32
    %add3A = arith.addi %mul3A_0, %arg0 : i32
    %mul3A_1 = arith.constant 512 : i32
    %mul3A_2 = arith.muli %add3A, %mul3A_1 : i32
    "tpu.region"() ({
      %run_scoped3A = tpu.sem_alloc : memref<!tpu.dma_semaphore, #tpu.memory_space<semaphore_mem>>
      %dma_start3A = arith.constant 0 : i32
      %dma_start3A_651 = tpu.memref_slice %arg2[%mul3A_2, %dma_start3A] : memref<16384x32xi32, #tpu.memory_space<hbm>> -> memref<512x32xi32, #tpu.memory_space<hbm>>
      %dma_start3A_652 = arith.constant 0 : i32
      %dma_start3A_653 = tpu.memref_slice %arg2[%mul3A_2, %dma_start3A_652] : memref<16384x32xi32, #tpu.memory_space<hbm>> -> memref<512x32xi32, #tpu.memory_space<hbm>>
      tpu.enqueue_dma source(%dma_start3A_653 : memref<512x32xi32, #tpu.memory_space<hbm>>) target(%arg5 : memref<512x32xi32, #tpu.memory_space<vmem>>) target_semaphore(%run_scoped3A : memref<!tpu.dma_semaphore, #tpu.memory_space<semaphore_mem>>)
      %dma_wait3A_654 = arith.constant 0 : i32
      %dma_wait3A_655 = tpu.memref_slice %arg2[%mul3A_2, %dma_wait3A_654] : memref<16384x32xi32, #tpu.memory_space<hbm>> -> memref<512x32xi32, #tpu.memory_space<hbm>>
      %dma_wait3A_656 = arith.constant 0 : i32
      %dma_wait3A_657 = tpu.memref_slice %arg2[%mul3A_2, %dma_wait3A_656] : memref<16384x32xi32, #tpu.memory_space<hbm>> -> memref<512x32xi32, #tpu.memory_space<hbm>>
      tpu.wait_dma2 semaphore(%run_scoped3A : memref<!tpu.dma_semaphore, #tpu.memory_space<semaphore_mem>>) src(%dma_wait3A_657 : memref<512x32xi32, #tpu.memory_space<hbm>>) dst(%arg5 : memref<512x32xi32, #tpu.memory_space<vmem>>)
      tpu.yield
    }) : () -> ()
    %iota3A = tpu.iota {dimensions = array<i32: 0>} : vector<16xi32>
    %scan3A = arith.constant 0 : i32
    %scan3A_3 = arith.constant 128 : i32
    %scan3A_4 = arith.addi %scan3A, %scan3A_3 : i32
    %scan3A_5 = arith.constant 1 : i32
    scf.for %scan3A_651 = %scan3A to %scan3A_4 step %scan3A_5  : i32 {
      %mul3A_652 = arith.constant 1 : i32
      %mul3A_653 = arith.muli %scan3A_651, %mul3A_652 : i32
      %add3A_654 = arith.constant 0 : i32
      %add3A_655 = arith.addi %add3A_654, %mul3A_653 : i32
      %mul3A_656 = arith.constant 104 : i32
      %mul3A_657 = arith.muli %add3A_655, %mul3A_656 : i32
      %add3A_658 = arith.constant 0 : i32
      %add3A_659 = arith.addi %mul3A_657, %add3A_658 : i32
      %add3A_660 = vector.broadcast %add3A_659 : i32 to vector<16xi32>
      %add3A_661 = arith.addi %add3A_660, %iota3A : vector<16xi32>
      %min3A = arith.constant 13311 : i32
      %min3A_662 = vector.broadcast %min3A : i32 to vector<16xi32>
      %min3A_663 = arith.minsi %add3A_661, %min3A_662 : vector<16xi32>
      %mul3A_664 = arith.constant 20165 : i32
      %mul3A_665 = vector.broadcast %mul3A_664 : i32 to vector<16xi32>
      %mul3A_666 = arith.muli %min3A_663, %mul3A_665 : vector<16xi32>
      %shift_right_logical3A = arith.constant 19 : i32
      %shift_right_logical3A_667 = vector.broadcast %shift_right_logical3A : i32 to vector<16xi32>
      %shift_right_logical3A_668 = arith.shrui %mul3A_666, %shift_right_logical3A_667 : vector<16xi32>
      %mul3A_669 = arith.constant 26 : i32
      %mul3A_670 = vector.broadcast %mul3A_669 : i32 to vector<16xi32>
      %mul3A_671 = arith.muli %shift_right_logical3A_668, %mul3A_670 : vector<16xi32>
      %sub3A = arith.subi %min3A_663, %mul3A_671 : vector<16xi32>
      %gather3A = tpu.vector_load_idx %arg5[%shift_right_logical3A_668, %sub3A] : memref<512x32xi32, #tpu.memory_space<vmem>>[vector<16xi32>, vector<16xi32>], vector<16xi32>,
      %swap3A = arith.index_cast %add3A_655 : i32 to index
      %swap3A_672 = arith.constant 0 : index
      %swap3A_673 = tpu.vector_load %arg6[%swap3A, %swap3A_672] {strides = array<i32>} : memref<128x112xi32, #tpu.memory_space<vmem>>, vector<16xi32>,
      tpu.vector_store %arg6[%swap3A, %swap3A_672], %gather3A {strides = array<i32>} : memref<128x112xi32, #tpu.memory_space<vmem>>, vector<16xi32>,
      %mul3A_674 = arith.constant 104 : i32
      %mul3A_675 = arith.muli %add3A_655, %mul3A_674 : i32
      %add3A_676 = arith.constant 16 : i32
      %add3A_677 = arith.addi %mul3A_675, %add3A_676 : i32
      %add3A_678 = vector.broadcast %add3A_677 : i32 to vector<16xi32>
      %add3A_679 = arith.addi %add3A_678, %iota3A : vector<16xi32>
      %min3A_680 = arith.constant 13311 : i32
      %min3A_681 = vector.broadcast %min3A_680 : i32 to vector<16xi32>
      %min3A_682 = arith.minsi %add3A_679, %min3A_681 : vector<16xi32>
      %mul3A_683 = arith.constant 20165 : i32
      %mul3A_684 = vector.broadcast %mul3A_683 : i32 to vector<16xi32>
      %mul3A_685 = arith.muli %min3A_682, %mul3A_684 : vector<16xi32>
      %shift_right_logical3A_686 = arith.constant 19 : i32
      %shift_right_logical3A_687 = vector.broadcast %shift_right_logical3A_686 : i32 to vector<16xi32>
      %shift_right_logical3A_688 = arith.shrui %mul3A_685, %shift_right_logical3A_687 : vector<16xi32>
      %mul3A_689 = arith.constant 26 : i32
      %mul3A_690 = vector.broadcast %mul3A_689 : i32 to vector<16xi32>
      %mul3A_691 = arith.muli %shift_right_logical3A_688, %mul3A_690 : vector<16xi32>
      %sub3A_692 = arith.subi %min3A_682, %mul3A_691 : vector<16xi32>
      %gather3A_693 = tpu.vector_load_idx %arg5[%shift_right_logical3A_688, %sub3A_692] : memref<512x32xi32, #tpu.memory_space<vmem>>[vector<16xi32>, vector<16xi32>], vector<16xi32>,
      %swap3A_694 = arith.index_cast %add3A_655 : i32 to index
      %swap3A_695 = arith.constant 16 : index
      %swap3A_696 = tpu.vector_load %arg6[%swap3A_694, %swap3A_695] {strides = array<i32>} : memref<128x112xi32, #tpu.memory_space<vmem>>, vector<16xi32>,
      tpu.vector_store %arg6[%swap3A_694, %swap3A_695], %gather3A_693 {strides = array<i32>} : memref<128x112xi32, #tpu.memory_space<vmem>>, vector<16xi32>,
      %mul3A_697 = arith.constant 104 : i32
      %mul3A_698 = arith.muli %add3A_655, %mul3A_697 : i32
      %add3A_699 = arith.constant 32 : i32
      %add3A_700 = arith.addi %mul3A_698, %add3A_699 : i32
      %add3A_701 = vector.broadcast %add3A_700 : i32 to vector<16xi32>
      %add3A_702 = arith.addi %add3A_701, %iota3A : vector<16xi32>
      %min3A_703 = arith.constant 13311 : i32
      %min3A_704 = vector.broadcast %min3A_703 : i32 to vector<16xi32>
      %min3A_705 = arith.minsi %add3A_702, %min3A_704 : vector<16xi32>
      %mul3A_706 = arith.constant 20165 : i32
      %mul3A_707 = vector.broadcast %mul3A_706 : i32 to vector<16xi32>
      %mul3A_708 = arith.muli %min3A_705, %mul3A_707 : vector<16xi32>
      %shift_right_logical3A_709 = arith.constant 19 : i32
      %shift_right_logical3A_710 = vector.broadcast %shift_right_logical3A_709 : i32 to vector<16xi32>
      %shift_right_logical3A_711 = arith.shrui %mul3A_708, %shift_right_logical3A_710 : vector<16xi32>
      %mul3A_712 = arith.constant 26 : i32
      %mul3A_713 = vector.broadcast %mul3A_712 : i32 to vector<16xi32>
      %mul3A_714 = arith.muli %shift_right_logical3A_711, %mul3A_713 : vector<16xi32>
      %sub3A_715 = arith.subi %min3A_705, %mul3A_714 : vector<16xi32>
      %gather3A_716 = tpu.vector_load_idx %arg5[%shift_right_logical3A_711, %sub3A_715] : memref<512x32xi32, #tpu.memory_space<vmem>>[vector<16xi32>, vector<16xi32>], vector<16xi32>,
      %swap3A_717 = arith.index_cast %add3A_655 : i32 to index
      %swap3A_718 = arith.constant 32 : index
      %swap3A_719 = tpu.vector_load %arg6[%swap3A_717, %swap3A_718] {strides = array<i32>} : memref<128x112xi32, #tpu.memory_space<vmem>>, vector<16xi32>,
      tpu.vector_store %arg6[%swap3A_717, %swap3A_718], %gather3A_716 {strides = array<i32>} : memref<128x112xi32, #tpu.memory_space<vmem>>, vector<16xi32>,
      %mul3A_720 = arith.constant 104 : i32
      %mul3A_721 = arith.muli %add3A_655, %mul3A_720 : i32
      %add3A_722 = arith.constant 48 : i32
      %add3A_723 = arith.addi %mul3A_721, %add3A_722 : i32
      %add3A_724 = vector.broadcast %add3A_723 : i32 to vector<16xi32>
      %add3A_725 = arith.addi %add3A_724, %iota3A : vector<16xi32>
      %min3A_726 = arith.constant 13311 : i32
      %min3A_727 = vector.broadcast %min3A_726 : i32 to vector<16xi32>
      %min3A_728 = arith.minsi %add3A_725, %min3A_727 : vector<16xi32>
      %mul3A_729 = arith.constant 20165 : i32
      %mul3A_730 = vector.broadcast %mul3A_729 : i32 to vector<16xi32>
      %mul3A_731 = arith.muli %min3A_728, %mul3A_730 : vector<16xi32>
      %shift_right_logical3A_732 = arith.constant 19 : i32
      %shift_right_logical3A_733 = vector.broadcast %shift_right_logical3A_732 : i32 to vector<16xi32>
      %shift_right_logical3A_734 = arith.shrui %mul3A_731, %shift_right_logical3A_733 : vector<16xi32>
      %mul3A_735 = arith.constant 26 : i32
      %mul3A_736 = vector.broadcast %mul3A_735 : i32 to vector<16xi32>
      %mul3A_737 = arith.muli %shift_right_logical3A_734, %mul3A_736 : vector<16xi32>
      %sub3A_738 = arith.subi %min3A_728, %mul3A_737 : vector<16xi32>
      %gather3A_739 = tpu.vector_load_idx %arg5[%shift_right_logical3A_734, %sub3A_738] : memref<512x32xi32, #tpu.memory_space<vmem>>[vector<16xi32>, vector<16xi32>], vector<16xi32>,
      %swap3A_740 = arith.index_cast %add3A_655 : i32 to index
      %swap3A_741 = arith.constant 48 : index
      %swap3A_742 = tpu.vector_load %arg6[%swap3A_740, %swap3A_741] {strides = array<i32>} : memref<128x112xi32, #tpu.memory_space<vmem>>, vector<16xi32>,
      tpu.vector_store %arg6[%swap3A_740, %swap3A_741], %gather3A_739 {strides = array<i32>} : memref<128x112xi32, #tpu.memory_space<vmem>>, vector<16xi32>,
      %mul3A_743 = arith.constant 104 : i32
      %mul3A_744 = arith.muli %add3A_655, %mul3A_743 : i32
      %add3A_745 = arith.constant 64 : i32
      %add3A_746 = arith.addi %mul3A_744, %add3A_745 : i32
      %add3A_747 = vector.broadcast %add3A_746 : i32 to vector<16xi32>
      %add3A_748 = arith.addi %add3A_747, %iota3A : vector<16xi32>
      %min3A_749 = arith.constant 13311 : i32
      %min3A_750 = vector.broadcast %min3A_749 : i32 to vector<16xi32>
      %min3A_751 = arith.minsi %add3A_748, %min3A_750 : vector<16xi32>
      %mul3A_752 = arith.constant 20165 : i32
      %mul3A_753 = vector.broadcast %mul3A_752 : i32 to vector<16xi32>
      %mul3A_754 = arith.muli %min3A_751, %mul3A_753 : vector<16xi32>
      %shift_right_logical3A_755 = arith.constant 19 : i32
      %shift_right_logical3A_756 = vector.broadcast %shift_right_logical3A_755 : i32 to vector<16xi32>
      %shift_right_logical3A_757 = arith.shrui %mul3A_754, %shift_right_logical3A_756 : vector<16xi32>
      %mul3A_758 = arith.constant 26 : i32
      %mul3A_759 = vector.broadcast %mul3A_758 : i32 to vector<16xi32>
      %mul3A_760 = arith.muli %shift_right_logical3A_757, %mul3A_759 : vector<16xi32>
      %sub3A_761 = arith.subi %min3A_751, %mul3A_760 : vector<16xi32>
      %gather3A_762 = tpu.vector_load_idx %arg5[%shift_right_logical3A_757, %sub3A_761] : memref<512x32xi32, #tpu.memory_space<vmem>>[vector<16xi32>, vector<16xi32>], vector<16xi32>,
      %swap3A_763 = arith.index_cast %add3A_655 : i32 to index
      %swap3A_764 = arith.constant 64 : index
      %swap3A_765 = tpu.vector_load %arg6[%swap3A_763, %swap3A_764] {strides = array<i32>} : memref<128x112xi32, #tpu.memory_space<vmem>>, vector<16xi32>,
      tpu.vector_store %arg6[%swap3A_763, %swap3A_764], %gather3A_762 {strides = array<i32>} : memref<128x112xi32, #tpu.memory_space<vmem>>, vector<16xi32>,
      %mul3A_766 = arith.constant 104 : i32
      %mul3A_767 = arith.muli %add3A_655, %mul3A_766 : i32
      %add3A_768 = arith.constant 80 : i32
      %add3A_769 = arith.addi %mul3A_767, %add3A_768 : i32
      %add3A_770 = vector.broadcast %add3A_769 : i32 to vector<16xi32>
      %add3A_771 = arith.addi %add3A_770, %iota3A : vector<16xi32>
      %min3A_772 = arith.constant 13311 : i32
      %min3A_773 = vector.broadcast %min3A_772 : i32 to vector<16xi32>
      %min3A_774 = arith.minsi %add3A_771, %min3A_773 : vector<16xi32>
      %mul3A_775 = arith.constant 20165 : i32
      %mul3A_776 = vector.broadcast %mul3A_775 : i32 to vector<16xi32>
      %mul3A_777 = arith.muli %min3A_774, %mul3A_776 : vector<16xi32>
      %shift_right_logical3A_778 = arith.constant 19 : i32
      %shift_right_logical3A_779 = vector.broadcast %shift_right_logical3A_778 : i32 to vector<16xi32>
      %shift_right_logical3A_780 = arith.shrui %mul3A_777, %shift_right_logical3A_779 : vector<16xi32>
      %mul3A_781 = arith.constant 26 : i32
      %mul3A_782 = vector.broadcast %mul3A_781 : i32 to vector<16xi32>
      %mul3A_783 = arith.muli %shift_right_logical3A_780, %mul3A_782 : vector<16xi32>
      %sub3A_784 = arith.subi %min3A_774, %mul3A_783 : vector<16xi32>
      %gather3A_785 = tpu.vector_load_idx %arg5[%shift_right_logical3A_780, %sub3A_784] : memref<512x32xi32, #tpu.memory_space<vmem>>[vector<16xi32>, vector<16xi32>], vector<16xi32>,
      %swap3A_786 = arith.index_cast %add3A_655 : i32 to index
      %swap3A_787 = arith.constant 80 : index
      %swap3A_788 = tpu.vector_load %arg6[%swap3A_786, %swap3A_787] {strides = array<i32>} : memref<128x112xi32, #tpu.memory_space<vmem>>, vector<16xi32>,
      tpu.vector_store %arg6[%swap3A_786, %swap3A_787], %gather3A_785 {strides = array<i32>} : memref<128x112xi32, #tpu.memory_space<vmem>>, vector<16xi32>,
      %mul3A_789 = arith.constant 104 : i32
      %mul3A_790 = arith.muli %add3A_655, %mul3A_789 : i32
      %add3A_791 = arith.constant 96 : i32
      %add3A_792 = arith.addi %mul3A_790, %add3A_791 : i32
      %add3A_793 = vector.broadcast %add3A_792 : i32 to vector<16xi32>
      %add3A_794 = arith.addi %add3A_793, %iota3A : vector<16xi32>
      %min3A_795 = arith.constant 13311 : i32
      %min3A_796 = vector.broadcast %min3A_795 : i32 to vector<16xi32>
      %min3A_797 = arith.minsi %add3A_794, %min3A_796 : vector<16xi32>
      %mul3A_798 = arith.constant 20165 : i32
      %mul3A_799 = vector.broadcast %mul3A_798 : i32 to vector<16xi32>
      %mul3A_800 = arith.muli %min3A_797, %mul3A_799 : vector<16xi32>
      %shift_right_logical3A_801 = arith.constant 19 : i32
      %shift_right_logical3A_802 = vector.broadcast %shift_right_logical3A_801 : i32 to vector<16xi32>
      %shift_right_logical3A_803 = arith.shrui %mul3A_800, %shift_right_logical3A_802 : vector<16xi32>
      %mul3A_804 = arith.constant 26 : i32
      %mul3A_805 = vector.broadcast %mul3A_804 : i32 to vector<16xi32>
      %mul3A_806 = arith.muli %shift_right_logical3A_803, %mul3A_805 : vector<16xi32>
      %sub3A_807 = arith.subi %min3A_797, %mul3A_806 : vector<16xi32>
      %gather3A_808 = tpu.vector_load_idx %arg5[%shift_right_logical3A_803, %sub3A_807] : memref<512x32xi32, #tpu.memory_space<vmem>>[vector<16xi32>, vector<16xi32>], vector<16xi32>,
      %swap3A_809 = arith.index_cast %add3A_655 : i32 to index
      %swap3A_810 = arith.constant 96 : index
      %swap3A_811 = tpu.vector_load %arg6[%swap3A_809, %swap3A_810] {strides = array<i32>} : memref<128x112xi32, #tpu.memory_space<vmem>>, vector<16xi32>,
      tpu.vector_store %arg6[%swap3A_809, %swap3A_810], %gather3A_808 {strides = array<i32>} : memref<128x112xi32, #tpu.memory_space<vmem>>, vector<16xi32>,
    }
    %scan3A_6 = arith.constant 128 : i32
    %scan3A_7 = arith.constant 0 : i32
    %scan3A_8 = arith.constant 17 : i32
    %scan3A_9 = arith.addi %scan3A_7, %scan3A_8 : i32
    %scan3A_10 = arith.constant 1 : i32
    scf.for %scan3A_651 = %scan3A_7 to %scan3A_9 step %scan3A_10  : i32 {
      %mul3A_652 = arith.constant 8 : i32
      %mul3A_653 = arith.muli %scan3A_651, %mul3A_652 : i32
      %add3A_654 = arith.constant 0 : i32
      %add3A_655 = arith.addi %add3A_654, %mul3A_653 : i32
      %add3A_656 = arith.constant 0 : i32
      %add3A_657 = arith.addi %add3A_655, %add3A_656 : i32
      %lt3A = arith.constant 128 : i32
      %lt3A_658 = arith.cmpi slt, %add3A_657, %lt3A : i32
      %convert_element_type3A = arith.extui %lt3A_658 : i1 to i32
      %cond3A = arith.constant 0 : i32
      %cond3A_659 = arith.cmpi ne, %convert_element_type3A, %cond3A : i32
      scf.if %cond3A_659 {
        %ge3A_786 = arith.constant 8 : i32
        %ge3A_787 = arith.cmpi sge, %add3A_657, %ge3A_786 : i32
        %convert_element_type3A_788 = arith.extui %ge3A_787 : i1 to i32
        %cond3A_789 = arith.constant 0 : i32
        %cond3A_790 = arith.cmpi ne, %convert_element_type3A_788, %cond3A_789 : i32
        scf.if %cond3A_790 {
          %dma_wait3A_804 = arith.constant 0 : i32
          %dma_wait3A_805 = arith.constant 0 : i32
          %dma_wait3A_806 = arith.constant 0 : i32
          %dma_wait3A_807 = arith.constant 0 : i32
          %dma_wait3A_808 = tpu.memref_slice %arg7[%dma_wait3A_804, %dma_wait3A_806, %dma_wait3A_807] : memref<8x112x64xf32, #tpu.memory_space<vmem>> -> memref<1x26x64xf32, #tpu.memory_space<vmem>>
          %dma_wait3A_809 = tpu.memref_squeeze %dma_wait3A_808 : memref<1x26x64xf32, #tpu.memory_space<vmem>> -> memref<26x64xf32, #tpu.memory_space<vmem>>
          %dma_wait3A_810 = arith.constant 0 : i32
          %dma_wait3A_811 = arith.constant 0 : i32
          %dma_wait3A_812 = tpu.memref_slice %arg4[%mul3A_2, %dma_wait3A_810, %dma_wait3A_811] : memref<16384x32x128xf32, #tpu.memory_space<hbm>> -> memref<1x26x64xf32, #tpu.memory_space<hbm>>
          %dma_wait3A_813 = tpu.memref_squeeze %dma_wait3A_812 : memref<1x26x64xf32, #tpu.memory_space<hbm>> -> memref<26x64xf32, #tpu.memory_space<hbm>>
          %dma_wait3A_814 = tpu.memref_slice %arg9[%dma_wait3A_805] : memref<8x!tpu.dma_semaphore, #tpu.memory_space<semaphore_mem>> -> memref<1x!tpu.dma_semaphore, #tpu.memory_space<semaphore_mem>>
          %dma_wait3A_815 = tpu.memref_squeeze %dma_wait3A_814 : memref<1x!tpu.dma_semaphore, #tpu.memory_space<semaphore_mem>> -> memref<!tpu.dma_semaphore, #tpu.memory_space<semaphore_mem>>
          %dma_wait3A_816 = arith.constant 0 : i32
          %dma_wait3A_817 = arith.constant 0 : i32
          %dma_wait3A_818 = tpu.memref_slice %arg4[%mul3A_2, %dma_wait3A_816, %dma_wait3A_817] : memref<16384x32x128xf32, #tpu.memory_space<hbm>> -> memref<1x26x64xf32, #tpu.memory_space<hbm>>
          %dma_wait3A_819 = tpu.memref_squeeze %dma_wait3A_818 : memref<1x26x64xf32, #tpu.memory_space<hbm>> -> memref<26x64xf32, #tpu.memory_space<hbm>>
          %dma_wait3A_820 = arith.constant 0 : i32
          %dma_wait3A_821 = arith.constant 0 : i32
          %dma_wait3A_822 = tpu.memref_slice %arg7[%dma_wait3A_804, %dma_wait3A_820, %dma_wait3A_821] : memref<8x112x64xf32, #tpu.memory_space<vmem>> -> memref<1x26x64xf32, #tpu.memory_space<vmem>>
          %dma_wait3A_823 = tpu.memref_squeeze %dma_wait3A_822 : memref<1x26x64xf32, #tpu.memory_space<vmem>> -> memref<26x64xf32, #tpu.memory_space<vmem>>
          tpu.wait_dma2 semaphore(%dma_wait3A_815 : memref<!tpu.dma_semaphore, #tpu.memory_space<semaphore_mem>>) src(%dma_wait3A_823 : memref<26x64xf32, #tpu.memory_space<vmem>>) dst(%dma_wait3A_819 : memref<26x64xf32, #tpu.memory_space<hbm>>)
          %dma_wait3A_824 = arith.constant 0 : i32
          %dma_wait3A_825 = arith.constant 0 : i32
          %dma_wait3A_826 = arith.constant 26 : i32
          %dma_wait3A_827 = arith.constant 0 : i32
          %dma_wait3A_828 = tpu.memref_slice %arg7[%dma_wait3A_824, %dma_wait3A_826, %dma_wait3A_827] : memref<8x112x64xf32, #tpu.memory_space<vmem>> -> memref<1x26x64xf32, #tpu.memory_space<vmem>>
          %dma_wait3A_829 = tpu.memref_squeeze %dma_wait3A_828 : memref<1x26x64xf32, #tpu.memory_space<vmem>> -> memref<26x64xf32, #tpu.memory_space<vmem>>
          %dma_wait3A_830 = arith.constant 0 : i32
          %dma_wait3A_831 = arith.constant 0 : i32
          %dma_wait3A_832 = tpu.memref_slice %arg4[%mul3A_2, %dma_wait3A_830, %dma_wait3A_831] : memref<16384x32x128xf32, #tpu.memory_space<hbm>> -> memref<1x26x64xf32, #tpu.memory_space<hbm>>
          %dma_wait3A_833 = tpu.memref_squeeze %dma_wait3A_832 : memref<1x26x64xf32, #tpu.memory_space<hbm>> -> memref<26x64xf32, #tpu.memory_space<hbm>>
          %dma_wait3A_834 = tpu.memref_slice %arg9[%dma_wait3A_825] : memref<8x!tpu.dma_semaphore, #tpu.memory_space<semaphore_mem>> -> memref<1x!tpu.dma_semaphore, #tpu.memory_space<semaphore_mem>>
          %dma_wait3A_835 = tpu.memref_squeeze %dma_wait3A_834 : memref<1x!tpu.dma_semaphore, #tpu.memory_space<semaphore_mem>> -> memref<!tpu.dma_semaphore, #tpu.memory_space<semaphore_mem>>
          %dma_wait3A_836 = arith.constant 0 : i32
          %dma_wait3A_837 = arith.constant 0 : i32
          %dma_wait3A_838 = tpu.memref_slice %arg4[%mul3A_2, %dma_wait3A_836, %dma_wait3A_837] : memref<16384x32x128xf32, #tpu.memory_space<hbm>> -> memref<1x26x64xf32, #tpu.memory_space<hbm>>
          %dma_wait3A_839 = tpu.memref_squeeze %dma_wait3A_838 : memref<1x26x64xf32, #tpu.memory_space<hbm>> -> memref<26x64xf32, #tpu.memory_space<hbm>>
          %dma_wait3A_840 = arith.constant 26 : i32
          %dma_wait3A_841 = arith.constant 0 : i32
          %dma_wait3A_842 = tpu.memref_slice %arg7[%dma_wait3A_824, %dma_wait3A_840, %dma_wait3A_841] : memref<8x112x64xf32, #tpu.memory_space<vmem>> -> memref<1x26x64xf32, #tpu.memory_space<vmem>>
          %dma_wait3A_843 = tpu.memref_squeeze %dma_wait3A_842 : memref<1x26x64xf32, #tpu.memory_space<vmem>> -> memref<26x64xf32, #tpu.memory_space<vmem>>
          tpu.wait_dma2 semaphore(%dma_wait3A_835 : memref<!tpu.dma_semaphore, #tpu.memory_space<semaphore_mem>>) src(%dma_wait3A_843 : memref<26x64xf32, #tpu.memory_space<vmem>>) dst(%dma_wait3A_839 : memref<26x64xf32, #tpu.memory_space<hbm>>)
          %dma_wait3A_844 = arith.constant 0 : i32
          %dma_wait3A_845 = arith.constant 0 : i32
          %dma_wait3A_846 = arith.constant 52 : i32
          %dma_wait3A_847 = arith.constant 0 : i32
          %dma_wait3A_848 = tpu.memref_slice %arg7[%dma_wait3A_844, %dma_wait3A_846, %dma_wait3A_847] : memref<8x112x64xf32, #tpu.memory_space<vmem>> -> memref<1x26x64xf32, #tpu.memory_space<vmem>>
          %dma_wait3A_849 = tpu.memref_squeeze %dma_wait3A_848 : memref<1x26x64xf32, #tpu.memory_space<vmem>> -> memref<26x64xf32, #tpu.memory_space<vmem>>
          %dma_wait3A_850 = arith.constant 0 : i32
          %dma_wait3A_851 = arith.constant 0 : i32
          %dma_wait3A_852 = tpu.memref_slice %arg4[%mul3A_2, %dma_wait3A_850, %dma_wait3A_851] : memref<16384x32x128xf32, #tpu.memory_space<hbm>> -> memref<1x26x64xf32, #tpu.memory_space<hbm>>
          %dma_wait3A_853 = tpu.memref_squeeze %dma_wait3A_852 : memref<1x26x64xf32, #tpu.memory_space<hbm>> -> memref<26x64xf32, #tpu.memory_space<hbm>>
          %dma_wait3A_854 = tpu.memref_slice %arg9[%dma_wait3A_845] : memref<8x!tpu.dma_semaphore, #tpu.memory_space<semaphore_mem>> -> memref<1x!tpu.dma_semaphore, #tpu.memory_space<semaphore_mem>>
          %dma_wait3A_855 = tpu.memref_squeeze %dma_wait3A_854 : memref<1x!tpu.dma_semaphore, #tpu.memory_space<semaphore_mem>> -> memref<!tpu.dma_semaphore, #tpu.memory_space<semaphore_mem>>
          %dma_wait3A_856 = arith.constant 0 : i32
          %dma_wait3A_857 = arith.constant 0 : i32
          %dma_wait3A_858 = tpu.memref_slice %arg4[%mul3A_2, %dma_wait3A_856, %dma_wait3A_857] : memref<16384x32x128xf32, #tpu.memory_space<hbm>> -> memref<1x26x64xf32, #tpu.memory_space<hbm>>
          %dma_wait3A_859 = tpu.memref_squeeze %dma_wait3A_858 : memref<1x26x64xf32, #tpu.memory_space<hbm>> -> memref<26x64xf32, #tpu.memory_space<hbm>>
          %dma_wait3A_860 = arith.constant 52 : i32
          %dma_wait3A_861 = arith.constant 0 : i32
          %dma_wait3A_862 = tpu.memref_slice %arg7[%dma_wait3A_844, %dma_wait3A_860, %dma_wait3A_861] : memref<8x112x64xf32, #tpu.memory_space<vmem>> -> memref<1x26x64xf32, #tpu.memory_space<vmem>>
          %dma_wait3A_863 = tpu.memref_squeeze %dma_wait3A_862 : memref<1x26x64xf32, #tpu.memory_space<vmem>> -> memref<26x64xf32, #tpu.memory_space<vmem>>
          tpu.wait_dma2 semaphore(%dma_wait3A_855 : memref<!tpu.dma_semaphore, #tpu.memory_space<semaphore_mem>>) src(%dma_wait3A_863 : memref<26x64xf32, #tpu.memory_space<vmem>>) dst(%dma_wait3A_859 : memref<26x64xf32, #tpu.memory_space<hbm>>)
          %dma_wait3A_864 = arith.constant 0 : i32
          %dma_wait3A_865 = arith.constant 0 : i32
          %dma_wait3A_866 = arith.constant 78 : i32
          %dma_wait3A_867 = arith.constant 0 : i32
          %dma_wait3A_868 = tpu.memref_slice %arg7[%dma_wait3A_864, %dma_wait3A_866, %dma_wait3A_867] : memref<8x112x64xf32, #tpu.memory_space<vmem>> -> memref<1x26x64xf32, #tpu.memory_space<vmem>>
          %dma_wait3A_869 = tpu.memref_squeeze %dma_wait3A_868 : memref<1x26x64xf32, #tpu.memory_space<vmem>> -> memref<26x64xf32, #tpu.memory_space<vmem>>
          %dma_wait3A_870 = arith.constant 0 : i32
          %dma_wait3A_871 = arith.constant 0 : i32
          %dma_wait3A_872 = tpu.memref_slice %arg4[%mul3A_2, %dma_wait3A_870, %dma_wait3A_871] : memref<16384x32x128xf32, #tpu.memory_space<hbm>> -> memref<1x26x64xf32, #tpu.memory_space<hbm>>
          %dma_wait3A_873 = tpu.memref_squeeze %dma_wait3A_872 : memref<1x26x64xf32, #tpu.memory_space<hbm>> -> memref<26x64xf32, #tpu.memory_space<hbm>>
          %dma_wait3A_874 = tpu.memref_slice %arg9[%dma_wait3A_865] : memref<8x!tpu.dma_semaphore, #tpu.memory_space<semaphore_mem>> -> memref<1x!tpu.dma_semaphore, #tpu.memory_space<semaphore_mem>>
          %dma_wait3A_875 = tpu.memref_squeeze %dma_wait3A_874 : memref<1x!tpu.dma_semaphore, #tpu.memory_space<semaphore_mem>> -> memref<!tpu.dma_semaphore, #tpu.memory_space<semaphore_mem>>
          %dma_wait3A_876 = arith.constant 0 : i32
          %dma_wait3A_877 = arith.constant 0 : i32
          %dma_wait3A_878 = tpu.memref_slice %arg4[%mul3A_2, %dma_wait3A_876, %dma_wait3A_877] : memref<16384x32x128xf32, #tpu.memory_space<hbm>> -> memref<1x26x64xf32, #tpu.memory_space<hbm>>
          %dma_wait3A_879 = tpu.memref_squeeze %dma_wait3A_878 : memref<1x26x64xf32, #tpu.memory_space<hbm>> -> memref<26x64xf32, #tpu.memory_space<hbm>>
          %dma_wait3A_880 = arith.constant 78 : i32
          %dma_wait3A_881 = arith.constant 0 : i32
          %dma_wait3A_882 = tpu.memref_slice %arg7[%dma_wait3A_864, %dma_wait3A_880, %dma_wait3A_881] : memref<8x112x64xf32, #tpu.memory_space<vmem>> -> memref<1x26x64xf32, #tpu.memory_space<vmem>>
          %dma_wait3A_883 = tpu.memref_squeeze %dma_wait3A_882 : memref<1x26x64xf32, #tpu.memory_space<vmem>> -> memref<26x64xf32, #tpu.memory_space<vmem>>
          tpu.wait_dma2 semaphore(%dma_wait3A_875 : memref<!tpu.dma_semaphore, #tpu.memory_space<semaphore_mem>>) src(%dma_wait3A_883 : memref<26x64xf32, #tpu.memory_space<vmem>>) dst(%dma_wait3A_879 : memref<26x64xf32, #tpu.memory_space<hbm>>)
        } else {
        }
        %dma_start3A = arith.constant 0 : i32
        %dma_start3A_791 = arith.constant 0 : i32
        %dma_start3A_792 = arith.constant 0 : i32
        %dma_start3A_793 = arith.constant 0 : i32
        %dma_start3A_794 = tpu.memref_slice %arg7[%dma_start3A, %dma_start3A_792, %dma_start3A_793] : memref<8x112x64xf32, #tpu.memory_space<vmem>> -> memref<1x112x64xf32, #tpu.memory_space<vmem>>
        %dma_start3A_795 = tpu.memref_squeeze %dma_start3A_794 : memref<1x112x64xf32, #tpu.memory_space<vmem>> -> memref<112x64xf32, #tpu.memory_space<vmem>>
        %dma_start3A_796 = arith.constant 0 : i32
        %dma_start3A_797 = tpu.memref_slice %arg6[%add3A_657, %dma_start3A_796] : memref<128x112xi32, #tpu.memory_space<vmem>> -> memref<1x112xi32, #tpu.memory_space<vmem>>
        %dma_start3A_798 = tpu.memref_squeeze %dma_start3A_797 : memref<1x112xi32, #tpu.memory_space<vmem>> -> memref<112xi32, #tpu.memory_space<vmem>>
        %dma_start3A_799 = arith.constant 0 : i32
        %dma_start3A_800 = arith.constant 0 : i32
        %dma_start3A_801 = tpu.memref_slice %arg3[%dma_start3A_799, %dma_start3A_800] : memref<1000000x64xf32, #tpu.memory_space<hbm>> -> memref<1000000x64xf32, #tpu.memory_space<hbm>>
        %dma_start3A_802 = tpu.memref_slice %arg8[%dma_start3A_791] : memref<8x!tpu.dma_semaphore, #tpu.memory_space<semaphore_mem>> -> memref<1x!tpu.dma_semaphore, #tpu.memory_space<semaphore_mem>>
        %dma_start3A_803 = tpu.memref_squeeze %dma_start3A_802 : memref<1x!tpu.dma_semaphore, #tpu.memory_space<semaphore_mem>> -> memref<!tpu.dma_semaphore, #tpu.memory_space<semaphore_mem>>
        tpu.enqueue_indirect_dma source(%dma_start3A_801 : memref<1000000x64xf32, #tpu.memory_space<hbm>>) target(%dma_start3A_795 : memref<112x64xf32, #tpu.memory_space<vmem>>) offsets(%dma_start3A_798 : memref<112xi32, #tpu.memory_space<vmem>>) semaphore(%dma_start3A_803 : memref<!tpu.dma_semaphore, #tpu.memory_space<semaphore_mem>>)
      } else {
      }
      %sub3A = arith.constant 4 : i32
      %sub3A_660 = arith.subi %add3A_657, %sub3A : i32
      %ge3A = arith.constant 0 : i32
      %ge3A_661 = arith.cmpi sge, %sub3A_660, %ge3A : i32
      %lt3A_662 = arith.constant 128 : i32
      %lt3A_663 = arith.cmpi slt, %sub3A_660, %lt3A_662 : i32
      %and3A = arith.andi %ge3A_661, %lt3A_663 : i1
      %convert_element_type3A_664 = arith.extui %and3A : i1 to i32
      %cond3A_665 = arith.constant 0 : i32
      %cond3A_666 = arith.cmpi ne, %convert_element_type3A_664, %cond3A_665 : i32
      scf.if %cond3A_666 {
        %dma_wait3A_786 = arith.constant 0 : i32
        %dma_wait3A_787 = arith.constant 4 : i32
        %dma_wait3A_788 = arith.constant 4 : i32
        %dma_wait3A_789 = arith.constant 0 : i32
        %dma_wait3A_790 = arith.constant 0 : i32
        %dma_wait3A_791 = tpu.memref_slice %arg7[%dma_wait3A_787, %dma_wait3A_789, %dma_wait3A_790] : memref<8x112x64xf32, #tpu.memory_space<vmem>> -> memref<1x112x64xf32, #tpu.memory_space<vmem>>
        %dma_wait3A_792 = tpu.memref_squeeze %dma_wait3A_791 : memref<1x112x64xf32, #tpu.memory_space<vmem>> -> memref<112x64xf32, #tpu.memory_space<vmem>>
        %dma_wait3A_793 = arith.constant 0 : i32
        %dma_wait3A_794 = tpu.memref_slice %arg6[%dma_wait3A_786, %dma_wait3A_793] : memref<128x112xi32, #tpu.memory_space<vmem>> -> memref<1x112xi32, #tpu.memory_space<vmem>>
        %dma_wait3A_795 = tpu.memref_squeeze %dma_wait3A_794 : memref<1x112xi32, #tpu.memory_space<vmem>> -> memref<112xi32, #tpu.memory_space<vmem>>
        %dma_wait3A_796 = arith.constant 0 : i32
        %dma_wait3A_797 = arith.constant 0 : i32
        %dma_wait3A_798 = tpu.memref_slice %arg3[%dma_wait3A_796, %dma_wait3A_797] : memref<1000000x64xf32, #tpu.memory_space<hbm>> -> memref<1000000x64xf32, #tpu.memory_space<hbm>>
        %dma_wait3A_799 = tpu.memref_slice %arg8[%dma_wait3A_788] : memref<8x!tpu.dma_semaphore, #tpu.memory_space<semaphore_mem>> -> memref<1x!tpu.dma_semaphore, #tpu.memory_space<semaphore_mem>>
        %dma_wait3A_800 = tpu.memref_squeeze %dma_wait3A_799 : memref<1x!tpu.dma_semaphore, #tpu.memory_space<semaphore_mem>> -> memref<!tpu.dma_semaphore, #tpu.memory_space<semaphore_mem>>
        tpu.wait_indirect_dma semaphore(%dma_wait3A_800 : memref<!tpu.dma_semaphore, #tpu.memory_space<semaphore_mem>>) src(%dma_wait3A_798 : memref<1000000x64xf32, #tpu.memory_space<hbm>>) dst(%dma_wait3A_792 : memref<112x64xf32, #tpu.memory_space<vmem>>)
        %mul3A_801 = arith.constant 4 : i32
        %mul3A_802 = arith.muli %sub3A_660, %mul3A_801 : i32
        %add3A_803 = arith.addi %mul3A_2, %mul3A_802 : i32
        %add3A_804 = arith.constant 0 : i32
        %add3A_805 = arith.addi %add3A_803, %add3A_804 : i32
        %dma_start3A = arith.constant 4 : i32
        %dma_start3A_806 = arith.constant 4 : i32
        %dma_start3A_807 = arith.constant 0 : i32
        %dma_start3A_808 = arith.constant 0 : i32
        %dma_start3A_809 = tpu.memref_slice %arg7[%dma_start3A, %dma_start3A_807, %dma_start3A_808] : memref<8x112x64xf32, #tpu.memory_space<vmem>> -> memref<1x26x64xf32, #tpu.memory_space<vmem>>
        %dma_start3A_810 = tpu.memref_squeeze %dma_start3A_809 : memref<1x26x64xf32, #tpu.memory_space<vmem>> -> memref<26x64xf32, #tpu.memory_space<vmem>>
        %dma_start3A_811 = arith.constant 0 : i32
        %dma_start3A_812 = arith.constant 0 : i32
        %dma_start3A_813 = tpu.memref_slice %arg4[%add3A_805, %dma_start3A_811, %dma_start3A_812] : memref<16384x32x128xf32, #tpu.memory_space<hbm>> -> memref<1x26x64xf32, #tpu.memory_space<hbm>>
        %dma_start3A_814 = tpu.memref_squeeze %dma_start3A_813 : memref<1x26x64xf32, #tpu.memory_space<hbm>> -> memref<26x64xf32, #tpu.memory_space<hbm>>
        %dma_start3A_815 = tpu.memref_slice %arg9[%dma_start3A_806] : memref<8x!tpu.dma_semaphore, #tpu.memory_space<semaphore_mem>> -> memref<1x!tpu.dma_semaphore, #tpu.memory_space<semaphore_mem>>
        %dma_start3A_816 = tpu.memref_squeeze %dma_start3A_815 : memref<1x!tpu.dma_semaphore, #tpu.memory_space<semaphore_mem>> -> memref<!tpu.dma_semaphore, #tpu.memory_space<semaphore_mem>>
        %dma_start3A_817 = arith.constant 0 : i32
        %dma_start3A_818 = arith.constant 0 : i32
        %dma_start3A_819 = tpu.memref_slice %arg4[%add3A_805, %dma_start3A_817, %dma_start3A_818] : memref<16384x32x128xf32, #tpu.memory_space<hbm>> -> memref<1x26x64xf32, #tpu.memory_space<hbm>>
        %dma_start3A_820 = tpu.memref_squeeze %dma_start3A_819 : memref<1x26x64xf32, #tpu.memory_space<hbm>> -> memref<26x64xf32, #tpu.memory_space<hbm>>
        %dma_start3A_821 = arith.constant 0 : i32
        %dma_start3A_822 = arith.constant 0 : i32
        %dma_start3A_823 = tpu.memref_slice %arg7[%dma_start3A, %dma_start3A_821, %dma_start3A_822] : memref<8x112x64xf32, #tpu.memory_space<vmem>> -> memref<1x26x64xf32, #tpu.memory_space<vmem>>
        %dma_start3A_824 = tpu.memref_squeeze %dma_start3A_823 : memref<1x26x64xf32, #tpu.memory_space<vmem>> -> memref<26x64xf32, #tpu.memory_space<vmem>>
        tpu.enqueue_dma source(%dma_start3A_824 : memref<26x64xf32, #tpu.memory_space<vmem>>) target(%dma_start3A_820 : memref<26x64xf32, #tpu.memory_space<hbm>>) target_semaphore(%dma_start3A_816 : memref<!tpu.dma_semaphore, #tpu.memory_space<semaphore_mem>>)
        %mul3A_825 = arith.constant 4 : i32
        %mul3A_826 = arith.muli %sub3A_660, %mul3A_825 : i32
        %add3A_827 = arith.addi %mul3A_2, %mul3A_826 : i32
        %add3A_828 = arith.constant 1 : i32
        %add3A_829 = arith.addi %add3A_827, %add3A_828 : i32
        %dma_start3A_830 = arith.constant 4 : i32
        %dma_start3A_831 = arith.constant 4 : i32
        %dma_start3A_832 = arith.constant 26 : i32
        %dma_start3A_833 = arith.constant 0 : i32
        %dma_start3A_834 = tpu.memref_slice %arg7[%dma_start3A_830, %dma_start3A_832, %dma_start3A_833] : memref<8x112x64xf32, #tpu.memory_space<vmem>> -> memref<1x26x64xf32, #tpu.memory_space<vmem>>
        %dma_start3A_835 = tpu.memref_squeeze %dma_start3A_834 : memref<1x26x64xf32, #tpu.memory_space<vmem>> -> memref<26x64xf32, #tpu.memory_space<vmem>>
        %dma_start3A_836 = arith.constant 0 : i32
        %dma_start3A_837 = arith.constant 0 : i32
        %dma_start3A_838 = tpu.memref_slice %arg4[%add3A_829, %dma_start3A_836, %dma_start3A_837] : memref<16384x32x128xf32, #tpu.memory_space<hbm>> -> memref<1x26x64xf32, #tpu.memory_space<hbm>>
        %dma_start3A_839 = tpu.memref_squeeze %dma_start3A_838 : memref<1x26x64xf32, #tpu.memory_space<hbm>> -> memref<26x64xf32, #tpu.memory_space<hbm>>
        %dma_start3A_840 = tpu.memref_slice %arg9[%dma_start3A_831] : memref<8x!tpu.dma_semaphore, #tpu.memory_space<semaphore_mem>> -> memref<1x!tpu.dma_semaphore, #tpu.memory_space<semaphore_mem>>
        %dma_start3A_841 = tpu.memref_squeeze %dma_start3A_840 : memref<1x!tpu.dma_semaphore, #tpu.memory_space<semaphore_mem>> -> memref<!tpu.dma_semaphore, #tpu.memory_space<semaphore_mem>>
        %dma_start3A_842 = arith.constant 0 : i32
        %dma_start3A_843 = arith.constant 0 : i32
        %dma_start3A_844 = tpu.memref_slice %arg4[%add3A_829, %dma_start3A_842, %dma_start3A_843] : memref<16384x32x128xf32, #tpu.memory_space<hbm>> -> memref<1x26x64xf32, #tpu.memory_space<hbm>>
        %dma_start3A_845 = tpu.memref_squeeze %dma_start3A_844 : memref<1x26x64xf32, #tpu.memory_space<hbm>> -> memref<26x64xf32, #tpu.memory_space<hbm>>
        %dma_start3A_846 = arith.constant 26 : i32
        %dma_start3A_847 = arith.constant 0 : i32
        %dma_start3A_848 = tpu.memref_slice %arg7[%dma_start3A_830, %dma_start3A_846, %dma_start3A_847] : memref<8x112x64xf32, #tpu.memory_space<vmem>> -> memref<1x26x64xf32, #tpu.memory_space<vmem>>
        %dma_start3A_849 = tpu.memref_squeeze %dma_start3A_848 : memref<1x26x64xf32, #tpu.memory_space<vmem>> -> memref<26x64xf32, #tpu.memory_space<vmem>>
        tpu.enqueue_dma source(%dma_start3A_849 : memref<26x64xf32, #tpu.memory_space<vmem>>) target(%dma_start3A_845 : memref<26x64xf32, #tpu.memory_space<hbm>>) target_semaphore(%dma_start3A_841 : memref<!tpu.dma_semaphore, #tpu.memory_space<semaphore_mem>>)
        %mul3A_850 = arith.constant 4 : i32
        %mul3A_851 = arith.muli %sub3A_660, %mul3A_850 : i32
        %add3A_852 = arith.addi %mul3A_2, %mul3A_851 : i32
        %add3A_853 = arith.constant 2 : i32
        %add3A_854 = arith.addi %add3A_852, %add3A_853 : i32
        %dma_start3A_855 = arith.constant 4 : i32
        %dma_start3A_856 = arith.constant 4 : i32
        %dma_start3A_857 = arith.constant 52 : i32
        %dma_start3A_858 = arith.constant 0 : i32
        %dma_start3A_859 = tpu.memref_slice %arg7[%dma_start3A_855, %dma_start3A_857, %dma_start3A_858] : memref<8x112x64xf32, #tpu.memory_space<vmem>> -> memref<1x26x64xf32, #tpu.memory_space<vmem>>
        %dma_start3A_860 = tpu.memref_squeeze %dma_start3A_859 : memref<1x26x64xf32, #tpu.memory_space<vmem>> -> memref<26x64xf32, #tpu.memory_space<vmem>>
        %dma_start3A_861 = arith.constant 0 : i32
        %dma_start3A_862 = arith.constant 0 : i32
        %dma_start3A_863 = tpu.memref_slice %arg4[%add3A_854, %dma_start3A_861, %dma_start3A_862] : memref<16384x32x128xf32, #tpu.memory_space<hbm>> -> memref<1x26x64xf32, #tpu.memory_space<hbm>>
        %dma_start3A_864 = tpu.memref_squeeze %dma_start3A_863 : memref<1x26x64xf32, #tpu.memory_space<hbm>> -> memref<26x64xf32, #tpu.memory_space<hbm>>
        %dma_start3A_865 = tpu.memref_slice %arg9[%dma_start3A_856] : memref<8x!tpu.dma_semaphore, #tpu.memory_space<semaphore_mem>> -> memref<1x!tpu.dma_semaphore, #tpu.memory_space<semaphore_mem>>
        %dma_start3A_866 = tpu.memref_squeeze %dma_start3A_865 : memref<1x!tpu.dma_semaphore, #tpu.memory_space<semaphore_mem>> -> memref<!tpu.dma_semaphore, #tpu.memory_space<semaphore_mem>>
        %dma_start3A_867 = arith.constant 0 : i32
        %dma_start3A_868 = arith.constant 0 : i32
        %dma_start3A_869 = tpu.memref_slice %arg4[%add3A_854, %dma_start3A_867, %dma_start3A_868] : memref<16384x32x128xf32, #tpu.memory_space<hbm>> -> memref<1x26x64xf32, #tpu.memory_space<hbm>>
        %dma_start3A_870 = tpu.memref_squeeze %dma_start3A_869 : memref<1x26x64xf32, #tpu.memory_space<hbm>> -> memref<26x64xf32, #tpu.memory_space<hbm>>
        %dma_start3A_871 = arith.constant 52 : i32
        %dma_start3A_872 = arith.constant 0 : i32
        %dma_start3A_873 = tpu.memref_slice %arg7[%dma_start3A_855, %dma_start3A_871, %dma_start3A_872] : memref<8x112x64xf32, #tpu.memory_space<vmem>> -> memref<1x26x64xf32, #tpu.memory_space<vmem>>
        %dma_start3A_874 = tpu.memref_squeeze %dma_start3A_873 : memref<1x26x64xf32, #tpu.memory_space<vmem>> -> memref<26x64xf32, #tpu.memory_space<vmem>>
        tpu.enqueue_dma source(%dma_start3A_874 : memref<26x64xf32, #tpu.memory_space<vmem>>) target(%dma_start3A_870 : memref<26x64xf32, #tpu.memory_space<hbm>>) target_semaphore(%dma_start3A_866 : memref<!tpu.dma_semaphore, #tpu.memory_space<semaphore_mem>>)
        %mul3A_875 = arith.constant 4 : i32
        %mul3A_876 = arith.muli %sub3A_660, %mul3A_875 : i32
        %add3A_877 = arith.addi %mul3A_2, %mul3A_876 : i32
        %add3A_878 = arith.constant 3 : i32
        %add3A_879 = arith.addi %add3A_877, %add3A_878 : i32
        %dma_start3A_880 = arith.constant 4 : i32
        %dma_start3A_881 = arith.constant 4 : i32
        %dma_start3A_882 = arith.constant 78 : i32
        %dma_start3A_883 = arith.constant 0 : i32
        %dma_start3A_884 = tpu.memref_slice %arg7[%dma_start3A_880, %dma_start3A_882, %dma_start3A_883] : memref<8x112x64xf32, #tpu.memory_space<vmem>> -> memref<1x26x64xf32, #tpu.memory_space<vmem>>
        %dma_start3A_885 = tpu.memref_squeeze %dma_start3A_884 : memref<1x26x64xf32, #tpu.memory_space<vmem>> -> memref<26x64xf32, #tpu.memory_space<vmem>>
        %dma_start3A_886 = arith.constant 0 : i32
        %dma_start3A_887 = arith.constant 0 : i32
        %dma_start3A_888 = tpu.memref_slice %arg4[%add3A_879, %dma_start3A_886, %dma_start3A_887] : memref<16384x32x128xf32, #tpu.memory_space<hbm>> -> memref<1x26x64xf32, #tpu.memory_space<hbm>>
        %dma_start3A_889 = tpu.memref_squeeze %dma_start3A_888 : memref<1x26x64xf32, #tpu.memory_space<hbm>> -> memref<26x64xf32, #tpu.memory_space<hbm>>
        %dma_start3A_890 = tpu.memref_slice %arg9[%dma_start3A_881] : memref<8x!tpu.dma_semaphore, #tpu.memory_space<semaphore_mem>> -> memref<1x!tpu.dma_semaphore, #tpu.memory_space<semaphore_mem>>
        %dma_start3A_891 = tpu.memref_squeeze %dma_start3A_890 : memref<1x!tpu.dma_semaphore, #tpu.memory_space<semaphore_mem>> -> memref<!tpu.dma_semaphore, #tpu.memory_space<semaphore_mem>>
        %dma_start3A_892 = arith.constant 0 : i32
        %dma_start3A_893 = arith.constant 0 : i32
        %dma_start3A_894 = tpu.memref_slice %arg4[%add3A_879, %dma_start3A_892, %dma_start3A_893] : memref<16384x32x128xf32, #tpu.memory_space<hbm>> -> memref<1x26x64xf32, #tpu.memory_space<hbm>>
        %dma_start3A_895 = tpu.memref_squeeze %dma_start3A_894 : memref<1x26x64xf32, #tpu.memory_space<hbm>> -> memref<26x64xf32, #tpu.memory_space<hbm>>
        %dma_start3A_896 = arith.constant 78 : i32
        %dma_start3A_897 = arith.constant 0 : i32
        %dma_start3A_898 = tpu.memref_slice %arg7[%dma_start3A_880, %dma_start3A_896, %dma_start3A_897] : memref<8x112x64xf32, #tpu.memory_space<vmem>> -> memref<1x26x64xf32, #tpu.memory_space<vmem>>
        %dma_start3A_899 = tpu.memref_squeeze %dma_start3A_898 : memref<1x26x64xf32, #tpu.memory_space<vmem>> -> memref<26x64xf32, #tpu.memory_space<vmem>>
        tpu.enqueue_dma source(%dma_start3A_899 : memref<26x64xf32, #tpu.memory_space<vmem>>) target(%dma_start3A_895 : memref<26x64xf32, #tpu.memory_space<hbm>>) target_semaphore(%dma_start3A_891 : memref<!tpu.dma_semaphore, #tpu.memory_space<semaphore_mem>>)
      } else {
      }
      %add3A_667 = arith.constant 1 : i32
      %add3A_668 = arith.addi %add3A_655, %add3A_667 : i32
      %lt3A_669 = arith.constant 128 : i32
      %lt3A_670 = arith.cmpi slt, %add3A_668, %lt3A_669 : i32
      %convert_element_type3A_671 = arith.extui %lt3A_670 : i1 to i32
      %cond3A_672 = arith.constant 0 : i32
      %cond3A_673 = arith.cmpi ne, %convert_element_type3A_671, %cond3A_672 : i32
      scf.if %cond3A_673 {
        %ge3A_786 = arith.constant 8 : i32
        %ge3A_787 = arith.cmpi sge, %add3A_668, %ge3A_786 : i32
        %convert_element_type3A_788 = arith.extui %ge3A_787 : i1 to i32
        %cond3A_789 = arith.constant 0 : i32
        %cond3A_790 = arith.cmpi ne, %convert_element_type3A_788, %cond3A_789 : i32
        scf.if %cond3A_790 {
          %dma_wait3A_804 = arith.constant 1 : i32
          %dma_wait3A_805 = arith.constant 1 : i32
          %dma_wait3A_806 = arith.constant 0 : i32
          %dma_wait3A_807 = arith.constant 0 : i32
          %dma_wait3A_808 = tpu.memref_slice %arg7[%dma_wait3A_804, %dma_wait3A_806, %dma_wait3A_807] : memref<8x112x64xf32, #tpu.memory_space<vmem>> -> memref<1x26x64xf32, #tpu.memory_space<vmem>>
          %dma_wait3A_809 = tpu.memref_squeeze %dma_wait3A_808 : memref<1x26x64xf32, #tpu.memory_space<vmem>> -> memref<26x64xf32, #tpu.memory_space<vmem>>
          %dma_wait3A_810 = arith.constant 0 : i32
          %dma_wait3A_811 = arith.constant 0 : i32
          %dma_wait3A_812 = tpu.memref_slice %arg4[%mul3A_2, %dma_wait3A_810, %dma_wait3A_811] : memref<16384x32x128xf32, #tpu.memory_space<hbm>> -> memref<1x26x64xf32, #tpu.memory_space<hbm>>
          %dma_wait3A_813 = tpu.memref_squeeze %dma_wait3A_812 : memref<1x26x64xf32, #tpu.memory_space<hbm>> -> memref<26x64xf32, #tpu.memory_space<hbm>>
          %dma_wait3A_814 = tpu.memref_slice %arg9[%dma_wait3A_805] : memref<8x!tpu.dma_semaphore, #tpu.memory_space<semaphore_mem>> -> memref<1x!tpu.dma_semaphore, #tpu.memory_space<semaphore_mem>>
          %dma_wait3A_815 = tpu.memref_squeeze %dma_wait3A_814 : memref<1x!tpu.dma_semaphore, #tpu.memory_space<semaphore_mem>> -> memref<!tpu.dma_semaphore, #tpu.memory_space<semaphore_mem>>
          %dma_wait3A_816 = arith.constant 0 : i32
          %dma_wait3A_817 = arith.constant 0 : i32
          %dma_wait3A_818 = tpu.memref_slice %arg4[%mul3A_2, %dma_wait3A_816, %dma_wait3A_817] : memref<16384x32x128xf32, #tpu.memory_space<hbm>> -> memref<1x26x64xf32, #tpu.memory_space<hbm>>
          %dma_wait3A_819 = tpu.memref_squeeze %dma_wait3A_818 : memref<1x26x64xf32, #tpu.memory_space<hbm>> -> memref<26x64xf32, #tpu.memory_space<hbm>>
          %dma_wait3A_820 = arith.constant 0 : i32
          %dma_wait3A_821 = arith.constant 0 : i32
          %dma_wait3A_822 = tpu.memref_slice %arg7[%dma_wait3A_804, %dma_wait3A_820, %dma_wait3A_821] : memref<8x112x64xf32, #tpu.memory_space<vmem>> -> memref<1x26x64xf32, #tpu.memory_space<vmem>>
          %dma_wait3A_823 = tpu.memref_squeeze %dma_wait3A_822 : memref<1x26x64xf32, #tpu.memory_space<vmem>> -> memref<26x64xf32, #tpu.memory_space<vmem>>
          tpu.wait_dma2 semaphore(%dma_wait3A_815 : memref<!tpu.dma_semaphore, #tpu.memory_space<semaphore_mem>>) src(%dma_wait3A_823 : memref<26x64xf32, #tpu.memory_space<vmem>>) dst(%dma_wait3A_819 : memref<26x64xf32, #tpu.memory_space<hbm>>)
          %dma_wait3A_824 = arith.constant 1 : i32
          %dma_wait3A_825 = arith.constant 1 : i32
          %dma_wait3A_826 = arith.constant 26 : i32
          %dma_wait3A_827 = arith.constant 0 : i32
          %dma_wait3A_828 = tpu.memref_slice %arg7[%dma_wait3A_824, %dma_wait3A_826, %dma_wait3A_827] : memref<8x112x64xf32, #tpu.memory_space<vmem>> -> memref<1x26x64xf32, #tpu.memory_space<vmem>>
          %dma_wait3A_829 = tpu.memref_squeeze %dma_wait3A_828 : memref<1x26x64xf32, #tpu.memory_space<vmem>> -> memref<26x64xf32, #tpu.memory_space<vmem>>
          %dma_wait3A_830 = arith.constant 0 : i32
          %dma_wait3A_831 = arith.constant 0 : i32
          %dma_wait3A_832 = tpu.memref_slice %arg4[%mul3A_2, %dma_wait3A_830, %dma_wait3A_831] : memref<16384x32x128xf32, #tpu.memory_space<hbm>> -> memref<1x26x64xf32, #tpu.memory_space<hbm>>
          %dma_wait3A_833 = tpu.memref_squeeze %dma_wait3A_832 : memref<1x26x64xf32, #tpu.memory_space<hbm>> -> memref<26x64xf32, #tpu.memory_space<hbm>>
          %dma_wait3A_834 = tpu.memref_slice %arg9[%dma_wait3A_825] : memref<8x!tpu.dma_semaphore, #tpu.memory_space<semaphore_mem>> -> memref<1x!tpu.dma_semaphore, #tpu.memory_space<semaphore_mem>>
          %dma_wait3A_835 = tpu.memref_squeeze %dma_wait3A_834 : memref<1x!tpu.dma_semaphore, #tpu.memory_space<semaphore_mem>> -> memref<!tpu.dma_semaphore, #tpu.memory_space<semaphore_mem>>
          %dma_wait3A_836 = arith.constant 0 : i32
          %dma_wait3A_837 = arith.constant 0 : i32
          %dma_wait3A_838 = tpu.memref_slice %arg4[%mul3A_2, %dma_wait3A_836, %dma_wait3A_837] : memref<16384x32x128xf32, #tpu.memory_space<hbm>> -> memref<1x26x64xf32, #tpu.memory_space<hbm>>
          %dma_wait3A_839 = tpu.memref_squeeze %dma_wait3A_838 : memref<1x26x64xf32, #tpu.memory_space<hbm>> -> memref<26x64xf32, #tpu.memory_space<hbm>>
          %dma_wait3A_840 = arith.constant 26 : i32
          %dma_wait3A_841 = arith.constant 0 : i32
          %dma_wait3A_842 = tpu.memref_slice %arg7[%dma_wait3A_824, %dma_wait3A_840, %dma_wait3A_841] : memref<8x112x64xf32, #tpu.memory_space<vmem>> -> memref<1x26x64xf32, #tpu.memory_space<vmem>>
          %dma_wait3A_843 = tpu.memref_squeeze %dma_wait3A_842 : memref<1x26x64xf32, #tpu.memory_space<vmem>> -> memref<26x64xf32, #tpu.memory_space<vmem>>
          tpu.wait_dma2 semaphore(%dma_wait3A_835 : memref<!tpu.dma_semaphore, #tpu.memory_space<semaphore_mem>>) src(%dma_wait3A_843 : memref<26x64xf32, #tpu.memory_space<vmem>>) dst(%dma_wait3A_839 : memref<26x64xf32, #tpu.memory_space<hbm>>)
          %dma_wait3A_844 = arith.constant 1 : i32
          %dma_wait3A_845 = arith.constant 1 : i32
          %dma_wait3A_846 = arith.constant 52 : i32
          %dma_wait3A_847 = arith.constant 0 : i32
          %dma_wait3A_848 = tpu.memref_slice %arg7[%dma_wait3A_844, %dma_wait3A_846, %dma_wait3A_847] : memref<8x112x64xf32, #tpu.memory_space<vmem>> -> memref<1x26x64xf32, #tpu.memory_space<vmem>>
          %dma_wait3A_849 = tpu.memref_squeeze %dma_wait3A_848 : memref<1x26x64xf32, #tpu.memory_space<vmem>> -> memref<26x64xf32, #tpu.memory_space<vmem>>
          %dma_wait3A_850 = arith.constant 0 : i32
          %dma_wait3A_851 = arith.constant 0 : i32
          %dma_wait3A_852 = tpu.memref_slice %arg4[%mul3A_2, %dma_wait3A_850, %dma_wait3A_851] : memref<16384x32x128xf32, #tpu.memory_space<hbm>> -> memref<1x26x64xf32, #tpu.memory_space<hbm>>
          %dma_wait3A_853 = tpu.memref_squeeze %dma_wait3A_852 : memref<1x26x64xf32, #tpu.memory_space<hbm>> -> memref<26x64xf32, #tpu.memory_space<hbm>>
          %dma_wait3A_854 = tpu.memref_slice %arg9[%dma_wait3A_845] : memref<8x!tpu.dma_semaphore, #tpu.memory_space<semaphore_mem>> -> memref<1x!tpu.dma_semaphore, #tpu.memory_space<semaphore_mem>>
          %dma_wait3A_855 = tpu.memref_squeeze %dma_wait3A_854 : memref<1x!tpu.dma_semaphore, #tpu.memory_space<semaphore_mem>> -> memref<!tpu.dma_semaphore, #tpu.memory_space<semaphore_mem>>
          %dma_wait3A_856 = arith.constant 0 : i32
          %dma_wait3A_857 = arith.constant 0 : i32
          %dma_wait3A_858 = tpu.memref_slice %arg4[%mul3A_2, %dma_wait3A_856, %dma_wait3A_857] : memref<16384x32x128xf32, #tpu.memory_space<hbm>> -> memref<1x26x64xf32, #tpu.memory_space<hbm>>
          %dma_wait3A_859 = tpu.memref_squeeze %dma_wait3A_858 : memref<1x26x64xf32, #tpu.memory_space<hbm>> -> memref<26x64xf32, #tpu.memory_space<hbm>>
          %dma_wait3A_860 = arith.constant 52 : i32
          %dma_wait3A_861 = arith.constant 0 : i32
          %dma_wait3A_862 = tpu.memref_slice %arg7[%dma_wait3A_844, %dma_wait3A_860, %dma_wait3A_861] : memref<8x112x64xf32, #tpu.memory_space<vmem>> -> memref<1x26x64xf32, #tpu.memory_space<vmem>>
          %dma_wait3A_863 = tpu.memref_squeeze %dma_wait3A_862 : memref<1x26x64xf32, #tpu.memory_space<vmem>> -> memref<26x64xf32, #tpu.memory_space<vmem>>
          tpu.wait_dma2 semaphore(%dma_wait3A_855 : memref<!tpu.dma_semaphore, #tpu.memory_space<semaphore_mem>>) src(%dma_wait3A_863 : memref<26x64xf32, #tpu.memory_space<vmem>>) dst(%dma_wait3A_859 : memref<26x64xf32, #tpu.memory_space<hbm>>)
          %dma_wait3A_864 = arith.constant 1 : i32
          %dma_wait3A_865 = arith.constant 1 : i32
          %dma_wait3A_866 = arith.constant 78 : i32
          %dma_wait3A_867 = arith.constant 0 : i32
          %dma_wait3A_868 = tpu.memref_slice %arg7[%dma_wait3A_864, %dma_wait3A_866, %dma_wait3A_867] : memref<8x112x64xf32, #tpu.memory_space<vmem>> -> memref<1x26x64xf32, #tpu.memory_space<vmem>>
          %dma_wait3A_869 = tpu.memref_squeeze %dma_wait3A_868 : memref<1x26x64xf32, #tpu.memory_space<vmem>> -> memref<26x64xf32, #tpu.memory_space<vmem>>
          %dma_wait3A_870 = arith.constant 0 : i32
          %dma_wait3A_871 = arith.constant 0 : i32
          %dma_wait3A_872 = tpu.memref_slice %arg4[%mul3A_2, %dma_wait3A_870, %dma_wait3A_871] : memref<16384x32x128xf32, #tpu.memory_space<hbm>> -> memref<1x26x64xf32, #tpu.memory_space<hbm>>
          %dma_wait3A_873 = tpu.memref_squeeze %dma_wait3A_872 : memref<1x26x64xf32, #tpu.memory_space<hbm>> -> memref<26x64xf32, #tpu.memory_space<hbm>>
          %dma_wait3A_874 = tpu.memref_slice %arg9[%dma_wait3A_865] : memref<8x!tpu.dma_semaphore, #tpu.memory_space<semaphore_mem>> -> memref<1x!tpu.dma_semaphore, #tpu.memory_space<semaphore_mem>>
          %dma_wait3A_875 = tpu.memref_squeeze %dma_wait3A_874 : memref<1x!tpu.dma_semaphore, #tpu.memory_space<semaphore_mem>> -> memref<!tpu.dma_semaphore, #tpu.memory_space<semaphore_mem>>
          %dma_wait3A_876 = arith.constant 0 : i32
          %dma_wait3A_877 = arith.constant 0 : i32
          %dma_wait3A_878 = tpu.memref_slice %arg4[%mul3A_2, %dma_wait3A_876, %dma_wait3A_877] : memref<16384x32x128xf32, #tpu.memory_space<hbm>> -> memref<1x26x64xf32, #tpu.memory_space<hbm>>
          %dma_wait3A_879 = tpu.memref_squeeze %dma_wait3A_878 : memref<1x26x64xf32, #tpu.memory_space<hbm>> -> memref<26x64xf32, #tpu.memory_space<hbm>>
          %dma_wait3A_880 = arith.constant 78 : i32
          %dma_wait3A_881 = arith.constant 0 : i32
          %dma_wait3A_882 = tpu.memref_slice %arg7[%dma_wait3A_864, %dma_wait3A_880, %dma_wait3A_881] : memref<8x112x64xf32, #tpu.memory_space<vmem>> -> memref<1x26x64xf32, #tpu.memory_space<vmem>>
          %dma_wait3A_883 = tpu.memref_squeeze %dma_wait3A_882 : memref<1x26x64xf32, #tpu.memory_space<vmem>> -> memref<26x64xf32, #tpu.memory_space<vmem>>
          tpu.wait_dma2 semaphore(%dma_wait3A_875 : memref<!tpu.dma_semaphore, #tpu.memory_space<semaphore_mem>>) src(%dma_wait3A_883 : memref<26x64xf32, #tpu.memory_space<vmem>>) dst(%dma_wait3A_879 : memref<26x64xf32, #tpu.memory_space<hbm>>)
        } else {
        }
        %dma_start3A = arith.constant 1 : i32
        %dma_start3A_791 = arith.constant 1 : i32
        %dma_start3A_792 = arith.constant 0 : i32
        %dma_start3A_793 = arith.constant 0 : i32
        %dma_start3A_794 = tpu.memref_slice %arg7[%dma_start3A, %dma_start3A_792, %dma_start3A_793] : memref<8x112x64xf32, #tpu.memory_space<vmem>> -> memref<1x112x64xf32, #tpu.memory_space<vmem>>
        %dma_start3A_795 = tpu.memref_squeeze %dma_start3A_794 : memref<1x112x64xf32, #tpu.memory_space<vmem>> -> memref<112x64xf32, #tpu.memory_space<vmem>>
        %dma_start3A_796 = arith.constant 0 : i32
        %dma_start3A_797 = tpu.memref_slice %arg6[%add3A_668, %dma_start3A_796] : memref<128x112xi32, #tpu.memory_space<vmem>> -> memref<1x112xi32, #tpu.memory_space<vmem>>
        %dma_start3A_798 = tpu.memref_squeeze %dma_start3A_797 : memref<1x112xi32, #tpu.memory_space<vmem>> -> memref<112xi32, #tpu.memory_space<vmem>>
        %dma_start3A_799 = arith.constant 0 : i32
        %dma_start3A_800 = arith.constant 0 : i32
        %dma_start3A_801 = tpu.memref_slice %arg3[%dma_start3A_799, %dma_start3A_800] : memref<1000000x64xf32, #tpu.memory_space<hbm>> -> memref<1000000x64xf32, #tpu.memory_space<hbm>>
        %dma_start3A_802 = tpu.memref_slice %arg8[%dma_start3A_791] : memref<8x!tpu.dma_semaphore, #tpu.memory_space<semaphore_mem>> -> memref<1x!tpu.dma_semaphore, #tpu.memory_space<semaphore_mem>>
        %dma_start3A_803 = tpu.memref_squeeze %dma_start3A_802 : memref<1x!tpu.dma_semaphore, #tpu.memory_space<semaphore_mem>> -> memref<!tpu.dma_semaphore, #tpu.memory_space<semaphore_mem>>
        tpu.enqueue_indirect_dma source(%dma_start3A_801 : memref<1000000x64xf32, #tpu.memory_space<hbm>>) target(%dma_start3A_795 : memref<112x64xf32, #tpu.memory_space<vmem>>) offsets(%dma_start3A_798 : memref<112xi32, #tpu.memory_space<vmem>>) semaphore(%dma_start3A_803 : memref<!tpu.dma_semaphore, #tpu.memory_space<semaphore_mem>>)
      } else {
      }
      %sub3A_674 = arith.constant 4 : i32
      %sub3A_675 = arith.subi %add3A_668, %sub3A_674 : i32
      %ge3A_676 = arith.constant 0 : i32
      %ge3A_677 = arith.cmpi sge, %sub3A_675, %ge3A_676 : i32
      %lt3A_678 = arith.constant 128 : i32
      %lt3A_679 = arith.cmpi slt, %sub3A_675, %lt3A_678 : i32
      %and3A_680 = arith.andi %ge3A_677, %lt3A_679 : i1
      %convert_element_type3A_681 = arith.extui %and3A_680 : i1 to i32
      %cond3A_682 = arith.constant 0 : i32
      %cond3A_683 = arith.cmpi ne, %convert_element_type3A_681, %cond3A_682 : i32
      scf.if %cond3A_683 {
        %dma_wait3A_786 = arith.constant 0 : i32
        %dma_wait3A_787 = arith.constant 5 : i32
        %dma_wait3A_788 = arith.constant 5 : i32
        %dma_wait3A_789 = arith.constant 0 : i32
        %dma_wait3A_790 = arith.constant 0 : i32
        %dma_wait3A_791 = tpu.memref_slice %arg7[%dma_wait3A_787, %dma_wait3A_789, %dma_wait3A_790] : memref<8x112x64xf32, #tpu.memory_space<vmem>> -> memref<1x112x64xf32, #tpu.memory_space<vmem>>
        %dma_wait3A_792 = tpu.memref_squeeze %dma_wait3A_791 : memref<1x112x64xf32, #tpu.memory_space<vmem>> -> memref<112x64xf32, #tpu.memory_space<vmem>>
        %dma_wait3A_793 = arith.constant 0 : i32
        %dma_wait3A_794 = tpu.memref_slice %arg6[%dma_wait3A_786, %dma_wait3A_793] : memref<128x112xi32, #tpu.memory_space<vmem>> -> memref<1x112xi32, #tpu.memory_space<vmem>>
        %dma_wait3A_795 = tpu.memref_squeeze %dma_wait3A_794 : memref<1x112xi32, #tpu.memory_space<vmem>> -> memref<112xi32, #tpu.memory_space<vmem>>
        %dma_wait3A_796 = arith.constant 0 : i32
        %dma_wait3A_797 = arith.constant 0 : i32
        %dma_wait3A_798 = tpu.memref_slice %arg3[%dma_wait3A_796, %dma_wait3A_797] : memref<1000000x64xf32, #tpu.memory_space<hbm>> -> memref<1000000x64xf32, #tpu.memory_space<hbm>>
        %dma_wait3A_799 = tpu.memref_slice %arg8[%dma_wait3A_788] : memref<8x!tpu.dma_semaphore, #tpu.memory_space<semaphore_mem>> -> memref<1x!tpu.dma_semaphore, #tpu.memory_space<semaphore_mem>>
        %dma_wait3A_800 = tpu.memref_squeeze %dma_wait3A_799 : memref<1x!tpu.dma_semaphore, #tpu.memory_space<semaphore_mem>> -> memref<!tpu.dma_semaphore, #tpu.memory_space<semaphore_mem>>
        tpu.wait_indirect_dma semaphore(%dma_wait3A_800 : memref<!tpu.dma_semaphore, #tpu.memory_space<semaphore_mem>>) src(%dma_wait3A_798 : memref<1000000x64xf32, #tpu.memory_space<hbm>>) dst(%dma_wait3A_792 : memref<112x64xf32, #tpu.memory_space<vmem>>)
        %mul3A_801 = arith.constant 4 : i32
        %mul3A_802 = arith.muli %sub3A_675, %mul3A_801 : i32
        %add3A_803 = arith.addi %mul3A_2, %mul3A_802 : i32
        %add3A_804 = arith.constant 0 : i32
        %add3A_805 = arith.addi %add3A_803, %add3A_804 : i32
        %dma_start3A = arith.constant 5 : i32
        %dma_start3A_806 = arith.constant 5 : i32
        %dma_start3A_807 = arith.constant 0 : i32
        %dma_start3A_808 = arith.constant 0 : i32
        %dma_start3A_809 = tpu.memref_slice %arg7[%dma_start3A, %dma_start3A_807, %dma_start3A_808] : memref<8x112x64xf32, #tpu.memory_space<vmem>> -> memref<1x26x64xf32, #tpu.memory_space<vmem>>
        %dma_start3A_810 = tpu.memref_squeeze %dma_start3A_809 : memref<1x26x64xf32, #tpu.memory_space<vmem>> -> memref<26x64xf32, #tpu.memory_space<vmem>>
        %dma_start3A_811 = arith.constant 0 : i32
        %dma_start3A_812 = arith.constant 0 : i32
        %dma_start3A_813 = tpu.memref_slice %arg4[%add3A_805, %dma_start3A_811, %dma_start3A_812] : memref<16384x32x128xf32, #tpu.memory_space<hbm>> -> memref<1x26x64xf32, #tpu.memory_space<hbm>>
        %dma_start3A_814 = tpu.memref_squeeze %dma_start3A_813 : memref<1x26x64xf32, #tpu.memory_space<hbm>> -> memref<26x64xf32, #tpu.memory_space<hbm>>
        %dma_start3A_815 = tpu.memref_slice %arg9[%dma_start3A_806] : memref<8x!tpu.dma_semaphore, #tpu.memory_space<semaphore_mem>> -> memref<1x!tpu.dma_semaphore, #tpu.memory_space<semaphore_mem>>
        %dma_start3A_816 = tpu.memref_squeeze %dma_start3A_815 : memref<1x!tpu.dma_semaphore, #tpu.memory_space<semaphore_mem>> -> memref<!tpu.dma_semaphore, #tpu.memory_space<semaphore_mem>>
        %dma_start3A_817 = arith.constant 0 : i32
        %dma_start3A_818 = arith.constant 0 : i32
        %dma_start3A_819 = tpu.memref_slice %arg4[%add3A_805, %dma_start3A_817, %dma_start3A_818] : memref<16384x32x128xf32, #tpu.memory_space<hbm>> -> memref<1x26x64xf32, #tpu.memory_space<hbm>>
        %dma_start3A_820 = tpu.memref_squeeze %dma_start3A_819 : memref<1x26x64xf32, #tpu.memory_space<hbm>> -> memref<26x64xf32, #tpu.memory_space<hbm>>
        %dma_start3A_821 = arith.constant 0 : i32
        %dma_start3A_822 = arith.constant 0 : i32
        %dma_start3A_823 = tpu.memref_slice %arg7[%dma_start3A, %dma_start3A_821, %dma_start3A_822] : memref<8x112x64xf32, #tpu.memory_space<vmem>> -> memref<1x26x64xf32, #tpu.memory_space<vmem>>
        %dma_start3A_824 = tpu.memref_squeeze %dma_start3A_823 : memref<1x26x64xf32, #tpu.memory_space<vmem>> -> memref<26x64xf32, #tpu.memory_space<vmem>>
        tpu.enqueue_dma source(%dma_start3A_824 : memref<26x64xf32, #tpu.memory_space<vmem>>) target(%dma_start3A_820 : memref<26x64xf32, #tpu.memory_space<hbm>>) target_semaphore(%dma_start3A_816 : memref<!tpu.dma_semaphore, #tpu.memory_space<semaphore_mem>>)
        %mul3A_825 = arith.constant 4 : i32
        %mul3A_826 = arith.muli %sub3A_675, %mul3A_825 : i32
        %add3A_827 = arith.addi %mul3A_2, %mul3A_826 : i32
        %add3A_828 = arith.constant 1 : i32
        %add3A_829 = arith.addi %add3A_827, %add3A_828 : i32
        %dma_start3A_830 = arith.constant 5 : i32
        %dma_start3A_831 = arith.constant 5 : i32
        %dma_start3A_832 = arith.constant 26 : i32
        %dma_start3A_833 = arith.constant 0 : i32
        %dma_start3A_834 = tpu.memref_slice %arg7[%dma_start3A_830, %dma_start3A_832, %dma_start3A_833] : memref<8x112x64xf32, #tpu.memory_space<vmem>> -> memref<1x26x64xf32, #tpu.memory_space<vmem>>
        %dma_start3A_835 = tpu.memref_squeeze %dma_start3A_834 : memref<1x26x64xf32, #tpu.memory_space<vmem>> -> memref<26x64xf32, #tpu.memory_space<vmem>>
        %dma_start3A_836 = arith.constant 0 : i32
        %dma_start3A_837 = arith.constant 0 : i32
        %dma_start3A_838 = tpu.memref_slice %arg4[%add3A_829, %dma_start3A_836, %dma_start3A_837] : memref<16384x32x128xf32, #tpu.memory_space<hbm>> -> memref<1x26x64xf32, #tpu.memory_space<hbm>>
        %dma_start3A_839 = tpu.memref_squeeze %dma_start3A_838 : memref<1x26x64xf32, #tpu.memory_space<hbm>> -> memref<26x64xf32, #tpu.memory_space<hbm>>
        %dma_start3A_840 = tpu.memref_slice %arg9[%dma_start3A_831] : memref<8x!tpu.dma_semaphore, #tpu.memory_space<semaphore_mem>> -> memref<1x!tpu.dma_semaphore, #tpu.memory_space<semaphore_mem>>
        %dma_start3A_841 = tpu.memref_squeeze %dma_start3A_840 : memref<1x!tpu.dma_semaphore, #tpu.memory_space<semaphore_mem>> -> memref<!tpu.dma_semaphore, #tpu.memory_space<semaphore_mem>>
        %dma_start3A_842 = arith.constant 0 : i32
        %dma_start3A_843 = arith.constant 0 : i32
        %dma_start3A_844 = tpu.memref_slice %arg4[%add3A_829, %dma_start3A_842, %dma_start3A_843] : memref<16384x32x128xf32, #tpu.memory_space<hbm>> -> memref<1x26x64xf32, #tpu.memory_space<hbm>>
        %dma_start3A_845 = tpu.memref_squeeze %dma_start3A_844 : memref<1x26x64xf32, #tpu.memory_space<hbm>> -> memref<26x64xf32, #tpu.memory_space<hbm>>
        %dma_start3A_846 = arith.constant 26 : i32
        %dma_start3A_847 = arith.constant 0 : i32
        %dma_start3A_848 = tpu.memref_slice %arg7[%dma_start3A_830, %dma_start3A_846, %dma_start3A_847] : memref<8x112x64xf32, #tpu.memory_space<vmem>> -> memref<1x26x64xf32, #tpu.memory_space<vmem>>
        %dma_start3A_849 = tpu.memref_squeeze %dma_start3A_848 : memref<1x26x64xf32, #tpu.memory_space<vmem>> -> memref<26x64xf32, #tpu.memory_space<vmem>>
        tpu.enqueue_dma source(%dma_start3A_849 : memref<26x64xf32, #tpu.memory_space<vmem>>) target(%dma_start3A_845 : memref<26x64xf32, #tpu.memory_space<hbm>>) target_semaphore(%dma_start3A_841 : memref<!tpu.dma_semaphore, #tpu.memory_space<semaphore_mem>>)
        %mul3A_850 = arith.constant 4 : i32
        %mul3A_851 = arith.muli %sub3A_675, %mul3A_850 : i32
        %add3A_852 = arith.addi %mul3A_2, %mul3A_851 : i32
        %add3A_853 = arith.constant 2 : i32
        %add3A_854 = arith.addi %add3A_852, %add3A_853 : i32
        %dma_start3A_855 = arith.constant 5 : i32
        %dma_start3A_856 = arith.constant 5 : i32
        %dma_start3A_857 = arith.constant 52 : i32
        %dma_start3A_858 = arith.constant 0 : i32
        %dma_start3A_859 = tpu.memref_slice %arg7[%dma_start3A_855, %dma_start3A_857, %dma_start3A_858] : memref<8x112x64xf32, #tpu.memory_space<vmem>> -> memref<1x26x64xf32, #tpu.memory_space<vmem>>
        %dma_start3A_860 = tpu.memref_squeeze %dma_start3A_859 : memref<1x26x64xf32, #tpu.memory_space<vmem>> -> memref<26x64xf32, #tpu.memory_space<vmem>>
        %dma_start3A_861 = arith.constant 0 : i32
        %dma_start3A_862 = arith.constant 0 : i32
        %dma_start3A_863 = tpu.memref_slice %arg4[%add3A_854, %dma_start3A_861, %dma_start3A_862] : memref<16384x32x128xf32, #tpu.memory_space<hbm>> -> memref<1x26x64xf32, #tpu.memory_space<hbm>>
        %dma_start3A_864 = tpu.memref_squeeze %dma_start3A_863 : memref<1x26x64xf32, #tpu.memory_space<hbm>> -> memref<26x64xf32, #tpu.memory_space<hbm>>
        %dma_start3A_865 = tpu.memref_slice %arg9[%dma_start3A_856] : memref<8x!tpu.dma_semaphore, #tpu.memory_space<semaphore_mem>> -> memref<1x!tpu.dma_semaphore, #tpu.memory_space<semaphore_mem>>
        %dma_start3A_866 = tpu.memref_squeeze %dma_start3A_865 : memref<1x!tpu.dma_semaphore, #tpu.memory_space<semaphore_mem>> -> memref<!tpu.dma_semaphore, #tpu.memory_space<semaphore_mem>>
        %dma_start3A_867 = arith.constant 0 : i32
        %dma_start3A_868 = arith.constant 0 : i32
        %dma_start3A_869 = tpu.memref_slice %arg4[%add3A_854, %dma_start3A_867, %dma_start3A_868] : memref<16384x32x128xf32, #tpu.memory_space<hbm>> -> memref<1x26x64xf32, #tpu.memory_space<hbm>>
        %dma_start3A_870 = tpu.memref_squeeze %dma_start3A_869 : memref<1x26x64xf32, #tpu.memory_space<hbm>> -> memref<26x64xf32, #tpu.memory_space<hbm>>
        %dma_start3A_871 = arith.constant 52 : i32
        %dma_start3A_872 = arith.constant 0 : i32
        %dma_start3A_873 = tpu.memref_slice %arg7[%dma_start3A_855, %dma_start3A_871, %dma_start3A_872] : memref<8x112x64xf32, #tpu.memory_space<vmem>> -> memref<1x26x64xf32, #tpu.memory_space<vmem>>
        %dma_start3A_874 = tpu.memref_squeeze %dma_start3A_873 : memref<1x26x64xf32, #tpu.memory_space<vmem>> -> memref<26x64xf32, #tpu.memory_space<vmem>>
        tpu.enqueue_dma source(%dma_start3A_874 : memref<26x64xf32, #tpu.memory_space<vmem>>) target(%dma_start3A_870 : memref<26x64xf32, #tpu.memory_space<hbm>>) target_semaphore(%dma_start3A_866 : memref<!tpu.dma_semaphore, #tpu.memory_space<semaphore_mem>>)
        %mul3A_875 = arith.constant 4 : i32
        %mul3A_876 = arith.muli %sub3A_675, %mul3A_875 : i32
        %add3A_877 = arith.addi %mul3A_2, %mul3A_876 : i32
        %add3A_878 = arith.constant 3 : i32
        %add3A_879 = arith.addi %add3A_877, %add3A_878 : i32
        %dma_start3A_880 = arith.constant 5 : i32
        %dma_start3A_881 = arith.constant 5 : i32
        %dma_start3A_882 = arith.constant 78 : i32
        %dma_start3A_883 = arith.constant 0 : i32
        %dma_start3A_884 = tpu.memref_slice %arg7[%dma_start3A_880, %dma_start3A_882, %dma_start3A_883] : memref<8x112x64xf32, #tpu.memory_space<vmem>> -> memref<1x26x64xf32, #tpu.memory_space<vmem>>
        %dma_start3A_885 = tpu.memref_squeeze %dma_start3A_884 : memref<1x26x64xf32, #tpu.memory_space<vmem>> -> memref<26x64xf32, #tpu.memory_space<vmem>>
        %dma_start3A_886 = arith.constant 0 : i32
        %dma_start3A_887 = arith.constant 0 : i32
        %dma_start3A_888 = tpu.memref_slice %arg4[%add3A_879, %dma_start3A_886, %dma_start3A_887] : memref<16384x32x128xf32, #tpu.memory_space<hbm>> -> memref<1x26x64xf32, #tpu.memory_space<hbm>>
        %dma_start3A_889 = tpu.memref_squeeze %dma_start3A_888 : memref<1x26x64xf32, #tpu.memory_space<hbm>> -> memref<26x64xf32, #tpu.memory_space<hbm>>
        %dma_start3A_890 = tpu.memref_slice %arg9[%dma_start3A_881] : memref<8x!tpu.dma_semaphore, #tpu.memory_space<semaphore_mem>> -> memref<1x!tpu.dma_semaphore, #tpu.memory_space<semaphore_mem>>
        %dma_start3A_891 = tpu.memref_squeeze %dma_start3A_890 : memref<1x!tpu.dma_semaphore, #tpu.memory_space<semaphore_mem>> -> memref<!tpu.dma_semaphore, #tpu.memory_space<semaphore_mem>>
        %dma_start3A_892 = arith.constant 0 : i32
        %dma_start3A_893 = arith.constant 0 : i32
        %dma_start3A_894 = tpu.memref_slice %arg4[%add3A_879, %dma_start3A_892, %dma_start3A_893] : memref<16384x32x128xf32, #tpu.memory_space<hbm>> -> memref<1x26x64xf32, #tpu.memory_space<hbm>>
        %dma_start3A_895 = tpu.memref_squeeze %dma_start3A_894 : memref<1x26x64xf32, #tpu.memory_space<hbm>> -> memref<26x64xf32, #tpu.memory_space<hbm>>
        %dma_start3A_896 = arith.constant 78 : i32
        %dma_start3A_897 = arith.constant 0 : i32
        %dma_start3A_898 = tpu.memref_slice %arg7[%dma_start3A_880, %dma_start3A_896, %dma_start3A_897] : memref<8x112x64xf32, #tpu.memory_space<vmem>> -> memref<1x26x64xf32, #tpu.memory_space<vmem>>
        %dma_start3A_899 = tpu.memref_squeeze %dma_start3A_898 : memref<1x26x64xf32, #tpu.memory_space<vmem>> -> memref<26x64xf32, #tpu.memory_space<vmem>>
        tpu.enqueue_dma source(%dma_start3A_899 : memref<26x64xf32, #tpu.memory_space<vmem>>) target(%dma_start3A_895 : memref<26x64xf32, #tpu.memory_space<hbm>>) target_semaphore(%dma_start3A_891 : memref<!tpu.dma_semaphore, #tpu.memory_space<semaphore_mem>>)
      } else {
      }
      %add3A_684 = arith.constant 2 : i32
      %add3A_685 = arith.addi %add3A_655, %add3A_684 : i32
      %lt3A_686 = arith.constant 128 : i32
      %lt3A_687 = arith.cmpi slt, %add3A_685, %lt3A_686 : i32
      %convert_element_type3A_688 = arith.extui %lt3A_687 : i1 to i32
      %cond3A_689 = arith.constant 0 : i32
      %cond3A_690 = arith.cmpi ne, %convert_element_type3A_688, %cond3A_689 : i32
      scf.if %cond3A_690 {
        %ge3A_786 = arith.constant 8 : i32
        %ge3A_787 = arith.cmpi sge, %add3A_685, %ge3A_786 : i32
        %convert_element_type3A_788 = arith.extui %ge3A_787 : i1 to i32
        %cond3A_789 = arith.constant 0 : i32
        %cond3A_790 = arith.cmpi ne, %convert_element_type3A_788, %cond3A_789 : i32
        scf.if %cond3A_790 {
          %dma_wait3A_804 = arith.constant 2 : i32
          %dma_wait3A_805 = arith.constant 2 : i32
          %dma_wait3A_806 = arith.constant 0 : i32
          %dma_wait3A_807 = arith.constant 0 : i32
          %dma_wait3A_808 = tpu.memref_slice %arg7[%dma_wait3A_804, %dma_wait3A_806, %dma_wait3A_807] : memref<8x112x64xf32, #tpu.memory_space<vmem>> -> memref<1x26x64xf32, #tpu.memory_space<vmem>>
          %dma_wait3A_809 = tpu.memref_squeeze %dma_wait3A_808 : memref<1x26x64xf32, #tpu.memory_space<vmem>> -> memref<26x64xf32, #tpu.memory_space<vmem>>
          %dma_wait3A_810 = arith.constant 0 : i32
          %dma_wait3A_811 = arith.constant 0 : i32
          %dma_wait3A_812 = tpu.memref_slice %arg4[%mul3A_2, %dma_wait3A_810, %dma_wait3A_811] : memref<16384x32x128xf32, #tpu.memory_space<hbm>> -> memref<1x26x64xf32, #tpu.memory_space<hbm>>
          %dma_wait3A_813 = tpu.memref_squeeze %dma_wait3A_812 : memref<1x26x64xf32, #tpu.memory_space<hbm>> -> memref<26x64xf32, #tpu.memory_space<hbm>>
          %dma_wait3A_814 = tpu.memref_slice %arg9[%dma_wait3A_805] : memref<8x!tpu.dma_semaphore, #tpu.memory_space<semaphore_mem>> -> memref<1x!tpu.dma_semaphore, #tpu.memory_space<semaphore_mem>>
          %dma_wait3A_815 = tpu.memref_squeeze %dma_wait3A_814 : memref<1x!tpu.dma_semaphore, #tpu.memory_space<semaphore_mem>> -> memref<!tpu.dma_semaphore, #tpu.memory_space<semaphore_mem>>
          %dma_wait3A_816 = arith.constant 0 : i32
          %dma_wait3A_817 = arith.constant 0 : i32
          %dma_wait3A_818 = tpu.memref_slice %arg4[%mul3A_2, %dma_wait3A_816, %dma_wait3A_817] : memref<16384x32x128xf32, #tpu.memory_space<hbm>> -> memref<1x26x64xf32, #tpu.memory_space<hbm>>
          %dma_wait3A_819 = tpu.memref_squeeze %dma_wait3A_818 : memref<1x26x64xf32, #tpu.memory_space<hbm>> -> memref<26x64xf32, #tpu.memory_space<hbm>>
          %dma_wait3A_820 = arith.constant 0 : i32
          %dma_wait3A_821 = arith.constant 0 : i32
          %dma_wait3A_822 = tpu.memref_slice %arg7[%dma_wait3A_804, %dma_wait3A_820, %dma_wait3A_821] : memref<8x112x64xf32, #tpu.memory_space<vmem>> -> memref<1x26x64xf32, #tpu.memory_space<vmem>>
          %dma_wait3A_823 = tpu.memref_squeeze %dma_wait3A_822 : memref<1x26x64xf32, #tpu.memory_space<vmem>> -> memref<26x64xf32, #tpu.memory_space<vmem>>
          tpu.wait_dma2 semaphore(%dma_wait3A_815 : memref<!tpu.dma_semaphore, #tpu.memory_space<semaphore_mem>>) src(%dma_wait3A_823 : memref<26x64xf32, #tpu.memory_space<vmem>>) dst(%dma_wait3A_819 : memref<26x64xf32, #tpu.memory_space<hbm>>)
          %dma_wait3A_824 = arith.constant 2 : i32
          %dma_wait3A_825 = arith.constant 2 : i32
          %dma_wait3A_826 = arith.constant 26 : i32
          %dma_wait3A_827 = arith.constant 0 : i32
          %dma_wait3A_828 = tpu.memref_slice %arg7[%dma_wait3A_824, %dma_wait3A_826, %dma_wait3A_827] : memref<8x112x64xf32, #tpu.memory_space<vmem>> -> memref<1x26x64xf32, #tpu.memory_space<vmem>>
          %dma_wait3A_829 = tpu.memref_squeeze %dma_wait3A_828 : memref<1x26x64xf32, #tpu.memory_space<vmem>> -> memref<26x64xf32, #tpu.memory_space<vmem>>
          %dma_wait3A_830 = arith.constant 0 : i32
          %dma_wait3A_831 = arith.constant 0 : i32
          %dma_wait3A_832 = tpu.memref_slice %arg4[%mul3A_2, %dma_wait3A_830, %dma_wait3A_831] : memref<16384x32x128xf32, #tpu.memory_space<hbm>> -> memref<1x26x64xf32, #tpu.memory_space<hbm>>
          %dma_wait3A_833 = tpu.memref_squeeze %dma_wait3A_832 : memref<1x26x64xf32, #tpu.memory_space<hbm>> -> memref<26x64xf32, #tpu.memory_space<hbm>>
          %dma_wait3A_834 = tpu.memref_slice %arg9[%dma_wait3A_825] : memref<8x!tpu.dma_semaphore, #tpu.memory_space<semaphore_mem>> -> memref<1x!tpu.dma_semaphore, #tpu.memory_space<semaphore_mem>>
          %dma_wait3A_835 = tpu.memref_squeeze %dma_wait3A_834 : memref<1x!tpu.dma_semaphore, #tpu.memory_space<semaphore_mem>> -> memref<!tpu.dma_semaphore, #tpu.memory_space<semaphore_mem>>
          %dma_wait3A_836 = arith.constant 0 : i32
          %dma_wait3A_837 = arith.constant 0 : i32
          %dma_wait3A_838 = tpu.memref_slice %arg4[%mul3A_2, %dma_wait3A_836, %dma_wait3A_837] : memref<16384x32x128xf32, #tpu.memory_space<hbm>> -> memref<1x26x64xf32, #tpu.memory_space<hbm>>
          %dma_wait3A_839 = tpu.memref_squeeze %dma_wait3A_838 : memref<1x26x64xf32, #tpu.memory_space<hbm>> -> memref<26x64xf32, #tpu.memory_space<hbm>>
          %dma_wait3A_840 = arith.constant 26 : i32
          %dma_wait3A_841 = arith.constant 0 : i32
          %dma_wait3A_842 = tpu.memref_slice %arg7[%dma_wait3A_824, %dma_wait3A_840, %dma_wait3A_841] : memref<8x112x64xf32, #tpu.memory_space<vmem>> -> memref<1x26x64xf32, #tpu.memory_space<vmem>>
          %dma_wait3A_843 = tpu.memref_squeeze %dma_wait3A_842 : memref<1x26x64xf32, #tpu.memory_space<vmem>> -> memref<26x64xf32, #tpu.memory_space<vmem>>
          tpu.wait_dma2 semaphore(%dma_wait3A_835 : memref<!tpu.dma_semaphore, #tpu.memory_space<semaphore_mem>>) src(%dma_wait3A_843 : memref<26x64xf32, #tpu.memory_space<vmem>>) dst(%dma_wait3A_839 : memref<26x64xf32, #tpu.memory_space<hbm>>)
          %dma_wait3A_844 = arith.constant 2 : i32
          %dma_wait3A_845 = arith.constant 2 : i32
          %dma_wait3A_846 = arith.constant 52 : i32
          %dma_wait3A_847 = arith.constant 0 : i32
          %dma_wait3A_848 = tpu.memref_slice %arg7[%dma_wait3A_844, %dma_wait3A_846, %dma_wait3A_847] : memref<8x112x64xf32, #tpu.memory_space<vmem>> -> memref<1x26x64xf32, #tpu.memory_space<vmem>>
          %dma_wait3A_849 = tpu.memref_squeeze %dma_wait3A_848 : memref<1x26x64xf32, #tpu.memory_space<vmem>> -> memref<26x64xf32, #tpu.memory_space<vmem>>
          %dma_wait3A_850 = arith.constant 0 : i32
          %dma_wait3A_851 = arith.constant 0 : i32
          %dma_wait3A_852 = tpu.memref_slice %arg4[%mul3A_2, %dma_wait3A_850, %dma_wait3A_851] : memref<16384x32x128xf32, #tpu.memory_space<hbm>> -> memref<1x26x64xf32, #tpu.memory_space<hbm>>
          %dma_wait3A_853 = tpu.memref_squeeze %dma_wait3A_852 : memref<1x26x64xf32, #tpu.memory_space<hbm>> -> memref<26x64xf32, #tpu.memory_space<hbm>>
          %dma_wait3A_854 = tpu.memref_slice %arg9[%dma_wait3A_845] : memref<8x!tpu.dma_semaphore, #tpu.memory_space<semaphore_mem>> -> memref<1x!tpu.dma_semaphore, #tpu.memory_space<semaphore_mem>>
          %dma_wait3A_855 = tpu.memref_squeeze %dma_wait3A_854 : memref<1x!tpu.dma_semaphore, #tpu.memory_space<semaphore_mem>> -> memref<!tpu.dma_semaphore, #tpu.memory_space<semaphore_mem>>
          %dma_wait3A_856 = arith.constant 0 : i32
          %dma_wait3A_857 = arith.constant 0 : i32
          %dma_wait3A_858 = tpu.memref_slice %arg4[%mul3A_2, %dma_wait3A_856, %dma_wait3A_857] : memref<16384x32x128xf32, #tpu.memory_space<hbm>> -> memref<1x26x64xf32, #tpu.memory_space<hbm>>
          %dma_wait3A_859 = tpu.memref_squeeze %dma_wait3A_858 : memref<1x26x64xf32, #tpu.memory_space<hbm>> -> memref<26x64xf32, #tpu.memory_space<hbm>>
          %dma_wait3A_860 = arith.constant 52 : i32
          %dma_wait3A_861 = arith.constant 0 : i32
          %dma_wait3A_862 = tpu.memref_slice %arg7[%dma_wait3A_844, %dma_wait3A_860, %dma_wait3A_861] : memref<8x112x64xf32, #tpu.memory_space<vmem>> -> memref<1x26x64xf32, #tpu.memory_space<vmem>>
          %dma_wait3A_863 = tpu.memref_squeeze %dma_wait3A_862 : memref<1x26x64xf32, #tpu.memory_space<vmem>> -> memref<26x64xf32, #tpu.memory_space<vmem>>
          tpu.wait_dma2 semaphore(%dma_wait3A_855 : memref<!tpu.dma_semaphore, #tpu.memory_space<semaphore_mem>>) src(%dma_wait3A_863 : memref<26x64xf32, #tpu.memory_space<vmem>>) dst(%dma_wait3A_859 : memref<26x64xf32, #tpu.memory_space<hbm>>)
          %dma_wait3A_864 = arith.constant 2 : i32
          %dma_wait3A_865 = arith.constant 2 : i32
          %dma_wait3A_866 = arith.constant 78 : i32
          %dma_wait3A_867 = arith.constant 0 : i32
          %dma_wait3A_868 = tpu.memref_slice %arg7[%dma_wait3A_864, %dma_wait3A_866, %dma_wait3A_867] : memref<8x112x64xf32, #tpu.memory_space<vmem>> -> memref<1x26x64xf32, #tpu.memory_space<vmem>>
          %dma_wait3A_869 = tpu.memref_squeeze %dma_wait3A_868 : memref<1x26x64xf32, #tpu.memory_space<vmem>> -> memref<26x64xf32, #tpu.memory_space<vmem>>
          %dma_wait3A_870 = arith.constant 0 : i32
          %dma_wait3A_871 = arith.constant 0 : i32
          %dma_wait3A_872 = tpu.memref_slice %arg4[%mul3A_2, %dma_wait3A_870, %dma_wait3A_871] : memref<16384x32x128xf32, #tpu.memory_space<hbm>> -> memref<1x26x64xf32, #tpu.memory_space<hbm>>
          %dma_wait3A_873 = tpu.memref_squeeze %dma_wait3A_872 : memref<1x26x64xf32, #tpu.memory_space<hbm>> -> memref<26x64xf32, #tpu.memory_space<hbm>>
          %dma_wait3A_874 = tpu.memref_slice %arg9[%dma_wait3A_865] : memref<8x!tpu.dma_semaphore, #tpu.memory_space<semaphore_mem>> -> memref<1x!tpu.dma_semaphore, #tpu.memory_space<semaphore_mem>>
          %dma_wait3A_875 = tpu.memref_squeeze %dma_wait3A_874 : memref<1x!tpu.dma_semaphore, #tpu.memory_space<semaphore_mem>> -> memref<!tpu.dma_semaphore, #tpu.memory_space<semaphore_mem>>
          %dma_wait3A_876 = arith.constant 0 : i32
          %dma_wait3A_877 = arith.constant 0 : i32
          %dma_wait3A_878 = tpu.memref_slice %arg4[%mul3A_2, %dma_wait3A_876, %dma_wait3A_877] : memref<16384x32x128xf32, #tpu.memory_space<hbm>> -> memref<1x26x64xf32, #tpu.memory_space<hbm>>
          %dma_wait3A_879 = tpu.memref_squeeze %dma_wait3A_878 : memref<1x26x64xf32, #tpu.memory_space<hbm>> -> memref<26x64xf32, #tpu.memory_space<hbm>>
          %dma_wait3A_880 = arith.constant 78 : i32
          %dma_wait3A_881 = arith.constant 0 : i32
          %dma_wait3A_882 = tpu.memref_slice %arg7[%dma_wait3A_864, %dma_wait3A_880, %dma_wait3A_881] : memref<8x112x64xf32, #tpu.memory_space<vmem>> -> memref<1x26x64xf32, #tpu.memory_space<vmem>>
          %dma_wait3A_883 = tpu.memref_squeeze %dma_wait3A_882 : memref<1x26x64xf32, #tpu.memory_space<vmem>> -> memref<26x64xf32, #tpu.memory_space<vmem>>
          tpu.wait_dma2 semaphore(%dma_wait3A_875 : memref<!tpu.dma_semaphore, #tpu.memory_space<semaphore_mem>>) src(%dma_wait3A_883 : memref<26x64xf32, #tpu.memory_space<vmem>>) dst(%dma_wait3A_879 : memref<26x64xf32, #tpu.memory_space<hbm>>)
        } else {
        }
        %dma_start3A = arith.constant 2 : i32
        %dma_start3A_791 = arith.constant 2 : i32
        %dma_start3A_792 = arith.constant 0 : i32
        %dma_start3A_793 = arith.constant 0 : i32
        %dma_start3A_794 = tpu.memref_slice %arg7[%dma_start3A, %dma_start3A_792, %dma_start3A_793] : memref<8x112x64xf32, #tpu.memory_space<vmem>> -> memref<1x112x64xf32, #tpu.memory_space<vmem>>
        %dma_start3A_795 = tpu.memref_squeeze %dma_start3A_794 : memref<1x112x64xf32, #tpu.memory_space<vmem>> -> memref<112x64xf32, #tpu.memory_space<vmem>>
        %dma_start3A_796 = arith.constant 0 : i32
        %dma_start3A_797 = tpu.memref_slice %arg6[%add3A_685, %dma_start3A_796] : memref<128x112xi32, #tpu.memory_space<vmem>> -> memref<1x112xi32, #tpu.memory_space<vmem>>
        %dma_start3A_798 = tpu.memref_squeeze %dma_start3A_797 : memref<1x112xi32, #tpu.memory_space<vmem>> -> memref<112xi32, #tpu.memory_space<vmem>>
        %dma_start3A_799 = arith.constant 0 : i32
        %dma_start3A_800 = arith.constant 0 : i32
        %dma_start3A_801 = tpu.memref_slice %arg3[%dma_start3A_799, %dma_start3A_800] : memref<1000000x64xf32, #tpu.memory_space<hbm>> -> memref<1000000x64xf32, #tpu.memory_space<hbm>>
        %dma_start3A_802 = tpu.memref_slice %arg8[%dma_start3A_791] : memref<8x!tpu.dma_semaphore, #tpu.memory_space<semaphore_mem>> -> memref<1x!tpu.dma_semaphore, #tpu.memory_space<semaphore_mem>>
        %dma_start3A_803 = tpu.memref_squeeze %dma_start3A_802 : memref<1x!tpu.dma_semaphore, #tpu.memory_space<semaphore_mem>> -> memref<!tpu.dma_semaphore, #tpu.memory_space<semaphore_mem>>
        tpu.enqueue_indirect_dma source(%dma_start3A_801 : memref<1000000x64xf32, #tpu.memory_space<hbm>>) target(%dma_start3A_795 : memref<112x64xf32, #tpu.memory_space<vmem>>) offsets(%dma_start3A_798 : memref<112xi32, #tpu.memory_space<vmem>>) semaphore(%dma_start3A_803 : memref<!tpu.dma_semaphore, #tpu.memory_space<semaphore_mem>>)
      } else {
      }
      %sub3A_691 = arith.constant 4 : i32
      %sub3A_692 = arith.subi %add3A_685, %sub3A_691 : i32
      %ge3A_693 = arith.constant 0 : i32
      %ge3A_694 = arith.cmpi sge, %sub3A_692, %ge3A_693 : i32
      %lt3A_695 = arith.constant 128 : i32
      %lt3A_696 = arith.cmpi slt, %sub3A_692, %lt3A_695 : i32
      %and3A_697 = arith.andi %ge3A_694, %lt3A_696 : i1
      %convert_element_type3A_698 = arith.extui %and3A_697 : i1 to i32
      %cond3A_699 = arith.constant 0 : i32
      %cond3A_700 = arith.cmpi ne, %convert_element_type3A_698, %cond3A_699 : i32
      scf.if %cond3A_700 {
        %dma_wait3A_786 = arith.constant 0 : i32
        %dma_wait3A_787 = arith.constant 6 : i32
        %dma_wait3A_788 = arith.constant 6 : i32
        %dma_wait3A_789 = arith.constant 0 : i32
        %dma_wait3A_790 = arith.constant 0 : i32
        %dma_wait3A_791 = tpu.memref_slice %arg7[%dma_wait3A_787, %dma_wait3A_789, %dma_wait3A_790] : memref<8x112x64xf32, #tpu.memory_space<vmem>> -> memref<1x112x64xf32, #tpu.memory_space<vmem>>
        %dma_wait3A_792 = tpu.memref_squeeze %dma_wait3A_791 : memref<1x112x64xf32, #tpu.memory_space<vmem>> -> memref<112x64xf32, #tpu.memory_space<vmem>>
        %dma_wait3A_793 = arith.constant 0 : i32
        %dma_wait3A_794 = tpu.memref_slice %arg6[%dma_wait3A_786, %dma_wait3A_793] : memref<128x112xi32, #tpu.memory_space<vmem>> -> memref<1x112xi32, #tpu.memory_space<vmem>>
        %dma_wait3A_795 = tpu.memref_squeeze %dma_wait3A_794 : memref<1x112xi32, #tpu.memory_space<vmem>> -> memref<112xi32, #tpu.memory_space<vmem>>
        %dma_wait3A_796 = arith.constant 0 : i32
        %dma_wait3A_797 = arith.constant 0 : i32
        %dma_wait3A_798 = tpu.memref_slice %arg3[%dma_wait3A_796, %dma_wait3A_797] : memref<1000000x64xf32, #tpu.memory_space<hbm>> -> memref<1000000x64xf32, #tpu.memory_space<hbm>>
        %dma_wait3A_799 = tpu.memref_slice %arg8[%dma_wait3A_788] : memref<8x!tpu.dma_semaphore, #tpu.memory_space<semaphore_mem>> -> memref<1x!tpu.dma_semaphore, #tpu.memory_space<semaphore_mem>>
        %dma_wait3A_800 = tpu.memref_squeeze %dma_wait3A_799 : memref<1x!tpu.dma_semaphore, #tpu.memory_space<semaphore_mem>> -> memref<!tpu.dma_semaphore, #tpu.memory_space<semaphore_mem>>
        tpu.wait_indirect_dma semaphore(%dma_wait3A_800 : memref<!tpu.dma_semaphore, #tpu.memory_space<semaphore_mem>>) src(%dma_wait3A_798 : memref<1000000x64xf32, #tpu.memory_space<hbm>>) dst(%dma_wait3A_792 : memref<112x64xf32, #tpu.memory_space<vmem>>)
        %mul3A_801 = arith.constant 4 : i32
        %mul3A_802 = arith.muli %sub3A_692, %mul3A_801 : i32
        %add3A_803 = arith.addi %mul3A_2, %mul3A_802 : i32
        %add3A_804 = arith.constant 0 : i32
        %add3A_805 = arith.addi %add3A_803, %add3A_804 : i32
        %dma_start3A = arith.constant 6 : i32
        %dma_start3A_806 = arith.constant 6 : i32
        %dma_start3A_807 = arith.constant 0 : i32
        %dma_start3A_808 = arith.constant 0 : i32
        %dma_start3A_809 = tpu.memref_slice %arg7[%dma_start3A, %dma_start3A_807, %dma_start3A_808] : memref<8x112x64xf32, #tpu.memory_space<vmem>> -> memref<1x26x64xf32, #tpu.memory_space<vmem>>
        %dma_start3A_810 = tpu.memref_squeeze %dma_start3A_809 : memref<1x26x64xf32, #tpu.memory_space<vmem>> -> memref<26x64xf32, #tpu.memory_space<vmem>>
        %dma_start3A_811 = arith.constant 0 : i32
        %dma_start3A_812 = arith.constant 0 : i32
        %dma_start3A_813 = tpu.memref_slice %arg4[%add3A_805, %dma_start3A_811, %dma_start3A_812] : memref<16384x32x128xf32, #tpu.memory_space<hbm>> -> memref<1x26x64xf32, #tpu.memory_space<hbm>>
        %dma_start3A_814 = tpu.memref_squeeze %dma_start3A_813 : memref<1x26x64xf32, #tpu.memory_space<hbm>> -> memref<26x64xf32, #tpu.memory_space<hbm>>
        %dma_start3A_815 = tpu.memref_slice %arg9[%dma_start3A_806] : memref<8x!tpu.dma_semaphore, #tpu.memory_space<semaphore_mem>> -> memref<1x!tpu.dma_semaphore, #tpu.memory_space<semaphore_mem>>
        %dma_start3A_816 = tpu.memref_squeeze %dma_start3A_815 : memref<1x!tpu.dma_semaphore, #tpu.memory_space<semaphore_mem>> -> memref<!tpu.dma_semaphore, #tpu.memory_space<semaphore_mem>>
        %dma_start3A_817 = arith.constant 0 : i32
        %dma_start3A_818 = arith.constant 0 : i32
        %dma_start3A_819 = tpu.memref_slice %arg4[%add3A_805, %dma_start3A_817, %dma_start3A_818] : memref<16384x32x128xf32, #tpu.memory_space<hbm>> -> memref<1x26x64xf32, #tpu.memory_space<hbm>>
        %dma_start3A_820 = tpu.memref_squeeze %dma_start3A_819 : memref<1x26x64xf32, #tpu.memory_space<hbm>> -> memref<26x64xf32, #tpu.memory_space<hbm>>
        %dma_start3A_821 = arith.constant 0 : i32
        %dma_start3A_822 = arith.constant 0 : i32
        %dma_start3A_823 = tpu.memref_slice %arg7[%dma_start3A, %dma_start3A_821, %dma_start3A_822] : memref<8x112x64xf32, #tpu.memory_space<vmem>> -> memref<1x26x64xf32, #tpu.memory_space<vmem>>
        %dma_start3A_824 = tpu.memref_squeeze %dma_start3A_823 : memref<1x26x64xf32, #tpu.memory_space<vmem>> -> memref<26x64xf32, #tpu.memory_space<vmem>>
        tpu.enqueue_dma source(%dma_start3A_824 : memref<26x64xf32, #tpu.memory_space<vmem>>) target(%dma_start3A_820 : memref<26x64xf32, #tpu.memory_space<hbm>>) target_semaphore(%dma_start3A_816 : memref<!tpu.dma_semaphore, #tpu.memory_space<semaphore_mem>>)
        %mul3A_825 = arith.constant 4 : i32
        %mul3A_826 = arith.muli %sub3A_692, %mul3A_825 : i32
        %add3A_827 = arith.addi %mul3A_2, %mul3A_826 : i32
        %add3A_828 = arith.constant 1 : i32
        %add3A_829 = arith.addi %add3A_827, %add3A_828 : i32
        %dma_start3A_830 = arith.constant 6 : i32
        %dma_start3A_831 = arith.constant 6 : i32
        %dma_start3A_832 = arith.constant 26 : i32
        %dma_start3A_833 = arith.constant 0 : i32
        %dma_start3A_834 = tpu.memref_slice %arg7[%dma_start3A_830, %dma_start3A_832, %dma_start3A_833] : memref<8x112x64xf32, #tpu.memory_space<vmem>> -> memref<1x26x64xf32, #tpu.memory_space<vmem>>
        %dma_start3A_835 = tpu.memref_squeeze %dma_start3A_834 : memref<1x26x64xf32, #tpu.memory_space<vmem>> -> memref<26x64xf32, #tpu.memory_space<vmem>>
        %dma_start3A_836 = arith.constant 0 : i32
        %dma_start3A_837 = arith.constant 0 : i32
        %dma_start3A_838 = tpu.memref_slice %arg4[%add3A_829, %dma_start3A_836, %dma_start3A_837] : memref<16384x32x128xf32, #tpu.memory_space<hbm>> -> memref<1x26x64xf32, #tpu.memory_space<hbm>>
        %dma_start3A_839 = tpu.memref_squeeze %dma_start3A_838 : memref<1x26x64xf32, #tpu.memory_space<hbm>> -> memref<26x64xf32, #tpu.memory_space<hbm>>
        %dma_start3A_840 = tpu.memref_slice %arg9[%dma_start3A_831] : memref<8x!tpu.dma_semaphore, #tpu.memory_space<semaphore_mem>> -> memref<1x!tpu.dma_semaphore, #tpu.memory_space<semaphore_mem>>
        %dma_start3A_841 = tpu.memref_squeeze %dma_start3A_840 : memref<1x!tpu.dma_semaphore, #tpu.memory_space<semaphore_mem>> -> memref<!tpu.dma_semaphore, #tpu.memory_space<semaphore_mem>>
        %dma_start3A_842 = arith.constant 0 : i32
        %dma_start3A_843 = arith.constant 0 : i32
        %dma_start3A_844 = tpu.memref_slice %arg4[%add3A_829, %dma_start3A_842, %dma_start3A_843] : memref<16384x32x128xf32, #tpu.memory_space<hbm>> -> memref<1x26x64xf32, #tpu.memory_space<hbm>>
        %dma_start3A_845 = tpu.memref_squeeze %dma_start3A_844 : memref<1x26x64xf32, #tpu.memory_space<hbm>> -> memref<26x64xf32, #tpu.memory_space<hbm>>
        %dma_start3A_846 = arith.constant 26 : i32
        %dma_start3A_847 = arith.constant 0 : i32
        %dma_start3A_848 = tpu.memref_slice %arg7[%dma_start3A_830, %dma_start3A_846, %dma_start3A_847] : memref<8x112x64xf32, #tpu.memory_space<vmem>> -> memref<1x26x64xf32, #tpu.memory_space<vmem>>
        %dma_start3A_849 = tpu.memref_squeeze %dma_start3A_848 : memref<1x26x64xf32, #tpu.memory_space<vmem>> -> memref<26x64xf32, #tpu.memory_space<vmem>>
        tpu.enqueue_dma source(%dma_start3A_849 : memref<26x64xf32, #tpu.memory_space<vmem>>) target(%dma_start3A_845 : memref<26x64xf32, #tpu.memory_space<hbm>>) target_semaphore(%dma_start3A_841 : memref<!tpu.dma_semaphore, #tpu.memory_space<semaphore_mem>>)
        %mul3A_850 = arith.constant 4 : i32
        %mul3A_851 = arith.muli %sub3A_692, %mul3A_850 : i32
        %add3A_852 = arith.addi %mul3A_2, %mul3A_851 : i32
        %add3A_853 = arith.constant 2 : i32
        %add3A_854 = arith.addi %add3A_852, %add3A_853 : i32
        %dma_start3A_855 = arith.constant 6 : i32
        %dma_start3A_856 = arith.constant 6 : i32
        %dma_start3A_857 = arith.constant 52 : i32
        %dma_start3A_858 = arith.constant 0 : i32
        %dma_start3A_859 = tpu.memref_slice %arg7[%dma_start3A_855, %dma_start3A_857, %dma_start3A_858] : memref<8x112x64xf32, #tpu.memory_space<vmem>> -> memref<1x26x64xf32, #tpu.memory_space<vmem>>
        %dma_start3A_860 = tpu.memref_squeeze %dma_start3A_859 : memref<1x26x64xf32, #tpu.memory_space<vmem>> -> memref<26x64xf32, #tpu.memory_space<vmem>>
        %dma_start3A_861 = arith.constant 0 : i32
        %dma_start3A_862 = arith.constant 0 : i32
        %dma_start3A_863 = tpu.memref_slice %arg4[%add3A_854, %dma_start3A_861, %dma_start3A_862] : memref<16384x32x128xf32, #tpu.memory_space<hbm>> -> memref<1x26x64xf32, #tpu.memory_space<hbm>>
        %dma_start3A_864 = tpu.memref_squeeze %dma_start3A_863 : memref<1x26x64xf32, #tpu.memory_space<hbm>> -> memref<26x64xf32, #tpu.memory_space<hbm>>
        %dma_start3A_865 = tpu.memref_slice %arg9[%dma_start3A_856] : memref<8x!tpu.dma_semaphore, #tpu.memory_space<semaphore_mem>> -> memref<1x!tpu.dma_semaphore, #tpu.memory_space<semaphore_mem>>
        %dma_start3A_866 = tpu.memref_squeeze %dma_start3A_865 : memref<1x!tpu.dma_semaphore, #tpu.memory_space<semaphore_mem>> -> memref<!tpu.dma_semaphore, #tpu.memory_space<semaphore_mem>>
        %dma_start3A_867 = arith.constant 0 : i32
        %dma_start3A_868 = arith.constant 0 : i32
        %dma_start3A_869 = tpu.memref_slice %arg4[%add3A_854, %dma_start3A_867, %dma_start3A_868] : memref<16384x32x128xf32, #tpu.memory_space<hbm>> -> memref<1x26x64xf32, #tpu.memory_space<hbm>>
        %dma_start3A_870 = tpu.memref_squeeze %dma_start3A_869 : memref<1x26x64xf32, #tpu.memory_space<hbm>> -> memref<26x64xf32, #tpu.memory_space<hbm>>
        %dma_start3A_871 = arith.constant 52 : i32
        %dma_start3A_872 = arith.constant 0 : i32
        %dma_start3A_873 = tpu.memref_slice %arg7[%dma_start3A_855, %dma_start3A_871, %dma_start3A_872] : memref<8x112x64xf32, #tpu.memory_space<vmem>> -> memref<1x26x64xf32, #tpu.memory_space<vmem>>
        %dma_start3A_874 = tpu.memref_squeeze %dma_start3A_873 : memref<1x26x64xf32, #tpu.memory_space<vmem>> -> memref<26x64xf32, #tpu.memory_space<vmem>>
        tpu.enqueue_dma source(%dma_start3A_874 : memref<26x64xf32, #tpu.memory_space<vmem>>) target(%dma_start3A_870 : memref<26x64xf32, #tpu.memory_space<hbm>>) target_semaphore(%dma_start3A_866 : memref<!tpu.dma_semaphore, #tpu.memory_space<semaphore_mem>>)
        %mul3A_875 = arith.constant 4 : i32
        %mul3A_876 = arith.muli %sub3A_692, %mul3A_875 : i32
        %add3A_877 = arith.addi %mul3A_2, %mul3A_876 : i32
        %add3A_878 = arith.constant 3 : i32
        %add3A_879 = arith.addi %add3A_877, %add3A_878 : i32
        %dma_start3A_880 = arith.constant 6 : i32
        %dma_start3A_881 = arith.constant 6 : i32
        %dma_start3A_882 = arith.constant 78 : i32
        %dma_start3A_883 = arith.constant 0 : i32
        %dma_start3A_884 = tpu.memref_slice %arg7[%dma_start3A_880, %dma_start3A_882, %dma_start3A_883] : memref<8x112x64xf32, #tpu.memory_space<vmem>> -> memref<1x26x64xf32, #tpu.memory_space<vmem>>
        %dma_start3A_885 = tpu.memref_squeeze %dma_start3A_884 : memref<1x26x64xf32, #tpu.memory_space<vmem>> -> memref<26x64xf32, #tpu.memory_space<vmem>>
        %dma_start3A_886 = arith.constant 0 : i32
        %dma_start3A_887 = arith.constant 0 : i32
        %dma_start3A_888 = tpu.memref_slice %arg4[%add3A_879, %dma_start3A_886, %dma_start3A_887] : memref<16384x32x128xf32, #tpu.memory_space<hbm>> -> memref<1x26x64xf32, #tpu.memory_space<hbm>>
        %dma_start3A_889 = tpu.memref_squeeze %dma_start3A_888 : memref<1x26x64xf32, #tpu.memory_space<hbm>> -> memref<26x64xf32, #tpu.memory_space<hbm>>
        %dma_start3A_890 = tpu.memref_slice %arg9[%dma_start3A_881] : memref<8x!tpu.dma_semaphore, #tpu.memory_space<semaphore_mem>> -> memref<1x!tpu.dma_semaphore, #tpu.memory_space<semaphore_mem>>
        %dma_start3A_891 = tpu.memref_squeeze %dma_start3A_890 : memref<1x!tpu.dma_semaphore, #tpu.memory_space<semaphore_mem>> -> memref<!tpu.dma_semaphore, #tpu.memory_space<semaphore_mem>>
        %dma_start3A_892 = arith.constant 0 : i32
        %dma_start3A_893 = arith.constant 0 : i32
        %dma_start3A_894 = tpu.memref_slice %arg4[%add3A_879, %dma_start3A_892, %dma_start3A_893] : memref<16384x32x128xf32, #tpu.memory_space<hbm>> -> memref<1x26x64xf32, #tpu.memory_space<hbm>>
        %dma_start3A_895 = tpu.memref_squeeze %dma_start3A_894 : memref<1x26x64xf32, #tpu.memory_space<hbm>> -> memref<26x64xf32, #tpu.memory_space<hbm>>
        %dma_start3A_896 = arith.constant 78 : i32
        %dma_start3A_897 = arith.constant 0 : i32
        %dma_start3A_898 = tpu.memref_slice %arg7[%dma_start3A_880, %dma_start3A_896, %dma_start3A_897] : memref<8x112x64xf32, #tpu.memory_space<vmem>> -> memref<1x26x64xf32, #tpu.memory_space<vmem>>
        %dma_start3A_899 = tpu.memref_squeeze %dma_start3A_898 : memref<1x26x64xf32, #tpu.memory_space<vmem>> -> memref<26x64xf32, #tpu.memory_space<vmem>>
        tpu.enqueue_dma source(%dma_start3A_899 : memref<26x64xf32, #tpu.memory_space<vmem>>) target(%dma_start3A_895 : memref<26x64xf32, #tpu.memory_space<hbm>>) target_semaphore(%dma_start3A_891 : memref<!tpu.dma_semaphore, #tpu.memory_space<semaphore_mem>>)
      } else {
      }
      %add3A_701 = arith.constant 3 : i32
      %add3A_702 = arith.addi %add3A_655, %add3A_701 : i32
      %lt3A_703 = arith.constant 128 : i32
      %lt3A_704 = arith.cmpi slt, %add3A_702, %lt3A_703 : i32
      %convert_element_type3A_705 = arith.extui %lt3A_704 : i1 to i32
      %cond3A_706 = arith.constant 0 : i32
      %cond3A_707 = arith.cmpi ne, %convert_element_type3A_705, %cond3A_706 : i32
      scf.if %cond3A_707 {
        %ge3A_786 = arith.constant 8 : i32
        %ge3A_787 = arith.cmpi sge, %add3A_702, %ge3A_786 : i32
        %convert_element_type3A_788 = arith.extui %ge3A_787 : i1 to i32
        %cond3A_789 = arith.constant 0 : i32
        %cond3A_790 = arith.cmpi ne, %convert_element_type3A_788, %cond3A_789 : i32
        scf.if %cond3A_790 {
          %dma_wait3A_804 = arith.constant 3 : i32
          %dma_wait3A_805 = arith.constant 3 : i32
          %dma_wait3A_806 = arith.constant 0 : i32
          %dma_wait3A_807 = arith.constant 0 : i32
          %dma_wait3A_808 = tpu.memref_slice %arg7[%dma_wait3A_804, %dma_wait3A_806, %dma_wait3A_807] : memref<8x112x64xf32, #tpu.memory_space<vmem>> -> memref<1x26x64xf32, #tpu.memory_space<vmem>>
          %dma_wait3A_809 = tpu.memref_squeeze %dma_wait3A_808 : memref<1x26x64xf32, #tpu.memory_space<vmem>> -> memref<26x64xf32, #tpu.memory_space<vmem>>
          %dma_wait3A_810 = arith.constant 0 : i32
          %dma_wait3A_811 = arith.constant 0 : i32
          %dma_wait3A_812 = tpu.memref_slice %arg4[%mul3A_2, %dma_wait3A_810, %dma_wait3A_811] : memref<16384x32x128xf32, #tpu.memory_space<hbm>> -> memref<1x26x64xf32, #tpu.memory_space<hbm>>
          %dma_wait3A_813 = tpu.memref_squeeze %dma_wait3A_812 : memref<1x26x64xf32, #tpu.memory_space<hbm>> -> memref<26x64xf32, #tpu.memory_space<hbm>>
          %dma_wait3A_814 = tpu.memref_slice %arg9[%dma_wait3A_805] : memref<8x!tpu.dma_semaphore, #tpu.memory_space<semaphore_mem>> -> memref<1x!tpu.dma_semaphore, #tpu.memory_space<semaphore_mem>>
          %dma_wait3A_815 = tpu.memref_squeeze %dma_wait3A_814 : memref<1x!tpu.dma_semaphore, #tpu.memory_space<semaphore_mem>> -> memref<!tpu.dma_semaphore, #tpu.memory_space<semaphore_mem>>
          %dma_wait3A_816 = arith.constant 0 : i32
          %dma_wait3A_817 = arith.constant 0 : i32
          %dma_wait3A_818 = tpu.memref_slice %arg4[%mul3A_2, %dma_wait3A_816, %dma_wait3A_817] : memref<16384x32x128xf32, #tpu.memory_space<hbm>> -> memref<1x26x64xf32, #tpu.memory_space<hbm>>
          %dma_wait3A_819 = tpu.memref_squeeze %dma_wait3A_818 : memref<1x26x64xf32, #tpu.memory_space<hbm>> -> memref<26x64xf32, #tpu.memory_space<hbm>>
          %dma_wait3A_820 = arith.constant 0 : i32
          %dma_wait3A_821 = arith.constant 0 : i32
          %dma_wait3A_822 = tpu.memref_slice %arg7[%dma_wait3A_804, %dma_wait3A_820, %dma_wait3A_821] : memref<8x112x64xf32, #tpu.memory_space<vmem>> -> memref<1x26x64xf32, #tpu.memory_space<vmem>>
          %dma_wait3A_823 = tpu.memref_squeeze %dma_wait3A_822 : memref<1x26x64xf32, #tpu.memory_space<vmem>> -> memref<26x64xf32, #tpu.memory_space<vmem>>
          tpu.wait_dma2 semaphore(%dma_wait3A_815 : memref<!tpu.dma_semaphore, #tpu.memory_space<semaphore_mem>>) src(%dma_wait3A_823 : memref<26x64xf32, #tpu.memory_space<vmem>>) dst(%dma_wait3A_819 : memref<26x64xf32, #tpu.memory_space<hbm>>)
          %dma_wait3A_824 = arith.constant 3 : i32
          %dma_wait3A_825 = arith.constant 3 : i32
          %dma_wait3A_826 = arith.constant 26 : i32
          %dma_wait3A_827 = arith.constant 0 : i32
          %dma_wait3A_828 = tpu.memref_slice %arg7[%dma_wait3A_824, %dma_wait3A_826, %dma_wait3A_827] : memref<8x112x64xf32, #tpu.memory_space<vmem>> -> memref<1x26x64xf32, #tpu.memory_space<vmem>>
          %dma_wait3A_829 = tpu.memref_squeeze %dma_wait3A_828 : memref<1x26x64xf32, #tpu.memory_space<vmem>> -> memref<26x64xf32, #tpu.memory_space<vmem>>
          %dma_wait3A_830 = arith.constant 0 : i32
          %dma_wait3A_831 = arith.constant 0 : i32
          %dma_wait3A_832 = tpu.memref_slice %arg4[%mul3A_2, %dma_wait3A_830, %dma_wait3A_831] : memref<16384x32x128xf32, #tpu.memory_space<hbm>> -> memref<1x26x64xf32, #tpu.memory_space<hbm>>
          %dma_wait3A_833 = tpu.memref_squeeze %dma_wait3A_832 : memref<1x26x64xf32, #tpu.memory_space<hbm>> -> memref<26x64xf32, #tpu.memory_space<hbm>>
          %dma_wait3A_834 = tpu.memref_slice %arg9[%dma_wait3A_825] : memref<8x!tpu.dma_semaphore, #tpu.memory_space<semaphore_mem>> -> memref<1x!tpu.dma_semaphore, #tpu.memory_space<semaphore_mem>>
          %dma_wait3A_835 = tpu.memref_squeeze %dma_wait3A_834 : memref<1x!tpu.dma_semaphore, #tpu.memory_space<semaphore_mem>> -> memref<!tpu.dma_semaphore, #tpu.memory_space<semaphore_mem>>
          %dma_wait3A_836 = arith.constant 0 : i32
          %dma_wait3A_837 = arith.constant 0 : i32
          %dma_wait3A_838 = tpu.memref_slice %arg4[%mul3A_2, %dma_wait3A_836, %dma_wait3A_837] : memref<16384x32x128xf32, #tpu.memory_space<hbm>> -> memref<1x26x64xf32, #tpu.memory_space<hbm>>
          %dma_wait3A_839 = tpu.memref_squeeze %dma_wait3A_838 : memref<1x26x64xf32, #tpu.memory_space<hbm>> -> memref<26x64xf32, #tpu.memory_space<hbm>>
          %dma_wait3A_840 = arith.constant 26 : i32
          %dma_wait3A_841 = arith.constant 0 : i32
          %dma_wait3A_842 = tpu.memref_slice %arg7[%dma_wait3A_824, %dma_wait3A_840, %dma_wait3A_841] : memref<8x112x64xf32, #tpu.memory_space<vmem>> -> memref<1x26x64xf32, #tpu.memory_space<vmem>>
          %dma_wait3A_843 = tpu.memref_squeeze %dma_wait3A_842 : memref<1x26x64xf32, #tpu.memory_space<vmem>> -> memref<26x64xf32, #tpu.memory_space<vmem>>
          tpu.wait_dma2 semaphore(%dma_wait3A_835 : memref<!tpu.dma_semaphore, #tpu.memory_space<semaphore_mem>>) src(%dma_wait3A_843 : memref<26x64xf32, #tpu.memory_space<vmem>>) dst(%dma_wait3A_839 : memref<26x64xf32, #tpu.memory_space<hbm>>)
          %dma_wait3A_844 = arith.constant 3 : i32
          %dma_wait3A_845 = arith.constant 3 : i32
          %dma_wait3A_846 = arith.constant 52 : i32
          %dma_wait3A_847 = arith.constant 0 : i32
          %dma_wait3A_848 = tpu.memref_slice %arg7[%dma_wait3A_844, %dma_wait3A_846, %dma_wait3A_847] : memref<8x112x64xf32, #tpu.memory_space<vmem>> -> memref<1x26x64xf32, #tpu.memory_space<vmem>>
          %dma_wait3A_849 = tpu.memref_squeeze %dma_wait3A_848 : memref<1x26x64xf32, #tpu.memory_space<vmem>> -> memref<26x64xf32, #tpu.memory_space<vmem>>
          %dma_wait3A_850 = arith.constant 0 : i32
          %dma_wait3A_851 = arith.constant 0 : i32
          %dma_wait3A_852 = tpu.memref_slice %arg4[%mul3A_2, %dma_wait3A_850, %dma_wait3A_851] : memref<16384x32x128xf32, #tpu.memory_space<hbm>> -> memref<1x26x64xf32, #tpu.memory_space<hbm>>
          %dma_wait3A_853 = tpu.memref_squeeze %dma_wait3A_852 : memref<1x26x64xf32, #tpu.memory_space<hbm>> -> memref<26x64xf32, #tpu.memory_space<hbm>>
          %dma_wait3A_854 = tpu.memref_slice %arg9[%dma_wait3A_845] : memref<8x!tpu.dma_semaphore, #tpu.memory_space<semaphore_mem>> -> memref<1x!tpu.dma_semaphore, #tpu.memory_space<semaphore_mem>>
          %dma_wait3A_855 = tpu.memref_squeeze %dma_wait3A_854 : memref<1x!tpu.dma_semaphore, #tpu.memory_space<semaphore_mem>> -> memref<!tpu.dma_semaphore, #tpu.memory_space<semaphore_mem>>
          %dma_wait3A_856 = arith.constant 0 : i32
          %dma_wait3A_857 = arith.constant 0 : i32
          %dma_wait3A_858 = tpu.memref_slice %arg4[%mul3A_2, %dma_wait3A_856, %dma_wait3A_857] : memref<16384x32x128xf32, #tpu.memory_space<hbm>> -> memref<1x26x64xf32, #tpu.memory_space<hbm>>
          %dma_wait3A_859 = tpu.memref_squeeze %dma_wait3A_858 : memref<1x26x64xf32, #tpu.memory_space<hbm>> -> memref<26x64xf32, #tpu.memory_space<hbm>>
          %dma_wait3A_860 = arith.constant 52 : i32
          %dma_wait3A_861 = arith.constant 0 : i32
          %dma_wait3A_862 = tpu.memref_slice %arg7[%dma_wait3A_844, %dma_wait3A_860, %dma_wait3A_861] : memref<8x112x64xf32, #tpu.memory_space<vmem>> -> memref<1x26x64xf32, #tpu.memory_space<vmem>>
          %dma_wait3A_863 = tpu.memref_squeeze %dma_wait3A_862 : memref<1x26x64xf32, #tpu.memory_space<vmem>> -> memref<26x64xf32, #tpu.memory_space<vmem>>
          tpu.wait_dma2 semaphore(%dma_wait3A_855 : memref<!tpu.dma_semaphore, #tpu.memory_space<semaphore_mem>>) src(%dma_wait3A_863 : memref<26x64xf32, #tpu.memory_space<vmem>>) dst(%dma_wait3A_859 : memref<26x64xf32, #tpu.memory_space<hbm>>)
          %dma_wait3A_864 = arith.constant 3 : i32
          %dma_wait3A_865 = arith.constant 3 : i32
          %dma_wait3A_866 = arith.constant 78 : i32
          %dma_wait3A_867 = arith.constant 0 : i32
          %dma_wait3A_868 = tpu.memref_slice %arg7[%dma_wait3A_864, %dma_wait3A_866, %dma_wait3A_867] : memref<8x112x64xf32, #tpu.memory_space<vmem>> -> memref<1x26x64xf32, #tpu.memory_space<vmem>>
          %dma_wait3A_869 = tpu.memref_squeeze %dma_wait3A_868 : memref<1x26x64xf32, #tpu.memory_space<vmem>> -> memref<26x64xf32, #tpu.memory_space<vmem>>
          %dma_wait3A_870 = arith.constant 0 : i32
          %dma_wait3A_871 = arith.constant 0 : i32
          %dma_wait3A_872 = tpu.memref_slice %arg4[%mul3A_2, %dma_wait3A_870, %dma_wait3A_871] : memref<16384x32x128xf32, #tpu.memory_space<hbm>> -> memref<1x26x64xf32, #tpu.memory_space<hbm>>
          %dma_wait3A_873 = tpu.memref_squeeze %dma_wait3A_872 : memref<1x26x64xf32, #tpu.memory_space<hbm>> -> memref<26x64xf32, #tpu.memory_space<hbm>>
          %dma_wait3A_874 = tpu.memref_slice %arg9[%dma_wait3A_865] : memref<8x!tpu.dma_semaphore, #tpu.memory_space<semaphore_mem>> -> memref<1x!tpu.dma_semaphore, #tpu.memory_space<semaphore_mem>>
          %dma_wait3A_875 = tpu.memref_squeeze %dma_wait3A_874 : memref<1x!tpu.dma_semaphore, #tpu.memory_space<semaphore_mem>> -> memref<!tpu.dma_semaphore, #tpu.memory_space<semaphore_mem>>
          %dma_wait3A_876 = arith.constant 0 : i32
          %dma_wait3A_877 = arith.constant 0 : i32
          %dma_wait3A_878 = tpu.memref_slice %arg4[%mul3A_2, %dma_wait3A_876, %dma_wait3A_877] : memref<16384x32x128xf32, #tpu.memory_space<hbm>> -> memref<1x26x64xf32, #tpu.memory_space<hbm>>
          %dma_wait3A_879 = tpu.memref_squeeze %dma_wait3A_878 : memref<1x26x64xf32, #tpu.memory_space<hbm>> -> memref<26x64xf32, #tpu.memory_space<hbm>>
          %dma_wait3A_880 = arith.constant 78 : i32
          %dma_wait3A_881 = arith.constant 0 : i32
          %dma_wait3A_882 = tpu.memref_slice %arg7[%dma_wait3A_864, %dma_wait3A_880, %dma_wait3A_881] : memref<8x112x64xf32, #tpu.memory_space<vmem>> -> memref<1x26x64xf32, #tpu.memory_space<vmem>>
          %dma_wait3A_883 = tpu.memref_squeeze %dma_wait3A_882 : memref<1x26x64xf32, #tpu.memory_space<vmem>> -> memref<26x64xf32, #tpu.memory_space<vmem>>
          tpu.wait_dma2 semaphore(%dma_wait3A_875 : memref<!tpu.dma_semaphore, #tpu.memory_space<semaphore_mem>>) src(%dma_wait3A_883 : memref<26x64xf32, #tpu.memory_space<vmem>>) dst(%dma_wait3A_879 : memref<26x64xf32, #tpu.memory_space<hbm>>)
        } else {
        }
        %dma_start3A = arith.constant 3 : i32
        %dma_start3A_791 = arith.constant 3 : i32
        %dma_start3A_792 = arith.constant 0 : i32
        %dma_start3A_793 = arith.constant 0 : i32
        %dma_start3A_794 = tpu.memref_slice %arg7[%dma_start3A, %dma_start3A_792, %dma_start3A_793] : memref<8x112x64xf32, #tpu.memory_space<vmem>> -> memref<1x112x64xf32, #tpu.memory_space<vmem>>
        %dma_start3A_795 = tpu.memref_squeeze %dma_start3A_794 : memref<1x112x64xf32, #tpu.memory_space<vmem>> -> memref<112x64xf32, #tpu.memory_space<vmem>>
        %dma_start3A_796 = arith.constant 0 : i32
        %dma_start3A_797 = tpu.memref_slice %arg6[%add3A_702, %dma_start3A_796] : memref<128x112xi32, #tpu.memory_space<vmem>> -> memref<1x112xi32, #tpu.memory_space<vmem>>
        %dma_start3A_798 = tpu.memref_squeeze %dma_start3A_797 : memref<1x112xi32, #tpu.memory_space<vmem>> -> memref<112xi32, #tpu.memory_space<vmem>>
        %dma_start3A_799 = arith.constant 0 : i32
        %dma_start3A_800 = arith.constant 0 : i32
        %dma_start3A_801 = tpu.memref_slice %arg3[%dma_start3A_799, %dma_start3A_800] : memref<1000000x64xf32, #tpu.memory_space<hbm>> -> memref<1000000x64xf32, #tpu.memory_space<hbm>>
        %dma_start3A_802 = tpu.memref_slice %arg8[%dma_start3A_791] : memref<8x!tpu.dma_semaphore, #tpu.memory_space<semaphore_mem>> -> memref<1x!tpu.dma_semaphore, #tpu.memory_space<semaphore_mem>>
        %dma_start3A_803 = tpu.memref_squeeze %dma_start3A_802 : memref<1x!tpu.dma_semaphore, #tpu.memory_space<semaphore_mem>> -> memref<!tpu.dma_semaphore, #tpu.memory_space<semaphore_mem>>
        tpu.enqueue_indirect_dma source(%dma_start3A_801 : memref<1000000x64xf32, #tpu.memory_space<hbm>>) target(%dma_start3A_795 : memref<112x64xf32, #tpu.memory_space<vmem>>) offsets(%dma_start3A_798 : memref<112xi32, #tpu.memory_space<vmem>>) semaphore(%dma_start3A_803 : memref<!tpu.dma_semaphore, #tpu.memory_space<semaphore_mem>>)
      } else {
      }
      %sub3A_708 = arith.constant 4 : i32
      %sub3A_709 = arith.subi %add3A_702, %sub3A_708 : i32
      %ge3A_710 = arith.constant 0 : i32
      %ge3A_711 = arith.cmpi sge, %sub3A_709, %ge3A_710 : i32
      %lt3A_712 = arith.constant 128 : i32
      %lt3A_713 = arith.cmpi slt, %sub3A_709, %lt3A_712 : i32
      %and3A_714 = arith.andi %ge3A_711, %lt3A_713 : i1
      %convert_element_type3A_715 = arith.extui %and3A_714 : i1 to i32
      %cond3A_716 = arith.constant 0 : i32
      %cond3A_717 = arith.cmpi ne, %convert_element_type3A_715, %cond3A_716 : i32
      scf.if %cond3A_717 {
        %dma_wait3A_786 = arith.constant 0 : i32
        %dma_wait3A_787 = arith.constant 7 : i32
        %dma_wait3A_788 = arith.constant 7 : i32
        %dma_wait3A_789 = arith.constant 0 : i32
        %dma_wait3A_790 = arith.constant 0 : i32
        %dma_wait3A_791 = tpu.memref_slice %arg7[%dma_wait3A_787, %dma_wait3A_789, %dma_wait3A_790] : memref<8x112x64xf32, #tpu.memory_space<vmem>> -> memref<1x112x64xf32, #tpu.memory_space<vmem>>
        %dma_wait3A_792 = tpu.memref_squeeze %dma_wait3A_791 : memref<1x112x64xf32, #tpu.memory_space<vmem>> -> memref<112x64xf32, #tpu.memory_space<vmem>>
        %dma_wait3A_793 = arith.constant 0 : i32
        %dma_wait3A_794 = tpu.memref_slice %arg6[%dma_wait3A_786, %dma_wait3A_793] : memref<128x112xi32, #tpu.memory_space<vmem>> -> memref<1x112xi32, #tpu.memory_space<vmem>>
        %dma_wait3A_795 = tpu.memref_squeeze %dma_wait3A_794 : memref<1x112xi32, #tpu.memory_space<vmem>> -> memref<112xi32, #tpu.memory_space<vmem>>
        %dma_wait3A_796 = arith.constant 0 : i32
        %dma_wait3A_797 = arith.constant 0 : i32
        %dma_wait3A_798 = tpu.memref_slice %arg3[%dma_wait3A_796, %dma_wait3A_797] : memref<1000000x64xf32, #tpu.memory_space<hbm>> -> memref<1000000x64xf32, #tpu.memory_space<hbm>>
        %dma_wait3A_799 = tpu.memref_slice %arg8[%dma_wait3A_788] : memref<8x!tpu.dma_semaphore, #tpu.memory_space<semaphore_mem>> -> memref<1x!tpu.dma_semaphore, #tpu.memory_space<semaphore_mem>>
        %dma_wait3A_800 = tpu.memref_squeeze %dma_wait3A_799 : memref<1x!tpu.dma_semaphore, #tpu.memory_space<semaphore_mem>> -> memref<!tpu.dma_semaphore, #tpu.memory_space<semaphore_mem>>
        tpu.wait_indirect_dma semaphore(%dma_wait3A_800 : memref<!tpu.dma_semaphore, #tpu.memory_space<semaphore_mem>>) src(%dma_wait3A_798 : memref<1000000x64xf32, #tpu.memory_space<hbm>>) dst(%dma_wait3A_792 : memref<112x64xf32, #tpu.memory_space<vmem>>)
        %mul3A_801 = arith.constant 4 : i32
        %mul3A_802 = arith.muli %sub3A_709, %mul3A_801 : i32
        %add3A_803 = arith.addi %mul3A_2, %mul3A_802 : i32
        %add3A_804 = arith.constant 0 : i32
        %add3A_805 = arith.addi %add3A_803, %add3A_804 : i32
        %dma_start3A = arith.constant 7 : i32
        %dma_start3A_806 = arith.constant 7 : i32
        %dma_start3A_807 = arith.constant 0 : i32
        %dma_start3A_808 = arith.constant 0 : i32
        %dma_start3A_809 = tpu.memref_slice %arg7[%dma_start3A, %dma_start3A_807, %dma_start3A_808] : memref<8x112x64xf32, #tpu.memory_space<vmem>> -> memref<1x26x64xf32, #tpu.memory_space<vmem>>
        %dma_start3A_810 = tpu.memref_squeeze %dma_start3A_809 : memref<1x26x64xf32, #tpu.memory_space<vmem>> -> memref<26x64xf32, #tpu.memory_space<vmem>>
        %dma_start3A_811 = arith.constant 0 : i32
        %dma_start3A_812 = arith.constant 0 : i32
        %dma_start3A_813 = tpu.memref_slice %arg4[%add3A_805, %dma_start3A_811, %dma_start3A_812] : memref<16384x32x128xf32, #tpu.memory_space<hbm>> -> memref<1x26x64xf32, #tpu.memory_space<hbm>>
        %dma_start3A_814 = tpu.memref_squeeze %dma_start3A_813 : memref<1x26x64xf32, #tpu.memory_space<hbm>> -> memref<26x64xf32, #tpu.memory_space<hbm>>
        %dma_start3A_815 = tpu.memref_slice %arg9[%dma_start3A_806] : memref<8x!tpu.dma_semaphore, #tpu.memory_space<semaphore_mem>> -> memref<1x!tpu.dma_semaphore, #tpu.memory_space<semaphore_mem>>
        %dma_start3A_816 = tpu.memref_squeeze %dma_start3A_815 : memref<1x!tpu.dma_semaphore, #tpu.memory_space<semaphore_mem>> -> memref<!tpu.dma_semaphore, #tpu.memory_space<semaphore_mem>>
        %dma_start3A_817 = arith.constant 0 : i32
        %dma_start3A_818 = arith.constant 0 : i32
        %dma_start3A_819 = tpu.memref_slice %arg4[%add3A_805, %dma_start3A_817, %dma_start3A_818] : memref<16384x32x128xf32, #tpu.memory_space<hbm>> -> memref<1x26x64xf32, #tpu.memory_space<hbm>>
        %dma_start3A_820 = tpu.memref_squeeze %dma_start3A_819 : memref<1x26x64xf32, #tpu.memory_space<hbm>> -> memref<26x64xf32, #tpu.memory_space<hbm>>
        %dma_start3A_821 = arith.constant 0 : i32
        %dma_start3A_822 = arith.constant 0 : i32
        %dma_start3A_823 = tpu.memref_slice %arg7[%dma_start3A, %dma_start3A_821, %dma_start3A_822] : memref<8x112x64xf32, #tpu.memory_space<vmem>> -> memref<1x26x64xf32, #tpu.memory_space<vmem>>
        %dma_start3A_824 = tpu.memref_squeeze %dma_start3A_823 : memref<1x26x64xf32, #tpu.memory_space<vmem>> -> memref<26x64xf32, #tpu.memory_space<vmem>>
        tpu.enqueue_dma source(%dma_start3A_824 : memref<26x64xf32, #tpu.memory_space<vmem>>) target(%dma_start3A_820 : memref<26x64xf32, #tpu.memory_space<hbm>>) target_semaphore(%dma_start3A_816 : memref<!tpu.dma_semaphore, #tpu.memory_space<semaphore_mem>>)
        %mul3A_825 = arith.constant 4 : i32
        %mul3A_826 = arith.muli %sub3A_709, %mul3A_825 : i32
        %add3A_827 = arith.addi %mul3A_2, %mul3A_826 : i32
        %add3A_828 = arith.constant 1 : i32
        %add3A_829 = arith.addi %add3A_827, %add3A_828 : i32
        %dma_start3A_830 = arith.constant 7 : i32
        %dma_start3A_831 = arith.constant 7 : i32
        %dma_start3A_832 = arith.constant 26 : i32
        %dma_start3A_833 = arith.constant 0 : i32
        %dma_start3A_834 = tpu.memref_slice %arg7[%dma_start3A_830, %dma_start3A_832, %dma_start3A_833] : memref<8x112x64xf32, #tpu.memory_space<vmem>> -> memref<1x26x64xf32, #tpu.memory_space<vmem>>
        %dma_start3A_835 = tpu.memref_squeeze %dma_start3A_834 : memref<1x26x64xf32, #tpu.memory_space<vmem>> -> memref<26x64xf32, #tpu.memory_space<vmem>>
        %dma_start3A_836 = arith.constant 0 : i32
        %dma_start3A_837 = arith.constant 0 : i32
        %dma_start3A_838 = tpu.memref_slice %arg4[%add3A_829, %dma_start3A_836, %dma_start3A_837] : memref<16384x32x128xf32, #tpu.memory_space<hbm>> -> memref<1x26x64xf32, #tpu.memory_space<hbm>>
        %dma_start3A_839 = tpu.memref_squeeze %dma_start3A_838 : memref<1x26x64xf32, #tpu.memory_space<hbm>> -> memref<26x64xf32, #tpu.memory_space<hbm>>
        %dma_start3A_840 = tpu.memref_slice %arg9[%dma_start3A_831] : memref<8x!tpu.dma_semaphore, #tpu.memory_space<semaphore_mem>> -> memref<1x!tpu.dma_semaphore, #tpu.memory_space<semaphore_mem>>
        %dma_start3A_841 = tpu.memref_squeeze %dma_start3A_840 : memref<1x!tpu.dma_semaphore, #tpu.memory_space<semaphore_mem>> -> memref<!tpu.dma_semaphore, #tpu.memory_space<semaphore_mem>>
        %dma_start3A_842 = arith.constant 0 : i32
        %dma_start3A_843 = arith.constant 0 : i32
        %dma_start3A_844 = tpu.memref_slice %arg4[%add3A_829, %dma_start3A_842, %dma_start3A_843] : memref<16384x32x128xf32, #tpu.memory_space<hbm>> -> memref<1x26x64xf32, #tpu.memory_space<hbm>>
        %dma_start3A_845 = tpu.memref_squeeze %dma_start3A_844 : memref<1x26x64xf32, #tpu.memory_space<hbm>> -> memref<26x64xf32, #tpu.memory_space<hbm>>
        %dma_start3A_846 = arith.constant 26 : i32
        %dma_start3A_847 = arith.constant 0 : i32
        %dma_start3A_848 = tpu.memref_slice %arg7[%dma_start3A_830, %dma_start3A_846, %dma_start3A_847] : memref<8x112x64xf32, #tpu.memory_space<vmem>> -> memref<1x26x64xf32, #tpu.memory_space<vmem>>
        %dma_start3A_849 = tpu.memref_squeeze %dma_start3A_848 : memref<1x26x64xf32, #tpu.memory_space<vmem>> -> memref<26x64xf32, #tpu.memory_space<vmem>>
        tpu.enqueue_dma source(%dma_start3A_849 : memref<26x64xf32, #tpu.memory_space<vmem>>) target(%dma_start3A_845 : memref<26x64xf32, #tpu.memory_space<hbm>>) target_semaphore(%dma_start3A_841 : memref<!tpu.dma_semaphore, #tpu.memory_space<semaphore_mem>>)
        %mul3A_850 = arith.constant 4 : i32
        %mul3A_851 = arith.muli %sub3A_709, %mul3A_850 : i32
        %add3A_852 = arith.addi %mul3A_2, %mul3A_851 : i32
        %add3A_853 = arith.constant 2 : i32
        %add3A_854 = arith.addi %add3A_852, %add3A_853 : i32
        %dma_start3A_855 = arith.constant 7 : i32
        %dma_start3A_856 = arith.constant 7 : i32
        %dma_start3A_857 = arith.constant 52 : i32
        %dma_start3A_858 = arith.constant 0 : i32
        %dma_start3A_859 = tpu.memref_slice %arg7[%dma_start3A_855, %dma_start3A_857, %dma_start3A_858] : memref<8x112x64xf32, #tpu.memory_space<vmem>> -> memref<1x26x64xf32, #tpu.memory_space<vmem>>
        %dma_start3A_860 = tpu.memref_squeeze %dma_start3A_859 : memref<1x26x64xf32, #tpu.memory_space<vmem>> -> memref<26x64xf32, #tpu.memory_space<vmem>>
        %dma_start3A_861 = arith.constant 0 : i32
        %dma_start3A_862 = arith.constant 0 : i32
        %dma_start3A_863 = tpu.memref_slice %arg4[%add3A_854, %dma_start3A_861, %dma_start3A_862] : memref<16384x32x128xf32, #tpu.memory_space<hbm>> -> memref<1x26x64xf32, #tpu.memory_space<hbm>>
        %dma_start3A_864 = tpu.memref_squeeze %dma_start3A_863 : memref<1x26x64xf32, #tpu.memory_space<hbm>> -> memref<26x64xf32, #tpu.memory_space<hbm>>
        %dma_start3A_865 = tpu.memref_slice %arg9[%dma_start3A_856] : memref<8x!tpu.dma_semaphore, #tpu.memory_space<semaphore_mem>> -> memref<1x!tpu.dma_semaphore, #tpu.memory_space<semaphore_mem>>
        %dma_start3A_866 = tpu.memref_squeeze %dma_start3A_865 : memref<1x!tpu.dma_semaphore, #tpu.memory_space<semaphore_mem>> -> memref<!tpu.dma_semaphore, #tpu.memory_space<semaphore_mem>>
        %dma_start3A_867 = arith.constant 0 : i32
        %dma_start3A_868 = arith.constant 0 : i32
        %dma_start3A_869 = tpu.memref_slice %arg4[%add3A_854, %dma_start3A_867, %dma_start3A_868] : memref<16384x32x128xf32, #tpu.memory_space<hbm>> -> memref<1x26x64xf32, #tpu.memory_space<hbm>>
        %dma_start3A_870 = tpu.memref_squeeze %dma_start3A_869 : memref<1x26x64xf32, #tpu.memory_space<hbm>> -> memref<26x64xf32, #tpu.memory_space<hbm>>
        %dma_start3A_871 = arith.constant 52 : i32
        %dma_start3A_872 = arith.constant 0 : i32
        %dma_start3A_873 = tpu.memref_slice %arg7[%dma_start3A_855, %dma_start3A_871, %dma_start3A_872] : memref<8x112x64xf32, #tpu.memory_space<vmem>> -> memref<1x26x64xf32, #tpu.memory_space<vmem>>
        %dma_start3A_874 = tpu.memref_squeeze %dma_start3A_873 : memref<1x26x64xf32, #tpu.memory_space<vmem>> -> memref<26x64xf32, #tpu.memory_space<vmem>>
        tpu.enqueue_dma source(%dma_start3A_874 : memref<26x64xf32, #tpu.memory_space<vmem>>) target(%dma_start3A_870 : memref<26x64xf32, #tpu.memory_space<hbm>>) target_semaphore(%dma_start3A_866 : memref<!tpu.dma_semaphore, #tpu.memory_space<semaphore_mem>>)
        %mul3A_875 = arith.constant 4 : i32
        %mul3A_876 = arith.muli %sub3A_709, %mul3A_875 : i32
        %add3A_877 = arith.addi %mul3A_2, %mul3A_876 : i32
        %add3A_878 = arith.constant 3 : i32
        %add3A_879 = arith.addi %add3A_877, %add3A_878 : i32
        %dma_start3A_880 = arith.constant 7 : i32
        %dma_start3A_881 = arith.constant 7 : i32
        %dma_start3A_882 = arith.constant 78 : i32
        %dma_start3A_883 = arith.constant 0 : i32
        %dma_start3A_884 = tpu.memref_slice %arg7[%dma_start3A_880, %dma_start3A_882, %dma_start3A_883] : memref<8x112x64xf32, #tpu.memory_space<vmem>> -> memref<1x26x64xf32, #tpu.memory_space<vmem>>
        %dma_start3A_885 = tpu.memref_squeeze %dma_start3A_884 : memref<1x26x64xf32, #tpu.memory_space<vmem>> -> memref<26x64xf32, #tpu.memory_space<vmem>>
        %dma_start3A_886 = arith.constant 0 : i32
        %dma_start3A_887 = arith.constant 0 : i32
        %dma_start3A_888 = tpu.memref_slice %arg4[%add3A_879, %dma_start3A_886, %dma_start3A_887] : memref<16384x32x128xf32, #tpu.memory_space<hbm>> -> memref<1x26x64xf32, #tpu.memory_space<hbm>>
        %dma_start3A_889 = tpu.memref_squeeze %dma_start3A_888 : memref<1x26x64xf32, #tpu.memory_space<hbm>> -> memref<26x64xf32, #tpu.memory_space<hbm>>
        %dma_start3A_890 = tpu.memref_slice %arg9[%dma_start3A_881] : memref<8x!tpu.dma_semaphore, #tpu.memory_space<semaphore_mem>> -> memref<1x!tpu.dma_semaphore, #tpu.memory_space<semaphore_mem>>
        %dma_start3A_891 = tpu.memref_squeeze %dma_start3A_890 : memref<1x!tpu.dma_semaphore, #tpu.memory_space<semaphore_mem>> -> memref<!tpu.dma_semaphore, #tpu.memory_space<semaphore_mem>>
        %dma_start3A_892 = arith.constant 0 : i32
        %dma_start3A_893 = arith.constant 0 : i32
        %dma_start3A_894 = tpu.memref_slice %arg4[%add3A_879, %dma_start3A_892, %dma_start3A_893] : memref<16384x32x128xf32, #tpu.memory_space<hbm>> -> memref<1x26x64xf32, #tpu.memory_space<hbm>>
        %dma_start3A_895 = tpu.memref_squeeze %dma_start3A_894 : memref<1x26x64xf32, #tpu.memory_space<hbm>> -> memref<26x64xf32, #tpu.memory_space<hbm>>
        %dma_start3A_896 = arith.constant 78 : i32
        %dma_start3A_897 = arith.constant 0 : i32
        %dma_start3A_898 = tpu.memref_slice %arg7[%dma_start3A_880, %dma_start3A_896, %dma_start3A_897] : memref<8x112x64xf32, #tpu.memory_space<vmem>> -> memref<1x26x64xf32, #tpu.memory_space<vmem>>
        %dma_start3A_899 = tpu.memref_squeeze %dma_start3A_898 : memref<1x26x64xf32, #tpu.memory_space<vmem>> -> memref<26x64xf32, #tpu.memory_space<vmem>>
        tpu.enqueue_dma source(%dma_start3A_899 : memref<26x64xf32, #tpu.memory_space<vmem>>) target(%dma_start3A_895 : memref<26x64xf32, #tpu.memory_space<hbm>>) target_semaphore(%dma_start3A_891 : memref<!tpu.dma_semaphore, #tpu.memory_space<semaphore_mem>>)
      } else {
      }
      %add3A_718 = arith.constant 4 : i32
      %add3A_719 = arith.addi %add3A_655, %add3A_718 : i32
      %lt3A_720 = arith.constant 128 : i32
      %lt3A_721 = arith.cmpi slt, %add3A_719, %lt3A_720 : i32
      %convert_element_type3A_722 = arith.extui %lt3A_721 : i1 to i32
      %cond3A_723 = arith.constant 0 : i32
      %cond3A_724 = arith.cmpi ne, %convert_element_type3A_722, %cond3A_723 : i32
      scf.if %cond3A_724 {
        %ge3A_786 = arith.constant 8 : i32
        %ge3A_787 = arith.cmpi sge, %add3A_719, %ge3A_786 : i32
        %convert_element_type3A_788 = arith.extui %ge3A_787 : i1 to i32
        %cond3A_789 = arith.constant 0 : i32
        %cond3A_790 = arith.cmpi ne, %convert_element_type3A_788, %cond3A_789 : i32
        scf.if %cond3A_790 {
          %dma_wait3A_804 = arith.constant 4 : i32
          %dma_wait3A_805 = arith.constant 4 : i32
          %dma_wait3A_806 = arith.constant 0 : i32
          %dma_wait3A_807 = arith.constant 0 : i32
          %dma_wait3A_808 = tpu.memref_slice %arg7[%dma_wait3A_804, %dma_wait3A_806, %dma_wait3A_807] : memref<8x112x64xf32, #tpu.memory_space<vmem>> -> memref<1x26x64xf32, #tpu.memory_space<vmem>>
          %dma_wait3A_809 = tpu.memref_squeeze %dma_wait3A_808 : memref<1x26x64xf32, #tpu.memory_space<vmem>> -> memref<26x64xf32, #tpu.memory_space<vmem>>
          %dma_wait3A_810 = arith.constant 0 : i32
          %dma_wait3A_811 = arith.constant 0 : i32
          %dma_wait3A_812 = tpu.memref_slice %arg4[%mul3A_2, %dma_wait3A_810, %dma_wait3A_811] : memref<16384x32x128xf32, #tpu.memory_space<hbm>> -> memref<1x26x64xf32, #tpu.memory_space<hbm>>
          %dma_wait3A_813 = tpu.memref_squeeze %dma_wait3A_812 : memref<1x26x64xf32, #tpu.memory_space<hbm>> -> memref<26x64xf32, #tpu.memory_space<hbm>>
          %dma_wait3A_814 = tpu.memref_slice %arg9[%dma_wait3A_805] : memref<8x!tpu.dma_semaphore, #tpu.memory_space<semaphore_mem>> -> memref<1x!tpu.dma_semaphore, #tpu.memory_space<semaphore_mem>>
          %dma_wait3A_815 = tpu.memref_squeeze %dma_wait3A_814 : memref<1x!tpu.dma_semaphore, #tpu.memory_space<semaphore_mem>> -> memref<!tpu.dma_semaphore, #tpu.memory_space<semaphore_mem>>
          %dma_wait3A_816 = arith.constant 0 : i32
          %dma_wait3A_817 = arith.constant 0 : i32
          %dma_wait3A_818 = tpu.memref_slice %arg4[%mul3A_2, %dma_wait3A_816, %dma_wait3A_817] : memref<16384x32x128xf32, #tpu.memory_space<hbm>> -> memref<1x26x64xf32, #tpu.memory_space<hbm>>
          %dma_wait3A_819 = tpu.memref_squeeze %dma_wait3A_818 : memref<1x26x64xf32, #tpu.memory_space<hbm>> -> memref<26x64xf32, #tpu.memory_space<hbm>>
          %dma_wait3A_820 = arith.constant 0 : i32
          %dma_wait3A_821 = arith.constant 0 : i32
          %dma_wait3A_822 = tpu.memref_slice %arg7[%dma_wait3A_804, %dma_wait3A_820, %dma_wait3A_821] : memref<8x112x64xf32, #tpu.memory_space<vmem>> -> memref<1x26x64xf32, #tpu.memory_space<vmem>>
          %dma_wait3A_823 = tpu.memref_squeeze %dma_wait3A_822 : memref<1x26x64xf32, #tpu.memory_space<vmem>> -> memref<26x64xf32, #tpu.memory_space<vmem>>
          tpu.wait_dma2 semaphore(%dma_wait3A_815 : memref<!tpu.dma_semaphore, #tpu.memory_space<semaphore_mem>>) src(%dma_wait3A_823 : memref<26x64xf32, #tpu.memory_space<vmem>>) dst(%dma_wait3A_819 : memref<26x64xf32, #tpu.memory_space<hbm>>)
          %dma_wait3A_824 = arith.constant 4 : i32
          %dma_wait3A_825 = arith.constant 4 : i32
          %dma_wait3A_826 = arith.constant 26 : i32
          %dma_wait3A_827 = arith.constant 0 : i32
          %dma_wait3A_828 = tpu.memref_slice %arg7[%dma_wait3A_824, %dma_wait3A_826, %dma_wait3A_827] : memref<8x112x64xf32, #tpu.memory_space<vmem>> -> memref<1x26x64xf32, #tpu.memory_space<vmem>>
          %dma_wait3A_829 = tpu.memref_squeeze %dma_wait3A_828 : memref<1x26x64xf32, #tpu.memory_space<vmem>> -> memref<26x64xf32, #tpu.memory_space<vmem>>
          %dma_wait3A_830 = arith.constant 0 : i32
          %dma_wait3A_831 = arith.constant 0 : i32
          %dma_wait3A_832 = tpu.memref_slice %arg4[%mul3A_2, %dma_wait3A_830, %dma_wait3A_831] : memref<16384x32x128xf32, #tpu.memory_space<hbm>> -> memref<1x26x64xf32, #tpu.memory_space<hbm>>
          %dma_wait3A_833 = tpu.memref_squeeze %dma_wait3A_832 : memref<1x26x64xf32, #tpu.memory_space<hbm>> -> memref<26x64xf32, #tpu.memory_space<hbm>>
          %dma_wait3A_834 = tpu.memref_slice %arg9[%dma_wait3A_825] : memref<8x!tpu.dma_semaphore, #tpu.memory_space<semaphore_mem>> -> memref<1x!tpu.dma_semaphore, #tpu.memory_space<semaphore_mem>>
          %dma_wait3A_835 = tpu.memref_squeeze %dma_wait3A_834 : memref<1x!tpu.dma_semaphore, #tpu.memory_space<semaphore_mem>> -> memref<!tpu.dma_semaphore, #tpu.memory_space<semaphore_mem>>
          %dma_wait3A_836 = arith.constant 0 : i32
          %dma_wait3A_837 = arith.constant 0 : i32
          %dma_wait3A_838 = tpu.memref_slice %arg4[%mul3A_2, %dma_wait3A_836, %dma_wait3A_837] : memref<16384x32x128xf32, #tpu.memory_space<hbm>> -> memref<1x26x64xf32, #tpu.memory_space<hbm>>
          %dma_wait3A_839 = tpu.memref_squeeze %dma_wait3A_838 : memref<1x26x64xf32, #tpu.memory_space<hbm>> -> memref<26x64xf32, #tpu.memory_space<hbm>>
          %dma_wait3A_840 = arith.constant 26 : i32
          %dma_wait3A_841 = arith.constant 0 : i32
          %dma_wait3A_842 = tpu.memref_slice %arg7[%dma_wait3A_824, %dma_wait3A_840, %dma_wait3A_841] : memref<8x112x64xf32, #tpu.memory_space<vmem>> -> memref<1x26x64xf32, #tpu.memory_space<vmem>>
          %dma_wait3A_843 = tpu.memref_squeeze %dma_wait3A_842 : memref<1x26x64xf32, #tpu.memory_space<vmem>> -> memref<26x64xf32, #tpu.memory_space<vmem>>
          tpu.wait_dma2 semaphore(%dma_wait3A_835 : memref<!tpu.dma_semaphore, #tpu.memory_space<semaphore_mem>>) src(%dma_wait3A_843 : memref<26x64xf32, #tpu.memory_space<vmem>>) dst(%dma_wait3A_839 : memref<26x64xf32, #tpu.memory_space<hbm>>)
          %dma_wait3A_844 = arith.constant 4 : i32
          %dma_wait3A_845 = arith.constant 4 : i32
          %dma_wait3A_846 = arith.constant 52 : i32
          %dma_wait3A_847 = arith.constant 0 : i32
          %dma_wait3A_848 = tpu.memref_slice %arg7[%dma_wait3A_844, %dma_wait3A_846, %dma_wait3A_847] : memref<8x112x64xf32, #tpu.memory_space<vmem>> -> memref<1x26x64xf32, #tpu.memory_space<vmem>>
          %dma_wait3A_849 = tpu.memref_squeeze %dma_wait3A_848 : memref<1x26x64xf32, #tpu.memory_space<vmem>> -> memref<26x64xf32, #tpu.memory_space<vmem>>
          %dma_wait3A_850 = arith.constant 0 : i32
          %dma_wait3A_851 = arith.constant 0 : i32
          %dma_wait3A_852 = tpu.memref_slice %arg4[%mul3A_2, %dma_wait3A_850, %dma_wait3A_851] : memref<16384x32x128xf32, #tpu.memory_space<hbm>> -> memref<1x26x64xf32, #tpu.memory_space<hbm>>
          %dma_wait3A_853 = tpu.memref_squeeze %dma_wait3A_852 : memref<1x26x64xf32, #tpu.memory_space<hbm>> -> memref<26x64xf32, #tpu.memory_space<hbm>>
          %dma_wait3A_854 = tpu.memref_slice %arg9[%dma_wait3A_845] : memref<8x!tpu.dma_semaphore, #tpu.memory_space<semaphore_mem>> -> memref<1x!tpu.dma_semaphore, #tpu.memory_space<semaphore_mem>>
          %dma_wait3A_855 = tpu.memref_squeeze %dma_wait3A_854 : memref<1x!tpu.dma_semaphore, #tpu.memory_space<semaphore_mem>> -> memref<!tpu.dma_semaphore, #tpu.memory_space<semaphore_mem>>
          %dma_wait3A_856 = arith.constant 0 : i32
          %dma_wait3A_857 = arith.constant 0 : i32
          %dma_wait3A_858 = tpu.memref_slice %arg4[%mul3A_2, %dma_wait3A_856, %dma_wait3A_857] : memref<16384x32x128xf32, #tpu.memory_space<hbm>> -> memref<1x26x64xf32, #tpu.memory_space<hbm>>
          %dma_wait3A_859 = tpu.memref_squeeze %dma_wait3A_858 : memref<1x26x64xf32, #tpu.memory_space<hbm>> -> memref<26x64xf32, #tpu.memory_space<hbm>>
          %dma_wait3A_860 = arith.constant 52 : i32
          %dma_wait3A_861 = arith.constant 0 : i32
          %dma_wait3A_862 = tpu.memref_slice %arg7[%dma_wait3A_844, %dma_wait3A_860, %dma_wait3A_861] : memref<8x112x64xf32, #tpu.memory_space<vmem>> -> memref<1x26x64xf32, #tpu.memory_space<vmem>>
          %dma_wait3A_863 = tpu.memref_squeeze %dma_wait3A_862 : memref<1x26x64xf32, #tpu.memory_space<vmem>> -> memref<26x64xf32, #tpu.memory_space<vmem>>
          tpu.wait_dma2 semaphore(%dma_wait3A_855 : memref<!tpu.dma_semaphore, #tpu.memory_space<semaphore_mem>>) src(%dma_wait3A_863 : memref<26x64xf32, #tpu.memory_space<vmem>>) dst(%dma_wait3A_859 : memref<26x64xf32, #tpu.memory_space<hbm>>)
          %dma_wait3A_864 = arith.constant 4 : i32
          %dma_wait3A_865 = arith.constant 4 : i32
          %dma_wait3A_866 = arith.constant 78 : i32
          %dma_wait3A_867 = arith.constant 0 : i32
          %dma_wait3A_868 = tpu.memref_slice %arg7[%dma_wait3A_864, %dma_wait3A_866, %dma_wait3A_867] : memref<8x112x64xf32, #tpu.memory_space<vmem>> -> memref<1x26x64xf32, #tpu.memory_space<vmem>>
          %dma_wait3A_869 = tpu.memref_squeeze %dma_wait3A_868 : memref<1x26x64xf32, #tpu.memory_space<vmem>> -> memref<26x64xf32, #tpu.memory_space<vmem>>
          %dma_wait3A_870 = arith.constant 0 : i32
          %dma_wait3A_871 = arith.constant 0 : i32
          %dma_wait3A_872 = tpu.memref_slice %arg4[%mul3A_2, %dma_wait3A_870, %dma_wait3A_871] : memref<16384x32x128xf32, #tpu.memory_space<hbm>> -> memref<1x26x64xf32, #tpu.memory_space<hbm>>
          %dma_wait3A_873 = tpu.memref_squeeze %dma_wait3A_872 : memref<1x26x64xf32, #tpu.memory_space<hbm>> -> memref<26x64xf32, #tpu.memory_space<hbm>>
          %dma_wait3A_874 = tpu.memref_slice %arg9[%dma_wait3A_865] : memref<8x!tpu.dma_semaphore, #tpu.memory_space<semaphore_mem>> -> memref<1x!tpu.dma_semaphore, #tpu.memory_space<semaphore_mem>>
          %dma_wait3A_875 = tpu.memref_squeeze %dma_wait3A_874 : memref<1x!tpu.dma_semaphore, #tpu.memory_space<semaphore_mem>> -> memref<!tpu.dma_semaphore, #tpu.memory_space<semaphore_mem>>
          %dma_wait3A_876 = arith.constant 0 : i32
          %dma_wait3A_877 = arith.constant 0 : i32
          %dma_wait3A_878 = tpu.memref_slice %arg4[%mul3A_2, %dma_wait3A_876, %dma_wait3A_877] : memref<16384x32x128xf32, #tpu.memory_space<hbm>> -> memref<1x26x64xf32, #tpu.memory_space<hbm>>
          %dma_wait3A_879 = tpu.memref_squeeze %dma_wait3A_878 : memref<1x26x64xf32, #tpu.memory_space<hbm>> -> memref<26x64xf32, #tpu.memory_space<hbm>>
          %dma_wait3A_880 = arith.constant 78 : i32
          %dma_wait3A_881 = arith.constant 0 : i32
          %dma_wait3A_882 = tpu.memref_slice %arg7[%dma_wait3A_864, %dma_wait3A_880, %dma_wait3A_881] : memref<8x112x64xf32, #tpu.memory_space<vmem>> -> memref<1x26x64xf32, #tpu.memory_space<vmem>>
          %dma_wait3A_883 = tpu.memref_squeeze %dma_wait3A_882 : memref<1x26x64xf32, #tpu.memory_space<vmem>> -> memref<26x64xf32, #tpu.memory_space<vmem>>
          tpu.wait_dma2 semaphore(%dma_wait3A_875 : memref<!tpu.dma_semaphore, #tpu.memory_space<semaphore_mem>>) src(%dma_wait3A_883 : memref<26x64xf32, #tpu.memory_space<vmem>>) dst(%dma_wait3A_879 : memref<26x64xf32, #tpu.memory_space<hbm>>)
        } else {
        }
        %dma_start3A = arith.constant 4 : i32
        %dma_start3A_791 = arith.constant 4 : i32
        %dma_start3A_792 = arith.constant 0 : i32
        %dma_start3A_793 = arith.constant 0 : i32
        %dma_start3A_794 = tpu.memref_slice %arg7[%dma_start3A, %dma_start3A_792, %dma_start3A_793] : memref<8x112x64xf32, #tpu.memory_space<vmem>> -> memref<1x112x64xf32, #tpu.memory_space<vmem>>
        %dma_start3A_795 = tpu.memref_squeeze %dma_start3A_794 : memref<1x112x64xf32, #tpu.memory_space<vmem>> -> memref<112x64xf32, #tpu.memory_space<vmem>>
        %dma_start3A_796 = arith.constant 0 : i32
        %dma_start3A_797 = tpu.memref_slice %arg6[%add3A_719, %dma_start3A_796] : memref<128x112xi32, #tpu.memory_space<vmem>> -> memref<1x112xi32, #tpu.memory_space<vmem>>
        %dma_start3A_798 = tpu.memref_squeeze %dma_start3A_797 : memref<1x112xi32, #tpu.memory_space<vmem>> -> memref<112xi32, #tpu.memory_space<vmem>>
        %dma_start3A_799 = arith.constant 0 : i32
        %dma_start3A_800 = arith.constant 0 : i32
        %dma_start3A_801 = tpu.memref_slice %arg3[%dma_start3A_799, %dma_start3A_800] : memref<1000000x64xf32, #tpu.memory_space<hbm>> -> memref<1000000x64xf32, #tpu.memory_space<hbm>>
        %dma_start3A_802 = tpu.memref_slice %arg8[%dma_start3A_791] : memref<8x!tpu.dma_semaphore, #tpu.memory_space<semaphore_mem>> -> memref<1x!tpu.dma_semaphore, #tpu.memory_space<semaphore_mem>>
        %dma_start3A_803 = tpu.memref_squeeze %dma_start3A_802 : memref<1x!tpu.dma_semaphore, #tpu.memory_space<semaphore_mem>> -> memref<!tpu.dma_semaphore, #tpu.memory_space<semaphore_mem>>
        tpu.enqueue_indirect_dma source(%dma_start3A_801 : memref<1000000x64xf32, #tpu.memory_space<hbm>>) target(%dma_start3A_795 : memref<112x64xf32, #tpu.memory_space<vmem>>) offsets(%dma_start3A_798 : memref<112xi32, #tpu.memory_space<vmem>>) semaphore(%dma_start3A_803 : memref<!tpu.dma_semaphore, #tpu.memory_space<semaphore_mem>>)
      } else {
      }
      %sub3A_725 = arith.constant 4 : i32
      %sub3A_726 = arith.subi %add3A_719, %sub3A_725 : i32
      %ge3A_727 = arith.constant 0 : i32
      %ge3A_728 = arith.cmpi sge, %sub3A_726, %ge3A_727 : i32
      %lt3A_729 = arith.constant 128 : i32
      %lt3A_730 = arith.cmpi slt, %sub3A_726, %lt3A_729 : i32
      %and3A_731 = arith.andi %ge3A_728, %lt3A_730 : i1
      %convert_element_type3A_732 = arith.extui %and3A_731 : i1 to i32
      %cond3A_733 = arith.constant 0 : i32
      %cond3A_734 = arith.cmpi ne, %convert_element_type3A_732, %cond3A_733 : i32
      scf.if %cond3A_734 {
        %dma_wait3A_786 = arith.constant 0 : i32
        %dma_wait3A_787 = arith.constant 0 : i32
        %dma_wait3A_788 = arith.constant 0 : i32
        %dma_wait3A_789 = arith.constant 0 : i32
        %dma_wait3A_790 = arith.constant 0 : i32
        %dma_wait3A_791 = tpu.memref_slice %arg7[%dma_wait3A_787, %dma_wait3A_789, %dma_wait3A_790] : memref<8x112x64xf32, #tpu.memory_space<vmem>> -> memref<1x112x64xf32, #tpu.memory_space<vmem>>
        %dma_wait3A_792 = tpu.memref_squeeze %dma_wait3A_791 : memref<1x112x64xf32, #tpu.memory_space<vmem>> -> memref<112x64xf32, #tpu.memory_space<vmem>>
        %dma_wait3A_793 = arith.constant 0 : i32
        %dma_wait3A_794 = tpu.memref_slice %arg6[%dma_wait3A_786, %dma_wait3A_793] : memref<128x112xi32, #tpu.memory_space<vmem>> -> memref<1x112xi32, #tpu.memory_space<vmem>>
        %dma_wait3A_795 = tpu.memref_squeeze %dma_wait3A_794 : memref<1x112xi32, #tpu.memory_space<vmem>> -> memref<112xi32, #tpu.memory_space<vmem>>
        %dma_wait3A_796 = arith.constant 0 : i32
        %dma_wait3A_797 = arith.constant 0 : i32
        %dma_wait3A_798 = tpu.memref_slice %arg3[%dma_wait3A_796, %dma_wait3A_797] : memref<1000000x64xf32, #tpu.memory_space<hbm>> -> memref<1000000x64xf32, #tpu.memory_space<hbm>>
        %dma_wait3A_799 = tpu.memref_slice %arg8[%dma_wait3A_788] : memref<8x!tpu.dma_semaphore, #tpu.memory_space<semaphore_mem>> -> memref<1x!tpu.dma_semaphore, #tpu.memory_space<semaphore_mem>>
        %dma_wait3A_800 = tpu.memref_squeeze %dma_wait3A_799 : memref<1x!tpu.dma_semaphore, #tpu.memory_space<semaphore_mem>> -> memref<!tpu.dma_semaphore, #tpu.memory_space<semaphore_mem>>
        tpu.wait_indirect_dma semaphore(%dma_wait3A_800 : memref<!tpu.dma_semaphore, #tpu.memory_space<semaphore_mem>>) src(%dma_wait3A_798 : memref<1000000x64xf32, #tpu.memory_space<hbm>>) dst(%dma_wait3A_792 : memref<112x64xf32, #tpu.memory_space<vmem>>)
        %mul3A_801 = arith.constant 4 : i32
        %mul3A_802 = arith.muli %sub3A_726, %mul3A_801 : i32
        %add3A_803 = arith.addi %mul3A_2, %mul3A_802 : i32
        %add3A_804 = arith.constant 0 : i32
        %add3A_805 = arith.addi %add3A_803, %add3A_804 : i32
        %dma_start3A = arith.constant 0 : i32
        %dma_start3A_806 = arith.constant 0 : i32
        %dma_start3A_807 = arith.constant 0 : i32
        %dma_start3A_808 = arith.constant 0 : i32
        %dma_start3A_809 = tpu.memref_slice %arg7[%dma_start3A, %dma_start3A_807, %dma_start3A_808] : memref<8x112x64xf32, #tpu.memory_space<vmem>> -> memref<1x26x64xf32, #tpu.memory_space<vmem>>
        %dma_start3A_810 = tpu.memref_squeeze %dma_start3A_809 : memref<1x26x64xf32, #tpu.memory_space<vmem>> -> memref<26x64xf32, #tpu.memory_space<vmem>>
        %dma_start3A_811 = arith.constant 0 : i32
        %dma_start3A_812 = arith.constant 0 : i32
        %dma_start3A_813 = tpu.memref_slice %arg4[%add3A_805, %dma_start3A_811, %dma_start3A_812] : memref<16384x32x128xf32, #tpu.memory_space<hbm>> -> memref<1x26x64xf32, #tpu.memory_space<hbm>>
        %dma_start3A_814 = tpu.memref_squeeze %dma_start3A_813 : memref<1x26x64xf32, #tpu.memory_space<hbm>> -> memref<26x64xf32, #tpu.memory_space<hbm>>
        %dma_start3A_815 = tpu.memref_slice %arg9[%dma_start3A_806] : memref<8x!tpu.dma_semaphore, #tpu.memory_space<semaphore_mem>> -> memref<1x!tpu.dma_semaphore, #tpu.memory_space<semaphore_mem>>
        %dma_start3A_816 = tpu.memref_squeeze %dma_start3A_815 : memref<1x!tpu.dma_semaphore, #tpu.memory_space<semaphore_mem>> -> memref<!tpu.dma_semaphore, #tpu.memory_space<semaphore_mem>>
        %dma_start3A_817 = arith.constant 0 : i32
        %dma_start3A_818 = arith.constant 0 : i32
        %dma_start3A_819 = tpu.memref_slice %arg4[%add3A_805, %dma_start3A_817, %dma_start3A_818] : memref<16384x32x128xf32, #tpu.memory_space<hbm>> -> memref<1x26x64xf32, #tpu.memory_space<hbm>>
        %dma_start3A_820 = tpu.memref_squeeze %dma_start3A_819 : memref<1x26x64xf32, #tpu.memory_space<hbm>> -> memref<26x64xf32, #tpu.memory_space<hbm>>
        %dma_start3A_821 = arith.constant 0 : i32
        %dma_start3A_822 = arith.constant 0 : i32
        %dma_start3A_823 = tpu.memref_slice %arg7[%dma_start3A, %dma_start3A_821, %dma_start3A_822] : memref<8x112x64xf32, #tpu.memory_space<vmem>> -> memref<1x26x64xf32, #tpu.memory_space<vmem>>
        %dma_start3A_824 = tpu.memref_squeeze %dma_start3A_823 : memref<1x26x64xf32, #tpu.memory_space<vmem>> -> memref<26x64xf32, #tpu.memory_space<vmem>>
        tpu.enqueue_dma source(%dma_start3A_824 : memref<26x64xf32, #tpu.memory_space<vmem>>) target(%dma_start3A_820 : memref<26x64xf32, #tpu.memory_space<hbm>>) target_semaphore(%dma_start3A_816 : memref<!tpu.dma_semaphore, #tpu.memory_space<semaphore_mem>>)
        %mul3A_825 = arith.constant 4 : i32
        %mul3A_826 = arith.muli %sub3A_726, %mul3A_825 : i32
        %add3A_827 = arith.addi %mul3A_2, %mul3A_826 : i32
        %add3A_828 = arith.constant 1 : i32
        %add3A_829 = arith.addi %add3A_827, %add3A_828 : i32
        %dma_start3A_830 = arith.constant 0 : i32
        %dma_start3A_831 = arith.constant 0 : i32
        %dma_start3A_832 = arith.constant 26 : i32
        %dma_start3A_833 = arith.constant 0 : i32
        %dma_start3A_834 = tpu.memref_slice %arg7[%dma_start3A_830, %dma_start3A_832, %dma_start3A_833] : memref<8x112x64xf32, #tpu.memory_space<vmem>> -> memref<1x26x64xf32, #tpu.memory_space<vmem>>
        %dma_start3A_835 = tpu.memref_squeeze %dma_start3A_834 : memref<1x26x64xf32, #tpu.memory_space<vmem>> -> memref<26x64xf32, #tpu.memory_space<vmem>>
        %dma_start3A_836 = arith.constant 0 : i32
        %dma_start3A_837 = arith.constant 0 : i32
        %dma_start3A_838 = tpu.memref_slice %arg4[%add3A_829, %dma_start3A_836, %dma_start3A_837] : memref<16384x32x128xf32, #tpu.memory_space<hbm>> -> memref<1x26x64xf32, #tpu.memory_space<hbm>>
        %dma_start3A_839 = tpu.memref_squeeze %dma_start3A_838 : memref<1x26x64xf32, #tpu.memory_space<hbm>> -> memref<26x64xf32, #tpu.memory_space<hbm>>
        %dma_start3A_840 = tpu.memref_slice %arg9[%dma_start3A_831] : memref<8x!tpu.dma_semaphore, #tpu.memory_space<semaphore_mem>> -> memref<1x!tpu.dma_semaphore, #tpu.memory_space<semaphore_mem>>
        %dma_start3A_841 = tpu.memref_squeeze %dma_start3A_840 : memref<1x!tpu.dma_semaphore, #tpu.memory_space<semaphore_mem>> -> memref<!tpu.dma_semaphore, #tpu.memory_space<semaphore_mem>>
        %dma_start3A_842 = arith.constant 0 : i32
        %dma_start3A_843 = arith.constant 0 : i32
        %dma_start3A_844 = tpu.memref_slice %arg4[%add3A_829, %dma_start3A_842, %dma_start3A_843] : memref<16384x32x128xf32, #tpu.memory_space<hbm>> -> memref<1x26x64xf32, #tpu.memory_space<hbm>>
        %dma_start3A_845 = tpu.memref_squeeze %dma_start3A_844 : memref<1x26x64xf32, #tpu.memory_space<hbm>> -> memref<26x64xf32, #tpu.memory_space<hbm>>
        %dma_start3A_846 = arith.constant 26 : i32
        %dma_start3A_847 = arith.constant 0 : i32
        %dma_start3A_848 = tpu.memref_slice %arg7[%dma_start3A_830, %dma_start3A_846, %dma_start3A_847] : memref<8x112x64xf32, #tpu.memory_space<vmem>> -> memref<1x26x64xf32, #tpu.memory_space<vmem>>
        %dma_start3A_849 = tpu.memref_squeeze %dma_start3A_848 : memref<1x26x64xf32, #tpu.memory_space<vmem>> -> memref<26x64xf32, #tpu.memory_space<vmem>>
        tpu.enqueue_dma source(%dma_start3A_849 : memref<26x64xf32, #tpu.memory_space<vmem>>) target(%dma_start3A_845 : memref<26x64xf32, #tpu.memory_space<hbm>>) target_semaphore(%dma_start3A_841 : memref<!tpu.dma_semaphore, #tpu.memory_space<semaphore_mem>>)
        %mul3A_850 = arith.constant 4 : i32
        %mul3A_851 = arith.muli %sub3A_726, %mul3A_850 : i32
        %add3A_852 = arith.addi %mul3A_2, %mul3A_851 : i32
        %add3A_853 = arith.constant 2 : i32
        %add3A_854 = arith.addi %add3A_852, %add3A_853 : i32
        %dma_start3A_855 = arith.constant 0 : i32
        %dma_start3A_856 = arith.constant 0 : i32
        %dma_start3A_857 = arith.constant 52 : i32
        %dma_start3A_858 = arith.constant 0 : i32
        %dma_start3A_859 = tpu.memref_slice %arg7[%dma_start3A_855, %dma_start3A_857, %dma_start3A_858] : memref<8x112x64xf32, #tpu.memory_space<vmem>> -> memref<1x26x64xf32, #tpu.memory_space<vmem>>
        %dma_start3A_860 = tpu.memref_squeeze %dma_start3A_859 : memref<1x26x64xf32, #tpu.memory_space<vmem>> -> memref<26x64xf32, #tpu.memory_space<vmem>>
        %dma_start3A_861 = arith.constant 0 : i32
        %dma_start3A_862 = arith.constant 0 : i32
        %dma_start3A_863 = tpu.memref_slice %arg4[%add3A_854, %dma_start3A_861, %dma_start3A_862] : memref<16384x32x128xf32, #tpu.memory_space<hbm>> -> memref<1x26x64xf32, #tpu.memory_space<hbm>>
        %dma_start3A_864 = tpu.memref_squeeze %dma_start3A_863 : memref<1x26x64xf32, #tpu.memory_space<hbm>> -> memref<26x64xf32, #tpu.memory_space<hbm>>
        %dma_start3A_865 = tpu.memref_slice %arg9[%dma_start3A_856] : memref<8x!tpu.dma_semaphore, #tpu.memory_space<semaphore_mem>> -> memref<1x!tpu.dma_semaphore, #tpu.memory_space<semaphore_mem>>
        %dma_start3A_866 = tpu.memref_squeeze %dma_start3A_865 : memref<1x!tpu.dma_semaphore, #tpu.memory_space<semaphore_mem>> -> memref<!tpu.dma_semaphore, #tpu.memory_space<semaphore_mem>>
        %dma_start3A_867 = arith.constant 0 : i32
        %dma_start3A_868 = arith.constant 0 : i32
        %dma_start3A_869 = tpu.memref_slice %arg4[%add3A_854, %dma_start3A_867, %dma_start3A_868] : memref<16384x32x128xf32, #tpu.memory_space<hbm>> -> memref<1x26x64xf32, #tpu.memory_space<hbm>>
        %dma_start3A_870 = tpu.memref_squeeze %dma_start3A_869 : memref<1x26x64xf32, #tpu.memory_space<hbm>> -> memref<26x64xf32, #tpu.memory_space<hbm>>
        %dma_start3A_871 = arith.constant 52 : i32
        %dma_start3A_872 = arith.constant 0 : i32
        %dma_start3A_873 = tpu.memref_slice %arg7[%dma_start3A_855, %dma_start3A_871, %dma_start3A_872] : memref<8x112x64xf32, #tpu.memory_space<vmem>> -> memref<1x26x64xf32, #tpu.memory_space<vmem>>
        %dma_start3A_874 = tpu.memref_squeeze %dma_start3A_873 : memref<1x26x64xf32, #tpu.memory_space<vmem>> -> memref<26x64xf32, #tpu.memory_space<vmem>>
        tpu.enqueue_dma source(%dma_start3A_874 : memref<26x64xf32, #tpu.memory_space<vmem>>) target(%dma_start3A_870 : memref<26x64xf32, #tpu.memory_space<hbm>>) target_semaphore(%dma_start3A_866 : memref<!tpu.dma_semaphore, #tpu.memory_space<semaphore_mem>>)
        %mul3A_875 = arith.constant 4 : i32
        %mul3A_876 = arith.muli %sub3A_726, %mul3A_875 : i32
        %add3A_877 = arith.addi %mul3A_2, %mul3A_876 : i32
        %add3A_878 = arith.constant 3 : i32
        %add3A_879 = arith.addi %add3A_877, %add3A_878 : i32
        %dma_start3A_880 = arith.constant 0 : i32
        %dma_start3A_881 = arith.constant 0 : i32
        %dma_start3A_882 = arith.constant 78 : i32
        %dma_start3A_883 = arith.constant 0 : i32
        %dma_start3A_884 = tpu.memref_slice %arg7[%dma_start3A_880, %dma_start3A_882, %dma_start3A_883] : memref<8x112x64xf32, #tpu.memory_space<vmem>> -> memref<1x26x64xf32, #tpu.memory_space<vmem>>
        %dma_start3A_885 = tpu.memref_squeeze %dma_start3A_884 : memref<1x26x64xf32, #tpu.memory_space<vmem>> -> memref<26x64xf32, #tpu.memory_space<vmem>>
        %dma_start3A_886 = arith.constant 0 : i32
        %dma_start3A_887 = arith.constant 0 : i32
        %dma_start3A_888 = tpu.memref_slice %arg4[%add3A_879, %dma_start3A_886, %dma_start3A_887] : memref<16384x32x128xf32, #tpu.memory_space<hbm>> -> memref<1x26x64xf32, #tpu.memory_space<hbm>>
        %dma_start3A_889 = tpu.memref_squeeze %dma_start3A_888 : memref<1x26x64xf32, #tpu.memory_space<hbm>> -> memref<26x64xf32, #tpu.memory_space<hbm>>
        %dma_start3A_890 = tpu.memref_slice %arg9[%dma_start3A_881] : memref<8x!tpu.dma_semaphore, #tpu.memory_space<semaphore_mem>> -> memref<1x!tpu.dma_semaphore, #tpu.memory_space<semaphore_mem>>
        %dma_start3A_891 = tpu.memref_squeeze %dma_start3A_890 : memref<1x!tpu.dma_semaphore, #tpu.memory_space<semaphore_mem>> -> memref<!tpu.dma_semaphore, #tpu.memory_space<semaphore_mem>>
        %dma_start3A_892 = arith.constant 0 : i32
        %dma_start3A_893 = arith.constant 0 : i32
        %dma_start3A_894 = tpu.memref_slice %arg4[%add3A_879, %dma_start3A_892, %dma_start3A_893] : memref<16384x32x128xf32, #tpu.memory_space<hbm>> -> memref<1x26x64xf32, #tpu.memory_space<hbm>>
        %dma_start3A_895 = tpu.memref_squeeze %dma_start3A_894 : memref<1x26x64xf32, #tpu.memory_space<hbm>> -> memref<26x64xf32, #tpu.memory_space<hbm>>
        %dma_start3A_896 = arith.constant 78 : i32
        %dma_start3A_897 = arith.constant 0 : i32
        %dma_start3A_898 = tpu.memref_slice %arg7[%dma_start3A_880, %dma_start3A_896, %dma_start3A_897] : memref<8x112x64xf32, #tpu.memory_space<vmem>> -> memref<1x26x64xf32, #tpu.memory_space<vmem>>
        %dma_start3A_899 = tpu.memref_squeeze %dma_start3A_898 : memref<1x26x64xf32, #tpu.memory_space<vmem>> -> memref<26x64xf32, #tpu.memory_space<vmem>>
        tpu.enqueue_dma source(%dma_start3A_899 : memref<26x64xf32, #tpu.memory_space<vmem>>) target(%dma_start3A_895 : memref<26x64xf32, #tpu.memory_space<hbm>>) target_semaphore(%dma_start3A_891 : memref<!tpu.dma_semaphore, #tpu.memory_space<semaphore_mem>>)
      } else {
      }
      %add3A_735 = arith.constant 5 : i32
      %add3A_736 = arith.addi %add3A_655, %add3A_735 : i32
      %lt3A_737 = arith.constant 128 : i32
      %lt3A_738 = arith.cmpi slt, %add3A_736, %lt3A_737 : i32
      %convert_element_type3A_739 = arith.extui %lt3A_738 : i1 to i32
      %cond3A_740 = arith.constant 0 : i32
      %cond3A_741 = arith.cmpi ne, %convert_element_type3A_739, %cond3A_740 : i32
      scf.if %cond3A_741 {
        %ge3A_786 = arith.constant 8 : i32
        %ge3A_787 = arith.cmpi sge, %add3A_736, %ge3A_786 : i32
        %convert_element_type3A_788 = arith.extui %ge3A_787 : i1 to i32
        %cond3A_789 = arith.constant 0 : i32
        %cond3A_790 = arith.cmpi ne, %convert_element_type3A_788, %cond3A_789 : i32
        scf.if %cond3A_790 {
          %dma_wait3A_804 = arith.constant 5 : i32
          %dma_wait3A_805 = arith.constant 5 : i32
          %dma_wait3A_806 = arith.constant 0 : i32
          %dma_wait3A_807 = arith.constant 0 : i32
          %dma_wait3A_808 = tpu.memref_slice %arg7[%dma_wait3A_804, %dma_wait3A_806, %dma_wait3A_807] : memref<8x112x64xf32, #tpu.memory_space<vmem>> -> memref<1x26x64xf32, #tpu.memory_space<vmem>>
          %dma_wait3A_809 = tpu.memref_squeeze %dma_wait3A_808 : memref<1x26x64xf32, #tpu.memory_space<vmem>> -> memref<26x64xf32, #tpu.memory_space<vmem>>
          %dma_wait3A_810 = arith.constant 0 : i32
          %dma_wait3A_811 = arith.constant 0 : i32
          %dma_wait3A_812 = tpu.memref_slice %arg4[%mul3A_2, %dma_wait3A_810, %dma_wait3A_811] : memref<16384x32x128xf32, #tpu.memory_space<hbm>> -> memref<1x26x64xf32, #tpu.memory_space<hbm>>
          %dma_wait3A_813 = tpu.memref_squeeze %dma_wait3A_812 : memref<1x26x64xf32, #tpu.memory_space<hbm>> -> memref<26x64xf32, #tpu.memory_space<hbm>>
          %dma_wait3A_814 = tpu.memref_slice %arg9[%dma_wait3A_805] : memref<8x!tpu.dma_semaphore, #tpu.memory_space<semaphore_mem>> -> memref<1x!tpu.dma_semaphore, #tpu.memory_space<semaphore_mem>>
          %dma_wait3A_815 = tpu.memref_squeeze %dma_wait3A_814 : memref<1x!tpu.dma_semaphore, #tpu.memory_space<semaphore_mem>> -> memref<!tpu.dma_semaphore, #tpu.memory_space<semaphore_mem>>
          %dma_wait3A_816 = arith.constant 0 : i32
          %dma_wait3A_817 = arith.constant 0 : i32
          %dma_wait3A_818 = tpu.memref_slice %arg4[%mul3A_2, %dma_wait3A_816, %dma_wait3A_817] : memref<16384x32x128xf32, #tpu.memory_space<hbm>> -> memref<1x26x64xf32, #tpu.memory_space<hbm>>
          %dma_wait3A_819 = tpu.memref_squeeze %dma_wait3A_818 : memref<1x26x64xf32, #tpu.memory_space<hbm>> -> memref<26x64xf32, #tpu.memory_space<hbm>>
          %dma_wait3A_820 = arith.constant 0 : i32
          %dma_wait3A_821 = arith.constant 0 : i32
          %dma_wait3A_822 = tpu.memref_slice %arg7[%dma_wait3A_804, %dma_wait3A_820, %dma_wait3A_821] : memref<8x112x64xf32, #tpu.memory_space<vmem>> -> memref<1x26x64xf32, #tpu.memory_space<vmem>>
          %dma_wait3A_823 = tpu.memref_squeeze %dma_wait3A_822 : memref<1x26x64xf32, #tpu.memory_space<vmem>> -> memref<26x64xf32, #tpu.memory_space<vmem>>
          tpu.wait_dma2 semaphore(%dma_wait3A_815 : memref<!tpu.dma_semaphore, #tpu.memory_space<semaphore_mem>>) src(%dma_wait3A_823 : memref<26x64xf32, #tpu.memory_space<vmem>>) dst(%dma_wait3A_819 : memref<26x64xf32, #tpu.memory_space<hbm>>)
          %dma_wait3A_824 = arith.constant 5 : i32
          %dma_wait3A_825 = arith.constant 5 : i32
          %dma_wait3A_826 = arith.constant 26 : i32
          %dma_wait3A_827 = arith.constant 0 : i32
          %dma_wait3A_828 = tpu.memref_slice %arg7[%dma_wait3A_824, %dma_wait3A_826, %dma_wait3A_827] : memref<8x112x64xf32, #tpu.memory_space<vmem>> -> memref<1x26x64xf32, #tpu.memory_space<vmem>>
          %dma_wait3A_829 = tpu.memref_squeeze %dma_wait3A_828 : memref<1x26x64xf32, #tpu.memory_space<vmem>> -> memref<26x64xf32, #tpu.memory_space<vmem>>
          %dma_wait3A_830 = arith.constant 0 : i32
          %dma_wait3A_831 = arith.constant 0 : i32
          %dma_wait3A_832 = tpu.memref_slice %arg4[%mul3A_2, %dma_wait3A_830, %dma_wait3A_831] : memref<16384x32x128xf32, #tpu.memory_space<hbm>> -> memref<1x26x64xf32, #tpu.memory_space<hbm>>
          %dma_wait3A_833 = tpu.memref_squeeze %dma_wait3A_832 : memref<1x26x64xf32, #tpu.memory_space<hbm>> -> memref<26x64xf32, #tpu.memory_space<hbm>>
          %dma_wait3A_834 = tpu.memref_slice %arg9[%dma_wait3A_825] : memref<8x!tpu.dma_semaphore, #tpu.memory_space<semaphore_mem>> -> memref<1x!tpu.dma_semaphore, #tpu.memory_space<semaphore_mem>>
          %dma_wait3A_835 = tpu.memref_squeeze %dma_wait3A_834 : memref<1x!tpu.dma_semaphore, #tpu.memory_space<semaphore_mem>> -> memref<!tpu.dma_semaphore, #tpu.memory_space<semaphore_mem>>
          %dma_wait3A_836 = arith.constant 0 : i32
          %dma_wait3A_837 = arith.constant 0 : i32
          %dma_wait3A_838 = tpu.memref_slice %arg4[%mul3A_2, %dma_wait3A_836, %dma_wait3A_837] : memref<16384x32x128xf32, #tpu.memory_space<hbm>> -> memref<1x26x64xf32, #tpu.memory_space<hbm>>
          %dma_wait3A_839 = tpu.memref_squeeze %dma_wait3A_838 : memref<1x26x64xf32, #tpu.memory_space<hbm>> -> memref<26x64xf32, #tpu.memory_space<hbm>>
          %dma_wait3A_840 = arith.constant 26 : i32
          %dma_wait3A_841 = arith.constant 0 : i32
          %dma_wait3A_842 = tpu.memref_slice %arg7[%dma_wait3A_824, %dma_wait3A_840, %dma_wait3A_841] : memref<8x112x64xf32, #tpu.memory_space<vmem>> -> memref<1x26x64xf32, #tpu.memory_space<vmem>>
          %dma_wait3A_843 = tpu.memref_squeeze %dma_wait3A_842 : memref<1x26x64xf32, #tpu.memory_space<vmem>> -> memref<26x64xf32, #tpu.memory_space<vmem>>
          tpu.wait_dma2 semaphore(%dma_wait3A_835 : memref<!tpu.dma_semaphore, #tpu.memory_space<semaphore_mem>>) src(%dma_wait3A_843 : memref<26x64xf32, #tpu.memory_space<vmem>>) dst(%dma_wait3A_839 : memref<26x64xf32, #tpu.memory_space<hbm>>)
          %dma_wait3A_844 = arith.constant 5 : i32
          %dma_wait3A_845 = arith.constant 5 : i32
          %dma_wait3A_846 = arith.constant 52 : i32
          %dma_wait3A_847 = arith.constant 0 : i32
          %dma_wait3A_848 = tpu.memref_slice %arg7[%dma_wait3A_844, %dma_wait3A_846, %dma_wait3A_847] : memref<8x112x64xf32, #tpu.memory_space<vmem>> -> memref<1x26x64xf32, #tpu.memory_space<vmem>>
          %dma_wait3A_849 = tpu.memref_squeeze %dma_wait3A_848 : memref<1x26x64xf32, #tpu.memory_space<vmem>> -> memref<26x64xf32, #tpu.memory_space<vmem>>
          %dma_wait3A_850 = arith.constant 0 : i32
          %dma_wait3A_851 = arith.constant 0 : i32
          %dma_wait3A_852 = tpu.memref_slice %arg4[%mul3A_2, %dma_wait3A_850, %dma_wait3A_851] : memref<16384x32x128xf32, #tpu.memory_space<hbm>> -> memref<1x26x64xf32, #tpu.memory_space<hbm>>
          %dma_wait3A_853 = tpu.memref_squeeze %dma_wait3A_852 : memref<1x26x64xf32, #tpu.memory_space<hbm>> -> memref<26x64xf32, #tpu.memory_space<hbm>>
          %dma_wait3A_854 = tpu.memref_slice %arg9[%dma_wait3A_845] : memref<8x!tpu.dma_semaphore, #tpu.memory_space<semaphore_mem>> -> memref<1x!tpu.dma_semaphore, #tpu.memory_space<semaphore_mem>>
          %dma_wait3A_855 = tpu.memref_squeeze %dma_wait3A_854 : memref<1x!tpu.dma_semaphore, #tpu.memory_space<semaphore_mem>> -> memref<!tpu.dma_semaphore, #tpu.memory_space<semaphore_mem>>
          %dma_wait3A_856 = arith.constant 0 : i32
          %dma_wait3A_857 = arith.constant 0 : i32
          %dma_wait3A_858 = tpu.memref_slice %arg4[%mul3A_2, %dma_wait3A_856, %dma_wait3A_857] : memref<16384x32x128xf32, #tpu.memory_space<hbm>> -> memref<1x26x64xf32, #tpu.memory_space<hbm>>
          %dma_wait3A_859 = tpu.memref_squeeze %dma_wait3A_858 : memref<1x26x64xf32, #tpu.memory_space<hbm>> -> memref<26x64xf32, #tpu.memory_space<hbm>>
          %dma_wait3A_860 = arith.constant 52 : i32
          %dma_wait3A_861 = arith.constant 0 : i32
          %dma_wait3A_862 = tpu.memref_slice %arg7[%dma_wait3A_844, %dma_wait3A_860, %dma_wait3A_861] : memref<8x112x64xf32, #tpu.memory_space<vmem>> -> memref<1x26x64xf32, #tpu.memory_space<vmem>>
          %dma_wait3A_863 = tpu.memref_squeeze %dma_wait3A_862 : memref<1x26x64xf32, #tpu.memory_space<vmem>> -> memref<26x64xf32, #tpu.memory_space<vmem>>
          tpu.wait_dma2 semaphore(%dma_wait3A_855 : memref<!tpu.dma_semaphore, #tpu.memory_space<semaphore_mem>>) src(%dma_wait3A_863 : memref<26x64xf32, #tpu.memory_space<vmem>>) dst(%dma_wait3A_859 : memref<26x64xf32, #tpu.memory_space<hbm>>)
          %dma_wait3A_864 = arith.constant 5 : i32
          %dma_wait3A_865 = arith.constant 5 : i32
          %dma_wait3A_866 = arith.constant 78 : i32
          %dma_wait3A_867 = arith.constant 0 : i32
          %dma_wait3A_868 = tpu.memref_slice %arg7[%dma_wait3A_864, %dma_wait3A_866, %dma_wait3A_867] : memref<8x112x64xf32, #tpu.memory_space<vmem>> -> memref<1x26x64xf32, #tpu.memory_space<vmem>>
          %dma_wait3A_869 = tpu.memref_squeeze %dma_wait3A_868 : memref<1x26x64xf32, #tpu.memory_space<vmem>> -> memref<26x64xf32, #tpu.memory_space<vmem>>
          %dma_wait3A_870 = arith.constant 0 : i32
          %dma_wait3A_871 = arith.constant 0 : i32
          %dma_wait3A_872 = tpu.memref_slice %arg4[%mul3A_2, %dma_wait3A_870, %dma_wait3A_871] : memref<16384x32x128xf32, #tpu.memory_space<hbm>> -> memref<1x26x64xf32, #tpu.memory_space<hbm>>
          %dma_wait3A_873 = tpu.memref_squeeze %dma_wait3A_872 : memref<1x26x64xf32, #tpu.memory_space<hbm>> -> memref<26x64xf32, #tpu.memory_space<hbm>>
          %dma_wait3A_874 = tpu.memref_slice %arg9[%dma_wait3A_865] : memref<8x!tpu.dma_semaphore, #tpu.memory_space<semaphore_mem>> -> memref<1x!tpu.dma_semaphore, #tpu.memory_space<semaphore_mem>>
          %dma_wait3A_875 = tpu.memref_squeeze %dma_wait3A_874 : memref<1x!tpu.dma_semaphore, #tpu.memory_space<semaphore_mem>> -> memref<!tpu.dma_semaphore, #tpu.memory_space<semaphore_mem>>
          %dma_wait3A_876 = arith.constant 0 : i32
          %dma_wait3A_877 = arith.constant 0 : i32
          %dma_wait3A_878 = tpu.memref_slice %arg4[%mul3A_2, %dma_wait3A_876, %dma_wait3A_877] : memref<16384x32x128xf32, #tpu.memory_space<hbm>> -> memref<1x26x64xf32, #tpu.memory_space<hbm>>
          %dma_wait3A_879 = tpu.memref_squeeze %dma_wait3A_878 : memref<1x26x64xf32, #tpu.memory_space<hbm>> -> memref<26x64xf32, #tpu.memory_space<hbm>>
          %dma_wait3A_880 = arith.constant 78 : i32
          %dma_wait3A_881 = arith.constant 0 : i32
          %dma_wait3A_882 = tpu.memref_slice %arg7[%dma_wait3A_864, %dma_wait3A_880, %dma_wait3A_881] : memref<8x112x64xf32, #tpu.memory_space<vmem>> -> memref<1x26x64xf32, #tpu.memory_space<vmem>>
          %dma_wait3A_883 = tpu.memref_squeeze %dma_wait3A_882 : memref<1x26x64xf32, #tpu.memory_space<vmem>> -> memref<26x64xf32, #tpu.memory_space<vmem>>
          tpu.wait_dma2 semaphore(%dma_wait3A_875 : memref<!tpu.dma_semaphore, #tpu.memory_space<semaphore_mem>>) src(%dma_wait3A_883 : memref<26x64xf32, #tpu.memory_space<vmem>>) dst(%dma_wait3A_879 : memref<26x64xf32, #tpu.memory_space<hbm>>)
        } else {
        }
        %dma_start3A = arith.constant 5 : i32
        %dma_start3A_791 = arith.constant 5 : i32
        %dma_start3A_792 = arith.constant 0 : i32
        %dma_start3A_793 = arith.constant 0 : i32
        %dma_start3A_794 = tpu.memref_slice %arg7[%dma_start3A, %dma_start3A_792, %dma_start3A_793] : memref<8x112x64xf32, #tpu.memory_space<vmem>> -> memref<1x112x64xf32, #tpu.memory_space<vmem>>
        %dma_start3A_795 = tpu.memref_squeeze %dma_start3A_794 : memref<1x112x64xf32, #tpu.memory_space<vmem>> -> memref<112x64xf32, #tpu.memory_space<vmem>>
        %dma_start3A_796 = arith.constant 0 : i32
        %dma_start3A_797 = tpu.memref_slice %arg6[%add3A_736, %dma_start3A_796] : memref<128x112xi32, #tpu.memory_space<vmem>> -> memref<1x112xi32, #tpu.memory_space<vmem>>
        %dma_start3A_798 = tpu.memref_squeeze %dma_start3A_797 : memref<1x112xi32, #tpu.memory_space<vmem>> -> memref<112xi32, #tpu.memory_space<vmem>>
        %dma_start3A_799 = arith.constant 0 : i32
        %dma_start3A_800 = arith.constant 0 : i32
        %dma_start3A_801 = tpu.memref_slice %arg3[%dma_start3A_799, %dma_start3A_800] : memref<1000000x64xf32, #tpu.memory_space<hbm>> -> memref<1000000x64xf32, #tpu.memory_space<hbm>>
        %dma_start3A_802 = tpu.memref_slice %arg8[%dma_start3A_791] : memref<8x!tpu.dma_semaphore, #tpu.memory_space<semaphore_mem>> -> memref<1x!tpu.dma_semaphore, #tpu.memory_space<semaphore_mem>>
        %dma_start3A_803 = tpu.memref_squeeze %dma_start3A_802 : memref<1x!tpu.dma_semaphore, #tpu.memory_space<semaphore_mem>> -> memref<!tpu.dma_semaphore, #tpu.memory_space<semaphore_mem>>
        tpu.enqueue_indirect_dma source(%dma_start3A_801 : memref<1000000x64xf32, #tpu.memory_space<hbm>>) target(%dma_start3A_795 : memref<112x64xf32, #tpu.memory_space<vmem>>) offsets(%dma_start3A_798 : memref<112xi32, #tpu.memory_space<vmem>>) semaphore(%dma_start3A_803 : memref<!tpu.dma_semaphore, #tpu.memory_space<semaphore_mem>>)
      } else {
      }
      %sub3A_742 = arith.constant 4 : i32
      %sub3A_743 = arith.subi %add3A_736, %sub3A_742 : i32
      %ge3A_744 = arith.constant 0 : i32
      %ge3A_745 = arith.cmpi sge, %sub3A_743, %ge3A_744 : i32
      %lt3A_746 = arith.constant 128 : i32
      %lt3A_747 = arith.cmpi slt, %sub3A_743, %lt3A_746 : i32
      %and3A_748 = arith.andi %ge3A_745, %lt3A_747 : i1
      %convert_element_type3A_749 = arith.extui %and3A_748 : i1 to i32
      %cond3A_750 = arith.constant 0 : i32
      %cond3A_751 = arith.cmpi ne, %convert_element_type3A_749, %cond3A_750 : i32
      scf.if %cond3A_751 {
        %dma_wait3A_786 = arith.constant 0 : i32
        %dma_wait3A_787 = arith.constant 1 : i32
        %dma_wait3A_788 = arith.constant 1 : i32
        %dma_wait3A_789 = arith.constant 0 : i32
        %dma_wait3A_790 = arith.constant 0 : i32
        %dma_wait3A_791 = tpu.memref_slice %arg7[%dma_wait3A_787, %dma_wait3A_789, %dma_wait3A_790] : memref<8x112x64xf32, #tpu.memory_space<vmem>> -> memref<1x112x64xf32, #tpu.memory_space<vmem>>
        %dma_wait3A_792 = tpu.memref_squeeze %dma_wait3A_791 : memref<1x112x64xf32, #tpu.memory_space<vmem>> -> memref<112x64xf32, #tpu.memory_space<vmem>>
        %dma_wait3A_793 = arith.constant 0 : i32
        %dma_wait3A_794 = tpu.memref_slice %arg6[%dma_wait3A_786, %dma_wait3A_793] : memref<128x112xi32, #tpu.memory_space<vmem>> -> memref<1x112xi32, #tpu.memory_space<vmem>>
        %dma_wait3A_795 = tpu.memref_squeeze %dma_wait3A_794 : memref<1x112xi32, #tpu.memory_space<vmem>> -> memref<112xi32, #tpu.memory_space<vmem>>
        %dma_wait3A_796 = arith.constant 0 : i32
        %dma_wait3A_797 = arith.constant 0 : i32
        %dma_wait3A_798 = tpu.memref_slice %arg3[%dma_wait3A_796, %dma_wait3A_797] : memref<1000000x64xf32, #tpu.memory_space<hbm>> -> memref<1000000x64xf32, #tpu.memory_space<hbm>>
        %dma_wait3A_799 = tpu.memref_slice %arg8[%dma_wait3A_788] : memref<8x!tpu.dma_semaphore, #tpu.memory_space<semaphore_mem>> -> memref<1x!tpu.dma_semaphore, #tpu.memory_space<semaphore_mem>>
        %dma_wait3A_800 = tpu.memref_squeeze %dma_wait3A_799 : memref<1x!tpu.dma_semaphore, #tpu.memory_space<semaphore_mem>> -> memref<!tpu.dma_semaphore, #tpu.memory_space<semaphore_mem>>
        tpu.wait_indirect_dma semaphore(%dma_wait3A_800 : memref<!tpu.dma_semaphore, #tpu.memory_space<semaphore_mem>>) src(%dma_wait3A_798 : memref<1000000x64xf32, #tpu.memory_space<hbm>>) dst(%dma_wait3A_792 : memref<112x64xf32, #tpu.memory_space<vmem>>)
        %mul3A_801 = arith.constant 4 : i32
        %mul3A_802 = arith.muli %sub3A_743, %mul3A_801 : i32
        %add3A_803 = arith.addi %mul3A_2, %mul3A_802 : i32
        %add3A_804 = arith.constant 0 : i32
        %add3A_805 = arith.addi %add3A_803, %add3A_804 : i32
        %dma_start3A = arith.constant 1 : i32
        %dma_start3A_806 = arith.constant 1 : i32
        %dma_start3A_807 = arith.constant 0 : i32
        %dma_start3A_808 = arith.constant 0 : i32
        %dma_start3A_809 = tpu.memref_slice %arg7[%dma_start3A, %dma_start3A_807, %dma_start3A_808] : memref<8x112x64xf32, #tpu.memory_space<vmem>> -> memref<1x26x64xf32, #tpu.memory_space<vmem>>
        %dma_start3A_810 = tpu.memref_squeeze %dma_start3A_809 : memref<1x26x64xf32, #tpu.memory_space<vmem>> -> memref<26x64xf32, #tpu.memory_space<vmem>>
        %dma_start3A_811 = arith.constant 0 : i32
        %dma_start3A_812 = arith.constant 0 : i32
        %dma_start3A_813 = tpu.memref_slice %arg4[%add3A_805, %dma_start3A_811, %dma_start3A_812] : memref<16384x32x128xf32, #tpu.memory_space<hbm>> -> memref<1x26x64xf32, #tpu.memory_space<hbm>>
        %dma_start3A_814 = tpu.memref_squeeze %dma_start3A_813 : memref<1x26x64xf32, #tpu.memory_space<hbm>> -> memref<26x64xf32, #tpu.memory_space<hbm>>
        %dma_start3A_815 = tpu.memref_slice %arg9[%dma_start3A_806] : memref<8x!tpu.dma_semaphore, #tpu.memory_space<semaphore_mem>> -> memref<1x!tpu.dma_semaphore, #tpu.memory_space<semaphore_mem>>
        %dma_start3A_816 = tpu.memref_squeeze %dma_start3A_815 : memref<1x!tpu.dma_semaphore, #tpu.memory_space<semaphore_mem>> -> memref<!tpu.dma_semaphore, #tpu.memory_space<semaphore_mem>>
        %dma_start3A_817 = arith.constant 0 : i32
        %dma_start3A_818 = arith.constant 0 : i32
        %dma_start3A_819 = tpu.memref_slice %arg4[%add3A_805, %dma_start3A_817, %dma_start3A_818] : memref<16384x32x128xf32, #tpu.memory_space<hbm>> -> memref<1x26x64xf32, #tpu.memory_space<hbm>>
        %dma_start3A_820 = tpu.memref_squeeze %dma_start3A_819 : memref<1x26x64xf32, #tpu.memory_space<hbm>> -> memref<26x64xf32, #tpu.memory_space<hbm>>
        %dma_start3A_821 = arith.constant 0 : i32
        %dma_start3A_822 = arith.constant 0 : i32
        %dma_start3A_823 = tpu.memref_slice %arg7[%dma_start3A, %dma_start3A_821, %dma_start3A_822] : memref<8x112x64xf32, #tpu.memory_space<vmem>> -> memref<1x26x64xf32, #tpu.memory_space<vmem>>
        %dma_start3A_824 = tpu.memref_squeeze %dma_start3A_823 : memref<1x26x64xf32, #tpu.memory_space<vmem>> -> memref<26x64xf32, #tpu.memory_space<vmem>>
        tpu.enqueue_dma source(%dma_start3A_824 : memref<26x64xf32, #tpu.memory_space<vmem>>) target(%dma_start3A_820 : memref<26x64xf32, #tpu.memory_space<hbm>>) target_semaphore(%dma_start3A_816 : memref<!tpu.dma_semaphore, #tpu.memory_space<semaphore_mem>>)
        %mul3A_825 = arith.constant 4 : i32
        %mul3A_826 = arith.muli %sub3A_743, %mul3A_825 : i32
        %add3A_827 = arith.addi %mul3A_2, %mul3A_826 : i32
        %add3A_828 = arith.constant 1 : i32
        %add3A_829 = arith.addi %add3A_827, %add3A_828 : i32
        %dma_start3A_830 = arith.constant 1 : i32
        %dma_start3A_831 = arith.constant 1 : i32
        %dma_start3A_832 = arith.constant 26 : i32
        %dma_start3A_833 = arith.constant 0 : i32
        %dma_start3A_834 = tpu.memref_slice %arg7[%dma_start3A_830, %dma_start3A_832, %dma_start3A_833] : memref<8x112x64xf32, #tpu.memory_space<vmem>> -> memref<1x26x64xf32, #tpu.memory_space<vmem>>
        %dma_start3A_835 = tpu.memref_squeeze %dma_start3A_834 : memref<1x26x64xf32, #tpu.memory_space<vmem>> -> memref<26x64xf32, #tpu.memory_space<vmem>>
        %dma_start3A_836 = arith.constant 0 : i32
        %dma_start3A_837 = arith.constant 0 : i32
        %dma_start3A_838 = tpu.memref_slice %arg4[%add3A_829, %dma_start3A_836, %dma_start3A_837] : memref<16384x32x128xf32, #tpu.memory_space<hbm>> -> memref<1x26x64xf32, #tpu.memory_space<hbm>>
        %dma_start3A_839 = tpu.memref_squeeze %dma_start3A_838 : memref<1x26x64xf32, #tpu.memory_space<hbm>> -> memref<26x64xf32, #tpu.memory_space<hbm>>
        %dma_start3A_840 = tpu.memref_slice %arg9[%dma_start3A_831] : memref<8x!tpu.dma_semaphore, #tpu.memory_space<semaphore_mem>> -> memref<1x!tpu.dma_semaphore, #tpu.memory_space<semaphore_mem>>
        %dma_start3A_841 = tpu.memref_squeeze %dma_start3A_840 : memref<1x!tpu.dma_semaphore, #tpu.memory_space<semaphore_mem>> -> memref<!tpu.dma_semaphore, #tpu.memory_space<semaphore_mem>>
        %dma_start3A_842 = arith.constant 0 : i32
        %dma_start3A_843 = arith.constant 0 : i32
        %dma_start3A_844 = tpu.memref_slice %arg4[%add3A_829, %dma_start3A_842, %dma_start3A_843] : memref<16384x32x128xf32, #tpu.memory_space<hbm>> -> memref<1x26x64xf32, #tpu.memory_space<hbm>>
        %dma_start3A_845 = tpu.memref_squeeze %dma_start3A_844 : memref<1x26x64xf32, #tpu.memory_space<hbm>> -> memref<26x64xf32, #tpu.memory_space<hbm>>
        %dma_start3A_846 = arith.constant 26 : i32
        %dma_start3A_847 = arith.constant 0 : i32
        %dma_start3A_848 = tpu.memref_slice %arg7[%dma_start3A_830, %dma_start3A_846, %dma_start3A_847] : memref<8x112x64xf32, #tpu.memory_space<vmem>> -> memref<1x26x64xf32, #tpu.memory_space<vmem>>
        %dma_start3A_849 = tpu.memref_squeeze %dma_start3A_848 : memref<1x26x64xf32, #tpu.memory_space<vmem>> -> memref<26x64xf32, #tpu.memory_space<vmem>>
        tpu.enqueue_dma source(%dma_start3A_849 : memref<26x64xf32, #tpu.memory_space<vmem>>) target(%dma_start3A_845 : memref<26x64xf32, #tpu.memory_space<hbm>>) target_semaphore(%dma_start3A_841 : memref<!tpu.dma_semaphore, #tpu.memory_space<semaphore_mem>>)
        %mul3A_850 = arith.constant 4 : i32
        %mul3A_851 = arith.muli %sub3A_743, %mul3A_850 : i32
        %add3A_852 = arith.addi %mul3A_2, %mul3A_851 : i32
        %add3A_853 = arith.constant 2 : i32
        %add3A_854 = arith.addi %add3A_852, %add3A_853 : i32
        %dma_start3A_855 = arith.constant 1 : i32
        %dma_start3A_856 = arith.constant 1 : i32
        %dma_start3A_857 = arith.constant 52 : i32
        %dma_start3A_858 = arith.constant 0 : i32
        %dma_start3A_859 = tpu.memref_slice %arg7[%dma_start3A_855, %dma_start3A_857, %dma_start3A_858] : memref<8x112x64xf32, #tpu.memory_space<vmem>> -> memref<1x26x64xf32, #tpu.memory_space<vmem>>
        %dma_start3A_860 = tpu.memref_squeeze %dma_start3A_859 : memref<1x26x64xf32, #tpu.memory_space<vmem>> -> memref<26x64xf32, #tpu.memory_space<vmem>>
        %dma_start3A_861 = arith.constant 0 : i32
        %dma_start3A_862 = arith.constant 0 : i32
        %dma_start3A_863 = tpu.memref_slice %arg4[%add3A_854, %dma_start3A_861, %dma_start3A_862] : memref<16384x32x128xf32, #tpu.memory_space<hbm>> -> memref<1x26x64xf32, #tpu.memory_space<hbm>>
        %dma_start3A_864 = tpu.memref_squeeze %dma_start3A_863 : memref<1x26x64xf32, #tpu.memory_space<hbm>> -> memref<26x64xf32, #tpu.memory_space<hbm>>
        %dma_start3A_865 = tpu.memref_slice %arg9[%dma_start3A_856] : memref<8x!tpu.dma_semaphore, #tpu.memory_space<semaphore_mem>> -> memref<1x!tpu.dma_semaphore, #tpu.memory_space<semaphore_mem>>
        %dma_start3A_866 = tpu.memref_squeeze %dma_start3A_865 : memref<1x!tpu.dma_semaphore, #tpu.memory_space<semaphore_mem>> -> memref<!tpu.dma_semaphore, #tpu.memory_space<semaphore_mem>>
        %dma_start3A_867 = arith.constant 0 : i32
        %dma_start3A_868 = arith.constant 0 : i32
        %dma_start3A_869 = tpu.memref_slice %arg4[%add3A_854, %dma_start3A_867, %dma_start3A_868] : memref<16384x32x128xf32, #tpu.memory_space<hbm>> -> memref<1x26x64xf32, #tpu.memory_space<hbm>>
        %dma_start3A_870 = tpu.memref_squeeze %dma_start3A_869 : memref<1x26x64xf32, #tpu.memory_space<hbm>> -> memref<26x64xf32, #tpu.memory_space<hbm>>
        %dma_start3A_871 = arith.constant 52 : i32
        %dma_start3A_872 = arith.constant 0 : i32
        %dma_start3A_873 = tpu.memref_slice %arg7[%dma_start3A_855, %dma_start3A_871, %dma_start3A_872] : memref<8x112x64xf32, #tpu.memory_space<vmem>> -> memref<1x26x64xf32, #tpu.memory_space<vmem>>
        %dma_start3A_874 = tpu.memref_squeeze %dma_start3A_873 : memref<1x26x64xf32, #tpu.memory_space<vmem>> -> memref<26x64xf32, #tpu.memory_space<vmem>>
        tpu.enqueue_dma source(%dma_start3A_874 : memref<26x64xf32, #tpu.memory_space<vmem>>) target(%dma_start3A_870 : memref<26x64xf32, #tpu.memory_space<hbm>>) target_semaphore(%dma_start3A_866 : memref<!tpu.dma_semaphore, #tpu.memory_space<semaphore_mem>>)
        %mul3A_875 = arith.constant 4 : i32
        %mul3A_876 = arith.muli %sub3A_743, %mul3A_875 : i32
        %add3A_877 = arith.addi %mul3A_2, %mul3A_876 : i32
        %add3A_878 = arith.constant 3 : i32
        %add3A_879 = arith.addi %add3A_877, %add3A_878 : i32
        %dma_start3A_880 = arith.constant 1 : i32
        %dma_start3A_881 = arith.constant 1 : i32
        %dma_start3A_882 = arith.constant 78 : i32
        %dma_start3A_883 = arith.constant 0 : i32
        %dma_start3A_884 = tpu.memref_slice %arg7[%dma_start3A_880, %dma_start3A_882, %dma_start3A_883] : memref<8x112x64xf32, #tpu.memory_space<vmem>> -> memref<1x26x64xf32, #tpu.memory_space<vmem>>
        %dma_start3A_885 = tpu.memref_squeeze %dma_start3A_884 : memref<1x26x64xf32, #tpu.memory_space<vmem>> -> memref<26x64xf32, #tpu.memory_space<vmem>>
        %dma_start3A_886 = arith.constant 0 : i32
        %dma_start3A_887 = arith.constant 0 : i32
        %dma_start3A_888 = tpu.memref_slice %arg4[%add3A_879, %dma_start3A_886, %dma_start3A_887] : memref<16384x32x128xf32, #tpu.memory_space<hbm>> -> memref<1x26x64xf32, #tpu.memory_space<hbm>>
        %dma_start3A_889 = tpu.memref_squeeze %dma_start3A_888 : memref<1x26x64xf32, #tpu.memory_space<hbm>> -> memref<26x64xf32, #tpu.memory_space<hbm>>
        %dma_start3A_890 = tpu.memref_slice %arg9[%dma_start3A_881] : memref<8x!tpu.dma_semaphore, #tpu.memory_space<semaphore_mem>> -> memref<1x!tpu.dma_semaphore, #tpu.memory_space<semaphore_mem>>
        %dma_start3A_891 = tpu.memref_squeeze %dma_start3A_890 : memref<1x!tpu.dma_semaphore, #tpu.memory_space<semaphore_mem>> -> memref<!tpu.dma_semaphore, #tpu.memory_space<semaphore_mem>>
        %dma_start3A_892 = arith.constant 0 : i32
        %dma_start3A_893 = arith.constant 0 : i32
        %dma_start3A_894 = tpu.memref_slice %arg4[%add3A_879, %dma_start3A_892, %dma_start3A_893] : memref<16384x32x128xf32, #tpu.memory_space<hbm>> -> memref<1x26x64xf32, #tpu.memory_space<hbm>>
        %dma_start3A_895 = tpu.memref_squeeze %dma_start3A_894 : memref<1x26x64xf32, #tpu.memory_space<hbm>> -> memref<26x64xf32, #tpu.memory_space<hbm>>
        %dma_start3A_896 = arith.constant 78 : i32
        %dma_start3A_897 = arith.constant 0 : i32
        %dma_start3A_898 = tpu.memref_slice %arg7[%dma_start3A_880, %dma_start3A_896, %dma_start3A_897] : memref<8x112x64xf32, #tpu.memory_space<vmem>> -> memref<1x26x64xf32, #tpu.memory_space<vmem>>
        %dma_start3A_899 = tpu.memref_squeeze %dma_start3A_898 : memref<1x26x64xf32, #tpu.memory_space<vmem>> -> memref<26x64xf32, #tpu.memory_space<vmem>>
        tpu.enqueue_dma source(%dma_start3A_899 : memref<26x64xf32, #tpu.memory_space<vmem>>) target(%dma_start3A_895 : memref<26x64xf32, #tpu.memory_space<hbm>>) target_semaphore(%dma_start3A_891 : memref<!tpu.dma_semaphore, #tpu.memory_space<semaphore_mem>>)
      } else {
      }
      %add3A_752 = arith.constant 6 : i32
      %add3A_753 = arith.addi %add3A_655, %add3A_752 : i32
      %lt3A_754 = arith.constant 128 : i32
      %lt3A_755 = arith.cmpi slt, %add3A_753, %lt3A_754 : i32
      %convert_element_type3A_756 = arith.extui %lt3A_755 : i1 to i32
      %cond3A_757 = arith.constant 0 : i32
      %cond3A_758 = arith.cmpi ne, %convert_element_type3A_756, %cond3A_757 : i32
      scf.if %cond3A_758 {
        %ge3A_786 = arith.constant 8 : i32
        %ge3A_787 = arith.cmpi sge, %add3A_753, %ge3A_786 : i32
        %convert_element_type3A_788 = arith.extui %ge3A_787 : i1 to i32
        %cond3A_789 = arith.constant 0 : i32
        %cond3A_790 = arith.cmpi ne, %convert_element_type3A_788, %cond3A_789 : i32
        scf.if %cond3A_790 {
          %dma_wait3A_804 = arith.constant 6 : i32
          %dma_wait3A_805 = arith.constant 6 : i32
          %dma_wait3A_806 = arith.constant 0 : i32
          %dma_wait3A_807 = arith.constant 0 : i32
          %dma_wait3A_808 = tpu.memref_slice %arg7[%dma_wait3A_804, %dma_wait3A_806, %dma_wait3A_807] : memref<8x112x64xf32, #tpu.memory_space<vmem>> -> memref<1x26x64xf32, #tpu.memory_space<vmem>>
          %dma_wait3A_809 = tpu.memref_squeeze %dma_wait3A_808 : memref<1x26x64xf32, #tpu.memory_space<vmem>> -> memref<26x64xf32, #tpu.memory_space<vmem>>
          %dma_wait3A_810 = arith.constant 0 : i32
          %dma_wait3A_811 = arith.constant 0 : i32
          %dma_wait3A_812 = tpu.memref_slice %arg4[%mul3A_2, %dma_wait3A_810, %dma_wait3A_811] : memref<16384x32x128xf32, #tpu.memory_space<hbm>> -> memref<1x26x64xf32, #tpu.memory_space<hbm>>
          %dma_wait3A_813 = tpu.memref_squeeze %dma_wait3A_812 : memref<1x26x64xf32, #tpu.memory_space<hbm>> -> memref<26x64xf32, #tpu.memory_space<hbm>>
          %dma_wait3A_814 = tpu.memref_slice %arg9[%dma_wait3A_805] : memref<8x!tpu.dma_semaphore, #tpu.memory_space<semaphore_mem>> -> memref<1x!tpu.dma_semaphore, #tpu.memory_space<semaphore_mem>>
          %dma_wait3A_815 = tpu.memref_squeeze %dma_wait3A_814 : memref<1x!tpu.dma_semaphore, #tpu.memory_space<semaphore_mem>> -> memref<!tpu.dma_semaphore, #tpu.memory_space<semaphore_mem>>
          %dma_wait3A_816 = arith.constant 0 : i32
          %dma_wait3A_817 = arith.constant 0 : i32
          %dma_wait3A_818 = tpu.memref_slice %arg4[%mul3A_2, %dma_wait3A_816, %dma_wait3A_817] : memref<16384x32x128xf32, #tpu.memory_space<hbm>> -> memref<1x26x64xf32, #tpu.memory_space<hbm>>
          %dma_wait3A_819 = tpu.memref_squeeze %dma_wait3A_818 : memref<1x26x64xf32, #tpu.memory_space<hbm>> -> memref<26x64xf32, #tpu.memory_space<hbm>>
          %dma_wait3A_820 = arith.constant 0 : i32
          %dma_wait3A_821 = arith.constant 0 : i32
          %dma_wait3A_822 = tpu.memref_slice %arg7[%dma_wait3A_804, %dma_wait3A_820, %dma_wait3A_821] : memref<8x112x64xf32, #tpu.memory_space<vmem>> -> memref<1x26x64xf32, #tpu.memory_space<vmem>>
          %dma_wait3A_823 = tpu.memref_squeeze %dma_wait3A_822 : memref<1x26x64xf32, #tpu.memory_space<vmem>> -> memref<26x64xf32, #tpu.memory_space<vmem>>
          tpu.wait_dma2 semaphore(%dma_wait3A_815 : memref<!tpu.dma_semaphore, #tpu.memory_space<semaphore_mem>>) src(%dma_wait3A_823 : memref<26x64xf32, #tpu.memory_space<vmem>>) dst(%dma_wait3A_819 : memref<26x64xf32, #tpu.memory_space<hbm>>)
          %dma_wait3A_824 = arith.constant 6 : i32
          %dma_wait3A_825 = arith.constant 6 : i32
          %dma_wait3A_826 = arith.constant 26 : i32
          %dma_wait3A_827 = arith.constant 0 : i32
          %dma_wait3A_828 = tpu.memref_slice %arg7[%dma_wait3A_824, %dma_wait3A_826, %dma_wait3A_827] : memref<8x112x64xf32, #tpu.memory_space<vmem>> -> memref<1x26x64xf32, #tpu.memory_space<vmem>>
          %dma_wait3A_829 = tpu.memref_squeeze %dma_wait3A_828 : memref<1x26x64xf32, #tpu.memory_space<vmem>> -> memref<26x64xf32, #tpu.memory_space<vmem>>
          %dma_wait3A_830 = arith.constant 0 : i32
          %dma_wait3A_831 = arith.constant 0 : i32
          %dma_wait3A_832 = tpu.memref_slice %arg4[%mul3A_2, %dma_wait3A_830, %dma_wait3A_831] : memref<16384x32x128xf32, #tpu.memory_space<hbm>> -> memref<1x26x64xf32, #tpu.memory_space<hbm>>
          %dma_wait3A_833 = tpu.memref_squeeze %dma_wait3A_832 : memref<1x26x64xf32, #tpu.memory_space<hbm>> -> memref<26x64xf32, #tpu.memory_space<hbm>>
          %dma_wait3A_834 = tpu.memref_slice %arg9[%dma_wait3A_825] : memref<8x!tpu.dma_semaphore, #tpu.memory_space<semaphore_mem>> -> memref<1x!tpu.dma_semaphore, #tpu.memory_space<semaphore_mem>>
          %dma_wait3A_835 = tpu.memref_squeeze %dma_wait3A_834 : memref<1x!tpu.dma_semaphore, #tpu.memory_space<semaphore_mem>> -> memref<!tpu.dma_semaphore, #tpu.memory_space<semaphore_mem>>
          %dma_wait3A_836 = arith.constant 0 : i32
          %dma_wait3A_837 = arith.constant 0 : i32
          %dma_wait3A_838 = tpu.memref_slice %arg4[%mul3A_2, %dma_wait3A_836, %dma_wait3A_837] : memref<16384x32x128xf32, #tpu.memory_space<hbm>> -> memref<1x26x64xf32, #tpu.memory_space<hbm>>
          %dma_wait3A_839 = tpu.memref_squeeze %dma_wait3A_838 : memref<1x26x64xf32, #tpu.memory_space<hbm>> -> memref<26x64xf32, #tpu.memory_space<hbm>>
          %dma_wait3A_840 = arith.constant 26 : i32
          %dma_wait3A_841 = arith.constant 0 : i32
          %dma_wait3A_842 = tpu.memref_slice %arg7[%dma_wait3A_824, %dma_wait3A_840, %dma_wait3A_841] : memref<8x112x64xf32, #tpu.memory_space<vmem>> -> memref<1x26x64xf32, #tpu.memory_space<vmem>>
          %dma_wait3A_843 = tpu.memref_squeeze %dma_wait3A_842 : memref<1x26x64xf32, #tpu.memory_space<vmem>> -> memref<26x64xf32, #tpu.memory_space<vmem>>
          tpu.wait_dma2 semaphore(%dma_wait3A_835 : memref<!tpu.dma_semaphore, #tpu.memory_space<semaphore_mem>>) src(%dma_wait3A_843 : memref<26x64xf32, #tpu.memory_space<vmem>>) dst(%dma_wait3A_839 : memref<26x64xf32, #tpu.memory_space<hbm>>)
          %dma_wait3A_844 = arith.constant 6 : i32
          %dma_wait3A_845 = arith.constant 6 : i32
          %dma_wait3A_846 = arith.constant 52 : i32
          %dma_wait3A_847 = arith.constant 0 : i32
          %dma_wait3A_848 = tpu.memref_slice %arg7[%dma_wait3A_844, %dma_wait3A_846, %dma_wait3A_847] : memref<8x112x64xf32, #tpu.memory_space<vmem>> -> memref<1x26x64xf32, #tpu.memory_space<vmem>>
          %dma_wait3A_849 = tpu.memref_squeeze %dma_wait3A_848 : memref<1x26x64xf32, #tpu.memory_space<vmem>> -> memref<26x64xf32, #tpu.memory_space<vmem>>
          %dma_wait3A_850 = arith.constant 0 : i32
          %dma_wait3A_851 = arith.constant 0 : i32
          %dma_wait3A_852 = tpu.memref_slice %arg4[%mul3A_2, %dma_wait3A_850, %dma_wait3A_851] : memref<16384x32x128xf32, #tpu.memory_space<hbm>> -> memref<1x26x64xf32, #tpu.memory_space<hbm>>
          %dma_wait3A_853 = tpu.memref_squeeze %dma_wait3A_852 : memref<1x26x64xf32, #tpu.memory_space<hbm>> -> memref<26x64xf32, #tpu.memory_space<hbm>>
          %dma_wait3A_854 = tpu.memref_slice %arg9[%dma_wait3A_845] : memref<8x!tpu.dma_semaphore, #tpu.memory_space<semaphore_mem>> -> memref<1x!tpu.dma_semaphore, #tpu.memory_space<semaphore_mem>>
          %dma_wait3A_855 = tpu.memref_squeeze %dma_wait3A_854 : memref<1x!tpu.dma_semaphore, #tpu.memory_space<semaphore_mem>> -> memref<!tpu.dma_semaphore, #tpu.memory_space<semaphore_mem>>
          %dma_wait3A_856 = arith.constant 0 : i32
          %dma_wait3A_857 = arith.constant 0 : i32
          %dma_wait3A_858 = tpu.memref_slice %arg4[%mul3A_2, %dma_wait3A_856, %dma_wait3A_857] : memref<16384x32x128xf32, #tpu.memory_space<hbm>> -> memref<1x26x64xf32, #tpu.memory_space<hbm>>
          %dma_wait3A_859 = tpu.memref_squeeze %dma_wait3A_858 : memref<1x26x64xf32, #tpu.memory_space<hbm>> -> memref<26x64xf32, #tpu.memory_space<hbm>>
          %dma_wait3A_860 = arith.constant 52 : i32
          %dma_wait3A_861 = arith.constant 0 : i32
          %dma_wait3A_862 = tpu.memref_slice %arg7[%dma_wait3A_844, %dma_wait3A_860, %dma_wait3A_861] : memref<8x112x64xf32, #tpu.memory_space<vmem>> -> memref<1x26x64xf32, #tpu.memory_space<vmem>>
          %dma_wait3A_863 = tpu.memref_squeeze %dma_wait3A_862 : memref<1x26x64xf32, #tpu.memory_space<vmem>> -> memref<26x64xf32, #tpu.memory_space<vmem>>
          tpu.wait_dma2 semaphore(%dma_wait3A_855 : memref<!tpu.dma_semaphore, #tpu.memory_space<semaphore_mem>>) src(%dma_wait3A_863 : memref<26x64xf32, #tpu.memory_space<vmem>>) dst(%dma_wait3A_859 : memref<26x64xf32, #tpu.memory_space<hbm>>)
          %dma_wait3A_864 = arith.constant 6 : i32
          %dma_wait3A_865 = arith.constant 6 : i32
          %dma_wait3A_866 = arith.constant 78 : i32
          %dma_wait3A_867 = arith.constant 0 : i32
          %dma_wait3A_868 = tpu.memref_slice %arg7[%dma_wait3A_864, %dma_wait3A_866, %dma_wait3A_867] : memref<8x112x64xf32, #tpu.memory_space<vmem>> -> memref<1x26x64xf32, #tpu.memory_space<vmem>>
          %dma_wait3A_869 = tpu.memref_squeeze %dma_wait3A_868 : memref<1x26x64xf32, #tpu.memory_space<vmem>> -> memref<26x64xf32, #tpu.memory_space<vmem>>
          %dma_wait3A_870 = arith.constant 0 : i32
          %dma_wait3A_871 = arith.constant 0 : i32
          %dma_wait3A_872 = tpu.memref_slice %arg4[%mul3A_2, %dma_wait3A_870, %dma_wait3A_871] : memref<16384x32x128xf32, #tpu.memory_space<hbm>> -> memref<1x26x64xf32, #tpu.memory_space<hbm>>
          %dma_wait3A_873 = tpu.memref_squeeze %dma_wait3A_872 : memref<1x26x64xf32, #tpu.memory_space<hbm>> -> memref<26x64xf32, #tpu.memory_space<hbm>>
          %dma_wait3A_874 = tpu.memref_slice %arg9[%dma_wait3A_865] : memref<8x!tpu.dma_semaphore, #tpu.memory_space<semaphore_mem>> -> memref<1x!tpu.dma_semaphore, #tpu.memory_space<semaphore_mem>>
          %dma_wait3A_875 = tpu.memref_squeeze %dma_wait3A_874 : memref<1x!tpu.dma_semaphore, #tpu.memory_space<semaphore_mem>> -> memref<!tpu.dma_semaphore, #tpu.memory_space<semaphore_mem>>
          %dma_wait3A_876 = arith.constant 0 : i32
          %dma_wait3A_877 = arith.constant 0 : i32
          %dma_wait3A_878 = tpu.memref_slice %arg4[%mul3A_2, %dma_wait3A_876, %dma_wait3A_877] : memref<16384x32x128xf32, #tpu.memory_space<hbm>> -> memref<1x26x64xf32, #tpu.memory_space<hbm>>
          %dma_wait3A_879 = tpu.memref_squeeze %dma_wait3A_878 : memref<1x26x64xf32, #tpu.memory_space<hbm>> -> memref<26x64xf32, #tpu.memory_space<hbm>>
          %dma_wait3A_880 = arith.constant 78 : i32
          %dma_wait3A_881 = arith.constant 0 : i32
          %dma_wait3A_882 = tpu.memref_slice %arg7[%dma_wait3A_864, %dma_wait3A_880, %dma_wait3A_881] : memref<8x112x64xf32, #tpu.memory_space<vmem>> -> memref<1x26x64xf32, #tpu.memory_space<vmem>>
          %dma_wait3A_883 = tpu.memref_squeeze %dma_wait3A_882 : memref<1x26x64xf32, #tpu.memory_space<vmem>> -> memref<26x64xf32, #tpu.memory_space<vmem>>
          tpu.wait_dma2 semaphore(%dma_wait3A_875 : memref<!tpu.dma_semaphore, #tpu.memory_space<semaphore_mem>>) src(%dma_wait3A_883 : memref<26x64xf32, #tpu.memory_space<vmem>>) dst(%dma_wait3A_879 : memref<26x64xf32, #tpu.memory_space<hbm>>)
        } else {
        }
        %dma_start3A = arith.constant 6 : i32
        %dma_start3A_791 = arith.constant 6 : i32
        %dma_start3A_792 = arith.constant 0 : i32
        %dma_start3A_793 = arith.constant 0 : i32
        %dma_start3A_794 = tpu.memref_slice %arg7[%dma_start3A, %dma_start3A_792, %dma_start3A_793] : memref<8x112x64xf32, #tpu.memory_space<vmem>> -> memref<1x112x64xf32, #tpu.memory_space<vmem>>
        %dma_start3A_795 = tpu.memref_squeeze %dma_start3A_794 : memref<1x112x64xf32, #tpu.memory_space<vmem>> -> memref<112x64xf32, #tpu.memory_space<vmem>>
        %dma_start3A_796 = arith.constant 0 : i32
        %dma_start3A_797 = tpu.memref_slice %arg6[%add3A_753, %dma_start3A_796] : memref<128x112xi32, #tpu.memory_space<vmem>> -> memref<1x112xi32, #tpu.memory_space<vmem>>
        %dma_start3A_798 = tpu.memref_squeeze %dma_start3A_797 : memref<1x112xi32, #tpu.memory_space<vmem>> -> memref<112xi32, #tpu.memory_space<vmem>>
        %dma_start3A_799 = arith.constant 0 : i32
        %dma_start3A_800 = arith.constant 0 : i32
        %dma_start3A_801 = tpu.memref_slice %arg3[%dma_start3A_799, %dma_start3A_800] : memref<1000000x64xf32, #tpu.memory_space<hbm>> -> memref<1000000x64xf32, #tpu.memory_space<hbm>>
        %dma_start3A_802 = tpu.memref_slice %arg8[%dma_start3A_791] : memref<8x!tpu.dma_semaphore, #tpu.memory_space<semaphore_mem>> -> memref<1x!tpu.dma_semaphore, #tpu.memory_space<semaphore_mem>>
        %dma_start3A_803 = tpu.memref_squeeze %dma_start3A_802 : memref<1x!tpu.dma_semaphore, #tpu.memory_space<semaphore_mem>> -> memref<!tpu.dma_semaphore, #tpu.memory_space<semaphore_mem>>
        tpu.enqueue_indirect_dma source(%dma_start3A_801 : memref<1000000x64xf32, #tpu.memory_space<hbm>>) target(%dma_start3A_795 : memref<112x64xf32, #tpu.memory_space<vmem>>) offsets(%dma_start3A_798 : memref<112xi32, #tpu.memory_space<vmem>>) semaphore(%dma_start3A_803 : memref<!tpu.dma_semaphore, #tpu.memory_space<semaphore_mem>>)
      } else {
      }
      %sub3A_759 = arith.constant 4 : i32
      %sub3A_760 = arith.subi %add3A_753, %sub3A_759 : i32
      %ge3A_761 = arith.constant 0 : i32
      %ge3A_762 = arith.cmpi sge, %sub3A_760, %ge3A_761 : i32
      %lt3A_763 = arith.constant 128 : i32
      %lt3A_764 = arith.cmpi slt, %sub3A_760, %lt3A_763 : i32
      %and3A_765 = arith.andi %ge3A_762, %lt3A_764 : i1
      %convert_element_type3A_766 = arith.extui %and3A_765 : i1 to i32
      %cond3A_767 = arith.constant 0 : i32
      %cond3A_768 = arith.cmpi ne, %convert_element_type3A_766, %cond3A_767 : i32
      scf.if %cond3A_768 {
        %dma_wait3A_786 = arith.constant 0 : i32
        %dma_wait3A_787 = arith.constant 2 : i32
        %dma_wait3A_788 = arith.constant 2 : i32
        %dma_wait3A_789 = arith.constant 0 : i32
        %dma_wait3A_790 = arith.constant 0 : i32
        %dma_wait3A_791 = tpu.memref_slice %arg7[%dma_wait3A_787, %dma_wait3A_789, %dma_wait3A_790] : memref<8x112x64xf32, #tpu.memory_space<vmem>> -> memref<1x112x64xf32, #tpu.memory_space<vmem>>
        %dma_wait3A_792 = tpu.memref_squeeze %dma_wait3A_791 : memref<1x112x64xf32, #tpu.memory_space<vmem>> -> memref<112x64xf32, #tpu.memory_space<vmem>>
        %dma_wait3A_793 = arith.constant 0 : i32
        %dma_wait3A_794 = tpu.memref_slice %arg6[%dma_wait3A_786, %dma_wait3A_793] : memref<128x112xi32, #tpu.memory_space<vmem>> -> memref<1x112xi32, #tpu.memory_space<vmem>>
        %dma_wait3A_795 = tpu.memref_squeeze %dma_wait3A_794 : memref<1x112xi32, #tpu.memory_space<vmem>> -> memref<112xi32, #tpu.memory_space<vmem>>
        %dma_wait3A_796 = arith.constant 0 : i32
        %dma_wait3A_797 = arith.constant 0 : i32
        %dma_wait3A_798 = tpu.memref_slice %arg3[%dma_wait3A_796, %dma_wait3A_797] : memref<1000000x64xf32, #tpu.memory_space<hbm>> -> memref<1000000x64xf32, #tpu.memory_space<hbm>>
        %dma_wait3A_799 = tpu.memref_slice %arg8[%dma_wait3A_788] : memref<8x!tpu.dma_semaphore, #tpu.memory_space<semaphore_mem>> -> memref<1x!tpu.dma_semaphore, #tpu.memory_space<semaphore_mem>>
        %dma_wait3A_800 = tpu.memref_squeeze %dma_wait3A_799 : memref<1x!tpu.dma_semaphore, #tpu.memory_space<semaphore_mem>> -> memref<!tpu.dma_semaphore, #tpu.memory_space<semaphore_mem>>
        tpu.wait_indirect_dma semaphore(%dma_wait3A_800 : memref<!tpu.dma_semaphore, #tpu.memory_space<semaphore_mem>>) src(%dma_wait3A_798 : memref<1000000x64xf32, #tpu.memory_space<hbm>>) dst(%dma_wait3A_792 : memref<112x64xf32, #tpu.memory_space<vmem>>)
        %mul3A_801 = arith.constant 4 : i32
        %mul3A_802 = arith.muli %sub3A_760, %mul3A_801 : i32
        %add3A_803 = arith.addi %mul3A_2, %mul3A_802 : i32
        %add3A_804 = arith.constant 0 : i32
        %add3A_805 = arith.addi %add3A_803, %add3A_804 : i32
        %dma_start3A = arith.constant 2 : i32
        %dma_start3A_806 = arith.constant 2 : i32
        %dma_start3A_807 = arith.constant 0 : i32
        %dma_start3A_808 = arith.constant 0 : i32
        %dma_start3A_809 = tpu.memref_slice %arg7[%dma_start3A, %dma_start3A_807, %dma_start3A_808] : memref<8x112x64xf32, #tpu.memory_space<vmem>> -> memref<1x26x64xf32, #tpu.memory_space<vmem>>
        %dma_start3A_810 = tpu.memref_squeeze %dma_start3A_809 : memref<1x26x64xf32, #tpu.memory_space<vmem>> -> memref<26x64xf32, #tpu.memory_space<vmem>>
        %dma_start3A_811 = arith.constant 0 : i32
        %dma_start3A_812 = arith.constant 0 : i32
        %dma_start3A_813 = tpu.memref_slice %arg4[%add3A_805, %dma_start3A_811, %dma_start3A_812] : memref<16384x32x128xf32, #tpu.memory_space<hbm>> -> memref<1x26x64xf32, #tpu.memory_space<hbm>>
        %dma_start3A_814 = tpu.memref_squeeze %dma_start3A_813 : memref<1x26x64xf32, #tpu.memory_space<hbm>> -> memref<26x64xf32, #tpu.memory_space<hbm>>
        %dma_start3A_815 = tpu.memref_slice %arg9[%dma_start3A_806] : memref<8x!tpu.dma_semaphore, #tpu.memory_space<semaphore_mem>> -> memref<1x!tpu.dma_semaphore, #tpu.memory_space<semaphore_mem>>
        %dma_start3A_816 = tpu.memref_squeeze %dma_start3A_815 : memref<1x!tpu.dma_semaphore, #tpu.memory_space<semaphore_mem>> -> memref<!tpu.dma_semaphore, #tpu.memory_space<semaphore_mem>>
        %dma_start3A_817 = arith.constant 0 : i32
        %dma_start3A_818 = arith.constant 0 : i32
        %dma_start3A_819 = tpu.memref_slice %arg4[%add3A_805, %dma_start3A_817, %dma_start3A_818] : memref<16384x32x128xf32, #tpu.memory_space<hbm>> -> memref<1x26x64xf32, #tpu.memory_space<hbm>>
        %dma_start3A_820 = tpu.memref_squeeze %dma_start3A_819 : memref<1x26x64xf32, #tpu.memory_space<hbm>> -> memref<26x64xf32, #tpu.memory_space<hbm>>
        %dma_start3A_821 = arith.constant 0 : i32
        %dma_start3A_822 = arith.constant 0 : i32
        %dma_start3A_823 = tpu.memref_slice %arg7[%dma_start3A, %dma_start3A_821, %dma_start3A_822] : memref<8x112x64xf32, #tpu.memory_space<vmem>> -> memref<1x26x64xf32, #tpu.memory_space<vmem>>
        %dma_start3A_824 = tpu.memref_squeeze %dma_start3A_823 : memref<1x26x64xf32, #tpu.memory_space<vmem>> -> memref<26x64xf32, #tpu.memory_space<vmem>>
        tpu.enqueue_dma source(%dma_start3A_824 : memref<26x64xf32, #tpu.memory_space<vmem>>) target(%dma_start3A_820 : memref<26x64xf32, #tpu.memory_space<hbm>>) target_semaphore(%dma_start3A_816 : memref<!tpu.dma_semaphore, #tpu.memory_space<semaphore_mem>>)
        %mul3A_825 = arith.constant 4 : i32
        %mul3A_826 = arith.muli %sub3A_760, %mul3A_825 : i32
        %add3A_827 = arith.addi %mul3A_2, %mul3A_826 : i32
        %add3A_828 = arith.constant 1 : i32
        %add3A_829 = arith.addi %add3A_827, %add3A_828 : i32
        %dma_start3A_830 = arith.constant 2 : i32
        %dma_start3A_831 = arith.constant 2 : i32
        %dma_start3A_832 = arith.constant 26 : i32
        %dma_start3A_833 = arith.constant 0 : i32
        %dma_start3A_834 = tpu.memref_slice %arg7[%dma_start3A_830, %dma_start3A_832, %dma_start3A_833] : memref<8x112x64xf32, #tpu.memory_space<vmem>> -> memref<1x26x64xf32, #tpu.memory_space<vmem>>
        %dma_start3A_835 = tpu.memref_squeeze %dma_start3A_834 : memref<1x26x64xf32, #tpu.memory_space<vmem>> -> memref<26x64xf32, #tpu.memory_space<vmem>>
        %dma_start3A_836 = arith.constant 0 : i32
        %dma_start3A_837 = arith.constant 0 : i32
        %dma_start3A_838 = tpu.memref_slice %arg4[%add3A_829, %dma_start3A_836, %dma_start3A_837] : memref<16384x32x128xf32, #tpu.memory_space<hbm>> -> memref<1x26x64xf32, #tpu.memory_space<hbm>>
        %dma_start3A_839 = tpu.memref_squeeze %dma_start3A_838 : memref<1x26x64xf32, #tpu.memory_space<hbm>> -> memref<26x64xf32, #tpu.memory_space<hbm>>
        %dma_start3A_840 = tpu.memref_slice %arg9[%dma_start3A_831] : memref<8x!tpu.dma_semaphore, #tpu.memory_space<semaphore_mem>> -> memref<1x!tpu.dma_semaphore, #tpu.memory_space<semaphore_mem>>
        %dma_start3A_841 = tpu.memref_squeeze %dma_start3A_840 : memref<1x!tpu.dma_semaphore, #tpu.memory_space<semaphore_mem>> -> memref<!tpu.dma_semaphore, #tpu.memory_space<semaphore_mem>>
        %dma_start3A_842 = arith.constant 0 : i32
        %dma_start3A_843 = arith.constant 0 : i32
        %dma_start3A_844 = tpu.memref_slice %arg4[%add3A_829, %dma_start3A_842, %dma_start3A_843] : memref<16384x32x128xf32, #tpu.memory_space<hbm>> -> memref<1x26x64xf32, #tpu.memory_space<hbm>>
        %dma_start3A_845 = tpu.memref_squeeze %dma_start3A_844 : memref<1x26x64xf32, #tpu.memory_space<hbm>> -> memref<26x64xf32, #tpu.memory_space<hbm>>
        %dma_start3A_846 = arith.constant 26 : i32
        %dma_start3A_847 = arith.constant 0 : i32
        %dma_start3A_848 = tpu.memref_slice %arg7[%dma_start3A_830, %dma_start3A_846, %dma_start3A_847] : memref<8x112x64xf32, #tpu.memory_space<vmem>> -> memref<1x26x64xf32, #tpu.memory_space<vmem>>
        %dma_start3A_849 = tpu.memref_squeeze %dma_start3A_848 : memref<1x26x64xf32, #tpu.memory_space<vmem>> -> memref<26x64xf32, #tpu.memory_space<vmem>>
        tpu.enqueue_dma source(%dma_start3A_849 : memref<26x64xf32, #tpu.memory_space<vmem>>) target(%dma_start3A_845 : memref<26x64xf32, #tpu.memory_space<hbm>>) target_semaphore(%dma_start3A_841 : memref<!tpu.dma_semaphore, #tpu.memory_space<semaphore_mem>>)
        %mul3A_850 = arith.constant 4 : i32
        %mul3A_851 = arith.muli %sub3A_760, %mul3A_850 : i32
        %add3A_852 = arith.addi %mul3A_2, %mul3A_851 : i32
        %add3A_853 = arith.constant 2 : i32
        %add3A_854 = arith.addi %add3A_852, %add3A_853 : i32
        %dma_start3A_855 = arith.constant 2 : i32
        %dma_start3A_856 = arith.constant 2 : i32
        %dma_start3A_857 = arith.constant 52 : i32
        %dma_start3A_858 = arith.constant 0 : i32
        %dma_start3A_859 = tpu.memref_slice %arg7[%dma_start3A_855, %dma_start3A_857, %dma_start3A_858] : memref<8x112x64xf32, #tpu.memory_space<vmem>> -> memref<1x26x64xf32, #tpu.memory_space<vmem>>
        %dma_start3A_860 = tpu.memref_squeeze %dma_start3A_859 : memref<1x26x64xf32, #tpu.memory_space<vmem>> -> memref<26x64xf32, #tpu.memory_space<vmem>>
        %dma_start3A_861 = arith.constant 0 : i32
        %dma_start3A_862 = arith.constant 0 : i32
        %dma_start3A_863 = tpu.memref_slice %arg4[%add3A_854, %dma_start3A_861, %dma_start3A_862] : memref<16384x32x128xf32, #tpu.memory_space<hbm>> -> memref<1x26x64xf32, #tpu.memory_space<hbm>>
        %dma_start3A_864 = tpu.memref_squeeze %dma_start3A_863 : memref<1x26x64xf32, #tpu.memory_space<hbm>> -> memref<26x64xf32, #tpu.memory_space<hbm>>
        %dma_start3A_865 = tpu.memref_slice %arg9[%dma_start3A_856] : memref<8x!tpu.dma_semaphore, #tpu.memory_space<semaphore_mem>> -> memref<1x!tpu.dma_semaphore, #tpu.memory_space<semaphore_mem>>
        %dma_start3A_866 = tpu.memref_squeeze %dma_start3A_865 : memref<1x!tpu.dma_semaphore, #tpu.memory_space<semaphore_mem>> -> memref<!tpu.dma_semaphore, #tpu.memory_space<semaphore_mem>>
        %dma_start3A_867 = arith.constant 0 : i32
        %dma_start3A_868 = arith.constant 0 : i32
        %dma_start3A_869 = tpu.memref_slice %arg4[%add3A_854, %dma_start3A_867, %dma_start3A_868] : memref<16384x32x128xf32, #tpu.memory_space<hbm>> -> memref<1x26x64xf32, #tpu.memory_space<hbm>>
        %dma_start3A_870 = tpu.memref_squeeze %dma_start3A_869 : memref<1x26x64xf32, #tpu.memory_space<hbm>> -> memref<26x64xf32, #tpu.memory_space<hbm>>
        %dma_start3A_871 = arith.constant 52 : i32
        %dma_start3A_872 = arith.constant 0 : i32
        %dma_start3A_873 = tpu.memref_slice %arg7[%dma_start3A_855, %dma_start3A_871, %dma_start3A_872] : memref<8x112x64xf32, #tpu.memory_space<vmem>> -> memref<1x26x64xf32, #tpu.memory_space<vmem>>
        %dma_start3A_874 = tpu.memref_squeeze %dma_start3A_873 : memref<1x26x64xf32, #tpu.memory_space<vmem>> -> memref<26x64xf32, #tpu.memory_space<vmem>>
        tpu.enqueue_dma source(%dma_start3A_874 : memref<26x64xf32, #tpu.memory_space<vmem>>) target(%dma_start3A_870 : memref<26x64xf32, #tpu.memory_space<hbm>>) target_semaphore(%dma_start3A_866 : memref<!tpu.dma_semaphore, #tpu.memory_space<semaphore_mem>>)
        %mul3A_875 = arith.constant 4 : i32
        %mul3A_876 = arith.muli %sub3A_760, %mul3A_875 : i32
        %add3A_877 = arith.addi %mul3A_2, %mul3A_876 : i32
        %add3A_878 = arith.constant 3 : i32
        %add3A_879 = arith.addi %add3A_877, %add3A_878 : i32
        %dma_start3A_880 = arith.constant 2 : i32
        %dma_start3A_881 = arith.constant 2 : i32
        %dma_start3A_882 = arith.constant 78 : i32
        %dma_start3A_883 = arith.constant 0 : i32
        %dma_start3A_884 = tpu.memref_slice %arg7[%dma_start3A_880, %dma_start3A_882, %dma_start3A_883] : memref<8x112x64xf32, #tpu.memory_space<vmem>> -> memref<1x26x64xf32, #tpu.memory_space<vmem>>
        %dma_start3A_885 = tpu.memref_squeeze %dma_start3A_884 : memref<1x26x64xf32, #tpu.memory_space<vmem>> -> memref<26x64xf32, #tpu.memory_space<vmem>>
        %dma_start3A_886 = arith.constant 0 : i32
        %dma_start3A_887 = arith.constant 0 : i32
        %dma_start3A_888 = tpu.memref_slice %arg4[%add3A_879, %dma_start3A_886, %dma_start3A_887] : memref<16384x32x128xf32, #tpu.memory_space<hbm>> -> memref<1x26x64xf32, #tpu.memory_space<hbm>>
        %dma_start3A_889 = tpu.memref_squeeze %dma_start3A_888 : memref<1x26x64xf32, #tpu.memory_space<hbm>> -> memref<26x64xf32, #tpu.memory_space<hbm>>
        %dma_start3A_890 = tpu.memref_slice %arg9[%dma_start3A_881] : memref<8x!tpu.dma_semaphore, #tpu.memory_space<semaphore_mem>> -> memref<1x!tpu.dma_semaphore, #tpu.memory_space<semaphore_mem>>
        %dma_start3A_891 = tpu.memref_squeeze %dma_start3A_890 : memref<1x!tpu.dma_semaphore, #tpu.memory_space<semaphore_mem>> -> memref<!tpu.dma_semaphore, #tpu.memory_space<semaphore_mem>>
        %dma_start3A_892 = arith.constant 0 : i32
        %dma_start3A_893 = arith.constant 0 : i32
        %dma_start3A_894 = tpu.memref_slice %arg4[%add3A_879, %dma_start3A_892, %dma_start3A_893] : memref<16384x32x128xf32, #tpu.memory_space<hbm>> -> memref<1x26x64xf32, #tpu.memory_space<hbm>>
        %dma_start3A_895 = tpu.memref_squeeze %dma_start3A_894 : memref<1x26x64xf32, #tpu.memory_space<hbm>> -> memref<26x64xf32, #tpu.memory_space<hbm>>
        %dma_start3A_896 = arith.constant 78 : i32
        %dma_start3A_897 = arith.constant 0 : i32
        %dma_start3A_898 = tpu.memref_slice %arg7[%dma_start3A_880, %dma_start3A_896, %dma_start3A_897] : memref<8x112x64xf32, #tpu.memory_space<vmem>> -> memref<1x26x64xf32, #tpu.memory_space<vmem>>
        %dma_start3A_899 = tpu.memref_squeeze %dma_start3A_898 : memref<1x26x64xf32, #tpu.memory_space<vmem>> -> memref<26x64xf32, #tpu.memory_space<vmem>>
        tpu.enqueue_dma source(%dma_start3A_899 : memref<26x64xf32, #tpu.memory_space<vmem>>) target(%dma_start3A_895 : memref<26x64xf32, #tpu.memory_space<hbm>>) target_semaphore(%dma_start3A_891 : memref<!tpu.dma_semaphore, #tpu.memory_space<semaphore_mem>>)
      } else {
      }
      %add3A_769 = arith.constant 7 : i32
      %add3A_770 = arith.addi %add3A_655, %add3A_769 : i32
      %lt3A_771 = arith.constant 128 : i32
      %lt3A_772 = arith.cmpi slt, %add3A_770, %lt3A_771 : i32
      %convert_element_type3A_773 = arith.extui %lt3A_772 : i1 to i32
      %cond3A_774 = arith.constant 0 : i32
      %cond3A_775 = arith.cmpi ne, %convert_element_type3A_773, %cond3A_774 : i32
      scf.if %cond3A_775 {
        %ge3A_786 = arith.constant 8 : i32
        %ge3A_787 = arith.cmpi sge, %add3A_770, %ge3A_786 : i32
        %convert_element_type3A_788 = arith.extui %ge3A_787 : i1 to i32
        %cond3A_789 = arith.constant 0 : i32
        %cond3A_790 = arith.cmpi ne, %convert_element_type3A_788, %cond3A_789 : i32
        scf.if %cond3A_790 {
          %dma_wait3A_804 = arith.constant 7 : i32
          %dma_wait3A_805 = arith.constant 7 : i32
          %dma_wait3A_806 = arith.constant 0 : i32
          %dma_wait3A_807 = arith.constant 0 : i32
          %dma_wait3A_808 = tpu.memref_slice %arg7[%dma_wait3A_804, %dma_wait3A_806, %dma_wait3A_807] : memref<8x112x64xf32, #tpu.memory_space<vmem>> -> memref<1x26x64xf32, #tpu.memory_space<vmem>>
          %dma_wait3A_809 = tpu.memref_squeeze %dma_wait3A_808 : memref<1x26x64xf32, #tpu.memory_space<vmem>> -> memref<26x64xf32, #tpu.memory_space<vmem>>
          %dma_wait3A_810 = arith.constant 0 : i32
          %dma_wait3A_811 = arith.constant 0 : i32
          %dma_wait3A_812 = tpu.memref_slice %arg4[%mul3A_2, %dma_wait3A_810, %dma_wait3A_811] : memref<16384x32x128xf32, #tpu.memory_space<hbm>> -> memref<1x26x64xf32, #tpu.memory_space<hbm>>
          %dma_wait3A_813 = tpu.memref_squeeze %dma_wait3A_812 : memref<1x26x64xf32, #tpu.memory_space<hbm>> -> memref<26x64xf32, #tpu.memory_space<hbm>>
          %dma_wait3A_814 = tpu.memref_slice %arg9[%dma_wait3A_805] : memref<8x!tpu.dma_semaphore, #tpu.memory_space<semaphore_mem>> -> memref<1x!tpu.dma_semaphore, #tpu.memory_space<semaphore_mem>>
          %dma_wait3A_815 = tpu.memref_squeeze %dma_wait3A_814 : memref<1x!tpu.dma_semaphore, #tpu.memory_space<semaphore_mem>> -> memref<!tpu.dma_semaphore, #tpu.memory_space<semaphore_mem>>
          %dma_wait3A_816 = arith.constant 0 : i32
          %dma_wait3A_817 = arith.constant 0 : i32
          %dma_wait3A_818 = tpu.memref_slice %arg4[%mul3A_2, %dma_wait3A_816, %dma_wait3A_817] : memref<16384x32x128xf32, #tpu.memory_space<hbm>> -> memref<1x26x64xf32, #tpu.memory_space<hbm>>
          %dma_wait3A_819 = tpu.memref_squeeze %dma_wait3A_818 : memref<1x26x64xf32, #tpu.memory_space<hbm>> -> memref<26x64xf32, #tpu.memory_space<hbm>>
          %dma_wait3A_820 = arith.constant 0 : i32
          %dma_wait3A_821 = arith.constant 0 : i32
          %dma_wait3A_822 = tpu.memref_slice %arg7[%dma_wait3A_804, %dma_wait3A_820, %dma_wait3A_821] : memref<8x112x64xf32, #tpu.memory_space<vmem>> -> memref<1x26x64xf32, #tpu.memory_space<vmem>>
          %dma_wait3A_823 = tpu.memref_squeeze %dma_wait3A_822 : memref<1x26x64xf32, #tpu.memory_space<vmem>> -> memref<26x64xf32, #tpu.memory_space<vmem>>
          tpu.wait_dma2 semaphore(%dma_wait3A_815 : memref<!tpu.dma_semaphore, #tpu.memory_space<semaphore_mem>>) src(%dma_wait3A_823 : memref<26x64xf32, #tpu.memory_space<vmem>>) dst(%dma_wait3A_819 : memref<26x64xf32, #tpu.memory_space<hbm>>)
          %dma_wait3A_824 = arith.constant 7 : i32
          %dma_wait3A_825 = arith.constant 7 : i32
          %dma_wait3A_826 = arith.constant 26 : i32
          %dma_wait3A_827 = arith.constant 0 : i32
          %dma_wait3A_828 = tpu.memref_slice %arg7[%dma_wait3A_824, %dma_wait3A_826, %dma_wait3A_827] : memref<8x112x64xf32, #tpu.memory_space<vmem>> -> memref<1x26x64xf32, #tpu.memory_space<vmem>>
          %dma_wait3A_829 = tpu.memref_squeeze %dma_wait3A_828 : memref<1x26x64xf32, #tpu.memory_space<vmem>> -> memref<26x64xf32, #tpu.memory_space<vmem>>
          %dma_wait3A_830 = arith.constant 0 : i32
          %dma_wait3A_831 = arith.constant 0 : i32
          %dma_wait3A_832 = tpu.memref_slice %arg4[%mul3A_2, %dma_wait3A_830, %dma_wait3A_831] : memref<16384x32x128xf32, #tpu.memory_space<hbm>> -> memref<1x26x64xf32, #tpu.memory_space<hbm>>
          %dma_wait3A_833 = tpu.memref_squeeze %dma_wait3A_832 : memref<1x26x64xf32, #tpu.memory_space<hbm>> -> memref<26x64xf32, #tpu.memory_space<hbm>>
          %dma_wait3A_834 = tpu.memref_slice %arg9[%dma_wait3A_825] : memref<8x!tpu.dma_semaphore, #tpu.memory_space<semaphore_mem>> -> memref<1x!tpu.dma_semaphore, #tpu.memory_space<semaphore_mem>>
          %dma_wait3A_835 = tpu.memref_squeeze %dma_wait3A_834 : memref<1x!tpu.dma_semaphore, #tpu.memory_space<semaphore_mem>> -> memref<!tpu.dma_semaphore, #tpu.memory_space<semaphore_mem>>
          %dma_wait3A_836 = arith.constant 0 : i32
          %dma_wait3A_837 = arith.constant 0 : i32
          %dma_wait3A_838 = tpu.memref_slice %arg4[%mul3A_2, %dma_wait3A_836, %dma_wait3A_837] : memref<16384x32x128xf32, #tpu.memory_space<hbm>> -> memref<1x26x64xf32, #tpu.memory_space<hbm>>
          %dma_wait3A_839 = tpu.memref_squeeze %dma_wait3A_838 : memref<1x26x64xf32, #tpu.memory_space<hbm>> -> memref<26x64xf32, #tpu.memory_space<hbm>>
          %dma_wait3A_840 = arith.constant 26 : i32
          %dma_wait3A_841 = arith.constant 0 : i32
          %dma_wait3A_842 = tpu.memref_slice %arg7[%dma_wait3A_824, %dma_wait3A_840, %dma_wait3A_841] : memref<8x112x64xf32, #tpu.memory_space<vmem>> -> memref<1x26x64xf32, #tpu.memory_space<vmem>>
          %dma_wait3A_843 = tpu.memref_squeeze %dma_wait3A_842 : memref<1x26x64xf32, #tpu.memory_space<vmem>> -> memref<26x64xf32, #tpu.memory_space<vmem>>
          tpu.wait_dma2 semaphore(%dma_wait3A_835 : memref<!tpu.dma_semaphore, #tpu.memory_space<semaphore_mem>>) src(%dma_wait3A_843 : memref<26x64xf32, #tpu.memory_space<vmem>>) dst(%dma_wait3A_839 : memref<26x64xf32, #tpu.memory_space<hbm>>)
          %dma_wait3A_844 = arith.constant 7 : i32
          %dma_wait3A_845 = arith.constant 7 : i32
          %dma_wait3A_846 = arith.constant 52 : i32
          %dma_wait3A_847 = arith.constant 0 : i32
          %dma_wait3A_848 = tpu.memref_slice %arg7[%dma_wait3A_844, %dma_wait3A_846, %dma_wait3A_847] : memref<8x112x64xf32, #tpu.memory_space<vmem>> -> memref<1x26x64xf32, #tpu.memory_space<vmem>>
          %dma_wait3A_849 = tpu.memref_squeeze %dma_wait3A_848 : memref<1x26x64xf32, #tpu.memory_space<vmem>> -> memref<26x64xf32, #tpu.memory_space<vmem>>
          %dma_wait3A_850 = arith.constant 0 : i32
          %dma_wait3A_851 = arith.constant 0 : i32
          %dma_wait3A_852 = tpu.memref_slice %arg4[%mul3A_2, %dma_wait3A_850, %dma_wait3A_851] : memref<16384x32x128xf32, #tpu.memory_space<hbm>> -> memref<1x26x64xf32, #tpu.memory_space<hbm>>
          %dma_wait3A_853 = tpu.memref_squeeze %dma_wait3A_852 : memref<1x26x64xf32, #tpu.memory_space<hbm>> -> memref<26x64xf32, #tpu.memory_space<hbm>>
          %dma_wait3A_854 = tpu.memref_slice %arg9[%dma_wait3A_845] : memref<8x!tpu.dma_semaphore, #tpu.memory_space<semaphore_mem>> -> memref<1x!tpu.dma_semaphore, #tpu.memory_space<semaphore_mem>>
          %dma_wait3A_855 = tpu.memref_squeeze %dma_wait3A_854 : memref<1x!tpu.dma_semaphore, #tpu.memory_space<semaphore_mem>> -> memref<!tpu.dma_semaphore, #tpu.memory_space<semaphore_mem>>
          %dma_wait3A_856 = arith.constant 0 : i32
          %dma_wait3A_857 = arith.constant 0 : i32
          %dma_wait3A_858 = tpu.memref_slice %arg4[%mul3A_2, %dma_wait3A_856, %dma_wait3A_857] : memref<16384x32x128xf32, #tpu.memory_space<hbm>> -> memref<1x26x64xf32, #tpu.memory_space<hbm>>
          %dma_wait3A_859 = tpu.memref_squeeze %dma_wait3A_858 : memref<1x26x64xf32, #tpu.memory_space<hbm>> -> memref<26x64xf32, #tpu.memory_space<hbm>>
          %dma_wait3A_860 = arith.constant 52 : i32
          %dma_wait3A_861 = arith.constant 0 : i32
          %dma_wait3A_862 = tpu.memref_slice %arg7[%dma_wait3A_844, %dma_wait3A_860, %dma_wait3A_861] : memref<8x112x64xf32, #tpu.memory_space<vmem>> -> memref<1x26x64xf32, #tpu.memory_space<vmem>>
          %dma_wait3A_863 = tpu.memref_squeeze %dma_wait3A_862 : memref<1x26x64xf32, #tpu.memory_space<vmem>> -> memref<26x64xf32, #tpu.memory_space<vmem>>
          tpu.wait_dma2 semaphore(%dma_wait3A_855 : memref<!tpu.dma_semaphore, #tpu.memory_space<semaphore_mem>>) src(%dma_wait3A_863 : memref<26x64xf32, #tpu.memory_space<vmem>>) dst(%dma_wait3A_859 : memref<26x64xf32, #tpu.memory_space<hbm>>)
          %dma_wait3A_864 = arith.constant 7 : i32
          %dma_wait3A_865 = arith.constant 7 : i32
          %dma_wait3A_866 = arith.constant 78 : i32
          %dma_wait3A_867 = arith.constant 0 : i32
          %dma_wait3A_868 = tpu.memref_slice %arg7[%dma_wait3A_864, %dma_wait3A_866, %dma_wait3A_867] : memref<8x112x64xf32, #tpu.memory_space<vmem>> -> memref<1x26x64xf32, #tpu.memory_space<vmem>>
          %dma_wait3A_869 = tpu.memref_squeeze %dma_wait3A_868 : memref<1x26x64xf32, #tpu.memory_space<vmem>> -> memref<26x64xf32, #tpu.memory_space<vmem>>
          %dma_wait3A_870 = arith.constant 0 : i32
          %dma_wait3A_871 = arith.constant 0 : i32
          %dma_wait3A_872 = tpu.memref_slice %arg4[%mul3A_2, %dma_wait3A_870, %dma_wait3A_871] : memref<16384x32x128xf32, #tpu.memory_space<hbm>> -> memref<1x26x64xf32, #tpu.memory_space<hbm>>
          %dma_wait3A_873 = tpu.memref_squeeze %dma_wait3A_872 : memref<1x26x64xf32, #tpu.memory_space<hbm>> -> memref<26x64xf32, #tpu.memory_space<hbm>>
          %dma_wait3A_874 = tpu.memref_slice %arg9[%dma_wait3A_865] : memref<8x!tpu.dma_semaphore, #tpu.memory_space<semaphore_mem>> -> memref<1x!tpu.dma_semaphore, #tpu.memory_space<semaphore_mem>>
          %dma_wait3A_875 = tpu.memref_squeeze %dma_wait3A_874 : memref<1x!tpu.dma_semaphore, #tpu.memory_space<semaphore_mem>> -> memref<!tpu.dma_semaphore, #tpu.memory_space<semaphore_mem>>
          %dma_wait3A_876 = arith.constant 0 : i32
          %dma_wait3A_877 = arith.constant 0 : i32
          %dma_wait3A_878 = tpu.memref_slice %arg4[%mul3A_2, %dma_wait3A_876, %dma_wait3A_877] : memref<16384x32x128xf32, #tpu.memory_space<hbm>> -> memref<1x26x64xf32, #tpu.memory_space<hbm>>
          %dma_wait3A_879 = tpu.memref_squeeze %dma_wait3A_878 : memref<1x26x64xf32, #tpu.memory_space<hbm>> -> memref<26x64xf32, #tpu.memory_space<hbm>>
          %dma_wait3A_880 = arith.constant 78 : i32
          %dma_wait3A_881 = arith.constant 0 : i32
          %dma_wait3A_882 = tpu.memref_slice %arg7[%dma_wait3A_864, %dma_wait3A_880, %dma_wait3A_881] : memref<8x112x64xf32, #tpu.memory_space<vmem>> -> memref<1x26x64xf32, #tpu.memory_space<vmem>>
          %dma_wait3A_883 = tpu.memref_squeeze %dma_wait3A_882 : memref<1x26x64xf32, #tpu.memory_space<vmem>> -> memref<26x64xf32, #tpu.memory_space<vmem>>
          tpu.wait_dma2 semaphore(%dma_wait3A_875 : memref<!tpu.dma_semaphore, #tpu.memory_space<semaphore_mem>>) src(%dma_wait3A_883 : memref<26x64xf32, #tpu.memory_space<vmem>>) dst(%dma_wait3A_879 : memref<26x64xf32, #tpu.memory_space<hbm>>)
        } else {
        }
        %dma_start3A = arith.constant 7 : i32
        %dma_start3A_791 = arith.constant 7 : i32
        %dma_start3A_792 = arith.constant 0 : i32
        %dma_start3A_793 = arith.constant 0 : i32
        %dma_start3A_794 = tpu.memref_slice %arg7[%dma_start3A, %dma_start3A_792, %dma_start3A_793] : memref<8x112x64xf32, #tpu.memory_space<vmem>> -> memref<1x112x64xf32, #tpu.memory_space<vmem>>
        %dma_start3A_795 = tpu.memref_squeeze %dma_start3A_794 : memref<1x112x64xf32, #tpu.memory_space<vmem>> -> memref<112x64xf32, #tpu.memory_space<vmem>>
        %dma_start3A_796 = arith.constant 0 : i32
        %dma_start3A_797 = tpu.memref_slice %arg6[%add3A_770, %dma_start3A_796] : memref<128x112xi32, #tpu.memory_space<vmem>> -> memref<1x112xi32, #tpu.memory_space<vmem>>
        %dma_start3A_798 = tpu.memref_squeeze %dma_start3A_797 : memref<1x112xi32, #tpu.memory_space<vmem>> -> memref<112xi32, #tpu.memory_space<vmem>>
        %dma_start3A_799 = arith.constant 0 : i32
        %dma_start3A_800 = arith.constant 0 : i32
        %dma_start3A_801 = tpu.memref_slice %arg3[%dma_start3A_799, %dma_start3A_800] : memref<1000000x64xf32, #tpu.memory_space<hbm>> -> memref<1000000x64xf32, #tpu.memory_space<hbm>>
        %dma_start3A_802 = tpu.memref_slice %arg8[%dma_start3A_791] : memref<8x!tpu.dma_semaphore, #tpu.memory_space<semaphore_mem>> -> memref<1x!tpu.dma_semaphore, #tpu.memory_space<semaphore_mem>>
        %dma_start3A_803 = tpu.memref_squeeze %dma_start3A_802 : memref<1x!tpu.dma_semaphore, #tpu.memory_space<semaphore_mem>> -> memref<!tpu.dma_semaphore, #tpu.memory_space<semaphore_mem>>
        tpu.enqueue_indirect_dma source(%dma_start3A_801 : memref<1000000x64xf32, #tpu.memory_space<hbm>>) target(%dma_start3A_795 : memref<112x64xf32, #tpu.memory_space<vmem>>) offsets(%dma_start3A_798 : memref<112xi32, #tpu.memory_space<vmem>>) semaphore(%dma_start3A_803 : memref<!tpu.dma_semaphore, #tpu.memory_space<semaphore_mem>>)
      } else {
      }
      %sub3A_776 = arith.constant 4 : i32
      %sub3A_777 = arith.subi %add3A_770, %sub3A_776 : i32
      %ge3A_778 = arith.constant 0 : i32
      %ge3A_779 = arith.cmpi sge, %sub3A_777, %ge3A_778 : i32
      %lt3A_780 = arith.constant 128 : i32
      %lt3A_781 = arith.cmpi slt, %sub3A_777, %lt3A_780 : i32
      %and3A_782 = arith.andi %ge3A_779, %lt3A_781 : i1
      %convert_element_type3A_783 = arith.extui %and3A_782 : i1 to i32
      %cond3A_784 = arith.constant 0 : i32
      %cond3A_785 = arith.cmpi ne, %convert_element_type3A_783, %cond3A_784 : i32
      scf.if %cond3A_785 {
        %dma_wait3A_786 = arith.constant 0 : i32
        %dma_wait3A_787 = arith.constant 3 : i32
        %dma_wait3A_788 = arith.constant 3 : i32
        %dma_wait3A_789 = arith.constant 0 : i32
        %dma_wait3A_790 = arith.constant 0 : i32
        %dma_wait3A_791 = tpu.memref_slice %arg7[%dma_wait3A_787, %dma_wait3A_789, %dma_wait3A_790] : memref<8x112x64xf32, #tpu.memory_space<vmem>> -> memref<1x112x64xf32, #tpu.memory_space<vmem>>
        %dma_wait3A_792 = tpu.memref_squeeze %dma_wait3A_791 : memref<1x112x64xf32, #tpu.memory_space<vmem>> -> memref<112x64xf32, #tpu.memory_space<vmem>>
        %dma_wait3A_793 = arith.constant 0 : i32
        %dma_wait3A_794 = tpu.memref_slice %arg6[%dma_wait3A_786, %dma_wait3A_793] : memref<128x112xi32, #tpu.memory_space<vmem>> -> memref<1x112xi32, #tpu.memory_space<vmem>>
        %dma_wait3A_795 = tpu.memref_squeeze %dma_wait3A_794 : memref<1x112xi32, #tpu.memory_space<vmem>> -> memref<112xi32, #tpu.memory_space<vmem>>
        %dma_wait3A_796 = arith.constant 0 : i32
        %dma_wait3A_797 = arith.constant 0 : i32
        %dma_wait3A_798 = tpu.memref_slice %arg3[%dma_wait3A_796, %dma_wait3A_797] : memref<1000000x64xf32, #tpu.memory_space<hbm>> -> memref<1000000x64xf32, #tpu.memory_space<hbm>>
        %dma_wait3A_799 = tpu.memref_slice %arg8[%dma_wait3A_788] : memref<8x!tpu.dma_semaphore, #tpu.memory_space<semaphore_mem>> -> memref<1x!tpu.dma_semaphore, #tpu.memory_space<semaphore_mem>>
        %dma_wait3A_800 = tpu.memref_squeeze %dma_wait3A_799 : memref<1x!tpu.dma_semaphore, #tpu.memory_space<semaphore_mem>> -> memref<!tpu.dma_semaphore, #tpu.memory_space<semaphore_mem>>
        tpu.wait_indirect_dma semaphore(%dma_wait3A_800 : memref<!tpu.dma_semaphore, #tpu.memory_space<semaphore_mem>>) src(%dma_wait3A_798 : memref<1000000x64xf32, #tpu.memory_space<hbm>>) dst(%dma_wait3A_792 : memref<112x64xf32, #tpu.memory_space<vmem>>)
        %mul3A_801 = arith.constant 4 : i32
        %mul3A_802 = arith.muli %sub3A_777, %mul3A_801 : i32
        %add3A_803 = arith.addi %mul3A_2, %mul3A_802 : i32
        %add3A_804 = arith.constant 0 : i32
        %add3A_805 = arith.addi %add3A_803, %add3A_804 : i32
        %dma_start3A = arith.constant 3 : i32
        %dma_start3A_806 = arith.constant 3 : i32
        %dma_start3A_807 = arith.constant 0 : i32
        %dma_start3A_808 = arith.constant 0 : i32
        %dma_start3A_809 = tpu.memref_slice %arg7[%dma_start3A, %dma_start3A_807, %dma_start3A_808] : memref<8x112x64xf32, #tpu.memory_space<vmem>> -> memref<1x26x64xf32, #tpu.memory_space<vmem>>
        %dma_start3A_810 = tpu.memref_squeeze %dma_start3A_809 : memref<1x26x64xf32, #tpu.memory_space<vmem>> -> memref<26x64xf32, #tpu.memory_space<vmem>>
        %dma_start3A_811 = arith.constant 0 : i32
        %dma_start3A_812 = arith.constant 0 : i32
        %dma_start3A_813 = tpu.memref_slice %arg4[%add3A_805, %dma_start3A_811, %dma_start3A_812] : memref<16384x32x128xf32, #tpu.memory_space<hbm>> -> memref<1x26x64xf32, #tpu.memory_space<hbm>>
        %dma_start3A_814 = tpu.memref_squeeze %dma_start3A_813 : memref<1x26x64xf32, #tpu.memory_space<hbm>> -> memref<26x64xf32, #tpu.memory_space<hbm>>
        %dma_start3A_815 = tpu.memref_slice %arg9[%dma_start3A_806] : memref<8x!tpu.dma_semaphore, #tpu.memory_space<semaphore_mem>> -> memref<1x!tpu.dma_semaphore, #tpu.memory_space<semaphore_mem>>
        %dma_start3A_816 = tpu.memref_squeeze %dma_start3A_815 : memref<1x!tpu.dma_semaphore, #tpu.memory_space<semaphore_mem>> -> memref<!tpu.dma_semaphore, #tpu.memory_space<semaphore_mem>>
        %dma_start3A_817 = arith.constant 0 : i32
        %dma_start3A_818 = arith.constant 0 : i32
        %dma_start3A_819 = tpu.memref_slice %arg4[%add3A_805, %dma_start3A_817, %dma_start3A_818] : memref<16384x32x128xf32, #tpu.memory_space<hbm>> -> memref<1x26x64xf32, #tpu.memory_space<hbm>>
        %dma_start3A_820 = tpu.memref_squeeze %dma_start3A_819 : memref<1x26x64xf32, #tpu.memory_space<hbm>> -> memref<26x64xf32, #tpu.memory_space<hbm>>
        %dma_start3A_821 = arith.constant 0 : i32
        %dma_start3A_822 = arith.constant 0 : i32
        %dma_start3A_823 = tpu.memref_slice %arg7[%dma_start3A, %dma_start3A_821, %dma_start3A_822] : memref<8x112x64xf32, #tpu.memory_space<vmem>> -> memref<1x26x64xf32, #tpu.memory_space<vmem>>
        %dma_start3A_824 = tpu.memref_squeeze %dma_start3A_823 : memref<1x26x64xf32, #tpu.memory_space<vmem>> -> memref<26x64xf32, #tpu.memory_space<vmem>>
        tpu.enqueue_dma source(%dma_start3A_824 : memref<26x64xf32, #tpu.memory_space<vmem>>) target(%dma_start3A_820 : memref<26x64xf32, #tpu.memory_space<hbm>>) target_semaphore(%dma_start3A_816 : memref<!tpu.dma_semaphore, #tpu.memory_space<semaphore_mem>>)
        %mul3A_825 = arith.constant 4 : i32
        %mul3A_826 = arith.muli %sub3A_777, %mul3A_825 : i32
        %add3A_827 = arith.addi %mul3A_2, %mul3A_826 : i32
        %add3A_828 = arith.constant 1 : i32
        %add3A_829 = arith.addi %add3A_827, %add3A_828 : i32
        %dma_start3A_830 = arith.constant 3 : i32
        %dma_start3A_831 = arith.constant 3 : i32
        %dma_start3A_832 = arith.constant 26 : i32
        %dma_start3A_833 = arith.constant 0 : i32
        %dma_start3A_834 = tpu.memref_slice %arg7[%dma_start3A_830, %dma_start3A_832, %dma_start3A_833] : memref<8x112x64xf32, #tpu.memory_space<vmem>> -> memref<1x26x64xf32, #tpu.memory_space<vmem>>
        %dma_start3A_835 = tpu.memref_squeeze %dma_start3A_834 : memref<1x26x64xf32, #tpu.memory_space<vmem>> -> memref<26x64xf32, #tpu.memory_space<vmem>>
        %dma_start3A_836 = arith.constant 0 : i32
        %dma_start3A_837 = arith.constant 0 : i32
        %dma_start3A_838 = tpu.memref_slice %arg4[%add3A_829, %dma_start3A_836, %dma_start3A_837] : memref<16384x32x128xf32, #tpu.memory_space<hbm>> -> memref<1x26x64xf32, #tpu.memory_space<hbm>>
        %dma_start3A_839 = tpu.memref_squeeze %dma_start3A_838 : memref<1x26x64xf32, #tpu.memory_space<hbm>> -> memref<26x64xf32, #tpu.memory_space<hbm>>
        %dma_start3A_840 = tpu.memref_slice %arg9[%dma_start3A_831] : memref<8x!tpu.dma_semaphore, #tpu.memory_space<semaphore_mem>> -> memref<1x!tpu.dma_semaphore, #tpu.memory_space<semaphore_mem>>
        %dma_start3A_841 = tpu.memref_squeeze %dma_start3A_840 : memref<1x!tpu.dma_semaphore, #tpu.memory_space<semaphore_mem>> -> memref<!tpu.dma_semaphore, #tpu.memory_space<semaphore_mem>>
        %dma_start3A_842 = arith.constant 0 : i32
        %dma_start3A_843 = arith.constant 0 : i32
        %dma_start3A_844 = tpu.memref_slice %arg4[%add3A_829, %dma_start3A_842, %dma_start3A_843] : memref<16384x32x128xf32, #tpu.memory_space<hbm>> -> memref<1x26x64xf32, #tpu.memory_space<hbm>>
        %dma_start3A_845 = tpu.memref_squeeze %dma_start3A_844 : memref<1x26x64xf32, #tpu.memory_space<hbm>> -> memref<26x64xf32, #tpu.memory_space<hbm>>
        %dma_start3A_846 = arith.constant 26 : i32
        %dma_start3A_847 = arith.constant 0 : i32
        %dma_start3A_848 = tpu.memref_slice %arg7[%dma_start3A_830, %dma_start3A_846, %dma_start3A_847] : memref<8x112x64xf32, #tpu.memory_space<vmem>> -> memref<1x26x64xf32, #tpu.memory_space<vmem>>
        %dma_start3A_849 = tpu.memref_squeeze %dma_start3A_848 : memref<1x26x64xf32, #tpu.memory_space<vmem>> -> memref<26x64xf32, #tpu.memory_space<vmem>>
        tpu.enqueue_dma source(%dma_start3A_849 : memref<26x64xf32, #tpu.memory_space<vmem>>) target(%dma_start3A_845 : memref<26x64xf32, #tpu.memory_space<hbm>>) target_semaphore(%dma_start3A_841 : memref<!tpu.dma_semaphore, #tpu.memory_space<semaphore_mem>>)
        %mul3A_850 = arith.constant 4 : i32
        %mul3A_851 = arith.muli %sub3A_777, %mul3A_850 : i32
        %add3A_852 = arith.addi %mul3A_2, %mul3A_851 : i32
        %add3A_853 = arith.constant 2 : i32
        %add3A_854 = arith.addi %add3A_852, %add3A_853 : i32
        %dma_start3A_855 = arith.constant 3 : i32
        %dma_start3A_856 = arith.constant 3 : i32
        %dma_start3A_857 = arith.constant 52 : i32
        %dma_start3A_858 = arith.constant 0 : i32
        %dma_start3A_859 = tpu.memref_slice %arg7[%dma_start3A_855, %dma_start3A_857, %dma_start3A_858] : memref<8x112x64xf32, #tpu.memory_space<vmem>> -> memref<1x26x64xf32, #tpu.memory_space<vmem>>
        %dma_start3A_860 = tpu.memref_squeeze %dma_start3A_859 : memref<1x26x64xf32, #tpu.memory_space<vmem>> -> memref<26x64xf32, #tpu.memory_space<vmem>>
        %dma_start3A_861 = arith.constant 0 : i32
        %dma_start3A_862 = arith.constant 0 : i32
        %dma_start3A_863 = tpu.memref_slice %arg4[%add3A_854, %dma_start3A_861, %dma_start3A_862] : memref<16384x32x128xf32, #tpu.memory_space<hbm>> -> memref<1x26x64xf32, #tpu.memory_space<hbm>>
        %dma_start3A_864 = tpu.memref_squeeze %dma_start3A_863 : memref<1x26x64xf32, #tpu.memory_space<hbm>> -> memref<26x64xf32, #tpu.memory_space<hbm>>
        %dma_start3A_865 = tpu.memref_slice %arg9[%dma_start3A_856] : memref<8x!tpu.dma_semaphore, #tpu.memory_space<semaphore_mem>> -> memref<1x!tpu.dma_semaphore, #tpu.memory_space<semaphore_mem>>
        %dma_start3A_866 = tpu.memref_squeeze %dma_start3A_865 : memref<1x!tpu.dma_semaphore, #tpu.memory_space<semaphore_mem>> -> memref<!tpu.dma_semaphore, #tpu.memory_space<semaphore_mem>>
        %dma_start3A_867 = arith.constant 0 : i32
        %dma_start3A_868 = arith.constant 0 : i32
        %dma_start3A_869 = tpu.memref_slice %arg4[%add3A_854, %dma_start3A_867, %dma_start3A_868] : memref<16384x32x128xf32, #tpu.memory_space<hbm>> -> memref<1x26x64xf32, #tpu.memory_space<hbm>>
        %dma_start3A_870 = tpu.memref_squeeze %dma_start3A_869 : memref<1x26x64xf32, #tpu.memory_space<hbm>> -> memref<26x64xf32, #tpu.memory_space<hbm>>
        %dma_start3A_871 = arith.constant 52 : i32
        %dma_start3A_872 = arith.constant 0 : i32
        %dma_start3A_873 = tpu.memref_slice %arg7[%dma_start3A_855, %dma_start3A_871, %dma_start3A_872] : memref<8x112x64xf32, #tpu.memory_space<vmem>> -> memref<1x26x64xf32, #tpu.memory_space<vmem>>
        %dma_start3A_874 = tpu.memref_squeeze %dma_start3A_873 : memref<1x26x64xf32, #tpu.memory_space<vmem>> -> memref<26x64xf32, #tpu.memory_space<vmem>>
        tpu.enqueue_dma source(%dma_start3A_874 : memref<26x64xf32, #tpu.memory_space<vmem>>) target(%dma_start3A_870 : memref<26x64xf32, #tpu.memory_space<hbm>>) target_semaphore(%dma_start3A_866 : memref<!tpu.dma_semaphore, #tpu.memory_space<semaphore_mem>>)
        %mul3A_875 = arith.constant 4 : i32
        %mul3A_876 = arith.muli %sub3A_777, %mul3A_875 : i32
        %add3A_877 = arith.addi %mul3A_2, %mul3A_876 : i32
        %add3A_878 = arith.constant 3 : i32
        %add3A_879 = arith.addi %add3A_877, %add3A_878 : i32
        %dma_start3A_880 = arith.constant 3 : i32
        %dma_start3A_881 = arith.constant 3 : i32
        %dma_start3A_882 = arith.constant 78 : i32
        %dma_start3A_883 = arith.constant 0 : i32
        %dma_start3A_884 = tpu.memref_slice %arg7[%dma_start3A_880, %dma_start3A_882, %dma_start3A_883] : memref<8x112x64xf32, #tpu.memory_space<vmem>> -> memref<1x26x64xf32, #tpu.memory_space<vmem>>
        %dma_start3A_885 = tpu.memref_squeeze %dma_start3A_884 : memref<1x26x64xf32, #tpu.memory_space<vmem>> -> memref<26x64xf32, #tpu.memory_space<vmem>>
        %dma_start3A_886 = arith.constant 0 : i32
        %dma_start3A_887 = arith.constant 0 : i32
        %dma_start3A_888 = tpu.memref_slice %arg4[%add3A_879, %dma_start3A_886, %dma_start3A_887] : memref<16384x32x128xf32, #tpu.memory_space<hbm>> -> memref<1x26x64xf32, #tpu.memory_space<hbm>>
        %dma_start3A_889 = tpu.memref_squeeze %dma_start3A_888 : memref<1x26x64xf32, #tpu.memory_space<hbm>> -> memref<26x64xf32, #tpu.memory_space<hbm>>
        %dma_start3A_890 = tpu.memref_slice %arg9[%dma_start3A_881] : memref<8x!tpu.dma_semaphore, #tpu.memory_space<semaphore_mem>> -> memref<1x!tpu.dma_semaphore, #tpu.memory_space<semaphore_mem>>
        %dma_start3A_891 = tpu.memref_squeeze %dma_start3A_890 : memref<1x!tpu.dma_semaphore, #tpu.memory_space<semaphore_mem>> -> memref<!tpu.dma_semaphore, #tpu.memory_space<semaphore_mem>>
        %dma_start3A_892 = arith.constant 0 : i32
        %dma_start3A_893 = arith.constant 0 : i32
        %dma_start3A_894 = tpu.memref_slice %arg4[%add3A_879, %dma_start3A_892, %dma_start3A_893] : memref<16384x32x128xf32, #tpu.memory_space<hbm>> -> memref<1x26x64xf32, #tpu.memory_space<hbm>>
        %dma_start3A_895 = tpu.memref_squeeze %dma_start3A_894 : memref<1x26x64xf32, #tpu.memory_space<hbm>> -> memref<26x64xf32, #tpu.memory_space<hbm>>
        %dma_start3A_896 = arith.constant 78 : i32
        %dma_start3A_897 = arith.constant 0 : i32
        %dma_start3A_898 = tpu.memref_slice %arg7[%dma_start3A_880, %dma_start3A_896, %dma_start3A_897] : memref<8x112x64xf32, #tpu.memory_space<vmem>> -> memref<1x26x64xf32, #tpu.memory_space<vmem>>
        %dma_start3A_899 = tpu.memref_squeeze %dma_start3A_898 : memref<1x26x64xf32, #tpu.memory_space<vmem>> -> memref<26x64xf32, #tpu.memory_space<vmem>>
        tpu.enqueue_dma source(%dma_start3A_899 : memref<26x64xf32, #tpu.memory_space<vmem>>) target(%dma_start3A_895 : memref<26x64xf32, #tpu.memory_space<hbm>>) target_semaphore(%dma_start3A_891 : memref<!tpu.dma_semaphore, #tpu.memory_space<semaphore_mem>>)
      } else {
      }
    }
    %scan3A_11 = arith.constant 17 : i32
    %dma_wait3A = arith.constant 0 : i32
    %dma_wait3A_12 = arith.constant 0 : i32
    %dma_wait3A_13 = arith.constant 0 : i32
    %dma_wait3A_14 = arith.constant 0 : i32
    %dma_wait3A_15 = tpu.memref_slice %arg7[%dma_wait3A, %dma_wait3A_13, %dma_wait3A_14] : memref<8x112x64xf32, #tpu.memory_space<vmem>> -> memref<1x26x64xf32, #tpu.memory_space<vmem>>
    %dma_wait3A_16 = tpu.memref_squeeze %dma_wait3A_15 : memref<1x26x64xf32, #tpu.memory_space<vmem>> -> memref<26x64xf32, #tpu.memory_space<vmem>>
    %dma_wait3A_17 = arith.constant 0 : i32
    %dma_wait3A_18 = arith.constant 0 : i32
    %dma_wait3A_19 = tpu.memref_slice %arg4[%mul3A_2, %dma_wait3A_17, %dma_wait3A_18] : memref<16384x32x128xf32, #tpu.memory_space<hbm>> -> memref<1x26x64xf32, #tpu.memory_space<hbm>>
    %dma_wait3A_20 = tpu.memref_squeeze %dma_wait3A_19 : memref<1x26x64xf32, #tpu.memory_space<hbm>> -> memref<26x64xf32, #tpu.memory_space<hbm>>
    %dma_wait3A_21 = tpu.memref_slice %arg9[%dma_wait3A_12] : memref<8x!tpu.dma_semaphore, #tpu.memory_space<semaphore_mem>> -> memref<1x!tpu.dma_semaphore, #tpu.memory_space<semaphore_mem>>
    %dma_wait3A_22 = tpu.memref_squeeze %dma_wait3A_21 : memref<1x!tpu.dma_semaphore, #tpu.memory_space<semaphore_mem>> -> memref<!tpu.dma_semaphore, #tpu.memory_space<semaphore_mem>>
    %dma_wait3A_23 = arith.constant 0 : i32
    %dma_wait3A_24 = arith.constant 0 : i32
    %dma_wait3A_25 = tpu.memref_slice %arg4[%mul3A_2, %dma_wait3A_23, %dma_wait3A_24] : memref<16384x32x128xf32, #tpu.memory_space<hbm>> -> memref<1x26x64xf32, #tpu.memory_space<hbm>>
    %dma_wait3A_26 = tpu.memref_squeeze %dma_wait3A_25 : memref<1x26x64xf32, #tpu.memory_space<hbm>> -> memref<26x64xf32, #tpu.memory_space<hbm>>
    %dma_wait3A_27 = arith.constant 0 : i32
    %dma_wait3A_28 = arith.constant 0 : i32
    %dma_wait3A_29 = tpu.memref_slice %arg7[%dma_wait3A, %dma_wait3A_27, %dma_wait3A_28] : memref<8x112x64xf32, #tpu.memory_space<vmem>> -> memref<1x26x64xf32, #tpu.memory_space<vmem>>
    %dma_wait3A_30 = tpu.memref_squeeze %dma_wait3A_29 : memref<1x26x64xf32, #tpu.memory_space<vmem>> -> memref<26x64xf32, #tpu.memory_space<vmem>>
    tpu.wait_dma2 semaphore(%dma_wait3A_22 : memref<!tpu.dma_semaphore, #tpu.memory_space<semaphore_mem>>) src(%dma_wait3A_30 : memref<26x64xf32, #tpu.memory_space<vmem>>) dst(%dma_wait3A_26 : memref<26x64xf32, #tpu.memory_space<hbm>>)
    %dma_wait3A_31 = arith.constant 0 : i32
    %dma_wait3A_32 = arith.constant 0 : i32
    %dma_wait3A_33 = arith.constant 26 : i32
    %dma_wait3A_34 = arith.constant 0 : i32
    %dma_wait3A_35 = tpu.memref_slice %arg7[%dma_wait3A_31, %dma_wait3A_33, %dma_wait3A_34] : memref<8x112x64xf32, #tpu.memory_space<vmem>> -> memref<1x26x64xf32, #tpu.memory_space<vmem>>
    %dma_wait3A_36 = tpu.memref_squeeze %dma_wait3A_35 : memref<1x26x64xf32, #tpu.memory_space<vmem>> -> memref<26x64xf32, #tpu.memory_space<vmem>>
    %dma_wait3A_37 = arith.constant 0 : i32
    %dma_wait3A_38 = arith.constant 0 : i32
    %dma_wait3A_39 = tpu.memref_slice %arg4[%mul3A_2, %dma_wait3A_37, %dma_wait3A_38] : memref<16384x32x128xf32, #tpu.memory_space<hbm>> -> memref<1x26x64xf32, #tpu.memory_space<hbm>>
    %dma_wait3A_40 = tpu.memref_squeeze %dma_wait3A_39 : memref<1x26x64xf32, #tpu.memory_space<hbm>> -> memref<26x64xf32, #tpu.memory_space<hbm>>
    %dma_wait3A_41 = tpu.memref_slice %arg9[%dma_wait3A_32] : memref<8x!tpu.dma_semaphore, #tpu.memory_space<semaphore_mem>> -> memref<1x!tpu.dma_semaphore, #tpu.memory_space<semaphore_mem>>
    %dma_wait3A_42 = tpu.memref_squeeze %dma_wait3A_41 : memref<1x!tpu.dma_semaphore, #tpu.memory_space<semaphore_mem>> -> memref<!tpu.dma_semaphore, #tpu.memory_space<semaphore_mem>>
    %dma_wait3A_43 = arith.constant 0 : i32
    %dma_wait3A_44 = arith.constant 0 : i32
    %dma_wait3A_45 = tpu.memref_slice %arg4[%mul3A_2, %dma_wait3A_43, %dma_wait3A_44] : memref<16384x32x128xf32, #tpu.memory_space<hbm>> -> memref<1x26x64xf32, #tpu.memory_space<hbm>>
    %dma_wait3A_46 = tpu.memref_squeeze %dma_wait3A_45 : memref<1x26x64xf32, #tpu.memory_space<hbm>> -> memref<26x64xf32, #tpu.memory_space<hbm>>
    %dma_wait3A_47 = arith.constant 26 : i32
    %dma_wait3A_48 = arith.constant 0 : i32
    %dma_wait3A_49 = tpu.memref_slice %arg7[%dma_wait3A_31, %dma_wait3A_47, %dma_wait3A_48] : memref<8x112x64xf32, #tpu.memory_space<vmem>> -> memref<1x26x64xf32, #tpu.memory_space<vmem>>
    %dma_wait3A_50 = tpu.memref_squeeze %dma_wait3A_49 : memref<1x26x64xf32, #tpu.memory_space<vmem>> -> memref<26x64xf32, #tpu.memory_space<vmem>>
    tpu.wait_dma2 semaphore(%dma_wait3A_42 : memref<!tpu.dma_semaphore, #tpu.memory_space<semaphore_mem>>) src(%dma_wait3A_50 : memref<26x64xf32, #tpu.memory_space<vmem>>) dst(%dma_wait3A_46 : memref<26x64xf32, #tpu.memory_space<hbm>>)
    %dma_wait3A_51 = arith.constant 0 : i32
    %dma_wait3A_52 = arith.constant 0 : i32
    %dma_wait3A_53 = arith.constant 52 : i32
    %dma_wait3A_54 = arith.constant 0 : i32
    %dma_wait3A_55 = tpu.memref_slice %arg7[%dma_wait3A_51, %dma_wait3A_53, %dma_wait3A_54] : memref<8x112x64xf32, #tpu.memory_space<vmem>> -> memref<1x26x64xf32, #tpu.memory_space<vmem>>
    %dma_wait3A_56 = tpu.memref_squeeze %dma_wait3A_55 : memref<1x26x64xf32, #tpu.memory_space<vmem>> -> memref<26x64xf32, #tpu.memory_space<vmem>>
    %dma_wait3A_57 = arith.constant 0 : i32
    %dma_wait3A_58 = arith.constant 0 : i32
    %dma_wait3A_59 = tpu.memref_slice %arg4[%mul3A_2, %dma_wait3A_57, %dma_wait3A_58] : memref<16384x32x128xf32, #tpu.memory_space<hbm>> -> memref<1x26x64xf32, #tpu.memory_space<hbm>>
    %dma_wait3A_60 = tpu.memref_squeeze %dma_wait3A_59 : memref<1x26x64xf32, #tpu.memory_space<hbm>> -> memref<26x64xf32, #tpu.memory_space<hbm>>
    %dma_wait3A_61 = tpu.memref_slice %arg9[%dma_wait3A_52] : memref<8x!tpu.dma_semaphore, #tpu.memory_space<semaphore_mem>> -> memref<1x!tpu.dma_semaphore, #tpu.memory_space<semaphore_mem>>
    %dma_wait3A_62 = tpu.memref_squeeze %dma_wait3A_61 : memref<1x!tpu.dma_semaphore, #tpu.memory_space<semaphore_mem>> -> memref<!tpu.dma_semaphore, #tpu.memory_space<semaphore_mem>>
    %dma_wait3A_63 = arith.constant 0 : i32
    %dma_wait3A_64 = arith.constant 0 : i32
    %dma_wait3A_65 = tpu.memref_slice %arg4[%mul3A_2, %dma_wait3A_63, %dma_wait3A_64] : memref<16384x32x128xf32, #tpu.memory_space<hbm>> -> memref<1x26x64xf32, #tpu.memory_space<hbm>>
    %dma_wait3A_66 = tpu.memref_squeeze %dma_wait3A_65 : memref<1x26x64xf32, #tpu.memory_space<hbm>> -> memref<26x64xf32, #tpu.memory_space<hbm>>
    %dma_wait3A_67 = arith.constant 52 : i32
    %dma_wait3A_68 = arith.constant 0 : i32
    %dma_wait3A_69 = tpu.memref_slice %arg7[%dma_wait3A_51, %dma_wait3A_67, %dma_wait3A_68] : memref<8x112x64xf32, #tpu.memory_space<vmem>> -> memref<1x26x64xf32, #tpu.memory_space<vmem>>
    %dma_wait3A_70 = tpu.memref_squeeze %dma_wait3A_69 : memref<1x26x64xf32, #tpu.memory_space<vmem>> -> memref<26x64xf32, #tpu.memory_space<vmem>>
    tpu.wait_dma2 semaphore(%dma_wait3A_62 : memref<!tpu.dma_semaphore, #tpu.memory_space<semaphore_mem>>) src(%dma_wait3A_70 : memref<26x64xf32, #tpu.memory_space<vmem>>) dst(%dma_wait3A_66 : memref<26x64xf32, #tpu.memory_space<hbm>>)
    %dma_wait3A_71 = arith.constant 0 : i32
    %dma_wait3A_72 = arith.constant 0 : i32
    %dma_wait3A_73 = arith.constant 78 : i32
    %dma_wait3A_74 = arith.constant 0 : i32
    %dma_wait3A_75 = tpu.memref_slice %arg7[%dma_wait3A_71, %dma_wait3A_73, %dma_wait3A_74] : memref<8x112x64xf32, #tpu.memory_space<vmem>> -> memref<1x26x64xf32, #tpu.memory_space<vmem>>
    %dma_wait3A_76 = tpu.memref_squeeze %dma_wait3A_75 : memref<1x26x64xf32, #tpu.memory_space<vmem>> -> memref<26x64xf32, #tpu.memory_space<vmem>>
    %dma_wait3A_77 = arith.constant 0 : i32
    %dma_wait3A_78 = arith.constant 0 : i32
    %dma_wait3A_79 = tpu.memref_slice %arg4[%mul3A_2, %dma_wait3A_77, %dma_wait3A_78] : memref<16384x32x128xf32, #tpu.memory_space<hbm>> -> memref<1x26x64xf32, #tpu.memory_space<hbm>>
    %dma_wait3A_80 = tpu.memref_squeeze %dma_wait3A_79 : memref<1x26x64xf32, #tpu.memory_space<hbm>> -> memref<26x64xf32, #tpu.memory_space<hbm>>
    %dma_wait3A_81 = tpu.memref_slice %arg9[%dma_wait3A_72] : memref<8x!tpu.dma_semaphore, #tpu.memory_space<semaphore_mem>> -> memref<1x!tpu.dma_semaphore, #tpu.memory_space<semaphore_mem>>
    %dma_wait3A_82 = tpu.memref_squeeze %dma_wait3A_81 : memref<1x!tpu.dma_semaphore, #tpu.memory_space<semaphore_mem>> -> memref<!tpu.dma_semaphore, #tpu.memory_space<semaphore_mem>>
    %dma_wait3A_83 = arith.constant 0 : i32
    %dma_wait3A_84 = arith.constant 0 : i32
    %dma_wait3A_85 = tpu.memref_slice %arg4[%mul3A_2, %dma_wait3A_83, %dma_wait3A_84] : memref<16384x32x128xf32, #tpu.memory_space<hbm>> -> memref<1x26x64xf32, #tpu.memory_space<hbm>>
    %dma_wait3A_86 = tpu.memref_squeeze %dma_wait3A_85 : memref<1x26x64xf32, #tpu.memory_space<hbm>> -> memref<26x64xf32, #tpu.memory_space<hbm>>
    %dma_wait3A_87 = arith.constant 78 : i32
    %dma_wait3A_88 = arith.constant 0 : i32
    %dma_wait3A_89 = tpu.memref_slice %arg7[%dma_wait3A_71, %dma_wait3A_87, %dma_wait3A_88] : memref<8x112x64xf32, #tpu.memory_space<vmem>> -> memref<1x26x64xf32, #tpu.memory_space<vmem>>
    %dma_wait3A_90 = tpu.memref_squeeze %dma_wait3A_89 : memref<1x26x64xf32, #tpu.memory_space<vmem>> -> memref<26x64xf32, #tpu.memory_space<vmem>>
    tpu.wait_dma2 semaphore(%dma_wait3A_82 : memref<!tpu.dma_semaphore, #tpu.memory_space<semaphore_mem>>) src(%dma_wait3A_90 : memref<26x64xf32, #tpu.memory_space<vmem>>) dst(%dma_wait3A_86 : memref<26x64xf32, #tpu.memory_space<hbm>>)
    %dma_wait3A_91 = arith.constant 1 : i32
    %dma_wait3A_92 = arith.constant 1 : i32
    %dma_wait3A_93 = arith.constant 0 : i32
    %dma_wait3A_94 = arith.constant 0 : i32
    %dma_wait3A_95 = tpu.memref_slice %arg7[%dma_wait3A_91, %dma_wait3A_93, %dma_wait3A_94] : memref<8x112x64xf32, #tpu.memory_space<vmem>> -> memref<1x26x64xf32, #tpu.memory_space<vmem>>
    %dma_wait3A_96 = tpu.memref_squeeze %dma_wait3A_95 : memref<1x26x64xf32, #tpu.memory_space<vmem>> -> memref<26x64xf32, #tpu.memory_space<vmem>>
    %dma_wait3A_97 = arith.constant 0 : i32
    %dma_wait3A_98 = arith.constant 0 : i32
    %dma_wait3A_99 = tpu.memref_slice %arg4[%mul3A_2, %dma_wait3A_97, %dma_wait3A_98] : memref<16384x32x128xf32, #tpu.memory_space<hbm>> -> memref<1x26x64xf32, #tpu.memory_space<hbm>>
    %dma_wait3A_100 = tpu.memref_squeeze %dma_wait3A_99 : memref<1x26x64xf32, #tpu.memory_space<hbm>> -> memref<26x64xf32, #tpu.memory_space<hbm>>
    %dma_wait3A_101 = tpu.memref_slice %arg9[%dma_wait3A_92] : memref<8x!tpu.dma_semaphore, #tpu.memory_space<semaphore_mem>> -> memref<1x!tpu.dma_semaphore, #tpu.memory_space<semaphore_mem>>
    %dma_wait3A_102 = tpu.memref_squeeze %dma_wait3A_101 : memref<1x!tpu.dma_semaphore, #tpu.memory_space<semaphore_mem>> -> memref<!tpu.dma_semaphore, #tpu.memory_space<semaphore_mem>>
    %dma_wait3A_103 = arith.constant 0 : i32
    %dma_wait3A_104 = arith.constant 0 : i32
    %dma_wait3A_105 = tpu.memref_slice %arg4[%mul3A_2, %dma_wait3A_103, %dma_wait3A_104] : memref<16384x32x128xf32, #tpu.memory_space<hbm>> -> memref<1x26x64xf32, #tpu.memory_space<hbm>>
    %dma_wait3A_106 = tpu.memref_squeeze %dma_wait3A_105 : memref<1x26x64xf32, #tpu.memory_space<hbm>> -> memref<26x64xf32, #tpu.memory_space<hbm>>
    %dma_wait3A_107 = arith.constant 0 : i32
    %dma_wait3A_108 = arith.constant 0 : i32
    %dma_wait3A_109 = tpu.memref_slice %arg7[%dma_wait3A_91, %dma_wait3A_107, %dma_wait3A_108] : memref<8x112x64xf32, #tpu.memory_space<vmem>> -> memref<1x26x64xf32, #tpu.memory_space<vmem>>
    %dma_wait3A_110 = tpu.memref_squeeze %dma_wait3A_109 : memref<1x26x64xf32, #tpu.memory_space<vmem>> -> memref<26x64xf32, #tpu.memory_space<vmem>>
    tpu.wait_dma2 semaphore(%dma_wait3A_102 : memref<!tpu.dma_semaphore, #tpu.memory_space<semaphore_mem>>) src(%dma_wait3A_110 : memref<26x64xf32, #tpu.memory_space<vmem>>) dst(%dma_wait3A_106 : memref<26x64xf32, #tpu.memory_space<hbm>>)
    %dma_wait3A_111 = arith.constant 1 : i32
    %dma_wait3A_112 = arith.constant 1 : i32
    %dma_wait3A_113 = arith.constant 26 : i32
    %dma_wait3A_114 = arith.constant 0 : i32
    %dma_wait3A_115 = tpu.memref_slice %arg7[%dma_wait3A_111, %dma_wait3A_113, %dma_wait3A_114] : memref<8x112x64xf32, #tpu.memory_space<vmem>> -> memref<1x26x64xf32, #tpu.memory_space<vmem>>
    %dma_wait3A_116 = tpu.memref_squeeze %dma_wait3A_115 : memref<1x26x64xf32, #tpu.memory_space<vmem>> -> memref<26x64xf32, #tpu.memory_space<vmem>>
    %dma_wait3A_117 = arith.constant 0 : i32
    %dma_wait3A_118 = arith.constant 0 : i32
    %dma_wait3A_119 = tpu.memref_slice %arg4[%mul3A_2, %dma_wait3A_117, %dma_wait3A_118] : memref<16384x32x128xf32, #tpu.memory_space<hbm>> -> memref<1x26x64xf32, #tpu.memory_space<hbm>>
    %dma_wait3A_120 = tpu.memref_squeeze %dma_wait3A_119 : memref<1x26x64xf32, #tpu.memory_space<hbm>> -> memref<26x64xf32, #tpu.memory_space<hbm>>
    %dma_wait3A_121 = tpu.memref_slice %arg9[%dma_wait3A_112] : memref<8x!tpu.dma_semaphore, #tpu.memory_space<semaphore_mem>> -> memref<1x!tpu.dma_semaphore, #tpu.memory_space<semaphore_mem>>
    %dma_wait3A_122 = tpu.memref_squeeze %dma_wait3A_121 : memref<1x!tpu.dma_semaphore, #tpu.memory_space<semaphore_mem>> -> memref<!tpu.dma_semaphore, #tpu.memory_space<semaphore_mem>>
    %dma_wait3A_123 = arith.constant 0 : i32
    %dma_wait3A_124 = arith.constant 0 : i32
    %dma_wait3A_125 = tpu.memref_slice %arg4[%mul3A_2, %dma_wait3A_123, %dma_wait3A_124] : memref<16384x32x128xf32, #tpu.memory_space<hbm>> -> memref<1x26x64xf32, #tpu.memory_space<hbm>>
    %dma_wait3A_126 = tpu.memref_squeeze %dma_wait3A_125 : memref<1x26x64xf32, #tpu.memory_space<hbm>> -> memref<26x64xf32, #tpu.memory_space<hbm>>
    %dma_wait3A_127 = arith.constant 26 : i32
    %dma_wait3A_128 = arith.constant 0 : i32
    %dma_wait3A_129 = tpu.memref_slice %arg7[%dma_wait3A_111, %dma_wait3A_127, %dma_wait3A_128] : memref<8x112x64xf32, #tpu.memory_space<vmem>> -> memref<1x26x64xf32, #tpu.memory_space<vmem>>
    %dma_wait3A_130 = tpu.memref_squeeze %dma_wait3A_129 : memref<1x26x64xf32, #tpu.memory_space<vmem>> -> memref<26x64xf32, #tpu.memory_space<vmem>>
    tpu.wait_dma2 semaphore(%dma_wait3A_122 : memref<!tpu.dma_semaphore, #tpu.memory_space<semaphore_mem>>) src(%dma_wait3A_130 : memref<26x64xf32, #tpu.memory_space<vmem>>) dst(%dma_wait3A_126 : memref<26x64xf32, #tpu.memory_space<hbm>>)
    %dma_wait3A_131 = arith.constant 1 : i32
    %dma_wait3A_132 = arith.constant 1 : i32
    %dma_wait3A_133 = arith.constant 52 : i32
    %dma_wait3A_134 = arith.constant 0 : i32
    %dma_wait3A_135 = tpu.memref_slice %arg7[%dma_wait3A_131, %dma_wait3A_133, %dma_wait3A_134] : memref<8x112x64xf32, #tpu.memory_space<vmem>> -> memref<1x26x64xf32, #tpu.memory_space<vmem>>
    %dma_wait3A_136 = tpu.memref_squeeze %dma_wait3A_135 : memref<1x26x64xf32, #tpu.memory_space<vmem>> -> memref<26x64xf32, #tpu.memory_space<vmem>>
    %dma_wait3A_137 = arith.constant 0 : i32
    %dma_wait3A_138 = arith.constant 0 : i32
    %dma_wait3A_139 = tpu.memref_slice %arg4[%mul3A_2, %dma_wait3A_137, %dma_wait3A_138] : memref<16384x32x128xf32, #tpu.memory_space<hbm>> -> memref<1x26x64xf32, #tpu.memory_space<hbm>>
    %dma_wait3A_140 = tpu.memref_squeeze %dma_wait3A_139 : memref<1x26x64xf32, #tpu.memory_space<hbm>> -> memref<26x64xf32, #tpu.memory_space<hbm>>
    %dma_wait3A_141 = tpu.memref_slice %arg9[%dma_wait3A_132] : memref<8x!tpu.dma_semaphore, #tpu.memory_space<semaphore_mem>> -> memref<1x!tpu.dma_semaphore, #tpu.memory_space<semaphore_mem>>
    %dma_wait3A_142 = tpu.memref_squeeze %dma_wait3A_141 : memref<1x!tpu.dma_semaphore, #tpu.memory_space<semaphore_mem>> -> memref<!tpu.dma_semaphore, #tpu.memory_space<semaphore_mem>>
    %dma_wait3A_143 = arith.constant 0 : i32
    %dma_wait3A_144 = arith.constant 0 : i32
    %dma_wait3A_145 = tpu.memref_slice %arg4[%mul3A_2, %dma_wait3A_143, %dma_wait3A_144] : memref<16384x32x128xf32, #tpu.memory_space<hbm>> -> memref<1x26x64xf32, #tpu.memory_space<hbm>>
    %dma_wait3A_146 = tpu.memref_squeeze %dma_wait3A_145 : memref<1x26x64xf32, #tpu.memory_space<hbm>> -> memref<26x64xf32, #tpu.memory_space<hbm>>
    %dma_wait3A_147 = arith.constant 52 : i32
    %dma_wait3A_148 = arith.constant 0 : i32
    %dma_wait3A_149 = tpu.memref_slice %arg7[%dma_wait3A_131, %dma_wait3A_147, %dma_wait3A_148] : memref<8x112x64xf32, #tpu.memory_space<vmem>> -> memref<1x26x64xf32, #tpu.memory_space<vmem>>
    %dma_wait3A_150 = tpu.memref_squeeze %dma_wait3A_149 : memref<1x26x64xf32, #tpu.memory_space<vmem>> -> memref<26x64xf32, #tpu.memory_space<vmem>>
    tpu.wait_dma2 semaphore(%dma_wait3A_142 : memref<!tpu.dma_semaphore, #tpu.memory_space<semaphore_mem>>) src(%dma_wait3A_150 : memref<26x64xf32, #tpu.memory_space<vmem>>) dst(%dma_wait3A_146 : memref<26x64xf32, #tpu.memory_space<hbm>>)
    %dma_wait3A_151 = arith.constant 1 : i32
    %dma_wait3A_152 = arith.constant 1 : i32
    %dma_wait3A_153 = arith.constant 78 : i32
    %dma_wait3A_154 = arith.constant 0 : i32
    %dma_wait3A_155 = tpu.memref_slice %arg7[%dma_wait3A_151, %dma_wait3A_153, %dma_wait3A_154] : memref<8x112x64xf32, #tpu.memory_space<vmem>> -> memref<1x26x64xf32, #tpu.memory_space<vmem>>
    %dma_wait3A_156 = tpu.memref_squeeze %dma_wait3A_155 : memref<1x26x64xf32, #tpu.memory_space<vmem>> -> memref<26x64xf32, #tpu.memory_space<vmem>>
    %dma_wait3A_157 = arith.constant 0 : i32
    %dma_wait3A_158 = arith.constant 0 : i32
    %dma_wait3A_159 = tpu.memref_slice %arg4[%mul3A_2, %dma_wait3A_157, %dma_wait3A_158] : memref<16384x32x128xf32, #tpu.memory_space<hbm>> -> memref<1x26x64xf32, #tpu.memory_space<hbm>>
    %dma_wait3A_160 = tpu.memref_squeeze %dma_wait3A_159 : memref<1x26x64xf32, #tpu.memory_space<hbm>> -> memref<26x64xf32, #tpu.memory_space<hbm>>
    %dma_wait3A_161 = tpu.memref_slice %arg9[%dma_wait3A_152] : memref<8x!tpu.dma_semaphore, #tpu.memory_space<semaphore_mem>> -> memref<1x!tpu.dma_semaphore, #tpu.memory_space<semaphore_mem>>
    %dma_wait3A_162 = tpu.memref_squeeze %dma_wait3A_161 : memref<1x!tpu.dma_semaphore, #tpu.memory_space<semaphore_mem>> -> memref<!tpu.dma_semaphore, #tpu.memory_space<semaphore_mem>>
    %dma_wait3A_163 = arith.constant 0 : i32
    %dma_wait3A_164 = arith.constant 0 : i32
    %dma_wait3A_165 = tpu.memref_slice %arg4[%mul3A_2, %dma_wait3A_163, %dma_wait3A_164] : memref<16384x32x128xf32, #tpu.memory_space<hbm>> -> memref<1x26x64xf32, #tpu.memory_space<hbm>>
    %dma_wait3A_166 = tpu.memref_squeeze %dma_wait3A_165 : memref<1x26x64xf32, #tpu.memory_space<hbm>> -> memref<26x64xf32, #tpu.memory_space<hbm>>
    %dma_wait3A_167 = arith.constant 78 : i32
    %dma_wait3A_168 = arith.constant 0 : i32
    %dma_wait3A_169 = tpu.memref_slice %arg7[%dma_wait3A_151, %dma_wait3A_167, %dma_wait3A_168] : memref<8x112x64xf32, #tpu.memory_space<vmem>> -> memref<1x26x64xf32, #tpu.memory_space<vmem>>
    %dma_wait3A_170 = tpu.memref_squeeze %dma_wait3A_169 : memref<1x26x64xf32, #tpu.memory_space<vmem>> -> memref<26x64xf32, #tpu.memory_space<vmem>>
    tpu.wait_dma2 semaphore(%dma_wait3A_162 : memref<!tpu.dma_semaphore, #tpu.memory_space<semaphore_mem>>) src(%dma_wait3A_170 : memref<26x64xf32, #tpu.memory_space<vmem>>) dst(%dma_wait3A_166 : memref<26x64xf32, #tpu.memory_space<hbm>>)
    %dma_wait3A_171 = arith.constant 2 : i32
    %dma_wait3A_172 = arith.constant 2 : i32
    %dma_wait3A_173 = arith.constant 0 : i32
    %dma_wait3A_174 = arith.constant 0 : i32
    %dma_wait3A_175 = tpu.memref_slice %arg7[%dma_wait3A_171, %dma_wait3A_173, %dma_wait3A_174] : memref<8x112x64xf32, #tpu.memory_space<vmem>> -> memref<1x26x64xf32, #tpu.memory_space<vmem>>
    %dma_wait3A_176 = tpu.memref_squeeze %dma_wait3A_175 : memref<1x26x64xf32, #tpu.memory_space<vmem>> -> memref<26x64xf32, #tpu.memory_space<vmem>>
    %dma_wait3A_177 = arith.constant 0 : i32
    %dma_wait3A_178 = arith.constant 0 : i32
    %dma_wait3A_179 = tpu.memref_slice %arg4[%mul3A_2, %dma_wait3A_177, %dma_wait3A_178] : memref<16384x32x128xf32, #tpu.memory_space<hbm>> -> memref<1x26x64xf32, #tpu.memory_space<hbm>>
    %dma_wait3A_180 = tpu.memref_squeeze %dma_wait3A_179 : memref<1x26x64xf32, #tpu.memory_space<hbm>> -> memref<26x64xf32, #tpu.memory_space<hbm>>
    %dma_wait3A_181 = tpu.memref_slice %arg9[%dma_wait3A_172] : memref<8x!tpu.dma_semaphore, #tpu.memory_space<semaphore_mem>> -> memref<1x!tpu.dma_semaphore, #tpu.memory_space<semaphore_mem>>
    %dma_wait3A_182 = tpu.memref_squeeze %dma_wait3A_181 : memref<1x!tpu.dma_semaphore, #tpu.memory_space<semaphore_mem>> -> memref<!tpu.dma_semaphore, #tpu.memory_space<semaphore_mem>>
    %dma_wait3A_183 = arith.constant 0 : i32
    %dma_wait3A_184 = arith.constant 0 : i32
    %dma_wait3A_185 = tpu.memref_slice %arg4[%mul3A_2, %dma_wait3A_183, %dma_wait3A_184] : memref<16384x32x128xf32, #tpu.memory_space<hbm>> -> memref<1x26x64xf32, #tpu.memory_space<hbm>>
    %dma_wait3A_186 = tpu.memref_squeeze %dma_wait3A_185 : memref<1x26x64xf32, #tpu.memory_space<hbm>> -> memref<26x64xf32, #tpu.memory_space<hbm>>
    %dma_wait3A_187 = arith.constant 0 : i32
    %dma_wait3A_188 = arith.constant 0 : i32
    %dma_wait3A_189 = tpu.memref_slice %arg7[%dma_wait3A_171, %dma_wait3A_187, %dma_wait3A_188] : memref<8x112x64xf32, #tpu.memory_space<vmem>> -> memref<1x26x64xf32, #tpu.memory_space<vmem>>
    %dma_wait3A_190 = tpu.memref_squeeze %dma_wait3A_189 : memref<1x26x64xf32, #tpu.memory_space<vmem>> -> memref<26x64xf32, #tpu.memory_space<vmem>>
    tpu.wait_dma2 semaphore(%dma_wait3A_182 : memref<!tpu.dma_semaphore, #tpu.memory_space<semaphore_mem>>) src(%dma_wait3A_190 : memref<26x64xf32, #tpu.memory_space<vmem>>) dst(%dma_wait3A_186 : memref<26x64xf32, #tpu.memory_space<hbm>>)
    %dma_wait3A_191 = arith.constant 2 : i32
    %dma_wait3A_192 = arith.constant 2 : i32
    %dma_wait3A_193 = arith.constant 26 : i32
    %dma_wait3A_194 = arith.constant 0 : i32
    %dma_wait3A_195 = tpu.memref_slice %arg7[%dma_wait3A_191, %dma_wait3A_193, %dma_wait3A_194] : memref<8x112x64xf32, #tpu.memory_space<vmem>> -> memref<1x26x64xf32, #tpu.memory_space<vmem>>
    %dma_wait3A_196 = tpu.memref_squeeze %dma_wait3A_195 : memref<1x26x64xf32, #tpu.memory_space<vmem>> -> memref<26x64xf32, #tpu.memory_space<vmem>>
    %dma_wait3A_197 = arith.constant 0 : i32
    %dma_wait3A_198 = arith.constant 0 : i32
    %dma_wait3A_199 = tpu.memref_slice %arg4[%mul3A_2, %dma_wait3A_197, %dma_wait3A_198] : memref<16384x32x128xf32, #tpu.memory_space<hbm>> -> memref<1x26x64xf32, #tpu.memory_space<hbm>>
    %dma_wait3A_200 = tpu.memref_squeeze %dma_wait3A_199 : memref<1x26x64xf32, #tpu.memory_space<hbm>> -> memref<26x64xf32, #tpu.memory_space<hbm>>
    %dma_wait3A_201 = tpu.memref_slice %arg9[%dma_wait3A_192] : memref<8x!tpu.dma_semaphore, #tpu.memory_space<semaphore_mem>> -> memref<1x!tpu.dma_semaphore, #tpu.memory_space<semaphore_mem>>
    %dma_wait3A_202 = tpu.memref_squeeze %dma_wait3A_201 : memref<1x!tpu.dma_semaphore, #tpu.memory_space<semaphore_mem>> -> memref<!tpu.dma_semaphore, #tpu.memory_space<semaphore_mem>>
    %dma_wait3A_203 = arith.constant 0 : i32
    %dma_wait3A_204 = arith.constant 0 : i32
    %dma_wait3A_205 = tpu.memref_slice %arg4[%mul3A_2, %dma_wait3A_203, %dma_wait3A_204] : memref<16384x32x128xf32, #tpu.memory_space<hbm>> -> memref<1x26x64xf32, #tpu.memory_space<hbm>>
    %dma_wait3A_206 = tpu.memref_squeeze %dma_wait3A_205 : memref<1x26x64xf32, #tpu.memory_space<hbm>> -> memref<26x64xf32, #tpu.memory_space<hbm>>
    %dma_wait3A_207 = arith.constant 26 : i32
    %dma_wait3A_208 = arith.constant 0 : i32
    %dma_wait3A_209 = tpu.memref_slice %arg7[%dma_wait3A_191, %dma_wait3A_207, %dma_wait3A_208] : memref<8x112x64xf32, #tpu.memory_space<vmem>> -> memref<1x26x64xf32, #tpu.memory_space<vmem>>
    %dma_wait3A_210 = tpu.memref_squeeze %dma_wait3A_209 : memref<1x26x64xf32, #tpu.memory_space<vmem>> -> memref<26x64xf32, #tpu.memory_space<vmem>>
    tpu.wait_dma2 semaphore(%dma_wait3A_202 : memref<!tpu.dma_semaphore, #tpu.memory_space<semaphore_mem>>) src(%dma_wait3A_210 : memref<26x64xf32, #tpu.memory_space<vmem>>) dst(%dma_wait3A_206 : memref<26x64xf32, #tpu.memory_space<hbm>>)
    %dma_wait3A_211 = arith.constant 2 : i32
    %dma_wait3A_212 = arith.constant 2 : i32
    %dma_wait3A_213 = arith.constant 52 : i32
    %dma_wait3A_214 = arith.constant 0 : i32
    %dma_wait3A_215 = tpu.memref_slice %arg7[%dma_wait3A_211, %dma_wait3A_213, %dma_wait3A_214] : memref<8x112x64xf32, #tpu.memory_space<vmem>> -> memref<1x26x64xf32, #tpu.memory_space<vmem>>
    %dma_wait3A_216 = tpu.memref_squeeze %dma_wait3A_215 : memref<1x26x64xf32, #tpu.memory_space<vmem>> -> memref<26x64xf32, #tpu.memory_space<vmem>>
    %dma_wait3A_217 = arith.constant 0 : i32
    %dma_wait3A_218 = arith.constant 0 : i32
    %dma_wait3A_219 = tpu.memref_slice %arg4[%mul3A_2, %dma_wait3A_217, %dma_wait3A_218] : memref<16384x32x128xf32, #tpu.memory_space<hbm>> -> memref<1x26x64xf32, #tpu.memory_space<hbm>>
    %dma_wait3A_220 = tpu.memref_squeeze %dma_wait3A_219 : memref<1x26x64xf32, #tpu.memory_space<hbm>> -> memref<26x64xf32, #tpu.memory_space<hbm>>
    %dma_wait3A_221 = tpu.memref_slice %arg9[%dma_wait3A_212] : memref<8x!tpu.dma_semaphore, #tpu.memory_space<semaphore_mem>> -> memref<1x!tpu.dma_semaphore, #tpu.memory_space<semaphore_mem>>
    %dma_wait3A_222 = tpu.memref_squeeze %dma_wait3A_221 : memref<1x!tpu.dma_semaphore, #tpu.memory_space<semaphore_mem>> -> memref<!tpu.dma_semaphore, #tpu.memory_space<semaphore_mem>>
    %dma_wait3A_223 = arith.constant 0 : i32
    %dma_wait3A_224 = arith.constant 0 : i32
    %dma_wait3A_225 = tpu.memref_slice %arg4[%mul3A_2, %dma_wait3A_223, %dma_wait3A_224] : memref<16384x32x128xf32, #tpu.memory_space<hbm>> -> memref<1x26x64xf32, #tpu.memory_space<hbm>>
    %dma_wait3A_226 = tpu.memref_squeeze %dma_wait3A_225 : memref<1x26x64xf32, #tpu.memory_space<hbm>> -> memref<26x64xf32, #tpu.memory_space<hbm>>
    %dma_wait3A_227 = arith.constant 52 : i32
    %dma_wait3A_228 = arith.constant 0 : i32
    %dma_wait3A_229 = tpu.memref_slice %arg7[%dma_wait3A_211, %dma_wait3A_227, %dma_wait3A_228] : memref<8x112x64xf32, #tpu.memory_space<vmem>> -> memref<1x26x64xf32, #tpu.memory_space<vmem>>
    %dma_wait3A_230 = tpu.memref_squeeze %dma_wait3A_229 : memref<1x26x64xf32, #tpu.memory_space<vmem>> -> memref<26x64xf32, #tpu.memory_space<vmem>>
    tpu.wait_dma2 semaphore(%dma_wait3A_222 : memref<!tpu.dma_semaphore, #tpu.memory_space<semaphore_mem>>) src(%dma_wait3A_230 : memref<26x64xf32, #tpu.memory_space<vmem>>) dst(%dma_wait3A_226 : memref<26x64xf32, #tpu.memory_space<hbm>>)
    %dma_wait3A_231 = arith.constant 2 : i32
    %dma_wait3A_232 = arith.constant 2 : i32
    %dma_wait3A_233 = arith.constant 78 : i32
    %dma_wait3A_234 = arith.constant 0 : i32
    %dma_wait3A_235 = tpu.memref_slice %arg7[%dma_wait3A_231, %dma_wait3A_233, %dma_wait3A_234] : memref<8x112x64xf32, #tpu.memory_space<vmem>> -> memref<1x26x64xf32, #tpu.memory_space<vmem>>
    %dma_wait3A_236 = tpu.memref_squeeze %dma_wait3A_235 : memref<1x26x64xf32, #tpu.memory_space<vmem>> -> memref<26x64xf32, #tpu.memory_space<vmem>>
    %dma_wait3A_237 = arith.constant 0 : i32
    %dma_wait3A_238 = arith.constant 0 : i32
    %dma_wait3A_239 = tpu.memref_slice %arg4[%mul3A_2, %dma_wait3A_237, %dma_wait3A_238] : memref<16384x32x128xf32, #tpu.memory_space<hbm>> -> memref<1x26x64xf32, #tpu.memory_space<hbm>>
    %dma_wait3A_240 = tpu.memref_squeeze %dma_wait3A_239 : memref<1x26x64xf32, #tpu.memory_space<hbm>> -> memref<26x64xf32, #tpu.memory_space<hbm>>
    %dma_wait3A_241 = tpu.memref_slice %arg9[%dma_wait3A_232] : memref<8x!tpu.dma_semaphore, #tpu.memory_space<semaphore_mem>> -> memref<1x!tpu.dma_semaphore, #tpu.memory_space<semaphore_mem>>
    %dma_wait3A_242 = tpu.memref_squeeze %dma_wait3A_241 : memref<1x!tpu.dma_semaphore, #tpu.memory_space<semaphore_mem>> -> memref<!tpu.dma_semaphore, #tpu.memory_space<semaphore_mem>>
    %dma_wait3A_243 = arith.constant 0 : i32
    %dma_wait3A_244 = arith.constant 0 : i32
    %dma_wait3A_245 = tpu.memref_slice %arg4[%mul3A_2, %dma_wait3A_243, %dma_wait3A_244] : memref<16384x32x128xf32, #tpu.memory_space<hbm>> -> memref<1x26x64xf32, #tpu.memory_space<hbm>>
    %dma_wait3A_246 = tpu.memref_squeeze %dma_wait3A_245 : memref<1x26x64xf32, #tpu.memory_space<hbm>> -> memref<26x64xf32, #tpu.memory_space<hbm>>
    %dma_wait3A_247 = arith.constant 78 : i32
    %dma_wait3A_248 = arith.constant 0 : i32
    %dma_wait3A_249 = tpu.memref_slice %arg7[%dma_wait3A_231, %dma_wait3A_247, %dma_wait3A_248] : memref<8x112x64xf32, #tpu.memory_space<vmem>> -> memref<1x26x64xf32, #tpu.memory_space<vmem>>
    %dma_wait3A_250 = tpu.memref_squeeze %dma_wait3A_249 : memref<1x26x64xf32, #tpu.memory_space<vmem>> -> memref<26x64xf32, #tpu.memory_space<vmem>>
    tpu.wait_dma2 semaphore(%dma_wait3A_242 : memref<!tpu.dma_semaphore, #tpu.memory_space<semaphore_mem>>) src(%dma_wait3A_250 : memref<26x64xf32, #tpu.memory_space<vmem>>) dst(%dma_wait3A_246 : memref<26x64xf32, #tpu.memory_space<hbm>>)
    %dma_wait3A_251 = arith.constant 3 : i32
    %dma_wait3A_252 = arith.constant 3 : i32
    %dma_wait3A_253 = arith.constant 0 : i32
    %dma_wait3A_254 = arith.constant 0 : i32
    %dma_wait3A_255 = tpu.memref_slice %arg7[%dma_wait3A_251, %dma_wait3A_253, %dma_wait3A_254] : memref<8x112x64xf32, #tpu.memory_space<vmem>> -> memref<1x26x64xf32, #tpu.memory_space<vmem>>
    %dma_wait3A_256 = tpu.memref_squeeze %dma_wait3A_255 : memref<1x26x64xf32, #tpu.memory_space<vmem>> -> memref<26x64xf32, #tpu.memory_space<vmem>>
    %dma_wait3A_257 = arith.constant 0 : i32
    %dma_wait3A_258 = arith.constant 0 : i32
    %dma_wait3A_259 = tpu.memref_slice %arg4[%mul3A_2, %dma_wait3A_257, %dma_wait3A_258] : memref<16384x32x128xf32, #tpu.memory_space<hbm>> -> memref<1x26x64xf32, #tpu.memory_space<hbm>>
    %dma_wait3A_260 = tpu.memref_squeeze %dma_wait3A_259 : memref<1x26x64xf32, #tpu.memory_space<hbm>> -> memref<26x64xf32, #tpu.memory_space<hbm>>
    %dma_wait3A_261 = tpu.memref_slice %arg9[%dma_wait3A_252] : memref<8x!tpu.dma_semaphore, #tpu.memory_space<semaphore_mem>> -> memref<1x!tpu.dma_semaphore, #tpu.memory_space<semaphore_mem>>
    %dma_wait3A_262 = tpu.memref_squeeze %dma_wait3A_261 : memref<1x!tpu.dma_semaphore, #tpu.memory_space<semaphore_mem>> -> memref<!tpu.dma_semaphore, #tpu.memory_space<semaphore_mem>>
    %dma_wait3A_263 = arith.constant 0 : i32
    %dma_wait3A_264 = arith.constant 0 : i32
    %dma_wait3A_265 = tpu.memref_slice %arg4[%mul3A_2, %dma_wait3A_263, %dma_wait3A_264] : memref<16384x32x128xf32, #tpu.memory_space<hbm>> -> memref<1x26x64xf32, #tpu.memory_space<hbm>>
    %dma_wait3A_266 = tpu.memref_squeeze %dma_wait3A_265 : memref<1x26x64xf32, #tpu.memory_space<hbm>> -> memref<26x64xf32, #tpu.memory_space<hbm>>
    %dma_wait3A_267 = arith.constant 0 : i32
    %dma_wait3A_268 = arith.constant 0 : i32
    %dma_wait3A_269 = tpu.memref_slice %arg7[%dma_wait3A_251, %dma_wait3A_267, %dma_wait3A_268] : memref<8x112x64xf32, #tpu.memory_space<vmem>> -> memref<1x26x64xf32, #tpu.memory_space<vmem>>
    %dma_wait3A_270 = tpu.memref_squeeze %dma_wait3A_269 : memref<1x26x64xf32, #tpu.memory_space<vmem>> -> memref<26x64xf32, #tpu.memory_space<vmem>>
    tpu.wait_dma2 semaphore(%dma_wait3A_262 : memref<!tpu.dma_semaphore, #tpu.memory_space<semaphore_mem>>) src(%dma_wait3A_270 : memref<26x64xf32, #tpu.memory_space<vmem>>) dst(%dma_wait3A_266 : memref<26x64xf32, #tpu.memory_space<hbm>>)
    %dma_wait3A_271 = arith.constant 3 : i32
    %dma_wait3A_272 = arith.constant 3 : i32
    %dma_wait3A_273 = arith.constant 26 : i32
    %dma_wait3A_274 = arith.constant 0 : i32
    %dma_wait3A_275 = tpu.memref_slice %arg7[%dma_wait3A_271, %dma_wait3A_273, %dma_wait3A_274] : memref<8x112x64xf32, #tpu.memory_space<vmem>> -> memref<1x26x64xf32, #tpu.memory_space<vmem>>
    %dma_wait3A_276 = tpu.memref_squeeze %dma_wait3A_275 : memref<1x26x64xf32, #tpu.memory_space<vmem>> -> memref<26x64xf32, #tpu.memory_space<vmem>>
    %dma_wait3A_277 = arith.constant 0 : i32
    %dma_wait3A_278 = arith.constant 0 : i32
    %dma_wait3A_279 = tpu.memref_slice %arg4[%mul3A_2, %dma_wait3A_277, %dma_wait3A_278] : memref<16384x32x128xf32, #tpu.memory_space<hbm>> -> memref<1x26x64xf32, #tpu.memory_space<hbm>>
    %dma_wait3A_280 = tpu.memref_squeeze %dma_wait3A_279 : memref<1x26x64xf32, #tpu.memory_space<hbm>> -> memref<26x64xf32, #tpu.memory_space<hbm>>
    %dma_wait3A_281 = tpu.memref_slice %arg9[%dma_wait3A_272] : memref<8x!tpu.dma_semaphore, #tpu.memory_space<semaphore_mem>> -> memref<1x!tpu.dma_semaphore, #tpu.memory_space<semaphore_mem>>
    %dma_wait3A_282 = tpu.memref_squeeze %dma_wait3A_281 : memref<1x!tpu.dma_semaphore, #tpu.memory_space<semaphore_mem>> -> memref<!tpu.dma_semaphore, #tpu.memory_space<semaphore_mem>>
    %dma_wait3A_283 = arith.constant 0 : i32
    %dma_wait3A_284 = arith.constant 0 : i32
    %dma_wait3A_285 = tpu.memref_slice %arg4[%mul3A_2, %dma_wait3A_283, %dma_wait3A_284] : memref<16384x32x128xf32, #tpu.memory_space<hbm>> -> memref<1x26x64xf32, #tpu.memory_space<hbm>>
    %dma_wait3A_286 = tpu.memref_squeeze %dma_wait3A_285 : memref<1x26x64xf32, #tpu.memory_space<hbm>> -> memref<26x64xf32, #tpu.memory_space<hbm>>
    %dma_wait3A_287 = arith.constant 26 : i32
    %dma_wait3A_288 = arith.constant 0 : i32
    %dma_wait3A_289 = tpu.memref_slice %arg7[%dma_wait3A_271, %dma_wait3A_287, %dma_wait3A_288] : memref<8x112x64xf32, #tpu.memory_space<vmem>> -> memref<1x26x64xf32, #tpu.memory_space<vmem>>
    %dma_wait3A_290 = tpu.memref_squeeze %dma_wait3A_289 : memref<1x26x64xf32, #tpu.memory_space<vmem>> -> memref<26x64xf32, #tpu.memory_space<vmem>>
    tpu.wait_dma2 semaphore(%dma_wait3A_282 : memref<!tpu.dma_semaphore, #tpu.memory_space<semaphore_mem>>) src(%dma_wait3A_290 : memref<26x64xf32, #tpu.memory_space<vmem>>) dst(%dma_wait3A_286 : memref<26x64xf32, #tpu.memory_space<hbm>>)
    %dma_wait3A_291 = arith.constant 3 : i32
    %dma_wait3A_292 = arith.constant 3 : i32
    %dma_wait3A_293 = arith.constant 52 : i32
    %dma_wait3A_294 = arith.constant 0 : i32
    %dma_wait3A_295 = tpu.memref_slice %arg7[%dma_wait3A_291, %dma_wait3A_293, %dma_wait3A_294] : memref<8x112x64xf32, #tpu.memory_space<vmem>> -> memref<1x26x64xf32, #tpu.memory_space<vmem>>
    %dma_wait3A_296 = tpu.memref_squeeze %dma_wait3A_295 : memref<1x26x64xf32, #tpu.memory_space<vmem>> -> memref<26x64xf32, #tpu.memory_space<vmem>>
    %dma_wait3A_297 = arith.constant 0 : i32
    %dma_wait3A_298 = arith.constant 0 : i32
    %dma_wait3A_299 = tpu.memref_slice %arg4[%mul3A_2, %dma_wait3A_297, %dma_wait3A_298] : memref<16384x32x128xf32, #tpu.memory_space<hbm>> -> memref<1x26x64xf32, #tpu.memory_space<hbm>>
    %dma_wait3A_300 = tpu.memref_squeeze %dma_wait3A_299 : memref<1x26x64xf32, #tpu.memory_space<hbm>> -> memref<26x64xf32, #tpu.memory_space<hbm>>
    %dma_wait3A_301 = tpu.memref_slice %arg9[%dma_wait3A_292] : memref<8x!tpu.dma_semaphore, #tpu.memory_space<semaphore_mem>> -> memref<1x!tpu.dma_semaphore, #tpu.memory_space<semaphore_mem>>
    %dma_wait3A_302 = tpu.memref_squeeze %dma_wait3A_301 : memref<1x!tpu.dma_semaphore, #tpu.memory_space<semaphore_mem>> -> memref<!tpu.dma_semaphore, #tpu.memory_space<semaphore_mem>>
    %dma_wait3A_303 = arith.constant 0 : i32
    %dma_wait3A_304 = arith.constant 0 : i32
    %dma_wait3A_305 = tpu.memref_slice %arg4[%mul3A_2, %dma_wait3A_303, %dma_wait3A_304] : memref<16384x32x128xf32, #tpu.memory_space<hbm>> -> memref<1x26x64xf32, #tpu.memory_space<hbm>>
    %dma_wait3A_306 = tpu.memref_squeeze %dma_wait3A_305 : memref<1x26x64xf32, #tpu.memory_space<hbm>> -> memref<26x64xf32, #tpu.memory_space<hbm>>
    %dma_wait3A_307 = arith.constant 52 : i32
    %dma_wait3A_308 = arith.constant 0 : i32
    %dma_wait3A_309 = tpu.memref_slice %arg7[%dma_wait3A_291, %dma_wait3A_307, %dma_wait3A_308] : memref<8x112x64xf32, #tpu.memory_space<vmem>> -> memref<1x26x64xf32, #tpu.memory_space<vmem>>
    %dma_wait3A_310 = tpu.memref_squeeze %dma_wait3A_309 : memref<1x26x64xf32, #tpu.memory_space<vmem>> -> memref<26x64xf32, #tpu.memory_space<vmem>>
    tpu.wait_dma2 semaphore(%dma_wait3A_302 : memref<!tpu.dma_semaphore, #tpu.memory_space<semaphore_mem>>) src(%dma_wait3A_310 : memref<26x64xf32, #tpu.memory_space<vmem>>) dst(%dma_wait3A_306 : memref<26x64xf32, #tpu.memory_space<hbm>>)
    %dma_wait3A_311 = arith.constant 3 : i32
    %dma_wait3A_312 = arith.constant 3 : i32
    %dma_wait3A_313 = arith.constant 78 : i32
    %dma_wait3A_314 = arith.constant 0 : i32
    %dma_wait3A_315 = tpu.memref_slice %arg7[%dma_wait3A_311, %dma_wait3A_313, %dma_wait3A_314] : memref<8x112x64xf32, #tpu.memory_space<vmem>> -> memref<1x26x64xf32, #tpu.memory_space<vmem>>
    %dma_wait3A_316 = tpu.memref_squeeze %dma_wait3A_315 : memref<1x26x64xf32, #tpu.memory_space<vmem>> -> memref<26x64xf32, #tpu.memory_space<vmem>>
    %dma_wait3A_317 = arith.constant 0 : i32
    %dma_wait3A_318 = arith.constant 0 : i32
    %dma_wait3A_319 = tpu.memref_slice %arg4[%mul3A_2, %dma_wait3A_317, %dma_wait3A_318] : memref<16384x32x128xf32, #tpu.memory_space<hbm>> -> memref<1x26x64xf32, #tpu.memory_space<hbm>>
    %dma_wait3A_320 = tpu.memref_squeeze %dma_wait3A_319 : memref<1x26x64xf32, #tpu.memory_space<hbm>> -> memref<26x64xf32, #tpu.memory_space<hbm>>
    %dma_wait3A_321 = tpu.memref_slice %arg9[%dma_wait3A_312] : memref<8x!tpu.dma_semaphore, #tpu.memory_space<semaphore_mem>> -> memref<1x!tpu.dma_semaphore, #tpu.memory_space<semaphore_mem>>
    %dma_wait3A_322 = tpu.memref_squeeze %dma_wait3A_321 : memref<1x!tpu.dma_semaphore, #tpu.memory_space<semaphore_mem>> -> memref<!tpu.dma_semaphore, #tpu.memory_space<semaphore_mem>>
    %dma_wait3A_323 = arith.constant 0 : i32
    %dma_wait3A_324 = arith.constant 0 : i32
    %dma_wait3A_325 = tpu.memref_slice %arg4[%mul3A_2, %dma_wait3A_323, %dma_wait3A_324] : memref<16384x32x128xf32, #tpu.memory_space<hbm>> -> memref<1x26x64xf32, #tpu.memory_space<hbm>>
    %dma_wait3A_326 = tpu.memref_squeeze %dma_wait3A_325 : memref<1x26x64xf32, #tpu.memory_space<hbm>> -> memref<26x64xf32, #tpu.memory_space<hbm>>
    %dma_wait3A_327 = arith.constant 78 : i32
    %dma_wait3A_328 = arith.constant 0 : i32
    %dma_wait3A_329 = tpu.memref_slice %arg7[%dma_wait3A_311, %dma_wait3A_327, %dma_wait3A_328] : memref<8x112x64xf32, #tpu.memory_space<vmem>> -> memref<1x26x64xf32, #tpu.memory_space<vmem>>
    %dma_wait3A_330 = tpu.memref_squeeze %dma_wait3A_329 : memref<1x26x64xf32, #tpu.memory_space<vmem>> -> memref<26x64xf32, #tpu.memory_space<vmem>>
    tpu.wait_dma2 semaphore(%dma_wait3A_322 : memref<!tpu.dma_semaphore, #tpu.memory_space<semaphore_mem>>) src(%dma_wait3A_330 : memref<26x64xf32, #tpu.memory_space<vmem>>) dst(%dma_wait3A_326 : memref<26x64xf32, #tpu.memory_space<hbm>>)
    %dma_wait3A_331 = arith.constant 4 : i32
    %dma_wait3A_332 = arith.constant 4 : i32
    %dma_wait3A_333 = arith.constant 0 : i32
    %dma_wait3A_334 = arith.constant 0 : i32
    %dma_wait3A_335 = tpu.memref_slice %arg7[%dma_wait3A_331, %dma_wait3A_333, %dma_wait3A_334] : memref<8x112x64xf32, #tpu.memory_space<vmem>> -> memref<1x26x64xf32, #tpu.memory_space<vmem>>
    %dma_wait3A_336 = tpu.memref_squeeze %dma_wait3A_335 : memref<1x26x64xf32, #tpu.memory_space<vmem>> -> memref<26x64xf32, #tpu.memory_space<vmem>>
    %dma_wait3A_337 = arith.constant 0 : i32
    %dma_wait3A_338 = arith.constant 0 : i32
    %dma_wait3A_339 = tpu.memref_slice %arg4[%mul3A_2, %dma_wait3A_337, %dma_wait3A_338] : memref<16384x32x128xf32, #tpu.memory_space<hbm>> -> memref<1x26x64xf32, #tpu.memory_space<hbm>>
    %dma_wait3A_340 = tpu.memref_squeeze %dma_wait3A_339 : memref<1x26x64xf32, #tpu.memory_space<hbm>> -> memref<26x64xf32, #tpu.memory_space<hbm>>
    %dma_wait3A_341 = tpu.memref_slice %arg9[%dma_wait3A_332] : memref<8x!tpu.dma_semaphore, #tpu.memory_space<semaphore_mem>> -> memref<1x!tpu.dma_semaphore, #tpu.memory_space<semaphore_mem>>
    %dma_wait3A_342 = tpu.memref_squeeze %dma_wait3A_341 : memref<1x!tpu.dma_semaphore, #tpu.memory_space<semaphore_mem>> -> memref<!tpu.dma_semaphore, #tpu.memory_space<semaphore_mem>>
    %dma_wait3A_343 = arith.constant 0 : i32
    %dma_wait3A_344 = arith.constant 0 : i32
    %dma_wait3A_345 = tpu.memref_slice %arg4[%mul3A_2, %dma_wait3A_343, %dma_wait3A_344] : memref<16384x32x128xf32, #tpu.memory_space<hbm>> -> memref<1x26x64xf32, #tpu.memory_space<hbm>>
    %dma_wait3A_346 = tpu.memref_squeeze %dma_wait3A_345 : memref<1x26x64xf32, #tpu.memory_space<hbm>> -> memref<26x64xf32, #tpu.memory_space<hbm>>
    %dma_wait3A_347 = arith.constant 0 : i32
    %dma_wait3A_348 = arith.constant 0 : i32
    %dma_wait3A_349 = tpu.memref_slice %arg7[%dma_wait3A_331, %dma_wait3A_347, %dma_wait3A_348] : memref<8x112x64xf32, #tpu.memory_space<vmem>> -> memref<1x26x64xf32, #tpu.memory_space<vmem>>
    %dma_wait3A_350 = tpu.memref_squeeze %dma_wait3A_349 : memref<1x26x64xf32, #tpu.memory_space<vmem>> -> memref<26x64xf32, #tpu.memory_space<vmem>>
    tpu.wait_dma2 semaphore(%dma_wait3A_342 : memref<!tpu.dma_semaphore, #tpu.memory_space<semaphore_mem>>) src(%dma_wait3A_350 : memref<26x64xf32, #tpu.memory_space<vmem>>) dst(%dma_wait3A_346 : memref<26x64xf32, #tpu.memory_space<hbm>>)
    %dma_wait3A_351 = arith.constant 4 : i32
    %dma_wait3A_352 = arith.constant 4 : i32
    %dma_wait3A_353 = arith.constant 26 : i32
    %dma_wait3A_354 = arith.constant 0 : i32
    %dma_wait3A_355 = tpu.memref_slice %arg7[%dma_wait3A_351, %dma_wait3A_353, %dma_wait3A_354] : memref<8x112x64xf32, #tpu.memory_space<vmem>> -> memref<1x26x64xf32, #tpu.memory_space<vmem>>
    %dma_wait3A_356 = tpu.memref_squeeze %dma_wait3A_355 : memref<1x26x64xf32, #tpu.memory_space<vmem>> -> memref<26x64xf32, #tpu.memory_space<vmem>>
    %dma_wait3A_357 = arith.constant 0 : i32
    %dma_wait3A_358 = arith.constant 0 : i32
    %dma_wait3A_359 = tpu.memref_slice %arg4[%mul3A_2, %dma_wait3A_357, %dma_wait3A_358] : memref<16384x32x128xf32, #tpu.memory_space<hbm>> -> memref<1x26x64xf32, #tpu.memory_space<hbm>>
    %dma_wait3A_360 = tpu.memref_squeeze %dma_wait3A_359 : memref<1x26x64xf32, #tpu.memory_space<hbm>> -> memref<26x64xf32, #tpu.memory_space<hbm>>
    %dma_wait3A_361 = tpu.memref_slice %arg9[%dma_wait3A_352] : memref<8x!tpu.dma_semaphore, #tpu.memory_space<semaphore_mem>> -> memref<1x!tpu.dma_semaphore, #tpu.memory_space<semaphore_mem>>
    %dma_wait3A_362 = tpu.memref_squeeze %dma_wait3A_361 : memref<1x!tpu.dma_semaphore, #tpu.memory_space<semaphore_mem>> -> memref<!tpu.dma_semaphore, #tpu.memory_space<semaphore_mem>>
    %dma_wait3A_363 = arith.constant 0 : i32
    %dma_wait3A_364 = arith.constant 0 : i32
    %dma_wait3A_365 = tpu.memref_slice %arg4[%mul3A_2, %dma_wait3A_363, %dma_wait3A_364] : memref<16384x32x128xf32, #tpu.memory_space<hbm>> -> memref<1x26x64xf32, #tpu.memory_space<hbm>>
    %dma_wait3A_366 = tpu.memref_squeeze %dma_wait3A_365 : memref<1x26x64xf32, #tpu.memory_space<hbm>> -> memref<26x64xf32, #tpu.memory_space<hbm>>
    %dma_wait3A_367 = arith.constant 26 : i32
    %dma_wait3A_368 = arith.constant 0 : i32
    %dma_wait3A_369 = tpu.memref_slice %arg7[%dma_wait3A_351, %dma_wait3A_367, %dma_wait3A_368] : memref<8x112x64xf32, #tpu.memory_space<vmem>> -> memref<1x26x64xf32, #tpu.memory_space<vmem>>
    %dma_wait3A_370 = tpu.memref_squeeze %dma_wait3A_369 : memref<1x26x64xf32, #tpu.memory_space<vmem>> -> memref<26x64xf32, #tpu.memory_space<vmem>>
    tpu.wait_dma2 semaphore(%dma_wait3A_362 : memref<!tpu.dma_semaphore, #tpu.memory_space<semaphore_mem>>) src(%dma_wait3A_370 : memref<26x64xf32, #tpu.memory_space<vmem>>) dst(%dma_wait3A_366 : memref<26x64xf32, #tpu.memory_space<hbm>>)
    %dma_wait3A_371 = arith.constant 4 : i32
    %dma_wait3A_372 = arith.constant 4 : i32
    %dma_wait3A_373 = arith.constant 52 : i32
    %dma_wait3A_374 = arith.constant 0 : i32
    %dma_wait3A_375 = tpu.memref_slice %arg7[%dma_wait3A_371, %dma_wait3A_373, %dma_wait3A_374] : memref<8x112x64xf32, #tpu.memory_space<vmem>> -> memref<1x26x64xf32, #tpu.memory_space<vmem>>
    %dma_wait3A_376 = tpu.memref_squeeze %dma_wait3A_375 : memref<1x26x64xf32, #tpu.memory_space<vmem>> -> memref<26x64xf32, #tpu.memory_space<vmem>>
    %dma_wait3A_377 = arith.constant 0 : i32
    %dma_wait3A_378 = arith.constant 0 : i32
    %dma_wait3A_379 = tpu.memref_slice %arg4[%mul3A_2, %dma_wait3A_377, %dma_wait3A_378] : memref<16384x32x128xf32, #tpu.memory_space<hbm>> -> memref<1x26x64xf32, #tpu.memory_space<hbm>>
    %dma_wait3A_380 = tpu.memref_squeeze %dma_wait3A_379 : memref<1x26x64xf32, #tpu.memory_space<hbm>> -> memref<26x64xf32, #tpu.memory_space<hbm>>
    %dma_wait3A_381 = tpu.memref_slice %arg9[%dma_wait3A_372] : memref<8x!tpu.dma_semaphore, #tpu.memory_space<semaphore_mem>> -> memref<1x!tpu.dma_semaphore, #tpu.memory_space<semaphore_mem>>
    %dma_wait3A_382 = tpu.memref_squeeze %dma_wait3A_381 : memref<1x!tpu.dma_semaphore, #tpu.memory_space<semaphore_mem>> -> memref<!tpu.dma_semaphore, #tpu.memory_space<semaphore_mem>>
    %dma_wait3A_383 = arith.constant 0 : i32
    %dma_wait3A_384 = arith.constant 0 : i32
    %dma_wait3A_385 = tpu.memref_slice %arg4[%mul3A_2, %dma_wait3A_383, %dma_wait3A_384] : memref<16384x32x128xf32, #tpu.memory_space<hbm>> -> memref<1x26x64xf32, #tpu.memory_space<hbm>>
    %dma_wait3A_386 = tpu.memref_squeeze %dma_wait3A_385 : memref<1x26x64xf32, #tpu.memory_space<hbm>> -> memref<26x64xf32, #tpu.memory_space<hbm>>
    %dma_wait3A_387 = arith.constant 52 : i32
    %dma_wait3A_388 = arith.constant 0 : i32
    %dma_wait3A_389 = tpu.memref_slice %arg7[%dma_wait3A_371, %dma_wait3A_387, %dma_wait3A_388] : memref<8x112x64xf32, #tpu.memory_space<vmem>> -> memref<1x26x64xf32, #tpu.memory_space<vmem>>
    %dma_wait3A_390 = tpu.memref_squeeze %dma_wait3A_389 : memref<1x26x64xf32, #tpu.memory_space<vmem>> -> memref<26x64xf32, #tpu.memory_space<vmem>>
    tpu.wait_dma2 semaphore(%dma_wait3A_382 : memref<!tpu.dma_semaphore, #tpu.memory_space<semaphore_mem>>) src(%dma_wait3A_390 : memref<26x64xf32, #tpu.memory_space<vmem>>) dst(%dma_wait3A_386 : memref<26x64xf32, #tpu.memory_space<hbm>>)
    %dma_wait3A_391 = arith.constant 4 : i32
    %dma_wait3A_392 = arith.constant 4 : i32
    %dma_wait3A_393 = arith.constant 78 : i32
    %dma_wait3A_394 = arith.constant 0 : i32
    %dma_wait3A_395 = tpu.memref_slice %arg7[%dma_wait3A_391, %dma_wait3A_393, %dma_wait3A_394] : memref<8x112x64xf32, #tpu.memory_space<vmem>> -> memref<1x26x64xf32, #tpu.memory_space<vmem>>
    %dma_wait3A_396 = tpu.memref_squeeze %dma_wait3A_395 : memref<1x26x64xf32, #tpu.memory_space<vmem>> -> memref<26x64xf32, #tpu.memory_space<vmem>>
    %dma_wait3A_397 = arith.constant 0 : i32
    %dma_wait3A_398 = arith.constant 0 : i32
    %dma_wait3A_399 = tpu.memref_slice %arg4[%mul3A_2, %dma_wait3A_397, %dma_wait3A_398] : memref<16384x32x128xf32, #tpu.memory_space<hbm>> -> memref<1x26x64xf32, #tpu.memory_space<hbm>>
    %dma_wait3A_400 = tpu.memref_squeeze %dma_wait3A_399 : memref<1x26x64xf32, #tpu.memory_space<hbm>> -> memref<26x64xf32, #tpu.memory_space<hbm>>
    %dma_wait3A_401 = tpu.memref_slice %arg9[%dma_wait3A_392] : memref<8x!tpu.dma_semaphore, #tpu.memory_space<semaphore_mem>> -> memref<1x!tpu.dma_semaphore, #tpu.memory_space<semaphore_mem>>
    %dma_wait3A_402 = tpu.memref_squeeze %dma_wait3A_401 : memref<1x!tpu.dma_semaphore, #tpu.memory_space<semaphore_mem>> -> memref<!tpu.dma_semaphore, #tpu.memory_space<semaphore_mem>>
    %dma_wait3A_403 = arith.constant 0 : i32
    %dma_wait3A_404 = arith.constant 0 : i32
    %dma_wait3A_405 = tpu.memref_slice %arg4[%mul3A_2, %dma_wait3A_403, %dma_wait3A_404] : memref<16384x32x128xf32, #tpu.memory_space<hbm>> -> memref<1x26x64xf32, #tpu.memory_space<hbm>>
    %dma_wait3A_406 = tpu.memref_squeeze %dma_wait3A_405 : memref<1x26x64xf32, #tpu.memory_space<hbm>> -> memref<26x64xf32, #tpu.memory_space<hbm>>
    %dma_wait3A_407 = arith.constant 78 : i32
    %dma_wait3A_408 = arith.constant 0 : i32
    %dma_wait3A_409 = tpu.memref_slice %arg7[%dma_wait3A_391, %dma_wait3A_407, %dma_wait3A_408] : memref<8x112x64xf32, #tpu.memory_space<vmem>> -> memref<1x26x64xf32, #tpu.memory_space<vmem>>
    %dma_wait3A_410 = tpu.memref_squeeze %dma_wait3A_409 : memref<1x26x64xf32, #tpu.memory_space<vmem>> -> memref<26x64xf32, #tpu.memory_space<vmem>>
    tpu.wait_dma2 semaphore(%dma_wait3A_402 : memref<!tpu.dma_semaphore, #tpu.memory_space<semaphore_mem>>) src(%dma_wait3A_410 : memref<26x64xf32, #tpu.memory_space<vmem>>) dst(%dma_wait3A_406 : memref<26x64xf32, #tpu.memory_space<hbm>>)
    %dma_wait3A_411 = arith.constant 5 : i32
    %dma_wait3A_412 = arith.constant 5 : i32
    %dma_wait3A_413 = arith.constant 0 : i32
    %dma_wait3A_414 = arith.constant 0 : i32
    %dma_wait3A_415 = tpu.memref_slice %arg7[%dma_wait3A_411, %dma_wait3A_413, %dma_wait3A_414] : memref<8x112x64xf32, #tpu.memory_space<vmem>> -> memref<1x26x64xf32, #tpu.memory_space<vmem>>
    %dma_wait3A_416 = tpu.memref_squeeze %dma_wait3A_415 : memref<1x26x64xf32, #tpu.memory_space<vmem>> -> memref<26x64xf32, #tpu.memory_space<vmem>>
    %dma_wait3A_417 = arith.constant 0 : i32
    %dma_wait3A_418 = arith.constant 0 : i32
    %dma_wait3A_419 = tpu.memref_slice %arg4[%mul3A_2, %dma_wait3A_417, %dma_wait3A_418] : memref<16384x32x128xf32, #tpu.memory_space<hbm>> -> memref<1x26x64xf32, #tpu.memory_space<hbm>>
    %dma_wait3A_420 = tpu.memref_squeeze %dma_wait3A_419 : memref<1x26x64xf32, #tpu.memory_space<hbm>> -> memref<26x64xf32, #tpu.memory_space<hbm>>
    %dma_wait3A_421 = tpu.memref_slice %arg9[%dma_wait3A_412] : memref<8x!tpu.dma_semaphore, #tpu.memory_space<semaphore_mem>> -> memref<1x!tpu.dma_semaphore, #tpu.memory_space<semaphore_mem>>
    %dma_wait3A_422 = tpu.memref_squeeze %dma_wait3A_421 : memref<1x!tpu.dma_semaphore, #tpu.memory_space<semaphore_mem>> -> memref<!tpu.dma_semaphore, #tpu.memory_space<semaphore_mem>>
    %dma_wait3A_423 = arith.constant 0 : i32
    %dma_wait3A_424 = arith.constant 0 : i32
    %dma_wait3A_425 = tpu.memref_slice %arg4[%mul3A_2, %dma_wait3A_423, %dma_wait3A_424] : memref<16384x32x128xf32, #tpu.memory_space<hbm>> -> memref<1x26x64xf32, #tpu.memory_space<hbm>>
    %dma_wait3A_426 = tpu.memref_squeeze %dma_wait3A_425 : memref<1x26x64xf32, #tpu.memory_space<hbm>> -> memref<26x64xf32, #tpu.memory_space<hbm>>
    %dma_wait3A_427 = arith.constant 0 : i32
    %dma_wait3A_428 = arith.constant 0 : i32
    %dma_wait3A_429 = tpu.memref_slice %arg7[%dma_wait3A_411, %dma_wait3A_427, %dma_wait3A_428] : memref<8x112x64xf32, #tpu.memory_space<vmem>> -> memref<1x26x64xf32, #tpu.memory_space<vmem>>
    %dma_wait3A_430 = tpu.memref_squeeze %dma_wait3A_429 : memref<1x26x64xf32, #tpu.memory_space<vmem>> -> memref<26x64xf32, #tpu.memory_space<vmem>>
    tpu.wait_dma2 semaphore(%dma_wait3A_422 : memref<!tpu.dma_semaphore, #tpu.memory_space<semaphore_mem>>) src(%dma_wait3A_430 : memref<26x64xf32, #tpu.memory_space<vmem>>) dst(%dma_wait3A_426 : memref<26x64xf32, #tpu.memory_space<hbm>>)
    %dma_wait3A_431 = arith.constant 5 : i32
    %dma_wait3A_432 = arith.constant 5 : i32
    %dma_wait3A_433 = arith.constant 26 : i32
    %dma_wait3A_434 = arith.constant 0 : i32
    %dma_wait3A_435 = tpu.memref_slice %arg7[%dma_wait3A_431, %dma_wait3A_433, %dma_wait3A_434] : memref<8x112x64xf32, #tpu.memory_space<vmem>> -> memref<1x26x64xf32, #tpu.memory_space<vmem>>
    %dma_wait3A_436 = tpu.memref_squeeze %dma_wait3A_435 : memref<1x26x64xf32, #tpu.memory_space<vmem>> -> memref<26x64xf32, #tpu.memory_space<vmem>>
    %dma_wait3A_437 = arith.constant 0 : i32
    %dma_wait3A_438 = arith.constant 0 : i32
    %dma_wait3A_439 = tpu.memref_slice %arg4[%mul3A_2, %dma_wait3A_437, %dma_wait3A_438] : memref<16384x32x128xf32, #tpu.memory_space<hbm>> -> memref<1x26x64xf32, #tpu.memory_space<hbm>>
    %dma_wait3A_440 = tpu.memref_squeeze %dma_wait3A_439 : memref<1x26x64xf32, #tpu.memory_space<hbm>> -> memref<26x64xf32, #tpu.memory_space<hbm>>
    %dma_wait3A_441 = tpu.memref_slice %arg9[%dma_wait3A_432] : memref<8x!tpu.dma_semaphore, #tpu.memory_space<semaphore_mem>> -> memref<1x!tpu.dma_semaphore, #tpu.memory_space<semaphore_mem>>
    %dma_wait3A_442 = tpu.memref_squeeze %dma_wait3A_441 : memref<1x!tpu.dma_semaphore, #tpu.memory_space<semaphore_mem>> -> memref<!tpu.dma_semaphore, #tpu.memory_space<semaphore_mem>>
    %dma_wait3A_443 = arith.constant 0 : i32
    %dma_wait3A_444 = arith.constant 0 : i32
    %dma_wait3A_445 = tpu.memref_slice %arg4[%mul3A_2, %dma_wait3A_443, %dma_wait3A_444] : memref<16384x32x128xf32, #tpu.memory_space<hbm>> -> memref<1x26x64xf32, #tpu.memory_space<hbm>>
    %dma_wait3A_446 = tpu.memref_squeeze %dma_wait3A_445 : memref<1x26x64xf32, #tpu.memory_space<hbm>> -> memref<26x64xf32, #tpu.memory_space<hbm>>
    %dma_wait3A_447 = arith.constant 26 : i32
    %dma_wait3A_448 = arith.constant 0 : i32
    %dma_wait3A_449 = tpu.memref_slice %arg7[%dma_wait3A_431, %dma_wait3A_447, %dma_wait3A_448] : memref<8x112x64xf32, #tpu.memory_space<vmem>> -> memref<1x26x64xf32, #tpu.memory_space<vmem>>
    %dma_wait3A_450 = tpu.memref_squeeze %dma_wait3A_449 : memref<1x26x64xf32, #tpu.memory_space<vmem>> -> memref<26x64xf32, #tpu.memory_space<vmem>>
    tpu.wait_dma2 semaphore(%dma_wait3A_442 : memref<!tpu.dma_semaphore, #tpu.memory_space<semaphore_mem>>) src(%dma_wait3A_450 : memref<26x64xf32, #tpu.memory_space<vmem>>) dst(%dma_wait3A_446 : memref<26x64xf32, #tpu.memory_space<hbm>>)
    %dma_wait3A_451 = arith.constant 5 : i32
    %dma_wait3A_452 = arith.constant 5 : i32
    %dma_wait3A_453 = arith.constant 52 : i32
    %dma_wait3A_454 = arith.constant 0 : i32
    %dma_wait3A_455 = tpu.memref_slice %arg7[%dma_wait3A_451, %dma_wait3A_453, %dma_wait3A_454] : memref<8x112x64xf32, #tpu.memory_space<vmem>> -> memref<1x26x64xf32, #tpu.memory_space<vmem>>
    %dma_wait3A_456 = tpu.memref_squeeze %dma_wait3A_455 : memref<1x26x64xf32, #tpu.memory_space<vmem>> -> memref<26x64xf32, #tpu.memory_space<vmem>>
    %dma_wait3A_457 = arith.constant 0 : i32
    %dma_wait3A_458 = arith.constant 0 : i32
    %dma_wait3A_459 = tpu.memref_slice %arg4[%mul3A_2, %dma_wait3A_457, %dma_wait3A_458] : memref<16384x32x128xf32, #tpu.memory_space<hbm>> -> memref<1x26x64xf32, #tpu.memory_space<hbm>>
    %dma_wait3A_460 = tpu.memref_squeeze %dma_wait3A_459 : memref<1x26x64xf32, #tpu.memory_space<hbm>> -> memref<26x64xf32, #tpu.memory_space<hbm>>
    %dma_wait3A_461 = tpu.memref_slice %arg9[%dma_wait3A_452] : memref<8x!tpu.dma_semaphore, #tpu.memory_space<semaphore_mem>> -> memref<1x!tpu.dma_semaphore, #tpu.memory_space<semaphore_mem>>
    %dma_wait3A_462 = tpu.memref_squeeze %dma_wait3A_461 : memref<1x!tpu.dma_semaphore, #tpu.memory_space<semaphore_mem>> -> memref<!tpu.dma_semaphore, #tpu.memory_space<semaphore_mem>>
    %dma_wait3A_463 = arith.constant 0 : i32
    %dma_wait3A_464 = arith.constant 0 : i32
    %dma_wait3A_465 = tpu.memref_slice %arg4[%mul3A_2, %dma_wait3A_463, %dma_wait3A_464] : memref<16384x32x128xf32, #tpu.memory_space<hbm>> -> memref<1x26x64xf32, #tpu.memory_space<hbm>>
    %dma_wait3A_466 = tpu.memref_squeeze %dma_wait3A_465 : memref<1x26x64xf32, #tpu.memory_space<hbm>> -> memref<26x64xf32, #tpu.memory_space<hbm>>
    %dma_wait3A_467 = arith.constant 52 : i32
    %dma_wait3A_468 = arith.constant 0 : i32
    %dma_wait3A_469 = tpu.memref_slice %arg7[%dma_wait3A_451, %dma_wait3A_467, %dma_wait3A_468] : memref<8x112x64xf32, #tpu.memory_space<vmem>> -> memref<1x26x64xf32, #tpu.memory_space<vmem>>
    %dma_wait3A_470 = tpu.memref_squeeze %dma_wait3A_469 : memref<1x26x64xf32, #tpu.memory_space<vmem>> -> memref<26x64xf32, #tpu.memory_space<vmem>>
    tpu.wait_dma2 semaphore(%dma_wait3A_462 : memref<!tpu.dma_semaphore, #tpu.memory_space<semaphore_mem>>) src(%dma_wait3A_470 : memref<26x64xf32, #tpu.memory_space<vmem>>) dst(%dma_wait3A_466 : memref<26x64xf32, #tpu.memory_space<hbm>>)
    %dma_wait3A_471 = arith.constant 5 : i32
    %dma_wait3A_472 = arith.constant 5 : i32
    %dma_wait3A_473 = arith.constant 78 : i32
    %dma_wait3A_474 = arith.constant 0 : i32
    %dma_wait3A_475 = tpu.memref_slice %arg7[%dma_wait3A_471, %dma_wait3A_473, %dma_wait3A_474] : memref<8x112x64xf32, #tpu.memory_space<vmem>> -> memref<1x26x64xf32, #tpu.memory_space<vmem>>
    %dma_wait3A_476 = tpu.memref_squeeze %dma_wait3A_475 : memref<1x26x64xf32, #tpu.memory_space<vmem>> -> memref<26x64xf32, #tpu.memory_space<vmem>>
    %dma_wait3A_477 = arith.constant 0 : i32
    %dma_wait3A_478 = arith.constant 0 : i32
    %dma_wait3A_479 = tpu.memref_slice %arg4[%mul3A_2, %dma_wait3A_477, %dma_wait3A_478] : memref<16384x32x128xf32, #tpu.memory_space<hbm>> -> memref<1x26x64xf32, #tpu.memory_space<hbm>>
    %dma_wait3A_480 = tpu.memref_squeeze %dma_wait3A_479 : memref<1x26x64xf32, #tpu.memory_space<hbm>> -> memref<26x64xf32, #tpu.memory_space<hbm>>
    %dma_wait3A_481 = tpu.memref_slice %arg9[%dma_wait3A_472] : memref<8x!tpu.dma_semaphore, #tpu.memory_space<semaphore_mem>> -> memref<1x!tpu.dma_semaphore, #tpu.memory_space<semaphore_mem>>
    %dma_wait3A_482 = tpu.memref_squeeze %dma_wait3A_481 : memref<1x!tpu.dma_semaphore, #tpu.memory_space<semaphore_mem>> -> memref<!tpu.dma_semaphore, #tpu.memory_space<semaphore_mem>>
    %dma_wait3A_483 = arith.constant 0 : i32
    %dma_wait3A_484 = arith.constant 0 : i32
    %dma_wait3A_485 = tpu.memref_slice %arg4[%mul3A_2, %dma_wait3A_483, %dma_wait3A_484] : memref<16384x32x128xf32, #tpu.memory_space<hbm>> -> memref<1x26x64xf32, #tpu.memory_space<hbm>>
    %dma_wait3A_486 = tpu.memref_squeeze %dma_wait3A_485 : memref<1x26x64xf32, #tpu.memory_space<hbm>> -> memref<26x64xf32, #tpu.memory_space<hbm>>
    %dma_wait3A_487 = arith.constant 78 : i32
    %dma_wait3A_488 = arith.constant 0 : i32
    %dma_wait3A_489 = tpu.memref_slice %arg7[%dma_wait3A_471, %dma_wait3A_487, %dma_wait3A_488] : memref<8x112x64xf32, #tpu.memory_space<vmem>> -> memref<1x26x64xf32, #tpu.memory_space<vmem>>
    %dma_wait3A_490 = tpu.memref_squeeze %dma_wait3A_489 : memref<1x26x64xf32, #tpu.memory_space<vmem>> -> memref<26x64xf32, #tpu.memory_space<vmem>>
    tpu.wait_dma2 semaphore(%dma_wait3A_482 : memref<!tpu.dma_semaphore, #tpu.memory_space<semaphore_mem>>) src(%dma_wait3A_490 : memref<26x64xf32, #tpu.memory_space<vmem>>) dst(%dma_wait3A_486 : memref<26x64xf32, #tpu.memory_space<hbm>>)
    %dma_wait3A_491 = arith.constant 6 : i32
    %dma_wait3A_492 = arith.constant 6 : i32
    %dma_wait3A_493 = arith.constant 0 : i32
    %dma_wait3A_494 = arith.constant 0 : i32
    %dma_wait3A_495 = tpu.memref_slice %arg7[%dma_wait3A_491, %dma_wait3A_493, %dma_wait3A_494] : memref<8x112x64xf32, #tpu.memory_space<vmem>> -> memref<1x26x64xf32, #tpu.memory_space<vmem>>
    %dma_wait3A_496 = tpu.memref_squeeze %dma_wait3A_495 : memref<1x26x64xf32, #tpu.memory_space<vmem>> -> memref<26x64xf32, #tpu.memory_space<vmem>>
    %dma_wait3A_497 = arith.constant 0 : i32
    %dma_wait3A_498 = arith.constant 0 : i32
    %dma_wait3A_499 = tpu.memref_slice %arg4[%mul3A_2, %dma_wait3A_497, %dma_wait3A_498] : memref<16384x32x128xf32, #tpu.memory_space<hbm>> -> memref<1x26x64xf32, #tpu.memory_space<hbm>>
    %dma_wait3A_500 = tpu.memref_squeeze %dma_wait3A_499 : memref<1x26x64xf32, #tpu.memory_space<hbm>> -> memref<26x64xf32, #tpu.memory_space<hbm>>
    %dma_wait3A_501 = tpu.memref_slice %arg9[%dma_wait3A_492] : memref<8x!tpu.dma_semaphore, #tpu.memory_space<semaphore_mem>> -> memref<1x!tpu.dma_semaphore, #tpu.memory_space<semaphore_mem>>
    %dma_wait3A_502 = tpu.memref_squeeze %dma_wait3A_501 : memref<1x!tpu.dma_semaphore, #tpu.memory_space<semaphore_mem>> -> memref<!tpu.dma_semaphore, #tpu.memory_space<semaphore_mem>>
    %dma_wait3A_503 = arith.constant 0 : i32
    %dma_wait3A_504 = arith.constant 0 : i32
    %dma_wait3A_505 = tpu.memref_slice %arg4[%mul3A_2, %dma_wait3A_503, %dma_wait3A_504] : memref<16384x32x128xf32, #tpu.memory_space<hbm>> -> memref<1x26x64xf32, #tpu.memory_space<hbm>>
    %dma_wait3A_506 = tpu.memref_squeeze %dma_wait3A_505 : memref<1x26x64xf32, #tpu.memory_space<hbm>> -> memref<26x64xf32, #tpu.memory_space<hbm>>
    %dma_wait3A_507 = arith.constant 0 : i32
    %dma_wait3A_508 = arith.constant 0 : i32
    %dma_wait3A_509 = tpu.memref_slice %arg7[%dma_wait3A_491, %dma_wait3A_507, %dma_wait3A_508] : memref<8x112x64xf32, #tpu.memory_space<vmem>> -> memref<1x26x64xf32, #tpu.memory_space<vmem>>
    %dma_wait3A_510 = tpu.memref_squeeze %dma_wait3A_509 : memref<1x26x64xf32, #tpu.memory_space<vmem>> -> memref<26x64xf32, #tpu.memory_space<vmem>>
    tpu.wait_dma2 semaphore(%dma_wait3A_502 : memref<!tpu.dma_semaphore, #tpu.memory_space<semaphore_mem>>) src(%dma_wait3A_510 : memref<26x64xf32, #tpu.memory_space<vmem>>) dst(%dma_wait3A_506 : memref<26x64xf32, #tpu.memory_space<hbm>>)
    %dma_wait3A_511 = arith.constant 6 : i32
    %dma_wait3A_512 = arith.constant 6 : i32
    %dma_wait3A_513 = arith.constant 26 : i32
    %dma_wait3A_514 = arith.constant 0 : i32
    %dma_wait3A_515 = tpu.memref_slice %arg7[%dma_wait3A_511, %dma_wait3A_513, %dma_wait3A_514] : memref<8x112x64xf32, #tpu.memory_space<vmem>> -> memref<1x26x64xf32, #tpu.memory_space<vmem>>
    %dma_wait3A_516 = tpu.memref_squeeze %dma_wait3A_515 : memref<1x26x64xf32, #tpu.memory_space<vmem>> -> memref<26x64xf32, #tpu.memory_space<vmem>>
    %dma_wait3A_517 = arith.constant 0 : i32
    %dma_wait3A_518 = arith.constant 0 : i32
    %dma_wait3A_519 = tpu.memref_slice %arg4[%mul3A_2, %dma_wait3A_517, %dma_wait3A_518] : memref<16384x32x128xf32, #tpu.memory_space<hbm>> -> memref<1x26x64xf32, #tpu.memory_space<hbm>>
    %dma_wait3A_520 = tpu.memref_squeeze %dma_wait3A_519 : memref<1x26x64xf32, #tpu.memory_space<hbm>> -> memref<26x64xf32, #tpu.memory_space<hbm>>
    %dma_wait3A_521 = tpu.memref_slice %arg9[%dma_wait3A_512] : memref<8x!tpu.dma_semaphore, #tpu.memory_space<semaphore_mem>> -> memref<1x!tpu.dma_semaphore, #tpu.memory_space<semaphore_mem>>
    %dma_wait3A_522 = tpu.memref_squeeze %dma_wait3A_521 : memref<1x!tpu.dma_semaphore, #tpu.memory_space<semaphore_mem>> -> memref<!tpu.dma_semaphore, #tpu.memory_space<semaphore_mem>>
    %dma_wait3A_523 = arith.constant 0 : i32
    %dma_wait3A_524 = arith.constant 0 : i32
    %dma_wait3A_525 = tpu.memref_slice %arg4[%mul3A_2, %dma_wait3A_523, %dma_wait3A_524] : memref<16384x32x128xf32, #tpu.memory_space<hbm>> -> memref<1x26x64xf32, #tpu.memory_space<hbm>>
    %dma_wait3A_526 = tpu.memref_squeeze %dma_wait3A_525 : memref<1x26x64xf32, #tpu.memory_space<hbm>> -> memref<26x64xf32, #tpu.memory_space<hbm>>
    %dma_wait3A_527 = arith.constant 26 : i32
    %dma_wait3A_528 = arith.constant 0 : i32
    %dma_wait3A_529 = tpu.memref_slice %arg7[%dma_wait3A_511, %dma_wait3A_527, %dma_wait3A_528] : memref<8x112x64xf32, #tpu.memory_space<vmem>> -> memref<1x26x64xf32, #tpu.memory_space<vmem>>
    %dma_wait3A_530 = tpu.memref_squeeze %dma_wait3A_529 : memref<1x26x64xf32, #tpu.memory_space<vmem>> -> memref<26x64xf32, #tpu.memory_space<vmem>>
    tpu.wait_dma2 semaphore(%dma_wait3A_522 : memref<!tpu.dma_semaphore, #tpu.memory_space<semaphore_mem>>) src(%dma_wait3A_530 : memref<26x64xf32, #tpu.memory_space<vmem>>) dst(%dma_wait3A_526 : memref<26x64xf32, #tpu.memory_space<hbm>>)
    %dma_wait3A_531 = arith.constant 6 : i32
    %dma_wait3A_532 = arith.constant 6 : i32
    %dma_wait3A_533 = arith.constant 52 : i32
    %dma_wait3A_534 = arith.constant 0 : i32
    %dma_wait3A_535 = tpu.memref_slice %arg7[%dma_wait3A_531, %dma_wait3A_533, %dma_wait3A_534] : memref<8x112x64xf32, #tpu.memory_space<vmem>> -> memref<1x26x64xf32, #tpu.memory_space<vmem>>
    %dma_wait3A_536 = tpu.memref_squeeze %dma_wait3A_535 : memref<1x26x64xf32, #tpu.memory_space<vmem>> -> memref<26x64xf32, #tpu.memory_space<vmem>>
    %dma_wait3A_537 = arith.constant 0 : i32
    %dma_wait3A_538 = arith.constant 0 : i32
    %dma_wait3A_539 = tpu.memref_slice %arg4[%mul3A_2, %dma_wait3A_537, %dma_wait3A_538] : memref<16384x32x128xf32, #tpu.memory_space<hbm>> -> memref<1x26x64xf32, #tpu.memory_space<hbm>>
    %dma_wait3A_540 = tpu.memref_squeeze %dma_wait3A_539 : memref<1x26x64xf32, #tpu.memory_space<hbm>> -> memref<26x64xf32, #tpu.memory_space<hbm>>
    %dma_wait3A_541 = tpu.memref_slice %arg9[%dma_wait3A_532] : memref<8x!tpu.dma_semaphore, #tpu.memory_space<semaphore_mem>> -> memref<1x!tpu.dma_semaphore, #tpu.memory_space<semaphore_mem>>
    %dma_wait3A_542 = tpu.memref_squeeze %dma_wait3A_541 : memref<1x!tpu.dma_semaphore, #tpu.memory_space<semaphore_mem>> -> memref<!tpu.dma_semaphore, #tpu.memory_space<semaphore_mem>>
    %dma_wait3A_543 = arith.constant 0 : i32
    %dma_wait3A_544 = arith.constant 0 : i32
    %dma_wait3A_545 = tpu.memref_slice %arg4[%mul3A_2, %dma_wait3A_543, %dma_wait3A_544] : memref<16384x32x128xf32, #tpu.memory_space<hbm>> -> memref<1x26x64xf32, #tpu.memory_space<hbm>>
    %dma_wait3A_546 = tpu.memref_squeeze %dma_wait3A_545 : memref<1x26x64xf32, #tpu.memory_space<hbm>> -> memref<26x64xf32, #tpu.memory_space<hbm>>
    %dma_wait3A_547 = arith.constant 52 : i32
    %dma_wait3A_548 = arith.constant 0 : i32
    %dma_wait3A_549 = tpu.memref_slice %arg7[%dma_wait3A_531, %dma_wait3A_547, %dma_wait3A_548] : memref<8x112x64xf32, #tpu.memory_space<vmem>> -> memref<1x26x64xf32, #tpu.memory_space<vmem>>
    %dma_wait3A_550 = tpu.memref_squeeze %dma_wait3A_549 : memref<1x26x64xf32, #tpu.memory_space<vmem>> -> memref<26x64xf32, #tpu.memory_space<vmem>>
    tpu.wait_dma2 semaphore(%dma_wait3A_542 : memref<!tpu.dma_semaphore, #tpu.memory_space<semaphore_mem>>) src(%dma_wait3A_550 : memref<26x64xf32, #tpu.memory_space<vmem>>) dst(%dma_wait3A_546 : memref<26x64xf32, #tpu.memory_space<hbm>>)
    %dma_wait3A_551 = arith.constant 6 : i32
    %dma_wait3A_552 = arith.constant 6 : i32
    %dma_wait3A_553 = arith.constant 78 : i32
    %dma_wait3A_554 = arith.constant 0 : i32
    %dma_wait3A_555 = tpu.memref_slice %arg7[%dma_wait3A_551, %dma_wait3A_553, %dma_wait3A_554] : memref<8x112x64xf32, #tpu.memory_space<vmem>> -> memref<1x26x64xf32, #tpu.memory_space<vmem>>
    %dma_wait3A_556 = tpu.memref_squeeze %dma_wait3A_555 : memref<1x26x64xf32, #tpu.memory_space<vmem>> -> memref<26x64xf32, #tpu.memory_space<vmem>>
    %dma_wait3A_557 = arith.constant 0 : i32
    %dma_wait3A_558 = arith.constant 0 : i32
    %dma_wait3A_559 = tpu.memref_slice %arg4[%mul3A_2, %dma_wait3A_557, %dma_wait3A_558] : memref<16384x32x128xf32, #tpu.memory_space<hbm>> -> memref<1x26x64xf32, #tpu.memory_space<hbm>>
    %dma_wait3A_560 = tpu.memref_squeeze %dma_wait3A_559 : memref<1x26x64xf32, #tpu.memory_space<hbm>> -> memref<26x64xf32, #tpu.memory_space<hbm>>
    %dma_wait3A_561 = tpu.memref_slice %arg9[%dma_wait3A_552] : memref<8x!tpu.dma_semaphore, #tpu.memory_space<semaphore_mem>> -> memref<1x!tpu.dma_semaphore, #tpu.memory_space<semaphore_mem>>
    %dma_wait3A_562 = tpu.memref_squeeze %dma_wait3A_561 : memref<1x!tpu.dma_semaphore, #tpu.memory_space<semaphore_mem>> -> memref<!tpu.dma_semaphore, #tpu.memory_space<semaphore_mem>>
    %dma_wait3A_563 = arith.constant 0 : i32
    %dma_wait3A_564 = arith.constant 0 : i32
    %dma_wait3A_565 = tpu.memref_slice %arg4[%mul3A_2, %dma_wait3A_563, %dma_wait3A_564] : memref<16384x32x128xf32, #tpu.memory_space<hbm>> -> memref<1x26x64xf32, #tpu.memory_space<hbm>>
    %dma_wait3A_566 = tpu.memref_squeeze %dma_wait3A_565 : memref<1x26x64xf32, #tpu.memory_space<hbm>> -> memref<26x64xf32, #tpu.memory_space<hbm>>
    %dma_wait3A_567 = arith.constant 78 : i32
    %dma_wait3A_568 = arith.constant 0 : i32
    %dma_wait3A_569 = tpu.memref_slice %arg7[%dma_wait3A_551, %dma_wait3A_567, %dma_wait3A_568] : memref<8x112x64xf32, #tpu.memory_space<vmem>> -> memref<1x26x64xf32, #tpu.memory_space<vmem>>
    %dma_wait3A_570 = tpu.memref_squeeze %dma_wait3A_569 : memref<1x26x64xf32, #tpu.memory_space<vmem>> -> memref<26x64xf32, #tpu.memory_space<vmem>>
    tpu.wait_dma2 semaphore(%dma_wait3A_562 : memref<!tpu.dma_semaphore, #tpu.memory_space<semaphore_mem>>) src(%dma_wait3A_570 : memref<26x64xf32, #tpu.memory_space<vmem>>) dst(%dma_wait3A_566 : memref<26x64xf32, #tpu.memory_space<hbm>>)
    %dma_wait3A_571 = arith.constant 7 : i32
    %dma_wait3A_572 = arith.constant 7 : i32
    %dma_wait3A_573 = arith.constant 0 : i32
    %dma_wait3A_574 = arith.constant 0 : i32
    %dma_wait3A_575 = tpu.memref_slice %arg7[%dma_wait3A_571, %dma_wait3A_573, %dma_wait3A_574] : memref<8x112x64xf32, #tpu.memory_space<vmem>> -> memref<1x26x64xf32, #tpu.memory_space<vmem>>
    %dma_wait3A_576 = tpu.memref_squeeze %dma_wait3A_575 : memref<1x26x64xf32, #tpu.memory_space<vmem>> -> memref<26x64xf32, #tpu.memory_space<vmem>>
    %dma_wait3A_577 = arith.constant 0 : i32
    %dma_wait3A_578 = arith.constant 0 : i32
    %dma_wait3A_579 = tpu.memref_slice %arg4[%mul3A_2, %dma_wait3A_577, %dma_wait3A_578] : memref<16384x32x128xf32, #tpu.memory_space<hbm>> -> memref<1x26x64xf32, #tpu.memory_space<hbm>>
    %dma_wait3A_580 = tpu.memref_squeeze %dma_wait3A_579 : memref<1x26x64xf32, #tpu.memory_space<hbm>> -> memref<26x64xf32, #tpu.memory_space<hbm>>
    %dma_wait3A_581 = tpu.memref_slice %arg9[%dma_wait3A_572] : memref<8x!tpu.dma_semaphore, #tpu.memory_space<semaphore_mem>> -> memref<1x!tpu.dma_semaphore, #tpu.memory_space<semaphore_mem>>
    %dma_wait3A_582 = tpu.memref_squeeze %dma_wait3A_581 : memref<1x!tpu.dma_semaphore, #tpu.memory_space<semaphore_mem>> -> memref<!tpu.dma_semaphore, #tpu.memory_space<semaphore_mem>>
    %dma_wait3A_583 = arith.constant 0 : i32
    %dma_wait3A_584 = arith.constant 0 : i32
    %dma_wait3A_585 = tpu.memref_slice %arg4[%mul3A_2, %dma_wait3A_583, %dma_wait3A_584] : memref<16384x32x128xf32, #tpu.memory_space<hbm>> -> memref<1x26x64xf32, #tpu.memory_space<hbm>>
    %dma_wait3A_586 = tpu.memref_squeeze %dma_wait3A_585 : memref<1x26x64xf32, #tpu.memory_space<hbm>> -> memref<26x64xf32, #tpu.memory_space<hbm>>
    %dma_wait3A_587 = arith.constant 0 : i32
    %dma_wait3A_588 = arith.constant 0 : i32
    %dma_wait3A_589 = tpu.memref_slice %arg7[%dma_wait3A_571, %dma_wait3A_587, %dma_wait3A_588] : memref<8x112x64xf32, #tpu.memory_space<vmem>> -> memref<1x26x64xf32, #tpu.memory_space<vmem>>
    %dma_wait3A_590 = tpu.memref_squeeze %dma_wait3A_589 : memref<1x26x64xf32, #tpu.memory_space<vmem>> -> memref<26x64xf32, #tpu.memory_space<vmem>>
    tpu.wait_dma2 semaphore(%dma_wait3A_582 : memref<!tpu.dma_semaphore, #tpu.memory_space<semaphore_mem>>) src(%dma_wait3A_590 : memref<26x64xf32, #tpu.memory_space<vmem>>) dst(%dma_wait3A_586 : memref<26x64xf32, #tpu.memory_space<hbm>>)
    %dma_wait3A_591 = arith.constant 7 : i32
    %dma_wait3A_592 = arith.constant 7 : i32
    %dma_wait3A_593 = arith.constant 26 : i32
    %dma_wait3A_594 = arith.constant 0 : i32
    %dma_wait3A_595 = tpu.memref_slice %arg7[%dma_wait3A_591, %dma_wait3A_593, %dma_wait3A_594] : memref<8x112x64xf32, #tpu.memory_space<vmem>> -> memref<1x26x64xf32, #tpu.memory_space<vmem>>
    %dma_wait3A_596 = tpu.memref_squeeze %dma_wait3A_595 : memref<1x26x64xf32, #tpu.memory_space<vmem>> -> memref<26x64xf32, #tpu.memory_space<vmem>>
    %dma_wait3A_597 = arith.constant 0 : i32
    %dma_wait3A_598 = arith.constant 0 : i32
    %dma_wait3A_599 = tpu.memref_slice %arg4[%mul3A_2, %dma_wait3A_597, %dma_wait3A_598] : memref<16384x32x128xf32, #tpu.memory_space<hbm>> -> memref<1x26x64xf32, #tpu.memory_space<hbm>>
    %dma_wait3A_600 = tpu.memref_squeeze %dma_wait3A_599 : memref<1x26x64xf32, #tpu.memory_space<hbm>> -> memref<26x64xf32, #tpu.memory_space<hbm>>
    %dma_wait3A_601 = tpu.memref_slice %arg9[%dma_wait3A_592] : memref<8x!tpu.dma_semaphore, #tpu.memory_space<semaphore_mem>> -> memref<1x!tpu.dma_semaphore, #tpu.memory_space<semaphore_mem>>
    %dma_wait3A_602 = tpu.memref_squeeze %dma_wait3A_601 : memref<1x!tpu.dma_semaphore, #tpu.memory_space<semaphore_mem>> -> memref<!tpu.dma_semaphore, #tpu.memory_space<semaphore_mem>>
    %dma_wait3A_603 = arith.constant 0 : i32
    %dma_wait3A_604 = arith.constant 0 : i32
    %dma_wait3A_605 = tpu.memref_slice %arg4[%mul3A_2, %dma_wait3A_603, %dma_wait3A_604] : memref<16384x32x128xf32, #tpu.memory_space<hbm>> -> memref<1x26x64xf32, #tpu.memory_space<hbm>>
    %dma_wait3A_606 = tpu.memref_squeeze %dma_wait3A_605 : memref<1x26x64xf32, #tpu.memory_space<hbm>> -> memref<26x64xf32, #tpu.memory_space<hbm>>
    %dma_wait3A_607 = arith.constant 26 : i32
    %dma_wait3A_608 = arith.constant 0 : i32
    %dma_wait3A_609 = tpu.memref_slice %arg7[%dma_wait3A_591, %dma_wait3A_607, %dma_wait3A_608] : memref<8x112x64xf32, #tpu.memory_space<vmem>> -> memref<1x26x64xf32, #tpu.memory_space<vmem>>
    %dma_wait3A_610 = tpu.memref_squeeze %dma_wait3A_609 : memref<1x26x64xf32, #tpu.memory_space<vmem>> -> memref<26x64xf32, #tpu.memory_space<vmem>>
    tpu.wait_dma2 semaphore(%dma_wait3A_602 : memref<!tpu.dma_semaphore, #tpu.memory_space<semaphore_mem>>) src(%dma_wait3A_610 : memref<26x64xf32, #tpu.memory_space<vmem>>) dst(%dma_wait3A_606 : memref<26x64xf32, #tpu.memory_space<hbm>>)
    %dma_wait3A_611 = arith.constant 7 : i32
    %dma_wait3A_612 = arith.constant 7 : i32
    %dma_wait3A_613 = arith.constant 52 : i32
    %dma_wait3A_614 = arith.constant 0 : i32
    %dma_wait3A_615 = tpu.memref_slice %arg7[%dma_wait3A_611, %dma_wait3A_613, %dma_wait3A_614] : memref<8x112x64xf32, #tpu.memory_space<vmem>> -> memref<1x26x64xf32, #tpu.memory_space<vmem>>
    %dma_wait3A_616 = tpu.memref_squeeze %dma_wait3A_615 : memref<1x26x64xf32, #tpu.memory_space<vmem>> -> memref<26x64xf32, #tpu.memory_space<vmem>>
    %dma_wait3A_617 = arith.constant 0 : i32
    %dma_wait3A_618 = arith.constant 0 : i32
    %dma_wait3A_619 = tpu.memref_slice %arg4[%mul3A_2, %dma_wait3A_617, %dma_wait3A_618] : memref<16384x32x128xf32, #tpu.memory_space<hbm>> -> memref<1x26x64xf32, #tpu.memory_space<hbm>>
    %dma_wait3A_620 = tpu.memref_squeeze %dma_wait3A_619 : memref<1x26x64xf32, #tpu.memory_space<hbm>> -> memref<26x64xf32, #tpu.memory_space<hbm>>
    %dma_wait3A_621 = tpu.memref_slice %arg9[%dma_wait3A_612] : memref<8x!tpu.dma_semaphore, #tpu.memory_space<semaphore_mem>> -> memref<1x!tpu.dma_semaphore, #tpu.memory_space<semaphore_mem>>
    %dma_wait3A_622 = tpu.memref_squeeze %dma_wait3A_621 : memref<1x!tpu.dma_semaphore, #tpu.memory_space<semaphore_mem>> -> memref<!tpu.dma_semaphore, #tpu.memory_space<semaphore_mem>>
    %dma_wait3A_623 = arith.constant 0 : i32
    %dma_wait3A_624 = arith.constant 0 : i32
    %dma_wait3A_625 = tpu.memref_slice %arg4[%mul3A_2, %dma_wait3A_623, %dma_wait3A_624] : memref<16384x32x128xf32, #tpu.memory_space<hbm>> -> memref<1x26x64xf32, #tpu.memory_space<hbm>>
    %dma_wait3A_626 = tpu.memref_squeeze %dma_wait3A_625 : memref<1x26x64xf32, #tpu.memory_space<hbm>> -> memref<26x64xf32, #tpu.memory_space<hbm>>
    %dma_wait3A_627 = arith.constant 52 : i32
    %dma_wait3A_628 = arith.constant 0 : i32
    %dma_wait3A_629 = tpu.memref_slice %arg7[%dma_wait3A_611, %dma_wait3A_627, %dma_wait3A_628] : memref<8x112x64xf32, #tpu.memory_space<vmem>> -> memref<1x26x64xf32, #tpu.memory_space<vmem>>
    %dma_wait3A_630 = tpu.memref_squeeze %dma_wait3A_629 : memref<1x26x64xf32, #tpu.memory_space<vmem>> -> memref<26x64xf32, #tpu.memory_space<vmem>>
    tpu.wait_dma2 semaphore(%dma_wait3A_622 : memref<!tpu.dma_semaphore, #tpu.memory_space<semaphore_mem>>) src(%dma_wait3A_630 : memref<26x64xf32, #tpu.memory_space<vmem>>) dst(%dma_wait3A_626 : memref<26x64xf32, #tpu.memory_space<hbm>>)
    %dma_wait3A_631 = arith.constant 7 : i32
    %dma_wait3A_632 = arith.constant 7 : i32
    %dma_wait3A_633 = arith.constant 78 : i32
    %dma_wait3A_634 = arith.constant 0 : i32
    %dma_wait3A_635 = tpu.memref_slice %arg7[%dma_wait3A_631, %dma_wait3A_633, %dma_wait3A_634] : memref<8x112x64xf32, #tpu.memory_space<vmem>> -> memref<1x26x64xf32, #tpu.memory_space<vmem>>
    %dma_wait3A_636 = tpu.memref_squeeze %dma_wait3A_635 : memref<1x26x64xf32, #tpu.memory_space<vmem>> -> memref<26x64xf32, #tpu.memory_space<vmem>>
    %dma_wait3A_637 = arith.constant 0 : i32
    %dma_wait3A_638 = arith.constant 0 : i32
    %dma_wait3A_639 = tpu.memref_slice %arg4[%mul3A_2, %dma_wait3A_637, %dma_wait3A_638] : memref<16384x32x128xf32, #tpu.memory_space<hbm>> -> memref<1x26x64xf32, #tpu.memory_space<hbm>>
    %dma_wait3A_640 = tpu.memref_squeeze %dma_wait3A_639 : memref<1x26x64xf32, #tpu.memory_space<hbm>> -> memref<26x64xf32, #tpu.memory_space<hbm>>
    %dma_wait3A_641 = tpu.memref_slice %arg9[%dma_wait3A_632] : memref<8x!tpu.dma_semaphore, #tpu.memory_space<semaphore_mem>> -> memref<1x!tpu.dma_semaphore, #tpu.memory_space<semaphore_mem>>
    %dma_wait3A_642 = tpu.memref_squeeze %dma_wait3A_641 : memref<1x!tpu.dma_semaphore, #tpu.memory_space<semaphore_mem>> -> memref<!tpu.dma_semaphore, #tpu.memory_space<semaphore_mem>>
    %dma_wait3A_643 = arith.constant 0 : i32
    %dma_wait3A_644 = arith.constant 0 : i32
    %dma_wait3A_645 = tpu.memref_slice %arg4[%mul3A_2, %dma_wait3A_643, %dma_wait3A_644] : memref<16384x32x128xf32, #tpu.memory_space<hbm>> -> memref<1x26x64xf32, #tpu.memory_space<hbm>>
    %dma_wait3A_646 = tpu.memref_squeeze %dma_wait3A_645 : memref<1x26x64xf32, #tpu.memory_space<hbm>> -> memref<26x64xf32, #tpu.memory_space<hbm>>
    %dma_wait3A_647 = arith.constant 78 : i32
    %dma_wait3A_648 = arith.constant 0 : i32
    %dma_wait3A_649 = tpu.memref_slice %arg7[%dma_wait3A_631, %dma_wait3A_647, %dma_wait3A_648] : memref<8x112x64xf32, #tpu.memory_space<vmem>> -> memref<1x26x64xf32, #tpu.memory_space<vmem>>
    %dma_wait3A_650 = tpu.memref_squeeze %dma_wait3A_649 : memref<1x26x64xf32, #tpu.memory_space<vmem>> -> memref<26x64xf32, #tpu.memory_space<vmem>>
    tpu.wait_dma2 semaphore(%dma_wait3A_642 : memref<!tpu.dma_semaphore, #tpu.memory_space<semaphore_mem>>) src(%dma_wait3A_650 : memref<26x64xf32, #tpu.memory_space<vmem>>) dst(%dma_wait3A_646 : memref<26x64xf32, #tpu.memory_space<hbm>>)
    return
  }
}

</mosaic_0001>

<sc_bundles>
// kernel: _gather_sc.3.cloned.1.call-start
scs
__scs_entry_jumppad:
0x0: {  	(pc) =	sbr.rel $0x88, $3  }
0x1: {  	(tag) =	ssettag $0x0;
	lr =	simm.s32 $0x1  }
0x2: {  	[smem:$0x3F9F] =	sst lr;
	_ =	strace $0xD0000000  }
0x3: {  	_ = 	snop  }
0x4: {  	_ = 	snop  }
0x5: {  	_ = 	snop  }
0x6: {  	_ = 	snop  }
0x7: {  	_ = 	snop  }
__scs_overlays_trampoline_lowered:
0x8: {  	[smem:$0x3FAE] =	sst s0  }
0x9: {  	[smem:$0x3FAF] =	sst s1  }
0xa: {  	[smem:$0x3FB0] =	sst s2  }
0xb: {  	[smem:$0x3FB1] =	sst s3  }
0xc: {  	[smem:$0x3FB2] =	sst s4  }
0xd: {  	[smem:$0x3FB3] =	sst s5  }
0xe: {  	[smem:$0x3FB4] =	sst s6  }
0xf: {  	[smem:$0x3FB5] =	sst s7  }
0x10: {  	[smem:$0x3FB6] =	sst s8  }
0x11: {  	[smem:$0x3FB7] =	sst s9;
	s0 =	simm.s32 @!p0 $0x0  }
0x12: {  	s1 =	sld [smem:$0x3F9D];
	s0 =	simm.s32 @p0 $0x1  }
0x13: {  	[smem:$0x3FB8] =	sst s0;
	s0 =	simm.s32 @!p1 $0x0  }
0x14: {  	s2 =	sld [smem:$0x3F9C];
	s0 =	simm.s32 @p1 $0x1  }
0x15: {  	[smem:$0x3FB9] =	sst s0;
	s0 =	simm.s32 @!p2 $0x0  }
0x16: {  	s3 =	sld [smem:$0x3FDB];
	s0 =	simm.s32 @p2 $0x1  }
0x17: {  	s4 =	simm.s32 $0x1BF5;
	[smem:$0x3FBB] =	sst s0  }
0x18: {  	s0 =	sld [smem:$0x3F9E];
	_ =	swait.ge [sflag:s4], $0x0  }
0x19: {  	s7 =	sld [smem:$0x3F9F]  }
0x1a: {  	s8 =	sadd.s32 $0xFFFFE003, lr  }
0x1b: {  	s9 =	sadd.s32 $0xFFFFFEF7, lr;
	s5 =	simm.s32 $0xFFFFFFFF;
	p2 =	slt.u32 s8, $0xFFFFF086  }
0x1c: {  	p1 =	slt.u32 s9, $0xF7A;
	s5 =	simm.s32 @!p2 $0x0  }
0x1d: {  	s5 =	simm.s32 @p1 $0x1;
	p0 =	seq.s32 s7, s2  }
0x1e: {  	s7 =	smul.u32 @!p0 $0xF7A, s2;
	p2 =	seq.s32 @!p0 s5, $0x0  }
0x1f: {  	s9 =	smul.u32 $0xF7A, s1;
	s8 =	simm.s32 @!p0 $0x1BF5;
	p2 =	por !p2, p0  }
0x20: {  	[sflag:s8] =	ssyncset.s32 @!p0 $0xFFFFF086;
	s6 =	sadd.s32 @!p0 s3, s7;
	s7 =	simm.s32 @!p0 $0x108  }
0x21: {  	s3 =	sadd.s32 s3, s9;
	s6 =	sadd.s32 @!p0 $0x88, s6;
	s7 =	simm.s32 @p2 $0x1082  }
0x22: {  	[simem:s7], [sflag:s8] =	dma.local @!p0 [hbm:s6], $0xF7A  }
0x23: {  	s9 =	sor.u32 $0xD0000000, s2;
	s6 =	simm.s32 $0x108;
	_ =	swait.ge @!p0 [sflag:s8], $0x0  }
0x24: {  	s3 =	sadd.s32 $0x88, s3;
	s6 =	simm.s32 @!p1 $0x1082;
	[sflag:s4] =	ssyncset.s32 $0xFFFFF086  }
0x25: {  	[simem:s6], [sflag:s4] =	dma.local [hbm:s3], $0xF7A  }
0x26: {  	[smem:$0x3F9F] =	sst s1;
	(tag) =	ssettag s2;
	_ =	strace s9  }
0x27: {  	s1 =	sld [smem:$0x3FAF]  }
0x28: {  	s2 =	sld [smem:$0x3FB0]  }
0x29: {  	s4 =	sld [smem:$0x3FB2]  }
0x2a: {  	p0 =	seq.s32 s5, $0x0;
	s5 =	sld [smem:$0x3FB3]  }
0x2b: {  	s6 =	sld [smem:$0x3FB4]  }
0x2c: {  	s7 =	sld [smem:$0x3FB5]  }
0x2d: {  	s3 =	simm.s32 $0x108;
	s8 =	sld [smem:$0x3FB6]  }
0x2e: {  	s3 =	simm.s32 @!p0 $0x1082;
	s9 =	sld [smem:$0x3FB7]  }
0x2f: {  	lr =	sadd.s32 s0, s3;
	s0 =	sld [smem:$0x3FAE]  }
0x30: {  	s3 =	sld [smem:$0x3FB1]  }
0x31: {  	[smem:$0x3FBA] =	sst s10  }
0x32: {  	s10 =	sld [smem:$0x3FB8];
	_ =	sdelay $0x3  }
0x33: {  	p0 =	seq.s32 s10, $0x1;
	s10 =	sld [smem:$0x3FBA];
	_ =	sdelay $0x3  }
0x34: {  	[smem:$0x3FBA] =	sst s10  }
0x35: {  	s10 =	sld [smem:$0x3FB9];
	_ =	sdelay $0x3  }
0x36: {  	p1 =	seq.s32 s10, $0x1;
	s10 =	sld [smem:$0x3FBA];
	_ =	sdelay $0x3  }
0x37: {  	[smem:$0x3FBA] =	sst s10  }
0x38: {  	s10 =	sld [smem:$0x3FBB]  }
0x39: {  	_ = 	snop;
	(pc) =	sbr.ind lr, $3  }
0x3a: {  	_ = 	snop  }
0x3b: {  	_ = 	snop  }
0x3c: {  	p2 =	seq.s32 s10, $0x1;
	s10 =	sld [smem:$0x3FBA]  }
0x3d: {  	_ =	shalt  }
0x3e: {  	_ =	shalt  }
0x3f: {  	_ =	shalt  }
0x40: {  	_ =	shalt  }
0x41: {  	_ =	shalt  }
0x42: {  	_ =	shalt  }
0x43: {  	_ =	shalt  }
0x44: {  	_ =	shalt  }
0x45: {  	_ =	shalt  }
0x46: {  	_ =	shalt  }
0x47: {  	_ =	shalt  }
0x48: {  	_ =	shalt  }
0x49: {  	_ =	shalt  }
0x4a: {  	_ =	shalt  }
0x4b: {  	_ =	shalt  }
0x4c: {  	_ =	shalt  }
0x4d: {  	_ =	shalt  }
0x4e: {  	_ =	shalt  }
0x4f: {  	_ =	shalt  }
0x50: {  	_ =	shalt  }
0x51: {  	_ =	shalt  }
0x52: {  	_ =	shalt  }
0x53: {  	_ =	shalt  }
0x54: {  	_ =	shalt  }
0x55: {  	_ =	shalt  }
0x56: {  	_ =	shalt  }
0x57: {  	_ =	shalt  }
0x58: {  	_ =	shalt  }
0x59: {  	_ =	shalt  }
0x5a: {  	_ =	shalt  }
0x5b: {  	_ =	shalt  }
0x5c: {  	_ =	shalt  }
0x5d: {  	_ =	shalt  }
0x5e: {  	_ =	shalt  }
0x5f: {  	_ =	shalt  }
0x60: {  	_ =	shalt  }
0x61: {  	_ =	shalt  }
0x62: {  	_ =	shalt  }
0x63: {  	_ =	shalt  }
0x64: {  	_ =	shalt  }
0x65: {  	_ =	shalt  }
0x66: {  	_ =	shalt  }
0x67: {  	_ =	shalt  }
0x68: {  	_ =	shalt  }
0x69: {  	_ =	shalt  }
0x6a: {  	_ =	shalt  }
0x6b: {  	_ =	shalt  }
0x6c: {  	_ =	shalt  }
0x6d: {  	_ =	shalt  }
0x6e: {  	_ =	shalt  }
0x6f: {  	_ =	shalt  }
0x70: {  	_ =	shalt  }
0x71: {  	_ =	shalt  }
0x72: {  	_ =	shalt  }
0x73: {  	_ =	shalt  }
0x74: {  	_ =	shalt  }
0x75: {  	_ =	shalt  }
0x76: {  	_ =	shalt  }
0x77: {  	_ =	shalt  }
0x78: {  	_ =	shalt  }
0x79: {  	_ =	shalt  }
0x7a: {  	_ =	shalt  }
0x7b: {  	_ =	shalt  }
0x7c: {  	_ =	shalt  }
0x7d: {  	_ =	shalt  }
0x7e: {  	_ =	shalt  }
0x7f: {  	_ =	shalt  }
0x80: {  	_ =	shalt  }
0x81: {  	_ =	shalt  }
0x82: {  	_ =	shalt  }
0x83: {  	_ =	shalt  }
0x84: {  	_ =	shalt  }
0x85: {  	_ =	shalt  }
0x86: {  	_ =	shalt  }
0x87: {  	_ =	shalt  }
.Lfunc_end0:
.L_simem_size_0:
called_computation.1_lowered:
.L_overlay_start_0:
0x88: {  	s2 =	sld [smem:$0x3FD9]  }
0x89: {  	s3 =	sld [smem:$0x3FFE];
	_ =	sdelay $0x1  }
0x8a: {  	s1 =	srdreg.scid  }
0x8b: {  	s0 =	sand.u32 $0x1, s1  }
0x8c: {  	s17 =	sshll.u32 s0, $0xA;
	s2 =	sadd.s32 s3, s2  }
0x8d: {  	s2 =	sadd.s32 s2, s17  }
0x8e: {  	[smem:$0x3FC6] =	sst s2  }
0x8f: {  	_ = 	snop  }
0x90: {  	s2 =	sld [smem:$0x3FD0];
	(tm) =	ssettm $0x1  }
0x91: {  	s18 =	sld [smem:$0x3FFB];
	_ =	sdelay $0x3  }
0x92: {  	_ =	strace s18  }
0x93: {  	s3 =	sld [smem:$0x3FFC];
	_ =	sdelay $0x3  }
0x94: {  	_ =	strace s3  }
0x95: {  	s3 =	sld [smem:$0x3FFD];
	_ =	sdelay $0x3  }
0x96: {  	_ =	strace s3  }
0x97: {  	_ =	strace $0x8FFFFFFF  }
0x98: {  	s19 =	sld [smem:$0x3FDB];
	_ =	sdelay $0x1  }
0x99: {  	s4 =	simm.s32 $_scs_section_size  }
0x9a: {  	s5 =	simm.s32 $_size__tile_overlayer_lowered;
	s6 =	simm.s32 $_tile_overlayer_lowered  }
0x9b: {  	s22 =	simm.s32 $0x1BFF;
	s21 =	sshll.u32 s6, $0x1;
	s3 =	sadd.s32 s4, s19  }
0x9c: {  	s7 =	simm.s32 $0x0;
	s20 =	sshll.u32 s5, $0x1;
	s5 =	sadd.s32 s21, s3  }
0x9d: {  	[timem:s7], [sflag:s22] =	dma.local [hbm:s5], s20  }
0x9e: {  	_ =	swait.ge [sflag:s22], s20  }
0x9f: {  	s4 =	ssub.s32 $0x0, s20;
	[sflag:s22] =	ssyncset.done $0x0  }
0xa0: {  	[sflag:s22] =	ssyncadd.s32 s4;
	_ =	sdelay $0x1  }
0xa1: {  	s23 =	simm.s32 $0x1B8B  }
0xa2: {  	_ =	swait.ge [sflag:s23], $0x1  }
0xa3: {  	[sflag:s23] =	ssyncset.done $0x0  }
0xa4: {  	s25 =	simm.s32 $0x1B8E;
	s24 =	sld [smem:$0x3FFE];
	[sflag:s23] =	ssyncadd.s32 $0xFFFFFFFF  }
0xa5: {  	s26 =	simm.s32 $execute0_lowered;
	[smem:$0x3FD2] =	sst s25  }
0xa6: {  	s5 =	sshll.u32 s26, $0x1;
	_ =	strace $0x80000046;
	[dreg:$0x1] =	wrdreg $0xFFFFFFFF  }
0xa7: {  	s28 =	simm.s32 $_size_execute0_lowered;
	s3 =	sadd.s32 s3, s5;
	[dreg:$0x0] =	wrdreg $0x0  }
0xa8: {  	s5 =	sshll.u32 s28, $0x1;
	[dreg:$0x2] =	wrdreg s3  }
0xa9: {  	[dreg:$0x3] =	wrdreg s5  }
0xaa: {  	[dreg:$0x4] =	wrdreg $0xC0  }
0xab: {  	_ =	task [dreg:s7], $0x5FFFF  }
0xac: {  	[dreg:$0x1] =	wrdreg $0xFFFFFFFF  }
0xad: {  	[dreg:$0x0] =	wrdreg $0x60  }
0xae: {  	[dreg:$0x2] =	wrdreg s2  }
0xaf: {  	[dreg:$0x3] =	wrdreg s24  }
0xb0: {  	[dreg:$0x4] =	wrdreg $0x9  }
0xb1: {  	_ =	task.clear_ibuf [dreg:s7], $0x5FFFF;
	_ =	strace $0x90000046  }
0xb2: {  	s29 =	simm.s32 $0x9;
	_ =	strace $0x80000048  }
0xb3: {  	_ =	swait.ge [sflag:s29], $0x1  }
0xb4: {  	[sflag:s29] =	ssyncadd.s32 $0xFFFFFFFF  }
0xb5: {  	_ =	strace $0x90000048  }
0xb6: {  	_ =	sfence  }
0xb7: {  	s30 =	sld [smem:$0x0];
	_ =	sdelay $0x2  }
0xb8: {  	s31 =	sshll.u32 s1, $0xD;
	s1 =	sshrl.u32 s1, $0x2  }
0xb9: {  	s3 =	sand.u32 $0x4000, s31;
	s1 =	sadd.s32 s1, s30  }
0xba: {  	s0 =	sor.u32 s3, s0;
	s1 =	sshll.u32 s1, $0x11  }
0xbb: {  	s0 =	sor.u32 s1, s0  }
0xbc: {  	s0 =	sadd.s32 $0x8F2B, s0  }
0xbd: {  	[sflag:s0] =	ssyncadd.remote.s32 $0x1  }
0xbe: {  	_ =	sfence.sel $0xFFFF  }
0xbf: {  	[dreg:$0x0] =	wrdreg $0xFFFFFFFF;
	(pc) =	sbr.abs _section_cstart, $3  }
0xc0: {  	[dreg:$0x1] =	wrdreg $0xFFFFFFFF  }
0xc1: {  	_ =	task.clear_ibuf [dreg:s7], $0x2FFFF;
	_ =	strace $0x9FFFFFFF  }
0xc2: {  	(tm) =	ssettm $0x7FFFFFFF  }
0xc3: {  	_ =	shalt  }
tec
execute0_lowered:
.L_overlay_start_1:
0x0: {  	(tag) =	ssettag $0x1  }
0x1: {  	s0 =	rddreg [dreg:$0x0]  }
0x2: {  	s1 =	rddreg [dreg:$0x1];
	s2 =	srdreg.scid  }
0x3: {  	s3 =	simm.s32 $0x0;
	s9 =	stileid.u32;
	s13 =	simm.s32 $0x70  }
0x4: {  	s20 =	simm.s32 $0x7800;
	s12 =	simm.s32 $0x9400;
	s18 =	simm.s32 $0xB000  }
0x5: {  	s23 =	simm.s32 $0x1;
	s24 =	simm.s32 $0x40;
	s31 =	simm.s32 $0x2  }
0x6: {  	s15 =	simm.s32 $0x3;
	s28 =	simm.s32 $0xF;
	s19 =	simm.s32 $0xB  }
0x7: {  	s21 =	simm.s32 $0xC;
	s29 =	simm.s32 $0xD;
	s2 =	sand.u32 $0x1, s2  }
0x8: {  	[smem:$0x7FF] =	sst s3;
	s25 =	sshll.u32 s9, $0xA;
	s3 =	sadd.s32 $0xF42E00, s1  }
0x9: {  	s26 =	sshll.u32 s9, $0x13;
	s9 =	sadd.s32 $0x1000, s1;
	s4 =	sshll.u32 s2, $0x9  }
0xa: {  	_ =	strace $0x80000047;
	s5 =	ssub.s32 $0x2, s2;
	s2 =	sshll.u32 s2, $0x12  }
0xb: {  	s6 =	sor.u32 s4, s25;
	s7 =	sshrl.u32 s5, $0x1;
	s4 =	sadd.s32 $0xA00, s1  }
0xc: {  	s25 =	simm.s32 $0x80;
	s8 =	sshll.u32 s6, $0x2;
	s5 =	ssub.s32 s5, s7  }
.Ltmp0:
0xd: {  	s6 =	sshll.u32 s6, $0x9;
	s7 =	sadd.s32 $0xC00, s1;
	(pc) =	sbr.rel .LBB2_1-.Ltmp0, $4  }
0xe: {  	s0 =	sadd.s32 s0, s8;
	s8 =	sadd.s32 $0xE00, s1;
	s30 =	smax.u32 s5, $0x1  }
0xf: {  	s1 =	simm.s32 $0x8;
	[dreg:$0x3] =	wrdreg s0;
	s0 =	sadd.s32 s26, s4  }
0x10: {  	s5 =	simm.s32 $0x0;
	[dreg:$0x4] =	wrdreg s30;
	s0 =	sadd.s32 s2, s0  }
0x11: {  	v0 =	vlaneseq.u32;
	s26 =	simm.s32 $0x10;
	s2 =	simm.s32 $0x4;
	[dreg:$0x5] =	wrdreg s0  }
.LBB2_34:
0x12: {  	s0 =	simm.s32 $0x9  }
0x13: {  	_ =	swait.ge [sflag:s0], $0x680  }
0x14: {  	[sflag:s0] =	ssyncset.done $0x0  }
0x15: {  	[sflag:s0] =	ssyncadd.s32 $0xFFFFF980  }
0x16: {  	_ =	swait.ge [sflag:s0], $0x680  }
0x17: {  	[sflag:s0] =	ssyncset.done $0x0  }
0x18: {  	[sflag:s0] =	ssyncadd.s32 $0xFFFFF980  }
0x19: {  	_ =	swait.ge [sflag:s0], $0x680  }
0x1a: {  	[sflag:s0] =	ssyncset.done $0x0  }
0x1b: {  	[sflag:s0] =	ssyncadd.s32 $0xFFFFF980  }
0x1c: {  	_ =	swait.ge [sflag:s0], $0x680  }
0x1d: {  	[sflag:s0] =	ssyncset.done $0x0  }
0x1e: {  	s17 =	simm.s32 $0xA;
	[sflag:s0] =	ssyncadd.s32 $0xFFFFF980  }
0x1f: {  	_ =	swait.ge [sflag:s17], $0x680  }
0x20: {  	[sflag:s17] =	ssyncset.done $0x0  }
0x21: {  	[sflag:s17] =	ssyncadd.s32 $0xFFFFF980  }
0x22: {  	_ =	swait.ge [sflag:s17], $0x680  }
0x23: {  	[sflag:s17] =	ssyncset.done $0x0  }
0x24: {  	[sflag:s17] =	ssyncadd.s32 $0xFFFFF980  }
0x25: {  	_ =	swait.ge [sflag:s17], $0x680  }
0x26: {  	[sflag:s17] =	ssyncset.done $0x0  }
0x27: {  	[sflag:s17] =	ssyncadd.s32 $0xFFFFF980  }
0x28: {  	_ =	swait.ge [sflag:s17], $0x680  }
0x29: {  	[sflag:s17] =	ssyncset.done $0x0  }
0x2a: {  	[sflag:s17] =	ssyncadd.s32 $0xFFFFF980  }
0x2b: {  	_ =	swait.ge [sflag:s19], $0x680  }
0x2c: {  	[sflag:s19] =	ssyncset.done $0x0  }
0x2d: {  	[sflag:s19] =	ssyncadd.s32 $0xFFFFF980  }
0x2e: {  	_ =	swait.ge [sflag:s19], $0x680  }
0x2f: {  	[sflag:s19] =	ssyncset.done $0x0  }
0x30: {  	[sflag:s19] =	ssyncadd.s32 $0xFFFFF980  }
0x31: {  	_ =	swait.ge [sflag:s19], $0x680  }
0x32: {  	[sflag:s19] =	ssyncset.done $0x0  }
0x33: {  	[sflag:s19] =	ssyncadd.s32 $0xFFFFF980  }
0x34: {  	_ =	swait.ge [sflag:s19], $0x680  }
0x35: {  	[sflag:s19] =	ssyncset.done $0x0  }
0x36: {  	[sflag:s19] =	ssyncadd.s32 $0xFFFFF980  }
0x37: {  	_ =	swait.ge [sflag:s21], $0x680  }
0x38: {  	[sflag:s21] =	ssyncset.done $0x0  }
0x39: {  	[sflag:s21] =	ssyncadd.s32 $0xFFFFF980  }
0x3a: {  	_ =	swait.ge [sflag:s21], $0x680  }
0x3b: {  	[sflag:s21] =	ssyncset.done $0x0  }
0x3c: {  	[sflag:s21] =	ssyncadd.s32 $0xFFFFF980  }
0x3d: {  	_ =	swait.ge [sflag:s21], $0x680  }
0x3e: {  	[sflag:s21] =	ssyncset.done $0x0  }
0x3f: {  	[sflag:s21] =	ssyncadd.s32 $0xFFFFF980  }
0x40: {  	_ =	swait.ge [sflag:s21], $0x680  }
0x41: {  	[sflag:s21] =	ssyncset.done $0x0  }
0x42: {  	[sflag:s21] =	ssyncadd.s32 $0xFFFFF980  }
0x43: {  	_ =	swait.ge [sflag:s29], $0x680  }
0x44: {  	[sflag:s29] =	ssyncset.done $0x0  }
0x45: {  	[sflag:s29] =	ssyncadd.s32 $0xFFFFF980  }
0x46: {  	_ =	swait.ge [sflag:s29], $0x680  }
0x47: {  	[sflag:s29] =	ssyncset.done $0x0  }
0x48: {  	[sflag:s29] =	ssyncadd.s32 $0xFFFFF980  }
0x49: {  	_ =	swait.ge [sflag:s29], $0x680  }
0x4a: {  	[sflag:s29] =	ssyncset.done $0x0  }
0x4b: {  	[sflag:s29] =	ssyncadd.s32 $0xFFFFF980  }
0x4c: {  	_ =	swait.ge [sflag:s29], $0x680  }
0x4d: {  	[sflag:s29] =	ssyncset.done $0x0  }
0x4e: {  	s22 =	simm.s32 $0xE;
	[sflag:s29] =	ssyncadd.s32 $0xFFFFF980  }
0x4f: {  	_ =	swait.ge [sflag:s22], $0x680  }
0x50: {  	[sflag:s22] =	ssyncset.done $0x0  }
0x51: {  	[sflag:s22] =	ssyncadd.s32 $0xFFFFF980  }
0x52: {  	_ =	swait.ge [sflag:s22], $0x680  }
0x53: {  	[sflag:s22] =	ssyncset.done $0x0  }
0x54: {  	[sflag:s22] =	ssyncadd.s32 $0xFFFFF980  }
0x55: {  	_ =	swait.ge [sflag:s22], $0x680  }
0x56: {  	[sflag:s22] =	ssyncset.done $0x0  }
0x57: {  	[sflag:s22] =	ssyncadd.s32 $0xFFFFF980  }
0x58: {  	_ =	swait.ge [sflag:s22], $0x680  }
0x59: {  	[sflag:s22] =	ssyncset.done $0x0  }
0x5a: {  	[sflag:s22] =	ssyncadd.s32 $0xFFFFF980  }
0x5b: {  	_ =	swait.ge [sflag:s28], $0x680  }
0x5c: {  	[sflag:s28] =	ssyncset.done $0x0  }
0x5d: {  	[sflag:s28] =	ssyncadd.s32 $0xFFFFF980  }
0x5e: {  	_ =	swait.ge [sflag:s28], $0x680  }
0x5f: {  	[sflag:s28] =	ssyncset.done $0x0  }
0x60: {  	[sflag:s28] =	ssyncadd.s32 $0xFFFFF980  }
0x61: {  	_ =	swait.ge [sflag:s28], $0x680  }
0x62: {  	[sflag:s28] =	ssyncset.done $0x0  }
0x63: {  	[sflag:s28] =	ssyncadd.s32 $0xFFFFF980  }
0x64: {  	_ =	swait.ge [sflag:s28], $0x680  }
0x65: {  	[sflag:s28] =	ssyncset.done $0x0  }
0x66: {  	[sflag:s28] =	ssyncadd.s32 $0xFFFFF980  }
0x67: {  	_ =	swait.ge [sflag:s26], $0x680  }
0x68: {  	[sflag:s26] =	ssyncset.done $0x0  }
0x69: {  	[sflag:s26] =	ssyncadd.s32 $0xFFFFF980  }
0x6a: {  	_ =	swait.ge [sflag:s26], $0x680  }
0x6b: {  	[sflag:s26] =	ssyncset.done $0x0  }
0x6c: {  	[sflag:s26] =	ssyncadd.s32 $0xFFFFF980  }
0x6d: {  	_ =	swait.ge [sflag:s26], $0x680  }
0x6e: {  	[sflag:s26] =	ssyncset.done $0x0  }
0x6f: {  	[sflag:s26] =	ssyncadd.s32 $0xFFFFF980  }
0x70: {  	_ =	swait.ge [sflag:s26], $0x680  }
0x71: {  	s5 =	rddreg [dreg:$0x6]  }
0x72: {  	s30 =	rddreg [dreg:$0x4];
	s5 =	sadd.s32 $0x1, s5  }
0x73: {  	p0 =	sne.s32 s5, s30  }
.Ltmp1:
0x74: {  	_ = 	snop;
	(pc) =	sbr.rel @!p0 .LBB2_35-.Ltmp1, $3  }
0x75: {  	_ =	sdelay $0x1  }
0x76: {  	[sflag:s26] =	ssyncset.done $0x0  }
0x77: {  	[sflag:s26] =	ssyncadd.s32 $0xFFFFF980  }
.LBB2_1:
0x78: {  	s0 =	simm.s32 $0x0  }
0x79: {  	v1 =	vadd.s32 s0, v0  }
0x7a: {  	vm0 =	vlt.s32 v1, $0x33FF  }
0x7b: {  	v1 =	vnsel vm0, $0x33FF, v1  }
0x7c: {  	v2 =	vmul.u32 $0x4EC5, v1;
	_ =	sdelay $0x1  }
0x7d: {  	s16 =	simm.s32 $0x10;
	v2 =	vshrl.u32 v2, $0x13  }
0x7e: {  	v4 =	vadd.s32 s16, v0;
	v3 =	vmul.u32 $0xFFFFFFE6, v2  }
0x7f: {  	vm10 =	vlt.s32 v4, $0x33FF  }
0x80: {  	v1 =	vadd.s32 v1, v3;
	v3 =	vnsel vm10, $0x33FF, v4  }
0x81: {  	v2 =	vshll.u32 v2, $0x5;
	v4 =	vand.u32 $0xFFFFFFF8, v1;
	v5 =	vmul.u32 $0x4EC5, v3  }
0x82: {  	[dreg:$0x6] =	wrdreg s5;
	s17 =	simm.s32 $0x20;
	v1 =	vand.u32 $0x7, v1;
	v2 =	vadd.s32 v2, v4  }
0x83: {  	s10 =	simm.s32 $0x0;
	s22 =	rddreg [dreg:$0x3];
	s11 =	simm.s32 $0x11;
	v1 =	vor.u32 v1, v2;
	v2 =	vshrl.u32 v5, $0x13  }
0x84: {  	[tilespmem:s10], [sflag:$0x11] =	stream.linear.gather [hbm4b:s22+s10], $0x4000, $0x38;
	v5 =	vadd.s32 s17, v0;
	v4 =	vmul.u32 $0xFFFFFFE6, v2;
	[tilespmem:$0x15800] =	vst v63  }
0x85: {  	_ =	swait.ge [sflag:s11], $0x4000;
	vm11 =	vlt.s32 v5, $0x33FF  }
0x86: {  	[sflag:s11] =	ssyncset.done $0x0;
	v3 =	vadd.s32 v3, v4;
	v4 =	vnsel vm11, $0x33FF, v5  }
0x87: {  	[sflag:s11] =	ssyncadd.s32 $0xFFFFC000;
	v2 =	vshll.u32 v2, $0x5;
	v5 =	vand.u32 $0xFFFFFFF8, v3;
	v6 =	vmul.u32 $0x4EC5, v4  }
0x88: {  	v3 =	vand.u32 $0x7, v3;
	v1 =	vld.idx.msk [tilespmem:v1+s10+$0x0], $0xffff;
	v2 =	vadd.s32 v2, v5  }
0x89: {  	s14 =	simm.s32 $0x30;
	v2 =	vor.u32 v3, v2;
	v3 =	vshrl.u32 v6, $0x13  }
0x8a: {  	v6 =	vadd.s32 s14, v0;
	v5 =	vmul.u32 $0xFFFFFFE6, v3  }
0x8b: {  	vm12 =	vlt.s32 v6, $0x33FF  }
0x8c: {  	s5 =	simm.s32 $0x4030;
	v4 =	vadd.s32 v4, v5;
	v5 =	vnsel vm12, $0x33FF, v6  }
0x8d: {  	v3 =	vshll.u32 v3, $0x5;
	[tilespmem:s5+$0xFFFFFFD0] =	vst v1;
	v1 =	vand.u32 $0xFFFFFFF8, v4;
	v6 =	vmul.u32 $0x4EC5, v5  }
0x8e: {  	v4 =	vand.u32 $0x7, v4;
	v2 =	vld.idx.msk [tilespmem:v2+s10+$0x0], $0xffff;
	v1 =	vadd.s32 v3, v1  }
0x8f: {  	s16 =	simm.s32 $0x40;
	v1 =	vor.u32 v4, v1;
	v3 =	vshrl.u32 v6, $0x13  }
0x90: {  	v6 =	vadd.s32 s16, v0;
	v4 =	vmul.u32 $0xFFFFFFE6, v3  }
0x91: {  	vm13 =	vlt.s32 v6, $0x33FF  }
0x92: {  	v4 =	vadd.s32 v5, v4;
	v5 =	vnsel vm13, $0x33FF, v6  }
0x93: {  	v3 =	vshll.u32 v3, $0x5;
	[tilespmem:s5+$0xFFFFFFE0] =	vst v2;
	v2 =	vand.u32 $0xFFFFFFF8, v4;
	v6 =	vmul.u32 $0x4EC5, v5  }
0x94: {  	v4 =	vand.u32 $0x7, v4;
	v1 =	vld.idx.msk [tilespmem:v1+s10+$0x0], $0xffff;
	v2 =	vadd.s32 v3, v2  }
0x95: {  	s17 =	simm.s32 $0x50;
	v2 =	vor.u32 v4, v2;
	v3 =	vshrl.u32 v6, $0x13  }
0x96: {  	v4 =	vadd.s32 s17, v0;
	v6 =	vmul.u32 $0xFFFFFFE6, v3  }
0x97: {  	vm14 =	vlt.s32 v4, $0x33FF  }
0x98: {  	v4 =	vnsel vm14, $0x33FF, v4;
	v5 =	vadd.s32 v5, v6  }
0x99: {  	v3 =	vshll.u32 v3, $0x5;
	v6 =	vmul.u32 $0x4EC5, v4;
	[tilespmem:s5+$0xFFFFFFF0] =	vst v1;
	v1 =	vand.u32 $0xFFFFFFF8, v5  }
0x9a: {  	v5 =	vand.u32 $0x7, v5;
	v2 =	vld.idx.msk [tilespmem:v2+s10+$0x0], $0xffff;
	v1 =	vadd.s32 v3, v1  }
0x9b: {  	v3 =	vshrl.u32 v6, $0x13;
	v5 =	vor.u32 v5, v1  }
0x9c: {  	s22 =	simm.s32 $0x60;
	v7 =	vmul.u32 $0xFFFFFFE6, v3  }
0x9d: {  	v6 =	vadd.s32 s22, v0  }
0x9e: {  	vm15 =	vlt.s32 v6, $0x33FF;
	v4 =	vadd.s32 v4, v7  }
0x9f: {  	v3 =	vshll.u32 v3, $0x5;
	v1 =	vnsel vm15, $0x33FF, v6;
	v7 =	vand.u32 $0xFFFFFFF8, v4;
	[tilespmem:s5+$0x0] =	vst v2  }
0xa0: {  	v6 =	vmul.u32 $0x4EC5, v1;
	v8 =	vand.u32 $0x7, v4;
	v3 =	vadd.s32 v3, v7;
	v2 =	vld.idx.msk [tilespmem:v5+s10+$0x0], $0xffff  }
0xa1: {  	v3 =	vor.u32 v8, v3  }
0xa2: {  	s30 =	simm.s32 $0x0;
	v4 =	vshrl.u32 v6, $0x13  }
0xa3: {  	s0 =	simm.s32 $0x68;
	s17 =	simm.s32 $0xC8;
	s10 =	simm.s32 $0x130;
	v5 =	vmul.u32 $0xFFFFFFE6, v4  }
.LBB2_2:
0xa4: {  	p0 =	sne.s32 s10, $0x33F8;
	v6 =	vadd.s32 s0, v0  }
0xa5: {  	vm0 =	vlt.s32 v6, $0x33FF;
	[tilespmem:s5+$0x10] =	vst v2;
	v1 =	vadd.s32 v1, v5  }
0xa6: {  	v4 =	vshll.u32 v4, $0x5;
	v2 =	vnsel vm0, $0x33FF, v6;
	v3 =	vld.idx.msk [tilespmem:v3+s30+$0x0], $0xffff;
	v5 =	vand.u32 $0xFFFFFFF8, v1  }
0xa7: {  	v1 =	vand.u32 $0x7, v1;
	v6 =	vmul.u32 $0x4EC5, v2;
	v4 =	vadd.s32 v4, v5  }
0xa8: {  	v1 =	vor.u32 v1, v4  }
0xa9: {  	v4 =	vshrl.u32 v6, $0x13  }
0xaa: {  	s0 =	sadd.s32 $0xFFFFFFB0, s17;
	v5 =	vmul.u32 $0xFFFFFFE6, v4  }
0xab: {  	v6 =	vadd.s32 s0, v0  }
0xac: {  	vm0 =	vlt.s32 v6, $0x33FF;
	v2 =	vadd.s32 v2, v5;
	[tilespmem:s5+$0x20] =	vst v3  }
0xad: {  	v4 =	vshll.u32 v4, $0x5;
	v5 =	vnsel vm0, $0x33FF, v6;
	v3 =	vand.u32 $0xFFFFFFF8, v2;
	v1 =	vld.idx.msk [tilespmem:v1+s30+$0x0], $0xffff  }
0xae: {  	v2 =	vand.u32 $0x7, v2;
	v3 =	vadd.s32 v4, v3;
	v4 =	vmul.u32 $0x4EC5, v5  }
0xaf: {  	v2 =	vor.u32 v2, v3  }
0xb0: {  	v3 =	vshrl.u32 v4, $0x13  }
0xb1: {  	s0 =	sadd.s32 $0xFFFFFFC0, s17;
	v4 =	vmul.u32 $0xFFFFFFE6, v3  }
0xb2: {  	v6 =	vadd.s32 s0, v0  }
0xb3: {  	s30 =	simm.s32 $0x0;
	vm0 =	vlt.s32 v6, $0x33FF;
	v4 =	vadd.s32 v5, v4;
	[tilespmem:s5+$0x30] =	vst v1  }
0xb4: {  	v3 =	vshll.u32 v3, $0x5;
	v5 =	vnsel vm0, $0x33FF, v6;
	v1 =	vld.idx.msk [tilespmem:v2+s30+$0x0], $0xffff;
	v2 =	vand.u32 $0xFFFFFFF8, v4  }
0xb5: {  	v4 =	vand.u32 $0x7, v4;
	v2 =	vadd.s32 v3, v2;
	v3 =	vmul.u32 $0x4EC5, v5  }
0xb6: {  	v2 =	vor.u32 v4, v2  }
0xb7: {  	v3 =	vshrl.u32 v3, $0x13  }
0xb8: {  	s0 =	sadd.s32 $0xFFFFFFD0, s17;
	v4 =	vmul.u32 $0xFFFFFFE6, v3  }
0xb9: {  	v6 =	vadd.s32 s0, v0;
	s5 =	sadd.s32 $0x70, s5  }
0xba: {  	vm0 =	vlt.s32 v6, $0x33FF;
	[tilespmem:s5+$0xFFFFFFD0] =	vst v1;
	v1 =	vadd.s32 v5, v4  }
0xbb: {  	v3 =	vshll.u32 v3, $0x5;
	v5 =	vnsel vm0, $0x33FF, v6;
	v2 =	vld.idx.msk [tilespmem:v2+s30+$0x0], $0xffff;
	v4 =	vand.u32 $0xFFFFFFF8, v1  }
0xbc: {  	v1 =	vand.u32 $0x7, v1;
	v3 =	vadd.s32 v3, v4;
	v4 =	vmul.u32 $0x4EC5, v5  }
0xbd: {  	v1 =	vor.u32 v1, v3  }
0xbe: {  	v3 =	vshrl.u32 v4, $0x13  }
0xbf: {  	s0 =	sadd.s32 $0xFFFFFFE0, s17;
	v4 =	vmul.u32 $0xFFFFFFE6, v3  }
0xc0: {  	v6 =	vadd.s32 s0, v0  }
0xc1: {  	vm0 =	vlt.s32 v6, $0x33FF;
	[tilespmem:s5+$0xFFFFFFE0] =	vst v2;
	v2 =	vadd.s32 v5, v4  }
0xc2: {  	v3 =	vshll.u32 v3, $0x5;
	v5 =	vnsel vm0, $0x33FF, v6;
	v1 =	vld.idx.msk [tilespmem:v1+s30+$0x0], $0xffff;
	v4 =	vand.u32 $0xFFFFFFF8, v2  }
0xc3: {  	v2 =	vand.u32 $0x7, v2;
	v3 =	vadd.s32 v3, v4;
	v4 =	vmul.u32 $0x4EC5, v5  }
0xc4: {  	v2 =	vor.u32 v2, v3  }
0xc5: {  	v3 =	vshrl.u32 v4, $0x13  }
0xc6: {  	s0 =	sadd.s32 $0xFFFFFFF0, s17;
	v4 =	vmul.u32 $0xFFFFFFE6, v3  }
0xc7: {  	v6 =	vadd.s32 s0, v0  }
0xc8: {  	vm0 =	vlt.s32 v6, $0x33FF;
	[tilespmem:s5+$0xFFFFFFF0] =	vst v1;
	v1 =	vadd.s32 v5, v4  }
0xc9: {  	v3 =	vshll.u32 v3, $0x5;
	v5 =	vnsel vm0, $0x33FF, v6;
	v2 =	vld.idx.msk [tilespmem:v2+s30+$0x0], $0xffff;
	v4 =	vand.u32 $0xFFFFFFF8, v1  }
0xca: {  	v1 =	vand.u32 $0x7, v1;
	v3 =	vadd.s32 v3, v4;
	v4 =	vmul.u32 $0x4EC5, v5  }
0xcb: {  	v1 =	vor.u32 v1, v3  }
0xcc: {  	v3 =	vshrl.u32 v4, $0x13  }
0xcd: {  	v4 =	vmul.u32 $0xFFFFFFE6, v3  }
0xce: {  	v6 =	vadd.s32 s17, v0;
	s17 =	smov.u32 s10  }
0xcf: {  	vm0 =	vlt.s32 v6, $0x33FF;
	[tilespmem:s5+$0x0] =	vst v2;
	v4 =	vadd.s32 v5, v4  }
.Ltmp2:
0xd0: {  	v3 =	vshll.u32 v3, $0x5;
	v2 =	vld.idx.msk [tilespmem:v1+s30+$0x0], $0xffff;
	v5 =	vand.u32 $0xFFFFFFF8, v4;
	v1 =	vnsel vm0, $0x33FF, v6;
	(pc) =	sbr.rel @p0 .LBB2_2-.Ltmp2, $4  }
0xd1: {  	v4 =	vand.u32 $0x7, v4;
	v3 =	vadd.s32 v3, v5;
	v5 =	vmul.u32 $0x4EC5, v1  }
0xd2: {  	v3 =	vor.u32 v4, v3  }
0xd3: {  	v4 =	vshrl.u32 v5, $0x13  }
0xd4: {  	s10 =	sadd.s32 $0x68, s10;
	s0 =	sadd.s32 $0xFFFFFFA0, s17;
	v5 =	vmul.u32 $0xFFFFFFE6, v4  }
0xd5: {  	v6 =	vadd.s32 s0, v0  }
0xd6: {  	vm0 =	vlt.s32 v6, $0x33FF  }
0xd7: {  	v1 =	vadd.s32 v1, v5;
	v44 =	vnsel vm0, $0x33FF, v6  }
0xd8: {  	[tilespmem:s5+$0x10] =	vst v2;
	v4 =	vshll.u32 v4, $0x5;
	v2 =	vand.u32 $0xFFFFFFF8, v1;
	v6 =	vmul.u32 $0x4EC5, v44  }
0xd9: {  	v3 =	vld.idx.msk [tilespmem:v3+s30+$0x0], $0xffff;
	v1 =	vand.u32 $0x7, v1;
	v2 =	vadd.s32 v4, v2  }
0xda: {  	s22 =	sadd.s32 $0xFFFFFFB0, s17;
	v1 =	vor.u32 v1, v2;
	v2 =	vshrl.u32 v6, $0x13  }
0xdb: {  	v46 =	vadd.s32 s22, v0;
	v45 =	vmul.u32 $0xFFFFFFE6, v2  }
0xdc: {  	vm10 =	vlt.s32 v46, $0x33FF  }
0xdd: {  	v47 =	vnsel vm10, $0x33FF, v46;
	v4 =	vadd.s32 v44, v45  }
0xde: {  	v6 =	vmul.u32 $0x4EC5, v47;
	[tilespmem:s5+$0x20] =	vst v3;
	v2 =	vshll.u32 v2, $0x5;
	v3 =	vand.u32 $0xFFFFFFF8, v4  }
0xdf: {  	v1 =	vld.idx.msk [tilespmem:v1+s30+$0x0], $0xffff;
	v4 =	vand.u32 $0x7, v4;
	v2 =	vadd.s32 v2, v3  }
0xe0: {  	s10 =	sadd.s32 $0xFFFFFFC0, s17;
	v3 =	vshrl.u32 v6, $0x13;
	v2 =	vor.u32 v4, v2  }
0xe1: {  	v49 =	vadd.s32 s10, v0;
	v48 =	vmul.u32 $0xFFFFFFE6, v3  }
0xe2: {  	vm11 =	vlt.s32 v49, $0x33FF  }
0xe3: {  	v50 =	vnsel vm11, $0x33FF, v49;
	v4 =	vadd.s32 v47, v48  }
0xe4: {  	v6 =	vmul.u32 $0x4EC5, v50;
	v3 =	vshll.u32 v3, $0x5;
	[tilespmem:s5+$0x30] =	vst v1;
	v1 =	vand.u32 $0xFFFFFFF8, v4  }
0xe5: {  	v4 =	vand.u32 $0x7, v4;
	v1 =	vadd.s32 v3, v1;
	v2 =	vld.idx.msk [tilespmem:v2+s30+$0x0], $0xffff  }
0xe6: {  	s11 =	sadd.s32 $0xFFFFFFD0, s17;
	v3 =	vshrl.u32 v6, $0x13;
	v1 =	vor.u32 v4, v1  }
0xe7: {  	v52 =	vadd.s32 s11, v0;
	v51 =	vmul.u32 $0xFFFFFFE6, v3  }
0xe8: {  	vm12 =	vlt.s32 v52, $0x33FF  }
0xe9: {  	s14 =	sadd.s32 $0x70, s5;
	v53 =	vnsel vm12, $0x33FF, v52;
	v4 =	vadd.s32 v50, v51  }
0xea: {  	v6 =	vmul.u32 $0x4EC5, v53;
	v3 =	vshll.u32 v3, $0x5;
	[tilespmem:s14+$0xFFFFFFD0] =	vst v2;
	v2 =	vand.u32 $0xFFFFFFF8, v4  }
0xeb: {  	v4 =	vand.u32 $0x7, v4;
	v1 =	vld.idx.msk [tilespmem:v1+s30+$0x0], $0xffff;
	v2 =	vadd.s32 v3, v2  }
0xec: {  	s16 =	sadd.s32 $0xFFFFFFE0, s17;
	v3 =	vshrl.u32 v6, $0x13;
	v2 =	vor.u32 v4, v2  }
0xed: {  	v55 =	vadd.s32 s16, v0;
	v54 =	vmul.u32 $0xFFFFFFE6, v3  }
0xee: {  	vm13 =	vlt.s32 v55, $0x33FF  }
0xef: {  	v56 =	vnsel vm13, $0x33FF, v55;
	v4 =	vadd.s32 v53, v54  }
0xf0: {  	v6 =	vmul.u32 $0x4EC5, v56;
	v3 =	vshll.u32 v3, $0x5;
	[tilespmem:s14+$0xFFFFFFE0] =	vst v1;
	v1 =	vand.u32 $0xFFFFFFF8, v4  }
0xf1: {  	v4 =	vand.u32 $0x7, v4;
	v2 =	vld.idx.msk [tilespmem:v2+s30+$0x0], $0xffff;
	v1 =	vadd.s32 v3, v1  }
0xf2: {  	s22 =	sadd.s32 $0xFFFFFFF0, s17;
	v3 =	vshrl.u32 v6, $0x13;
	v1 =	vor.u32 v4, v1  }
0xf3: {  	v58 =	vadd.s32 s22, v0;
	v57 =	vmul.u32 $0xFFFFFFE6, v3  }
0xf4: {  	vm14 =	vlt.s32 v58, $0x33FF  }
0xf5: {  	v59 =	vnsel vm14, $0x33FF, v58;
	v4 =	vadd.s32 v56, v57  }
0xf6: {  	v6 =	vmul.u32 $0x4EC5, v59;
	v3 =	vshll.u32 v3, $0x5;
	[tilespmem:s14+$0xFFFFFFF0] =	vst v2;
	v2 =	vand.u32 $0xFFFFFFF8, v4  }
0xf7: {  	v4 =	vand.u32 $0x7, v4;
	v1 =	vld.idx.msk [tilespmem:v1+s30+$0x0], $0xffff;
	v2 =	vadd.s32 v3, v2  }
0xf8: {  	v3 =	vshrl.u32 v6, $0x13;
	v2 =	vor.u32 v4, v2  }
0xf9: {  	v61 =	vadd.s32 s17, v0;
	v60 =	vmul.u32 $0xFFFFFFE6, v3  }
0xfa: {  	vm15 =	vlt.s32 v61, $0x33FF  }
0xfb: {  	v62 =	vnsel vm15, $0x33FF, v61;
	v4 =	vadd.s32 v59, v60  }
0xfc: {  	v6 =	vmul.u32 $0x4EC5, v62;
	v3 =	vshll.u32 v3, $0x5;
	[tilespmem:s14+$0x0] =	vst v1;
	v1 =	vand.u32 $0xFFFFFFF8, v4  }
0xfd: {  	v4 =	vand.u32 $0x7, v4;
	v2 =	vld.idx.msk [tilespmem:v2+s30+$0x0], $0xffff;
	v1 =	vadd.s32 v3, v1  }
0xfe: {  	v3 =	vshrl.u32 v6, $0x13;
	v1 =	vor.u32 v4, v1  }
0xff: {  	v63 =	vmul.u32 $0xFFFFFFE6, v3;
	_ =	sdelay $0x1  }
0x100: {  	v4 =	vadd.s32 v62, v63  }
0x101: {  	v3 =	vshll.u32 v3, $0x5;
	[tilespmem:s14+$0x10] =	vst v2;
	v2 =	vand.u32 $0xFFFFFFF8, v4  }
0x102: {  	v4 =	vand.u32 $0x7, v4;
	v1 =	vld.idx.msk [tilespmem:v1+s30+$0x0], $0xffff;
	v2 =	vadd.s32 v3, v2  }
0x103: {  	v2 =	vor.u32 v4, v2;
	_ =	sdelay $0x3  }
0x104: {  	[tilespmem:s14+$0x20] =	vst v1  }
0x105: {  	v1 =	vld.idx.msk [tilespmem:v2+s30+$0x0], $0xffff  }
.Ltmp3:
0x106: {  	_ = 	snop;
	(pc) =	sbr.rel .LBB2_4-.Ltmp3, $2  }
0x107: {  	_ =	sdelay $0x2  }
0x108: {  	s17 =	simm.s32 $0x0;
	s22 =	simm.s32 $0x3;
	s5 =	simm.s32 $0x4310;
	[tilespmem:s14+$0x30] =	vst v1  }
.LBB2_31:
.Ltmp4:
0x109: {  	(pc) =	sbr.rel @p2 .LBB2_34-.Ltmp4, $1  }
0x10a: {  	_ =	sdelay $0x3  }
.LBB2_32:
0x10b: {  	s0 =	sshll.u32 s14, $0xB  }
0x10c: {  	_ =	swait.ge [sflag:s2], $0x1C00;
	s0 =	sadd.s32 s6, s0  }
0x10d: {  	[sflag:s2] =	ssyncset.done $0x0;
	s0 =	sand.u32 $0x1FFFD800, s0  }
0x10e: {  	s11 =	simm.s32 $0xCC00;
	[sflag:s2] =	ssyncadd.s32 $0xFFFFE400;
	s10 =	sadd.s32 s4, s0  }
0x10f: {  	[hbm4b:s10+s24] =	stream.strided.scatter [tilespmem:s11], [sflag:$0xC], $0x680, s25, s24, $0x38;
	[tilespmem:$0x15800] =	vst v63  }
0x110: {  	s16 =	simm.s32 $0xD280;
	s14 =	sadd.s32 s0, s7  }
0x111: {  	[hbm4b:s14+s24] =	stream.strided.scatter [tilespmem:s16], [sflag:$0xC], $0x680, s25, s24, $0x38;
	[tilespmem:$0x15800] =	vst v63  }
0x112: {  	s11 =	sadd.s32 s0, s8;
	s14 =	simm.s32 $0xD900  }
0x113: {  	[hbm4b:s11+s24] =	stream.strided.scatter [tilespmem:s14], [sflag:$0xC], $0x680, s25, s24, $0x38;
	[tilespmem:$0x15800] =	vst v63  }
0x114: {  	s0 =	sadd.s32 s0, s9;
	s16 =	simm.s32 $0xDF80  }
0x115: {  	[hbm4b:s0+s24] =	stream.strided.scatter [tilespmem:s16], [sflag:$0xC], $0x680, s25, s24, $0x38;
	[tilespmem:$0x15800] =	vst v63  }
.LBB2_33:
0x116: {  	s30 =	sadd.s32 $0x4000, s30  }
0x117: {  	p0 =	sne.s32 s30, $0x44000  }
.Ltmp5:
0x118: {  	_ = 	snop;
	(pc) =	sbr.rel @!p0 .LBB2_34-.Ltmp5, $2  }
0x119: {  	_ =	sdelay $0x2  }
0x11a: {  	s17 =	sadd.s32 $0x1, s17;
	s5 =	sadd.s32 $0x380, s5;
	s22 =	sadd.s32 $0x8, s22  }
.LBB2_4:
0x11b: {  	p0 =	seq.s32 s17, $0x0  }
.Ltmp6:
0x11c: {  	_ = 	snop;
	(pc) =	sbr.rel @p0 .LBB2_10-.Ltmp6, $1  }
0x11d: {  	_ =	sdelay $0x3  }
0x11e: {  	p1 =	seq.s32 s17, $0x10  }
0x11f: {  	s0 =	simm.s32 @!p1 $0x9  }
0x120: {  	_ =	swait.ge @!p1 [sflag:s0], $0x680  }
0x121: {  	[sflag:s0] =	ssyncset.done @!p1 $0x0  }
0x122: {  	[sflag:s0] =	ssyncadd.s32 @!p1 $0xFFFFF980  }
0x123: {  	_ =	swait.ge @!p1 [sflag:s0], $0x680  }
0x124: {  	[sflag:s0] =	ssyncset.done @!p1 $0x0  }
0x125: {  	[sflag:s0] =	ssyncadd.s32 @!p1 $0xFFFFF980  }
0x126: {  	_ =	swait.ge @!p1 [sflag:s0], $0x680  }
0x127: {  	[sflag:s0] =	ssyncset.done @!p1 $0x0  }
0x128: {  	[sflag:s0] =	ssyncadd.s32 @!p1 $0xFFFFF980  }
0x129: {  	_ =	swait.ge @!p1 [sflag:s0], $0x680  }
0x12a: {  	s10 =	simm.s32 @!p1 $0x70;
	[sflag:s0] =	ssyncset.done @!p1 $0x0  }
0x12b: {  	s11 =	simm.s32 @!p1 $0x7800;
	[sflag:s0] =	ssyncadd.s32 @!p1 $0xFFFFF980;
	s0 =	sadd.s32 @!p1 $0xFFFFFCF0, s5  }
0x12c: {  	[tilespmem:s11], [sflag:$0x1] =	stream.indirect.gather @!p1 [hbm4b:s3+s10], $0x40, s0, s10, $0xb8;
	[tilespmem:$0x15800] =	vst v63  }
0x12d: {  	s0 =	sadd.s32 @!p1 $0xFFFFFFF9, s22  }
0x12e: {  	p2 =	sgt.u32 @!p1 s0, $0x7F  }
0x12f: {  	p2 =	por p1, !p2  }
.Ltmp7:
0x130: {  	_ = 	snop;
	(pc) =	sbr.rel @!p2 .LBB2_7-.Ltmp7, $1  }
0x131: {  	_ =	sdelay $0x3  }
0x132: {  	s0 =	simm.s32 @p1 $0x7C;
	s10 =	simm.s32 $0x5  }
0x133: {  	_ =	swait.ge [sflag:s10], $0x1C00;
	s0 =	sshll.u32 s0, $0xB  }
0x134: {  	[sflag:s10] =	ssyncset.done $0x0;
	s0 =	sor.u32 s6, s0  }
0x135: {  	s11 =	simm.s32 $0xE800;
	[sflag:s10] =	ssyncadd.s32 $0xFFFFE400;
	s16 =	sadd.s32 s4, s0  }
0x136: {  	[hbm4b:s16+s24] =	stream.strided.scatter [tilespmem:s11], [sflag:$0xD], $0x680, s25, s24, $0x38;
	[tilespmem:$0x15800] =	vst v63  }
0x137: {  	s14 =	sadd.s32 s0, s7;
	s16 =	simm.s32 $0xEE80  }
0x138: {  	[hbm4b:s14+s24] =	stream.strided.scatter [tilespmem:s16], [sflag:$0xD], $0x680, s25, s24, $0x38;
	[tilespmem:$0x15800] =	vst v63  }
0x139: {  	s11 =	sadd.s32 s0, s8;
	s14 =	simm.s32 $0xF500  }
0x13a: {  	[hbm4b:s11+s24] =	stream.strided.scatter [tilespmem:s14], [sflag:$0xD], $0x680, s25, s24, $0x38;
	[tilespmem:$0x15800] =	vst v63  }
0x13b: {  	s0 =	sadd.s32 s0, s9;
	s16 =	simm.s32 $0xFB80  }
0x13c: {  	[hbm4b:s0+s24] =	stream.strided.scatter [tilespmem:s16], [sflag:$0xD], $0x680, s25, s24, $0x38;
	[tilespmem:$0x15800] =	vst v63  }
.LBB2_7:
0x13d: {  	p1 =	seq.s32 s30, $0x40000  }
0x13e: {  	s0 =	simm.s32 @!p1 $0xA  }
0x13f: {  	_ =	swait.ge @!p1 [sflag:s0], $0x680  }
0x140: {  	[sflag:s0] =	ssyncset.done @!p1 $0x0  }
0x141: {  	[sflag:s0] =	ssyncadd.s32 @!p1 $0xFFFFF980  }
0x142: {  	_ =	swait.ge @!p1 [sflag:s0], $0x680  }
0x143: {  	[sflag:s0] =	ssyncset.done @!p1 $0x0  }
0x144: {  	[sflag:s0] =	ssyncadd.s32 @!p1 $0xFFFFF980  }
0x145: {  	_ =	swait.ge @!p1 [sflag:s0], $0x680  }
0x146: {  	[sflag:s0] =	ssyncset.done @!p1 $0x0  }
0x147: {  	[sflag:s0] =	ssyncadd.s32 @!p1 $0xFFFFF980  }
0x148: {  	_ =	swait.ge @!p1 [sflag:s0], $0x680  }
0x149: {  	s10 =	simm.s32 @!p1 $0x70;
	[sflag:s0] =	ssyncset.done @!p1 $0x0  }
0x14a: {  	s11 =	simm.s32 @!p1 $0x9400;
	[sflag:s0] =	ssyncadd.s32 @!p1 $0xFFFFF980;
	s0 =	sadd.s32 @!p1 $0xFFFFFD60, s5  }
0x14b: {  	[tilespmem:s11], [sflag:$0x2] =	stream.indirect.gather @!p1 [hbm4b:s3+s10], $0x40, s0, s10, $0xb8;
	[tilespmem:$0x15800] =	vst v63  }
0x14c: {  	s0 =	sadd.s32 @!p1 $0xFFFFFFFA, s22  }
0x14d: {  	p2 =	sgt.u32 @!p1 s0, $0x7F  }
0x14e: {  	p2 =	por p1, !p2  }
.Ltmp8:
0x14f: {  	_ = 	snop;
	(pc) =	sbr.rel @!p2 .LBB2_11-.Ltmp8, $1  }
0x150: {  	_ =	sdelay $0x3  }
0x151: {  	s0 =	simm.s32 @p1 $0x7D;
	s10 =	simm.s32 $0x6  }
0x152: {  	_ =	swait.ge [sflag:s10], $0x1C00;
	s0 =	sshll.u32 s0, $0xB  }
0x153: {  	[sflag:s10] =	ssyncset.done $0x0;
	s0 =	sor.u32 s6, s0  }
0x154: {  	s11 =	simm.s32 $0x10400;
	[sflag:s10] =	ssyncadd.s32 $0xFFFFE400;
	s16 =	sadd.s32 s4, s0  }
0x155: {  	[hbm4b:s16+s24] =	stream.strided.scatter [tilespmem:s11], [sflag:$0xE], $0x680, s25, s24, $0x38;
	[tilespmem:$0x15800] =	vst v63  }
0x156: {  	s14 =	sadd.s32 s0, s7;
	s16 =	simm.s32 $0x10A80  }
0x157: {  	[hbm4b:s14+s24] =	stream.strided.scatter [tilespmem:s16], [sflag:$0xE], $0x680, s25, s24, $0x38;
	[tilespmem:$0x15800] =	vst v63  }
.Ltmp9:
0x158: {  	_ = 	snop;
	(pc) =	sbr.rel @!p1 .LBB2_11-.Ltmp9, $4  }
0x159: {  	s11 =	sadd.s32 s0, s8;
	s14 =	simm.s32 $0x11100  }
0x15a: {  	[hbm4b:s11+s24] =	stream.strided.scatter [tilespmem:s14], [sflag:$0xE], $0x680, s25, s24, $0x38;
	[tilespmem:$0x15800] =	vst v63  }
0x15b: {  	s0 =	sadd.s32 s0, s9;
	s16 =	simm.s32 $0x11780  }
0x15c: {  	[hbm4b:s0+s24] =	stream.strided.scatter [tilespmem:s16], [sflag:$0xE], $0x680, s25, s24, $0x38;
	[tilespmem:$0x15800] =	vst v63  }
.Ltmp10:
0x15d: {  	(pc) =	sbr.rel .LBB2_12-.Ltmp10, $3  }
0x15e: {  	_ =	sdelay $0x1  }
0x15f: {  	s0 =	sshll.u32 s17, $0x3  }
0x160: {  	p3 =	por $0x1, $0x1;
	s10 =	sor.u32 $0x2, s0  }
.LBB2_11:
0x161: {  	_ =	swait.ge [sflag:s19], $0x680  }
0x162: {  	[sflag:s19] =	ssyncset.done $0x0  }
0x163: {  	[sflag:s19] =	ssyncadd.s32 $0xFFFFF980  }
0x164: {  	_ =	swait.ge [sflag:s19], $0x680  }
0x165: {  	[sflag:s19] =	ssyncset.done $0x0  }
0x166: {  	[sflag:s19] =	ssyncadd.s32 $0xFFFFF980  }
0x167: {  	s16 =	sadd.s32 $0xFFFFFFFB, s22;
	_ =	swait.ge [sflag:s19], $0x680  }
0x168: {  	p2 =	sgt.u32 s16, $0x7F;
	[sflag:s19] =	ssyncset.done $0x0  }
.Ltmp11:
0x169: {  	[sflag:s19] =	ssyncadd.s32 $0xFFFFF980;
	(pc) =	sbr.rel @p2 .LBB2_13-.Ltmp11, $4  }
0x16a: {  	_ =	swait.ge [sflag:s19], $0x680  }
0x16b: {  	s0 =	sadd.s32 $0xFFFFFDD0, s5;
	s10 =	sadd.s32 $0xFFFFFFFF, s22;
	[sflag:s19] =	ssyncset.done $0x0  }
0x16c: {  	s14 =	simm.s32 $0x3;
	p3 =	por $0x0, $0x0;
	[sflag:s19] =	ssyncadd.s32 $0xFFFFF980  }
0x16d: {  	[tilespmem:s18], [sflag:$0x3] =	stream.indirect.gather [hbm4b:s3+s13], $0x40, s0, s13, $0xb8;
	[tilespmem:$0x15800] =	vst v63  }
.LBB2_12:
0x16e: {  	s11 =	simm.s32 $0x7  }
0x16f: {  	s0 =	sadd.s32 $0xFFFFF000, s30;
	_ =	swait.ge [sflag:s11], $0x1C00  }
0x170: {  	s0 =	sor.u32 s6, s0;
	[sflag:s11] =	ssyncset.done $0x0  }
0x171: {  	s14 =	simm.s32 $0x12000;
	s16 =	sadd.s32 s4, s0;
	[sflag:s11] =	ssyncadd.s32 $0xFFFFE400  }
0x172: {  	[hbm4b:s16+s24] =	stream.strided.scatter [tilespmem:s14], [sflag:$0xF], $0x680, s25, s24, $0x38;
	[tilespmem:$0x15800] =	vst v63  }
0x173: {  	s14 =	sadd.s32 s0, s7;
	s16 =	simm.s32 $0x12680  }
0x174: {  	[hbm4b:s14+s24] =	stream.strided.scatter [tilespmem:s16], [sflag:$0xF], $0x680, s25, s24, $0x38;
	[tilespmem:$0x15800] =	vst v63  }
.Ltmp12:
0x175: {  	_ = 	snop;
	(pc) =	sbr.rel @p3 .LBB2_14-.Ltmp12, $4  }
0x176: {  	p2 =	por $0x1, $0x1;
	s14 =	sadd.s32 s0, s8;
	s16 =	simm.s32 $0x12D00  }
0x177: {  	[hbm4b:s14+s24] =	stream.strided.scatter [tilespmem:s16], [sflag:$0xF], $0x680, s25, s24, $0x38;
	[tilespmem:$0x15800] =	vst v63  }
0x178: {  	s0 =	sadd.s32 s0, s9;
	s16 =	simm.s32 $0x13380;
	s14 =	smov.u32 s22  }
0x179: {  	[hbm4b:s0+s24] =	stream.strided.scatter [tilespmem:s16], [sflag:$0xF], $0x680, s25, s24, $0x38;
	[tilespmem:$0x15800] =	vst v63  }
.LBB2_13:
0x17a: {  	_ =	swait.ge [sflag:s21], $0x680  }
0x17b: {  	[sflag:s21] =	ssyncset.done $0x0  }
0x17c: {  	[sflag:s21] =	ssyncadd.s32 $0xFFFFF980  }
0x17d: {  	_ =	swait.ge [sflag:s21], $0x680  }
0x17e: {  	[sflag:s21] =	ssyncset.done $0x0  }
0x17f: {  	[sflag:s21] =	ssyncadd.s32 $0xFFFFF980  }
0x180: {  	_ =	swait.ge [sflag:s21], $0x680  }
0x181: {  	[sflag:s21] =	ssyncset.done $0x0  }
0x182: {  	s0 =	smul.u32 $0x1C0, s14;
	[sflag:s21] =	ssyncadd.s32 $0xFFFFF980  }
0x183: {  	_ =	swait.ge [sflag:s21], $0x680  }
0x184: {  	s11 =	simm.s32 $0xCC00;
	s0 =	sshra.s32 s0, $0x2;
	[sflag:s21] =	ssyncset.done $0x0  }
0x185: {  	p2 =	por $0x0, $0x0;
	s0 =	sadd.s32 $0x4000, s0;
	[sflag:s21] =	ssyncadd.s32 $0xFFFFF980  }
0x186: {  	[tilespmem:s11], [sflag:$0x4] =	stream.indirect.gather [hbm4b:s3+s13], $0x40, s0, s13, $0xb8;
	[tilespmem:$0x15800] =	vst v63  }
.LBB2_14:
0x187: {  	_ =	swait.ge [sflag:s1], $0x1C00  }
0x188: {  	s0 =	rddreg [dreg:$0x5]  }
0x189: {  	[sflag:s1] =	ssyncset.done $0x0;
	s0 =	sadd.s32 s30, s0  }
0x18a: {  	s16 =	simm.s32 $0x13C00;
	[sflag:s1] =	ssyncadd.s32 $0xFFFFE400;
	s11 =	sadd.s32 $0xFFFFF800, s0  }
0x18b: {  	[hbm4b:s11+s24] =	stream.strided.scatter [tilespmem:s16], [sflag:$0x10], $0x680, s25, s24, $0x38;
	[tilespmem:$0x15800] =	vst v63  }
0x18c: {  	s11 =	sadd.s32 $0xFFFFFA00, s0;
	s16 =	simm.s32 $0x14280  }
0x18d: {  	[hbm4b:s11+s24] =	stream.strided.scatter [tilespmem:s16], [sflag:$0x10], $0x680, s25, s24, $0x38;
	[tilespmem:$0x15800] =	vst v63  }
.Ltmp13:
0x18e: {  	s11 =	sadd.s32 $0xFFFFFC00, s0;
	s16 =	simm.s32 $0x14900;
	(pc) =	sbr.rel @!p1 .LBB2_15-.Ltmp13, $4  }
0x18f: {  	[hbm4b:s11+s24] =	stream.strided.scatter [tilespmem:s16], [sflag:$0x10], $0x680, s25, s24, $0x38;
	[tilespmem:$0x15800] =	vst v63  }
0x190: {  	s0 =	sadd.s32 $0xFFFFFE00, s0;
	s16 =	simm.s32 $0x14F80  }
0x191: {  	[hbm4b:s0+s24] =	stream.strided.scatter [tilespmem:s16], [sflag:$0x10], $0x680, s25, s24, $0x38;
	[tilespmem:$0x15800] =	vst v63  }
0x192: {  	s16 =	sadd.s32 $0xFFFFFFFE, s22  }
.Ltmp14:
0x193: {  	(pc) =	sbr.rel @!p2 .LBB2_19-.Ltmp14, $4  }
.Ltmp15:
0x194: {  	(pc) =	sbr.rel @p2 .LBB2_34-.Ltmp15, $4  }
0x195: {  	_ = 	snop  }
0x196: {  	_ = 	snop  }
0x197: {  	_ = 	snop  }
0x198: {  	_ = 	snop  }
.LBB2_10:
0x199: {  	s0 =	simm.s32 $0x4000  }
0x19a: {  	[tilespmem:s20], [sflag:$0x1] =	stream.indirect.gather [hbm4b:s3+s13], $0x40, s0, s13, $0xb8;
	[tilespmem:$0x15800] =	vst v63  }
0x19b: {  	s10 =	simm.s32 $0x4070  }
0x19c: {  	[tilespmem:s12], [sflag:$0x2] =	stream.indirect.gather [hbm4b:s3+s13], $0x40, s10, s13, $0xb8;
	[tilespmem:$0x15800] =	vst v63  }
0x19d: {  	s14 =	simm.s32 $0x4150;
	s12 =	simm.s32 $0x40E0  }
0x19e: {  	[tilespmem:s18], [sflag:$0x3] =	stream.indirect.gather [hbm4b:s3+s13], $0x40, s12, s13, $0xb8;
	[tilespmem:$0x15800] =	vst v63  }
.Ltmp16:
0x19f: {  	s11 =	simm.s32 $0xCC00;
	s16 =	simm.s32 $0x41C0;
	(pc) =	sbr.rel .LBB2_17-.Ltmp16, $4  }
0x1a0: {  	[tilespmem:s11], [sflag:$0x4] =	stream.indirect.gather [hbm4b:s3+s13], $0x40, s14, s13, $0xb8;
	[tilespmem:$0x15800] =	vst v63  }
0x1a1: {  	s20 =	simm.s32 $0xE800;
	s10 =	simm.s32 $0x2;
	s12 =	simm.s32 $0x7800  }
0x1a2: {  	[tilespmem:s20], [sflag:$0x5] =	stream.indirect.gather [hbm4b:s3+s13], $0x40, s16, s13, $0xb8;
	[tilespmem:$0x15800] =	vst v63  }
0x1a3: {  	s14 =	simm.s32 $0x3;
	s11 =	simm.s32 $0x0;
	s16 =	simm.s32 $0x1  }
.LBB2_15:
0x1a4: {  	_ =	swait.ge [sflag:s29], $0x680  }
0x1a5: {  	[sflag:s29] =	ssyncset.done $0x0  }
0x1a6: {  	[sflag:s29] =	ssyncadd.s32 $0xFFFFF980  }
0x1a7: {  	_ =	swait.ge [sflag:s29], $0x680  }
0x1a8: {  	[sflag:s29] =	ssyncset.done $0x0  }
0x1a9: {  	[sflag:s29] =	ssyncadd.s32 $0xFFFFF980  }
0x1aa: {  	_ =	swait.ge [sflag:s29], $0x680  }
0x1ab: {  	[sflag:s29] =	ssyncset.done $0x0  }
.Ltmp17:
0x1ac: {  	[sflag:s29] =	ssyncadd.s32 $0xFFFFF980;
	(pc) =	sbr.rel @p2 .LBB2_20-.Ltmp17, $4  }
0x1ad: {  	_ =	swait.ge [sflag:s29], $0x680  }
0x1ae: {  	s0 =	sadd.s32 $0xFFFFFEB0, s5;
	[sflag:s29] =	ssyncset.done $0x0  }
0x1af: {  	s11 =	simm.s32 $0xE800;
	p1 =	por $0x1, $0x1;
	[sflag:s29] =	ssyncadd.s32 $0xFFFFF980  }
0x1b0: {  	[tilespmem:s11], [sflag:$0x5] =	stream.indirect.gather [hbm4b:s3+s13], $0x40, s0, s13, $0xb8;
	[tilespmem:$0x15800] =	vst v63  }
0x1b1: {  	s0 =	sadd.s32 $0xFFFFFCF0, s5;
	s11 =	smov.u32 s30;
	s12 =	simm.s32 $0x7800  }
.LBB2_17:
0x1b2: {  	_ =	swait.ge [sflag:s23], $0x1C00  }
0x1b3: {  	s11 =	sadd.s32 s6, s11;
	[sflag:s23] =	ssyncset.done $0x0  }
0x1b4: {  	s20 =	sadd.s32 s4, s11;
	[sflag:s23] =	ssyncadd.s32 $0xFFFFE400  }
0x1b5: {  	[hbm4b:s20+s24] =	stream.strided.scatter [tilespmem:s12], [sflag:$0x9], $0x680, s25, s24, $0x38;
	[tilespmem:$0x15800] =	vst v63  }
0x1b6: {  	s20 =	sadd.s32 s11, s7;
	s12 =	simm.s32 $0x7E80  }
0x1b7: {  	[hbm4b:s20+s24] =	stream.strided.scatter [tilespmem:s12], [sflag:$0x9], $0x680, s25, s24, $0x38;
	[tilespmem:$0x15800] =	vst v63  }
0x1b8: {  	s20 =	sadd.s32 s11, s8;
	s12 =	simm.s32 $0x8500  }
0x1b9: {  	[hbm4b:s20+s24] =	stream.strided.scatter [tilespmem:s12], [sflag:$0x9], $0x680, s25, s24, $0x38;
	[tilespmem:$0x15800] =	vst v63  }
0x1ba: {  	p1 =	seq.s32 s30, $0x0;
	s11 =	sadd.s32 s11, s9;
	s20 =	simm.s32 $0x8B80  }
0x1bb: {  	[hbm4b:s11+s24] =	stream.strided.scatter [tilespmem:s20], [sflag:$0x9], $0x680, s25, s24, $0x38;
	[tilespmem:$0x15800] =	vst v63  }
0x1bc: {  	s11 =	simm.s32 @!p1 $0xE  }
0x1bd: {  	_ =	swait.ge @!p1 [sflag:s11], $0x680  }
0x1be: {  	[sflag:s11] =	ssyncset.done @!p1 $0x0  }
0x1bf: {  	[sflag:s11] =	ssyncadd.s32 @!p1 $0xFFFFF980  }
0x1c0: {  	_ =	swait.ge @!p1 [sflag:s11], $0x680  }
0x1c1: {  	[sflag:s11] =	ssyncset.done @!p1 $0x0  }
0x1c2: {  	[sflag:s11] =	ssyncadd.s32 @!p1 $0xFFFFF980  }
0x1c3: {  	_ =	swait.ge @!p1 [sflag:s11], $0x680  }
0x1c4: {  	[sflag:s11] =	ssyncset.done @!p1 $0x0  }
0x1c5: {  	[sflag:s11] =	ssyncadd.s32 @!p1 $0xFFFFF980  }
0x1c6: {  	_ =	swait.ge @!p1 [sflag:s11], $0x680  }
0x1c7: {  	[sflag:s11] =	ssyncset.done @!p1 $0x0  }
0x1c8: {  	s0 =	sadd.s32 $0x230, s0;
	s20 =	simm.s32 $0x10400;
	[sflag:s11] =	ssyncadd.s32 @!p1 $0xFFFFF980  }
0x1c9: {  	[tilespmem:s20], [sflag:$0x6] =	stream.indirect.gather [hbm4b:s3+s13], $0x40, s0, s13, $0xb8;
	[tilespmem:$0x15800] =	vst v63  }
0x1ca: {  	s12 =	simm.s32 $0x9400;
	s20 =	simm.s32 $0x7800  }
.LBB2_19:
0x1cb: {  	s0 =	sshll.u32 s16, $0xB  }
0x1cc: {  	_ =	swait.ge [sflag:s31], $0x1C00;
	s0 =	sadd.s32 s6, s0  }
0x1cd: {  	[sflag:s31] =	ssyncset.done $0x0;
	s0 =	sand.u32 $0x1FFFC800, s0  }
0x1ce: {  	[sflag:s31] =	ssyncadd.s32 $0xFFFFE400;
	s11 =	sadd.s32 s4, s0  }
0x1cf: {  	[hbm4b:s11+s24] =	stream.strided.scatter [tilespmem:s12], [sflag:$0xA], $0x680, s25, s24, $0x38;
	[tilespmem:$0x15800] =	vst v63  }
0x1d0: {  	s16 =	simm.s32 $0x9A80;
	s11 =	sadd.s32 s0, s7  }
0x1d1: {  	[hbm4b:s11+s24] =	stream.strided.scatter [tilespmem:s16], [sflag:$0xA], $0x680, s25, s24, $0x38;
	[tilespmem:$0x15800] =	vst v63  }
0x1d2: {  	s11 =	sadd.s32 s0, s8;
	s16 =	simm.s32 $0xA100  }
0x1d3: {  	[hbm4b:s11+s24] =	stream.strided.scatter [tilespmem:s16], [sflag:$0xA], $0x680, s25, s24, $0x38;
	[tilespmem:$0x15800] =	vst v63  }
0x1d4: {  	p1 =	por $0x0, $0x0;
	s0 =	sadd.s32 s0, s9;
	s16 =	simm.s32 $0xA780  }
0x1d5: {  	[hbm4b:s0+s24] =	stream.strided.scatter [tilespmem:s16], [sflag:$0xA], $0x680, s25, s24, $0x38;
	[tilespmem:$0x15800] =	vst v63  }
.LBB2_20:
.Ltmp18:
0x1d6: {  	(pc) =	sbr.rel @p0 .LBB2_28-.Ltmp18, $1  }
0x1d7: {  	_ =	sdelay $0x3  }
0x1d8: {  	p2 =	seq.s32 s17, $0x10  }
.Ltmp19:
0x1d9: {  	_ = 	snop;
	(pc) =	sbr.rel @!p2 .LBB2_22-.Ltmp19, $1  }
0x1da: {  	_ =	sdelay $0x3  }
.Ltmp20:
0x1db: {  	(pc) =	sbr.rel @!p1 .LBB2_27-.Ltmp20, $4  }
.Ltmp21:
0x1dc: {  	(pc) =	sbr.rel @p1 .LBB2_34-.Ltmp21, $4  }
0x1dd: {  	_ = 	snop  }
0x1de: {  	_ = 	snop  }
0x1df: {  	_ = 	snop  }
0x1e0: {  	_ = 	snop  }
.LBB2_28:
.Ltmp22:
0x1e1: {  	(pc) =	sbr.rel @!p1 .LBB2_27-.Ltmp22, $3  }
0x1e2: {  	_ =	sdelay $0x1  }
0x1e3: {  	s0 =	sadd.s32 $0xFFFFFF90, s5;
	s11 =	simm.s32 $0x12000  }
0x1e4: {  	[tilespmem:s11], [sflag:$0x7] =	stream.indirect.gather [hbm4b:s3+s13], $0x40, s0, s13, $0xb8;
	[tilespmem:$0x15800] =	vst v63  }
.Ltmp23:
0x1e5: {  	(pc) =	sbr.rel .LBB2_33-.Ltmp23, $3  }
0x1e6: {  	_ =	sdelay $0x1  }
0x1e7: {  	s0 =	simm.s32 $0x13C00  }
0x1e8: {  	[tilespmem:s0], [sflag:$0x8] =	stream.indirect.gather [hbm4b:s3+s13], $0x40, s5, s13, $0xb8;
	[tilespmem:$0x15800] =	vst v63  }
.LBB2_22:
0x1e9: {  	_ =	swait.ge [sflag:s28], $0x680  }
0x1ea: {  	[sflag:s28] =	ssyncset.done $0x0  }
0x1eb: {  	[sflag:s28] =	ssyncadd.s32 $0xFFFFF980  }
0x1ec: {  	_ =	swait.ge [sflag:s28], $0x680  }
0x1ed: {  	[sflag:s28] =	ssyncset.done $0x0  }
0x1ee: {  	[sflag:s28] =	ssyncadd.s32 $0xFFFFF980  }
0x1ef: {  	_ =	swait.ge [sflag:s28], $0x680  }
0x1f0: {  	[sflag:s28] =	ssyncset.done $0x0  }
.Ltmp24:
0x1f1: {  	[sflag:s28] =	ssyncadd.s32 $0xFFFFF980;
	(pc) =	sbr.rel @p1 .LBB2_23-.Ltmp24, $4  }
0x1f2: {  	_ =	swait.ge [sflag:s28], $0x680  }
0x1f3: {  	s0 =	sadd.s32 $0xFFFFFF90, s5;
	[sflag:s28] =	ssyncset.done $0x0  }
0x1f4: {  	s11 =	simm.s32 $0x12000;
	p2 =	por $0x1, $0x1;
	[sflag:s28] =	ssyncadd.s32 $0xFFFFF980  }
0x1f5: {  	[tilespmem:s11], [sflag:$0x7] =	stream.indirect.gather [hbm4b:s3+s13], $0x40, s0, s13, $0xb8;
	[tilespmem:$0x15800] =	vst v63  }
.LBB2_27:
0x1f6: {  	s0 =	sshll.u32 s10, $0xB  }
0x1f7: {  	_ =	swait.ge [sflag:s15], $0x1C00;
	s0 =	sadd.s32 s6, s0  }
0x1f8: {  	[sflag:s15] =	ssyncset.done $0x0;
	s0 =	sand.u32 $0x1FFFD000, s0  }
0x1f9: {  	[sflag:s15] =	ssyncadd.s32 $0xFFFFE400;
	s11 =	sadd.s32 s4, s0  }
0x1fa: {  	[hbm4b:s11+s24] =	stream.strided.scatter [tilespmem:s18], [sflag:$0xB], $0x680, s25, s24, $0x38;
	[tilespmem:$0x15800] =	vst v63  }
0x1fb: {  	s16 =	sadd.s32 s0, s7;
	s11 =	simm.s32 $0xB680  }
0x1fc: {  	[hbm4b:s16+s24] =	stream.strided.scatter [tilespmem:s11], [sflag:$0xB], $0x680, s25, s24, $0x38;
	[tilespmem:$0x15800] =	vst v63  }
0x1fd: {  	s11 =	sadd.s32 s0, s8;
	s16 =	simm.s32 $0xBD00  }
0x1fe: {  	[hbm4b:s11+s24] =	stream.strided.scatter [tilespmem:s16], [sflag:$0xB], $0x680, s25, s24, $0x38;
	[tilespmem:$0x15800] =	vst v63  }
0x1ff: {  	p2 =	por $0x0, $0x0;
	s0 =	sadd.s32 s0, s9;
	s16 =	simm.s32 $0xC380  }
0x200: {  	[hbm4b:s0+s24] =	stream.strided.scatter [tilespmem:s16], [sflag:$0xB], $0x680, s25, s24, $0x38;
	[tilespmem:$0x15800] =	vst v63  }
.LBB2_23:
.Ltmp25:
0x201: {  	(pc) =	sbr.rel @p0 .LBB2_30-.Ltmp25, $1  }
0x202: {  	_ =	sdelay $0x3  }
0x203: {  	p0 =	seq.s32 s17, $0x10  }
.Ltmp26:
0x204: {  	_ = 	snop;
	(pc) =	sbr.rel @p0 .LBB2_31-.Ltmp26, $1  }
0x205: {  	_ =	sdelay $0x3  }
0x206: {  	_ =	swait.ge [sflag:s26], $0x680  }
0x207: {  	[sflag:s26] =	ssyncset.done $0x0  }
0x208: {  	[sflag:s26] =	ssyncadd.s32 $0xFFFFF980  }
0x209: {  	_ =	swait.ge [sflag:s26], $0x680  }
0x20a: {  	[sflag:s26] =	ssyncset.done $0x0  }
0x20b: {  	[sflag:s26] =	ssyncadd.s32 $0xFFFFF980  }
0x20c: {  	_ =	swait.ge [sflag:s26], $0x680  }
0x20d: {  	[sflag:s26] =	ssyncset.done $0x0  }
.Ltmp27:
0x20e: {  	[sflag:s26] =	ssyncadd.s32 $0xFFFFF980;
	(pc) =	sbr.rel @p2 .LBB2_33-.Ltmp27, $4  }
.Ltmp28:
0x20f: {  	_ =	swait.ge [sflag:s26], $0x680;
	(pc) =	sbr.rel @!p2 .LBB2_32-.Ltmp28, $4  }
0x210: {  	[sflag:s26] =	ssyncset.done $0x0  }
0x211: {  	s0 =	simm.s32 $0x13C00;
	[sflag:s26] =	ssyncadd.s32 $0xFFFFF980  }
0x212: {  	[tilespmem:s0], [sflag:$0x8] =	stream.indirect.gather [hbm4b:s3+s13], $0x40, s5, s13, $0xb8;
	[tilespmem:$0x15800] =	vst v63  }
0x213: {  	_ = 	snop  }
.LBB2_30:
.Ltmp29:
0x214: {  	(pc) =	sbr.rel @p2 .LBB2_33-.Ltmp29, $4  }
.Ltmp30:
0x215: {  	(pc) =	sbr.rel @!p2 .LBB2_32-.Ltmp30, $4  }
0x216: {  	_ = 	snop  }
0x217: {  	s0 =	simm.s32 $0x13C00  }
0x218: {  	[tilespmem:s0], [sflag:$0x8] =	stream.indirect.gather [hbm4b:s3+s13], $0x40, s5, s13, $0xb8;
	[tilespmem:$0x15800] =	vst v63  }
0x219: {  	_ = 	snop  }
.LBB2_35:
0x21a: {  	_ =	sfence.sel $0x180000  }
0x21b: {  	[bflag:$0x0] =	sbarrier.arrive $0xFFFF  }
0x21c: {  	_ =	strace $0x90000047  }
0x21d: {  	s0 =	stileid.u32;
	[bflag:$0x2] =	sbarrier.arrive $0xFFFF  }
0x21e: {  	p0 =	sne.s32 s0, $0x0;
	s0 =	rddreg [dreg:$0x2]  }
0x21f: {  	s0 =	sadd.s32 @!p0 $0x100000, s0  }
0x220: {  	[sflag:s0] =	ssyncadd.tile.s32 @!p0 $0x1;
	_ =	shalt  }
.Lfunc_end2:
_tile_overlayer_lowered:
.L_overlay_start_2:
0x221: {  	(tag) =	ssettag $0x2  }
0x222: {  	s0 =	rddreg [dreg:$0x0];
	s2 =	stileid.u32  }
0x223: {  	s1 =	rddreg [dreg:$0x1];
	p0 =	sne.s32 s2, $0x0  }
0x224: {  	s3 =	rddreg [dreg:$0x2];
	[bflag:$0x3] =	sbarrier.arrive $0xFFFF;
	s2 =	simm.s32 @!p0 $0x1C11  }
0x225: {  	[timem:s3], [sflag:s2] =	dma.local @!p0 [hbm:s0], s1  }
0x226: {  	s0 =	simm.s32 @!p0 $0x11  }
0x227: {  	_ =	swait.ge @!p0 [sflag:s0], s1  }
0x228: {  	s1 =	ssub.s32 @!p0 $0x0, s1;
	[sflag:s0] =	ssyncset.done @!p0 $0x0  }
0x229: {  	[sflag:s0] =	ssyncadd.s32 @!p0 s1  }
0x22a: {  	[bflag:$0x3] =	sbarrier.arrive $0xFFFF  }
0x22b: {  	_ =	shalt  }

// kernel: sparse-core-data-format-call.cloned.1.call-start
scs
called_computation_lowered:
.L_overlay_start_0:
0x0: {  	s2 =	sld [smem:$0x3FD9]  }
0x1: {  	s3 =	sld [smem:$0x3FFE];
	_ =	sdelay $0x1  }
0x2: {  	s1 =	srdreg.scid  }
0x3: {  	s0 =	sand.u32 $0x1, s1  }
0x4: {  	s18 =	sshll.u32 s0, $0xA;
	s2 =	sadd.s32 s3, s2  }
0x5: {  	s2 =	sadd.s32 s2, s18  }
0x6: {  	[smem:$0x3FC6] =	sst s2  }
0x7: {  	_ = 	snop  }
0x8: {  	s2 =	sld [smem:$0x3FD0];
	(tm) =	ssettm $0x1  }
0x9: {  	s19 =	sld [smem:$0x3FFB];
	_ =	sdelay $0x3  }
0xa: {  	_ =	strace s19  }
0xb: {  	s3 =	sld [smem:$0x3FFC];
	_ =	sdelay $0x3  }
0xc: {  	_ =	strace s3  }
0xd: {  	s3 =	sld [smem:$0x3FFD];
	_ =	sdelay $0x3  }
0xe: {  	_ =	strace s3  }
0xf: {  	_ =	strace $0x8FFFFFFF  }
0x10: {  	s20 =	sld [smem:$0x3FDB];
	_ =	sdelay $0x1  }
0x11: {  	s4 =	simm.s32 $_scs_section_size  }
0x12: {  	s5 =	simm.s32 $_size__tile_overlayer_lowered;
	s6 =	simm.s32 $_tile_overlayer_lowered  }
0x13: {  	s23 =	simm.s32 $0x1BFF;
	s22 =	sshll.u32 s6, $0x1;
	s3 =	sadd.s32 s4, s20  }
0x14: {  	s7 =	simm.s32 $0x0;
	s21 =	sshll.u32 s5, $0x1;
	s5 =	sadd.s32 s22, s3  }
0x15: {  	[timem:s7], [sflag:s23] =	dma.local [hbm:s5], s21  }
0x16: {  	_ =	swait.ge [sflag:s23], s21  }
0x17: {  	s4 =	ssub.s32 $0x0, s21;
	[sflag:s23] =	ssyncset.done $0x0  }
0x18: {  	[sflag:s23] =	ssyncadd.s32 s4;
	_ =	sdelay $0x1  }
0x19: {  	s24 =	simm.s32 $0x1B8B  }
0x1a: {  	_ =	swait.ge [sflag:s24], $0x1  }
0x1b: {  	[sflag:s24] =	ssyncset.done $0x0  }
0x1c: {  	s26 =	simm.s32 $0x1B8E;
	s25 =	sld [smem:$0x3FFE];
	[sflag:s24] =	ssyncadd.s32 $0xFFFFFFFF  }
0x1d: {  	s27 =	simm.s32 $execute0_lowered;
	[smem:$0x3FD2] =	sst s26  }
0x1e: {  	s5 =	sshll.u32 s27, $0x1;
	_ =	strace $0x80000049;
	[dreg:$0x1] =	wrdreg $0xFFFFFFFF  }
0x1f: {  	s28 =	simm.s32 $_size_execute0_lowered;
	s3 =	sadd.s32 s3, s5;
	[dreg:$0x0] =	wrdreg $0x0  }
0x20: {  	s5 =	sshll.u32 s28, $0x1;
	[dreg:$0x2] =	wrdreg s3  }
0x21: {  	[dreg:$0x3] =	wrdreg s5  }
0x22: {  	[dreg:$0x4] =	wrdreg $0xC0  }
0x23: {  	_ =	task [dreg:s7], $0x5FFFF  }
0x24: {  	[dreg:$0x1] =	wrdreg $0xFFFFFFFF  }
0x25: {  	[dreg:$0x0] =	wrdreg $0x60  }
0x26: {  	[dreg:$0x2] =	wrdreg s25  }
0x27: {  	[dreg:$0x3] =	wrdreg s2  }
0x28: {  	[dreg:$0x4] =	wrdreg $0x9  }
0x29: {  	_ =	task.clear_ibuf [dreg:s7], $0x5FFFF;
	_ =	strace $0x90000049  }
0x2a: {  	s29 =	simm.s32 $0x9;
	_ =	strace $0x8000004B  }
0x2b: {  	_ =	swait.ge [sflag:s29], $0x1  }
0x2c: {  	[sflag:s29] =	ssyncadd.s32 $0xFFFFFFFF  }
0x2d: {  	_ =	strace $0x9000004B  }
0x2e: {  	_ =	sfence  }
0x2f: {  	s30 =	sld [smem:$0x0];
	_ =	sdelay $0x2  }
0x30: {  	s31 =	sshll.u32 s1, $0xD;
	s1 =	sshrl.u32 s1, $0x2  }
0x31: {  	s3 =	sand.u32 $0x4000, s31;
	s1 =	sadd.s32 s1, s30  }
0x32: {  	s0 =	sor.u32 s3, s0;
	s1 =	sshll.u32 s1, $0x11  }
0x33: {  	s0 =	sor.u32 s1, s0  }
0x34: {  	s0 =	sadd.s32 $0x8F2B, s0  }
0x35: {  	[sflag:s0] =	ssyncadd.remote.s32 $0x1  }
0x36: {  	_ =	sfence.sel $0xFFFF  }
0x37: {  	[dreg:$0x0] =	wrdreg $0xFFFFFFFF;
	(pc) =	sbr.abs _section_cstart, $3  }
0x38: {  	[dreg:$0x1] =	wrdreg $0xFFFFFFFF  }
0x39: {  	_ =	task.clear_ibuf [dreg:s7], $0x2FFFF;
	_ =	strace $0x9FFFFFFF  }
0x3a: {  	(tm) =	ssettm $0x7FFFFFFF  }
0x3b: {  	_ =	shalt  }
tec
execute0_lowered:
.L_overlay_start_1:
0x0: {  	(tag) =	ssettag $0x1  }
0x1: {  	s0 =	srdreg.scid  }
0x2: {  	s1 =	sshll.u32 s0, $0x4  }
0x3: {  	s0 =	stileid.u32;
	s1 =	sand.u32 $0x10, s1  }
0x4: {  	s1 =	sor.u32 s0, s1  }
0x5: {  	s6 =	rddreg [dreg:$0x0];
	s4 =	simm.s32 $0x1;
	s2 =	sshll.u32 s1, $0x7  }
0x6: {  	s7 =	simm.s32 $0x2;
	s12 =	simm.s32 $0x0;
	s1 =	ssub.s32 $0x4000, s2  }
0x7: {  	s8 =	simm.s32 $0x20000;
	s13 =	simm.s32 $0x0;
	s3 =	sand.u32 $0xF80, s1  }
0x8: {  	s9 =	simm.s32 $0x0;
	s5 =	sshrl.u32 s1, $0xC;
	p0 =	sne.s32 s3, $0x0  }
.Ltmp0:
0x9: {  	s1 =	rddreg [dreg:$0x2];
	s4 =	simm.s32 @!p0 $0x0;
	(pc) =	sbr.rel .LBB1_1-.Ltmp0, $4  }
0xa: {  	s11 =	simm.s32 $0x0;
	s3 =	rddreg [dreg:$0x1];
	s5 =	sadd.s32 s4, s5  }
0xb: {  	_ =	strace $0x8000004A;
	s4 =	simm.s32 $0x1;
	s5 =	smul.u32 $0x1A, s5  }
0xc: {  	s6 =	sadd.s32 $0xA00, s6;
	s10 =	smov.u32 s2;
	[sflag:s4] =	ssyncpa.u1 $0x0  }
0xd: {  	p0 =	por $0x0, $0x0;
	[sflag:s7] =	ssyncpa.u1 $0x0;
	s7 =	sor.u32 $0x1, s5  }
.LBB1_4:
0xe: {  	s16 =	sshll.u32 s13, $0x3;
	s17 =	sand.u32 $0x78, s13  }
0xf: {  	s30 =	sand.u32 $0x1F800, s13;
	s12 =	sshll.u32 s12, $0x11;
	s16 =	sand.u32 $0x3C00, s16  }
0x10: {  	[tilespmem:s15+$0x810 ss:$0x81] =	vst.msk $0xffff, v2;
	s31 =	sand.u32 $0x7, s13;
	s16 =	sor.u32 s17, s16;
	s17 =	sadd.s32 s3, s30  }
0x11: {  	[tilespmem:s15+$0x1020 ss:$0x81] =	vst.msk $0xffff, v0;
	s13 =	sshll.u32 s31, $0x12;
	s12 =	sadd.s32 s12, s17;
	s16 =	sshrl.u32 s16, $0x3  }
0x12: {  	[tilespmem:s15+$0x0 ss:$0x81] =	vst.msk $0xffff, v1;
	s13 =	sor.u32 $0x400, s13;
	s12 =	sadd.s32 s16, s12  }
0x13: {  	[hbm4b:s12+s13] =	stream.strided.scatter [tilespmem:s14], [sflag:$0x2], $0x2000, s8, s13, $0x20;
	[tilespmem:$0x8080] =	vst v63  }
.LBB1_5:
0x14: {  	s14 =	sadd.s32 $0x1, s9  }
0x15: {  	s12 =	sadd.s32 $0x1000, s10;
	s16 =	smov.u32 s10;
	p2 =	sgt.s32 s14, $0x19  }
0x16: {  	s16 =	smov.u32 @p2 s12  }
0x17: {  	s14 =	simm.s32 @p2 $0x0;
	p2 =	sgt.s32 s16, $0x3FFF  }
0x18: {  	s16 =	smov.u32 @p2 s2;
	p2 =	sne.s32 s11, s7  }
.Ltmp1:
0x19: {  	p1 =	slt.u32 s11, $0x2;
	(pc) =	sbr.rel @!p2 .LBB1_6-.Ltmp1, $4  }
0x1a: {  	s15 =	simm.s32 @!p1 $0x2  }
0x1b: {  	s13 =	smov.u32 s10;
	p0 =	por !p0, !p0;
	_ =	swait.ge @!p1 [sflag:s15], $0x2000  }
0x1c: {  	s12 =	smov.u32 s9;
	[sflag:s15] =	ssyncset.done @!p1 $0x0;
	s9 =	smov.u32 s14  }
0x1d: {  	s11 =	sadd.s32 $0x1, s11;
	[sflag:s15] =	ssyncadd.s32 @!p1 $0xFFFFE000;
	s10 =	smov.u32 s16  }
.LBB1_1:
0x1e: {  	p1 =	sge.u32 s11, s5  }
0x1f: {  	s31 =	sadd.s32 $0xFFFFFFFF, s11;
	s14 =	sxor.u32 @!p1 $0xFFFFFFFF, s11  }
0x20: {  	s15 =	sshll.u32 @!p1 s10, $0x9;
	s16 =	sshll.u32 @!p1 s9, $0x4;
	s17 =	simm.s32 @!p1 $0x1000  }
0x21: {  	s14 =	sshll.u32 @!p1 s14, $0xD;
	s16 =	sand.u32 @!p1 $0x1F0, s16;
	s15 =	sadd.s32 @!p1 s6, s15  }
0x22: {  	s14 =	sand.u32 @!p1 $0x2000, s14;
	s15 =	sadd.s32 @!p1 s16, s15;
	s16 =	simm.s32 @!p1 $0x40  }
0x23: {  	[tilespmem:s14], [sflag:$0x1] =	stream.strided.gather @!p1 [hbm4b:s15+s16], $0x2000, s17, s16, $0x38;
	[tilespmem:$0x8080] =	vst v63  }
0x24: {  	p1 =	sge.u32 s31, s5  }
.Ltmp2:
0x25: {  	_ = 	snop;
	(pc) =	sbr.rel @p1 .LBB1_5-.Ltmp2, $1  }
0x26: {  	_ =	sdelay $0x3  }
0x27: {  	s14 =	simm.s32 $0x1  }
0x28: {  	_ =	swait.ge [sflag:s4], $0x2000;
	s14 =	simm.s32 @!p0 $0x0  }
0x29: {  	[sflag:s4] =	ssyncset.done $0x0;
	s15 =	sshll.u32 s14, $0xD  }
0x2a: {  	[sflag:s4] =	ssyncadd.s32 $0xFFFFE000;
	s18 =	sor.u32 $0x20, s15  }
0x2b: {  	s14 =	smul.u32 $0x8100, s14;
	v3 =	vld [tilespmem:s18+$0x10]  }
0x2c: {  	s30 =	sand.u32 $0x1, s11;
	v2 =	vld [tilespmem:s18+$0xFFFFFFF0]  }
0x2d: {  	s15 =	smul.u32 $0x8100, s30;
	s14 =	sshrl.u32 s14, $0x2;
	v0 =	vld [tilespmem:s18+$0x0]  }
0x2e: {  	v1 =	vld [tilespmem:s18+$0xFFFFFFE0];
	s16 =	sor.u32 $0x4000, s14  }
0x2f: {  	s31 =	sshrl.u32 s15, $0x2;
	s15 =	sadd.s32 $0x0, s16  }
0x30: {  	s17 =	simm.s32 $0x4;
	s18 =	sadd.s32 $0x40, s18;
	s14 =	sor.u32 $0x4000, s31;
	[tilespmem:s15+$0x1830 ss:$0x81] =	vst.msk $0xffff, v3  }
.LBB1_3:
0x31: {  	v3 =	vld [tilespmem:s18+$0x10];
	p1 =	sne.s32 s17, $0x1FC;
	[tilespmem:s15+$0x810 ss:$0x81] =	vst.msk $0xffff, v2;
	s19 =	smov.u32 s17;
	s17 =	sadd.s32 $0x4, s17  }
.Ltmp3:
0x32: {  	v2 =	vld [tilespmem:s18+$0xFFFFFFF0];
	[tilespmem:s15+$0x1020 ss:$0x81] =	vst.msk $0xffff, v0;
	(pc) =	sbr.rel @p1 .LBB1_3-.Ltmp3, $4  }
0x33: {  	v0 =	vld [tilespmem:s18+$0x0];
	[tilespmem:s15+$0x0 ss:$0x81] =	vst.msk $0xffff, v1  }
0x34: {  	s15 =	sshra.s32 s19, $0x2;
	v1 =	vld [tilespmem:s18+$0xFFFFFFE0]  }
0x35: {  	s15 =	sadd.s32 s15, s16  }
0x36: {  	s18 =	sadd.s32 $0x40, s18;
	[tilespmem:s15+$0x1830 ss:$0x81] =	vst.msk $0xffff, v3  }
.Ltmp4:
0x37: {  	_ = 	snop;
	(pc) =	sbr.rel .LBB1_4-.Ltmp4, $1  }
0x38: {  	_ =	sdelay $0x3  }
.LBB1_6:
0x39: {  	_ =	sfence.sel $0x180000  }
0x3a: {  	s2 =	simm.s32 $0x1;
	[bflag:$0x0] =	sbarrier.arrive $0xFFFF  }
0x3b: {  	s31 =	simm.s32 $0x2;
	[sflag:s2] =	ssyncpa.u1 $0x1  }
0x3c: {  	[sflag:s31] =	ssyncpa.u1 $0x1  }
0x3d: {  	p0 =	sne.s32 s0, $0x0;
	_ =	strace $0x9000004A  }
0x3e: {  	s0 =	sadd.s32 @!p0 $0x100000, s1;
	[bflag:$0x2] =	sbarrier.arrive $0xFFFF  }
0x3f: {  	[sflag:s0] =	ssyncadd.tile.s32 @!p0 $0x1;
	_ =	shalt  }
.Lfunc_end1:
_tile_overlayer_lowered:
.L_overlay_start_2:
0x40: {  	(tag) =	ssettag $0x2  }
0x41: {  	s0 =	rddreg [dreg:$0x0];
	s2 =	stileid.u32  }
0x42: {  	s1 =	rddreg [dreg:$0x1];
	p0 =	sne.s32 s2, $0x0  }
0x43: {  	s3 =	rddreg [dreg:$0x2];
	[bflag:$0x3] =	sbarrier.arrive $0xFFFF;
	s2 =	simm.s32 @!p0 $0x1C01  }
0x44: {  	[timem:s3], [sflag:s2] =	dma.local @!p0 [hbm:s0], s1  }
0x45: {  	s0 =	simm.s32 @!p0 $0x1  }
0x46: {  	_ =	swait.ge @!p0 [sflag:s0], s1  }
0x47: {  	s1 =	ssub.s32 @!p0 $0x0, s1;
	[sflag:s0] =	ssyncset.done @!p0 $0x0  }
0x48: {  	[sflag:s0] =	ssyncadd.s32 @!p0 s1  }
0x49: {  	[bflag:$0x3] =	sbarrier.arrive $0xFFFF  }
0x4a: {  	_ =	shalt  }

</sc_bundles>
